<compile_context>
chip_gen: v7x
topology: tpu7x:2x2x1
jax: 0.10.2.dev20260603
libtpu: 0.0.44.dev20260713+nightly
codegen_flags: <defaults>
</compile_context>

<pallas_src>
import functools

import jax
import jax.numpy as jnp
from jax import lax
from jax.experimental import pallas as pl
from jax.experimental.pallas import tpu as pltpu
from jax.experimental.pallas import tpu_sc as plsc

_D = 2048
_B = 4 * 8192
_SCALE = float(_D) ** 0.5
_NC, _NS, _L = 2, 16, 16
_NW = _NC * _NS
_BPW = _B // _NW
_C = 16
_NCHUNK = _BPW // _C
_NBUF = 2
_PREF = 1
_SLACK = _NBUF - 1 - _PREF

_mesh = plsc.VectorSubcoreMesh(core_axis_name="c", subcore_axis_name="s")


@functools.partial(
    pl.kernel,
    mesh=_mesh,
    out_type=jax.ShapeDtypeStruct((_B, _D), jnp.float32),
    scratch_types=(
        [pltpu.VMEM((_BPW,), jnp.int32)]
        + [pltpu.VMEM((_C, _D), jnp.float32)] * _NBUF
        + [pltpu.SemaphoreType.DMA] * (2 * _NBUF)
    ),
)
def _emb_lookup(ids_hbm, table_hbm, out_hbm, idx_v, *bufs_and_sems):
    bufs = bufs_and_sems[:_NBUF]
    gsems = bufs_and_sems[_NBUF:2 * _NBUF]
    wsems = bufs_and_sems[2 * _NBUF:]

    wid = lax.axis_index("s") * _NC + lax.axis_index("c")
    base = wid * _BPW
    pltpu.sync_copy(ids_hbm.at[pl.ds(base, _BPW)], idx_v)

    def gather(c, b):
        pltpu.async_copy(table_hbm.at[idx_v.at[pl.ds(c * _C, _C)]], bufs[b], gsems[b])

    def wait_gather(c, b):
        pltpu.make_async_copy(
            table_hbm.at[idx_v.at[pl.ds(c * _C, _C)]], bufs[b], gsems[b]
        ).wait()

    def write(c, b):
        pltpu.async_copy(bufs[b], out_hbm.at[pl.ds(base + c * _C, _C)], wsems[b])

    def wait_write(c, b):
        pltpu.make_async_copy(
            bufs[b], out_hbm.at[pl.ds(base + c * _C, _C)], wsems[b]
        ).wait()

    def scale(b):
        buf = bufs[b]

        @plsc.parallel_loop(0, _C, 1, unroll=1)
        def _(r):
            for j in range(_D // _L):
                sl = pl.ds(j * _L, _L)
                buf[r, sl] = buf[r, sl] * _SCALE

    for c in range(_PREF):
        gather(c, c)

    def step(g, b):
        @pl.when(g >= 1 + _SLACK)
        def _():
            wait_write(g - 1 - _SLACK, (b - 1 - _SLACK) % _NBUF)

        @pl.when(g + _PREF < _NCHUNK)
        def _():
            gather(g + _PREF, (b + _PREF) % _NBUF)

        wait_gather(g, b)
        scale(b)
        write(g, b)

    _MAIN = (_NCHUNK // _NBUF) * _NBUF

    def ring_body(i, carry):
        g0 = i * _NBUF
        for b in range(_NBUF):
            step(g0 + b, b)
        return carry

    lax.fori_loop(0, _MAIN // _NBUF, ring_body, 0, unroll=False)
    for g in range(_MAIN, _NCHUNK):
        step(g, g % _NBUF)
    for g in range(_NCHUNK - 1 - _SLACK, _NCHUNK):
        wait_write(g, g % _NBUF)


def kernel(input_ids, table):
    ids = input_ids.reshape(-1).astype(jnp.int32)
    out = _emb_lookup(ids, table)
    return out.reshape(*input_ids.shape, _D)

# --- scband reference (transcript-rebuilt; emitter-appended) ---
"""Pipeline reference for scband-gemma3-scaled-embedding-30073361006884 (READ-ONLY COPY).

The authoritative reference and input builder live on the scoring server;
editing this copy changes nothing except your own understanding.
"""

import jax, jax.numpy as jnp
import numpy as np

NUM_EMBEDDINGS = 100000
EMBEDDING_DIM = 2048
EMBED_SCALE = float(EMBEDDING_DIM) ** 0.5


def setup_inputs(seed: int = 0) -> dict:
    key = jax.random.key(seed)
    k1, k2 = jax.random.split(key)
    input_ids = jax.random.randint(k1, (4, 8192), 0, NUM_EMBEDDINGS, dtype=jnp.int64 if jax.config.jax_enable_x64 else jnp.int32)
    table = jax.random.normal(k2, (NUM_EMBEDDINGS, EMBEDDING_DIM), dtype=jnp.float32) * 0.02
    # padding_idx = 0: zero out that row, matching nn.Embedding semantics
    table = table.at[0].set(0.0)
    return {"input_ids": input_ids, "table": table}


def reference(input_ids, table):
    # Gemma3ScaledEmbedding.forward: embedding lookup scaled by sqrt(hidden_size)
    emb = jnp.take(table, input_ids, axis=0)
    return emb * EMBED_SCALE

if __name__ == "__main__":
    import jax
    _d = setup_inputs()
    print(jax.jit(kernel)(*tuple(_d.values())))

</pallas_src>

<mosaic_0001>
#map = affine_map<(d0, d1) -> (0)>
#map1 = affine_map<(d0, d1) -> (0, 0)>
module attributes {stable_mosaic.version = 14 : i64} {
  func.func @_emb_lookup(%arg0: i32, %arg1: i32, %arg2: memref<32768xi32, #tpu.memory_space<hbm>>, %arg3: memref<100000x2048xf32, #tpu.memory_space<hbm>>, %arg4: memref<32768x2048xf32, #tpu.memory_space<hbm>>, %arg5: memref<1024xi32, #tpu.memory_space<vmem>>, %arg6: memref<16x2048xf32, #tpu.memory_space<vmem>>, %arg7: memref<16x2048xf32, #tpu.memory_space<vmem>>, %arg8: memref<!tpu.dma_semaphore, #tpu.memory_space<semaphore_mem>>, %arg9: memref<!tpu.dma_semaphore, #tpu.memory_space<semaphore_mem>>, %arg10: memref<!tpu.dma_semaphore, #tpu.memory_space<semaphore_mem>>, %arg11: memref<!tpu.dma_semaphore, #tpu.memory_space<semaphore_mem>>) attributes {dimension_semantics = [#tpu.dimension_semantics<core_parallel>, #tpu.dimension_semantics<subcore_parallel>], iteration_bounds = array<i64: 2, 16>, scalar_prefetch = 0 : i64, scratch_operands = 7 : i64, tpu.core_type = #tpu.core_type<sc_vector_subcore>, window_params = [{transform_indices = #map}, {transform_indices = #map1}, {transform_indices = #map1}]} {
    %mul3A = arith.constant 2 : i32
    %mul3A_0 = arith.muli %arg1, %mul3A : i32
    %add3A = arith.addi %mul3A_0, %arg0 : i32
    %mul3A_1 = arith.constant 1024 : i32
    %mul3A_2 = arith.muli %add3A, %mul3A_1 : i32
    "tpu.region"() ({
      %run_scoped3A = tpu.sem_alloc : memref<!tpu.dma_semaphore, #tpu.memory_space<semaphore_mem>>
      %dma_start3A_17 = tpu.memref_slice %arg2[%mul3A_2] : memref<32768xi32, #tpu.memory_space<hbm>> -> memref<1024xi32, #tpu.memory_space<hbm>>
      %dma_start3A_18 = tpu.memref_slice %arg2[%mul3A_2] : memref<32768xi32, #tpu.memory_space<hbm>> -> memref<1024xi32, #tpu.memory_space<hbm>>
      tpu.enqueue_dma source(%dma_start3A_18 : memref<1024xi32, #tpu.memory_space<hbm>>) target(%arg5 : memref<1024xi32, #tpu.memory_space<vmem>>) target_semaphore(%run_scoped3A : memref<!tpu.dma_semaphore, #tpu.memory_space<semaphore_mem>>)
      %dma_wait3A_19 = tpu.memref_slice %arg2[%mul3A_2] : memref<32768xi32, #tpu.memory_space<hbm>> -> memref<1024xi32, #tpu.memory_space<hbm>>
      %dma_wait3A_20 = tpu.memref_slice %arg2[%mul3A_2] : memref<32768xi32, #tpu.memory_space<hbm>> -> memref<1024xi32, #tpu.memory_space<hbm>>
      tpu.wait_dma2 semaphore(%run_scoped3A : memref<!tpu.dma_semaphore, #tpu.memory_space<semaphore_mem>>) src(%dma_wait3A_20 : memref<1024xi32, #tpu.memory_space<hbm>>) dst(%arg5 : memref<1024xi32, #tpu.memory_space<vmem>>)
      tpu.yield
    }) : () -> ()
    %dma_start3A = arith.constant 0 : i32
    %dma_start3A_3 = tpu.memref_slice %arg5[%dma_start3A] : memref<1024xi32, #tpu.memory_space<vmem>> -> memref<16xi32, #tpu.memory_space<vmem>>
    %dma_start3A_4 = arith.constant 0 : i32
    %dma_start3A_5 = arith.constant 0 : i32
    %dma_start3A_6 = tpu.memref_slice %arg3[%dma_start3A_4, %dma_start3A_5] : memref<100000x2048xf32, #tpu.memory_space<hbm>> -> memref<100000x2048xf32, #tpu.memory_space<hbm>>
    tpu.enqueue_indirect_dma source(%dma_start3A_6 : memref<100000x2048xf32, #tpu.memory_space<hbm>>) target(%arg6 : memref<16x2048xf32, #tpu.memory_space<vmem>>) offsets(%dma_start3A_3 : memref<16xi32, #tpu.memory_space<vmem>>) semaphore(%arg8 : memref<!tpu.dma_semaphore, #tpu.memory_space<semaphore_mem>>)
    %scan3A = arith.constant 0 : i32
    %scan3A_7 = arith.constant 0 : i32
    %scan3A_8 = arith.constant 32 : i32
    %scan3A_9 = arith.addi %scan3A_7, %scan3A_8 : i32
    %scan3A_10 = arith.constant 1 : i32
    scf.for %scan3A_17 = %scan3A_7 to %scan3A_9 step %scan3A_10  : i32 {
      %mul3A_18 = arith.constant 2 : i32
      %mul3A_19 = arith.muli %scan3A_17, %mul3A_18 : i32
      %add3A_20 = arith.constant 0 : i32
      %add3A_21 = arith.addi %mul3A_19, %add3A_20 : i32
      %ge3A = arith.constant 1 : i32
      %ge3A_22 = arith.cmpi sge, %add3A_21, %ge3A : i32
      %convert_element_type3A = arith.extui %ge3A_22 : i1 to i32
      %cond3A = arith.constant 0 : i32
      %cond3A_23 = arith.cmpi ne, %convert_element_type3A, %cond3A : i32
      scf.if %cond3A_23 {
        %sub3A = arith.constant 1 : i32
        %sub3A_75 = arith.subi %add3A_21, %sub3A : i32
        %sub3A_76 = arith.constant 0 : i32
        %sub3A_77 = arith.subi %sub3A_75, %sub3A_76 : i32
        %mul3A_78 = arith.constant 16 : i32
        %mul3A_79 = arith.muli %sub3A_77, %mul3A_78 : i32
        %add3A_80 = arith.addi %mul3A_2, %mul3A_79 : i32
        %dma_wait3A_81 = arith.constant 0 : i32
        %dma_wait3A_82 = tpu.memref_slice %arg4[%add3A_80, %dma_wait3A_81] : memref<32768x2048xf32, #tpu.memory_space<hbm>> -> memref<16x2048xf32, #tpu.memory_space<hbm>>
        %dma_wait3A_83 = arith.constant 0 : i32
        %dma_wait3A_84 = tpu.memref_slice %arg4[%add3A_80, %dma_wait3A_83] : memref<32768x2048xf32, #tpu.memory_space<hbm>> -> memref<16x2048xf32, #tpu.memory_space<hbm>>
        tpu.wait_dma2 semaphore(%arg11 : memref<!tpu.dma_semaphore, #tpu.memory_space<semaphore_mem>>) src(%arg7 : memref<16x2048xf32, #tpu.memory_space<vmem>>) dst(%dma_wait3A_84 : memref<16x2048xf32, #tpu.memory_space<hbm>>)
      } else {
      }
      %add3A_24 = arith.constant 1 : i32
      %add3A_25 = arith.addi %add3A_21, %add3A_24 : i32
      %lt3A = arith.constant 64 : i32
      %lt3A_26 = arith.cmpi slt, %add3A_25, %lt3A : i32
      %convert_element_type3A_27 = arith.extui %lt3A_26 : i1 to i32
      %cond3A_28 = arith.constant 0 : i32
      %cond3A_29 = arith.cmpi ne, %convert_element_type3A_27, %cond3A_28 : i32
      scf.if %cond3A_29 {
        %add3A_75 = arith.constant 1 : i32
        %add3A_76 = arith.addi %add3A_21, %add3A_75 : i32
        %mul3A_77 = arith.constant 16 : i32
        %mul3A_78 = arith.muli %add3A_76, %mul3A_77 : i32
        %dma_start3A_79 = tpu.memref_slice %arg5[%mul3A_78] : memref<1024xi32, #tpu.memory_space<vmem>> -> memref<16xi32, #tpu.memory_space<vmem>>
        %dma_start3A_80 = arith.constant 0 : i32
        %dma_start3A_81 = arith.constant 0 : i32
        %dma_start3A_82 = tpu.memref_slice %arg3[%dma_start3A_80, %dma_start3A_81] : memref<100000x2048xf32, #tpu.memory_space<hbm>> -> memref<100000x2048xf32, #tpu.memory_space<hbm>>
        tpu.enqueue_indirect_dma source(%dma_start3A_82 : memref<100000x2048xf32, #tpu.memory_space<hbm>>) target(%arg7 : memref<16x2048xf32, #tpu.memory_space<vmem>>) offsets(%dma_start3A_79 : memref<16xi32, #tpu.memory_space<vmem>>) semaphore(%arg9 : memref<!tpu.dma_semaphore, #tpu.memory_space<semaphore_mem>>)
      } else {
      }
      %mul3A_30 = arith.constant 16 : i32
      %mul3A_31 = arith.muli %add3A_21, %mul3A_30 : i32
      %dma_wait3A_32 = tpu.memref_slice %arg5[%mul3A_31] : memref<1024xi32, #tpu.memory_space<vmem>> -> memref<16xi32, #tpu.memory_space<vmem>>
      %dma_wait3A_33 = arith.constant 0 : i32
      %dma_wait3A_34 = arith.constant 0 : i32
      %dma_wait3A_35 = tpu.memref_slice %arg3[%dma_wait3A_33, %dma_wait3A_34] : memref<100000x2048xf32, #tpu.memory_space<hbm>> -> memref<100000x2048xf32, #tpu.memory_space<hbm>>
      tpu.wait_indirect_dma semaphore(%arg8 : memref<!tpu.dma_semaphore, #tpu.memory_space<semaphore_mem>>) src(%dma_wait3A_35 : memref<100000x2048xf32, #tpu.memory_space<hbm>>) dst(%arg6 : memref<16x2048xf32, #tpu.memory_space<vmem>>)
      %parallel_loop3A = arith.constant 0 : i32
      %parallel_loop3A_36 = arith.constant 16 : i32
      %parallel_loop3A_37 = arith.constant 1 : i32
      scf.for %parallel_loop3A_75 = %parallel_loop3A to %parallel_loop3A_36 step %parallel_loop3A_37  : i32 {
        %parallel_loop3A_76 = arith.index_cast %parallel_loop3A_75 : i32 to index
        %parallel_loop3A_77 = arith.constant 0 : index
        %parallel_loop3A_78 = tpu.vector_load %arg6[%parallel_loop3A_76, %parallel_loop3A_77] {strides = array<i32>} : memref<16x2048xf32, #tpu.memory_space<vmem>>, vector<1x16xf32>,
        %parallel_loop3A_79 = vector.shape_cast %parallel_loop3A_78 : vector<1x16xf32> to vector<16xf32>
        %parallel_loop3A_80 = arith.constant 45.2548332 : f32
        %parallel_loop3A_81 = vector.broadcast %parallel_loop3A_80 : f32 to vector<16xf32>
        %parallel_loop3A_82 = arith.mulf %parallel_loop3A_79, %parallel_loop3A_81 : vector<16xf32>
        %parallel_loop3A_83 = arith.index_cast %parallel_loop3A_75 : i32 to index
        %parallel_loop3A_84 = arith.constant 0 : index
        %parallel_loop3A_85 = tpu.vector_load %arg6[%parallel_loop3A_83, %parallel_loop3A_84] {strides = array<i32>} : memref<16x2048xf32, #tpu.memory_space<vmem>>, vector<1x16xf32>,
        %parallel_loop3A_86 = vector.shape_cast %parallel_loop3A_85 : vector<1x16xf32> to vector<16xf32>
        %parallel_loop3A_87 = vector.shape_cast %parallel_loop3A_82 : vector<16xf32> to vector<1x16xf32>
        tpu.vector_store %arg6[%parallel_loop3A_83, %parallel_loop3A_84], %parallel_loop3A_87 {strides = array<i32>} : memref<16x2048xf32, #tpu.memory_space<vmem>>, vector<1x16xf32>,
        %parallel_loop3A_88 = arith.index_cast %parallel_loop3A_75 : i32 to index
        %parallel_loop3A_89 = arith.constant 16 : index
        %parallel_loop3A_90 = tpu.vector_load %arg6[%parallel_loop3A_88, %parallel_loop3A_89] {strides = array<i32>} : memref<16x2048xf32, #tpu.memory_space<vmem>>, vector<1x16xf32>,
        %parallel_loop3A_91 = vector.shape_cast %parallel_loop3A_90 : vector<1x16xf32> to vector<16xf32>
        %parallel_loop3A_92 = arith.constant 45.2548332 : f32
        %parallel_loop3A_93 = vector.broadcast %parallel_loop3A_92 : f32 to vector<16xf32>
        %parallel_loop3A_94 = arith.mulf %parallel_loop3A_91, %parallel_loop3A_93 : vector<16xf32>
        %parallel_loop3A_95 = arith.index_cast %parallel_loop3A_75 : i32 to index
        %parallel_loop3A_96 = arith.constant 16 : index
        %parallel_loop3A_97 = tpu.vector_load %arg6[%parallel_loop3A_95, %parallel_loop3A_96] {strides = array<i32>} : memref<16x2048xf32, #tpu.memory_space<vmem>>, vector<1x16xf32>,
        %parallel_loop3A_98 = vector.shape_cast %parallel_loop3A_97 : vector<1x16xf32> to vector<16xf32>
        %parallel_loop3A_99 = vector.shape_cast %parallel_loop3A_94 : vector<16xf32> to vector<1x16xf32>
        tpu.vector_store %arg6[%parallel_loop3A_95, %parallel_loop3A_96], %parallel_loop3A_99 {strides = array<i32>} : memref<16x2048xf32, #tpu.memory_space<vmem>>, vector<1x16xf32>,
        %parallel_loop3A_100 = arith.index_cast %parallel_loop3A_75 : i32 to index
        %parallel_loop3A_101 = arith.constant 32 : index
        %parallel_loop3A_102 = tpu.vector_load %arg6[%parallel_loop3A_100, %parallel_loop3A_101] {strides = array<i32>} : memref<16x2048xf32, #tpu.memory_space<vmem>>, vector<1x16xf32>,
        %parallel_loop3A_103 = vector.shape_cast %parallel_loop3A_102 : vector<1x16xf32> to vector<16xf32>
        %parallel_loop3A_104 = arith.constant 45.2548332 : f32
        %parallel_loop3A_105 = vector.broadcast %parallel_loop3A_104 : f32 to vector<16xf32>
        %parallel_loop3A_106 = arith.mulf %parallel_loop3A_103, %parallel_loop3A_105 : vector<16xf32>
        %parallel_loop3A_107 = arith.index_cast %parallel_loop3A_75 : i32 to index
        %parallel_loop3A_108 = arith.constant 32 : index
        %parallel_loop3A_109 = tpu.vector_load %arg6[%parallel_loop3A_107, %parallel_loop3A_108] {strides = array<i32>} : memref<16x2048xf32, #tpu.memory_space<vmem>>, vector<1x16xf32>,
        %parallel_loop3A_110 = vector.shape_cast %parallel_loop3A_109 : vector<1x16xf32> to vector<16xf32>
        %parallel_loop3A_111 = vector.shape_cast %parallel_loop3A_106 : vector<16xf32> to vector<1x16xf32>
        tpu.vector_store %arg6[%parallel_loop3A_107, %parallel_loop3A_108], %parallel_loop3A_111 {strides = array<i32>} : memref<16x2048xf32, #tpu.memory_space<vmem>>, vector<1x16xf32>,
        %parallel_loop3A_112 = arith.index_cast %parallel_loop3A_75 : i32 to index
        %parallel_loop3A_113 = arith.constant 48 : index
        %parallel_loop3A_114 = tpu.vector_load %arg6[%parallel_loop3A_112, %parallel_loop3A_113] {strides = array<i32>} : memref<16x2048xf32, #tpu.memory_space<vmem>>, vector<1x16xf32>,
        %parallel_loop3A_115 = vector.shape_cast %parallel_loop3A_114 : vector<1x16xf32> to vector<16xf32>
        %parallel_loop3A_116 = arith.constant 45.2548332 : f32
        %parallel_loop3A_117 = vector.broadcast %parallel_loop3A_116 : f32 to vector<16xf32>
        %parallel_loop3A_118 = arith.mulf %parallel_loop3A_115, %parallel_loop3A_117 : vector<16xf32>
        %parallel_loop3A_119 = arith.index_cast %parallel_loop3A_75 : i32 to index
        %parallel_loop3A_120 = arith.constant 48 : index
        %parallel_loop3A_121 = tpu.vector_load %arg6[%parallel_loop3A_119, %parallel_loop3A_120] {strides = array<i32>} : memref<16x2048xf32, #tpu.memory_space<vmem>>, vector<1x16xf32>,
        %parallel_loop3A_122 = vector.shape_cast %parallel_loop3A_121 : vector<1x16xf32> to vector<16xf32>
        %parallel_loop3A_123 = vector.shape_cast %parallel_loop3A_118 : vector<16xf32> to vector<1x16xf32>
        tpu.vector_store %arg6[%parallel_loop3A_119, %parallel_loop3A_120], %parallel_loop3A_123 {strides = array<i32>} : memref<16x2048xf32, #tpu.memory_space<vmem>>, vector<1x16xf32>,
        %parallel_loop3A_124 = arith.index_cast %parallel_loop3A_75 : i32 to index
        %parallel_loop3A_125 = arith.constant 64 : index
        %parallel_loop3A_126 = tpu.vector_load %arg6[%parallel_loop3A_124, %parallel_loop3A_125] {strides = array<i32>} : memref<16x2048xf32, #tpu.memory_space<vmem>>, vector<1x16xf32>,
        %parallel_loop3A_127 = vector.shape_cast %parallel_loop3A_126 : vector<1x16xf32> to vector<16xf32>
        %parallel_loop3A_128 = arith.constant 45.2548332 : f32
        %parallel_loop3A_129 = vector.broadcast %parallel_loop3A_128 : f32 to vector<16xf32>
        %parallel_loop3A_130 = arith.mulf %parallel_loop3A_127, %parallel_loop3A_129 : vector<16xf32>
        %parallel_loop3A_131 = arith.index_cast %parallel_loop3A_75 : i32 to index
        %parallel_loop3A_132 = arith.constant 64 : index
        %parallel_loop3A_133 = tpu.vector_load %arg6[%parallel_loop3A_131, %parallel_loop3A_132] {strides = array<i32>} : memref<16x2048xf32, #tpu.memory_space<vmem>>, vector<1x16xf32>,
        %parallel_loop3A_134 = vector.shape_cast %parallel_loop3A_133 : vector<1x16xf32> to vector<16xf32>
        %parallel_loop3A_135 = vector.shape_cast %parallel_loop3A_130 : vector<16xf32> to vector<1x16xf32>
        tpu.vector_store %arg6[%parallel_loop3A_131, %parallel_loop3A_132], %parallel_loop3A_135 {strides = array<i32>} : memref<16x2048xf32, #tpu.memory_space<vmem>>, vector<1x16xf32>,
        %parallel_loop3A_136 = arith.index_cast %parallel_loop3A_75 : i32 to index
        %parallel_loop3A_137 = arith.constant 80 : index
        %parallel_loop3A_138 = tpu.vector_load %arg6[%parallel_loop3A_136, %parallel_loop3A_137] {strides = array<i32>} : memref<16x2048xf32, #tpu.memory_space<vmem>>, vector<1x16xf32>,
        %parallel_loop3A_139 = vector.shape_cast %parallel_loop3A_138 : vector<1x16xf32> to vector<16xf32>
        %parallel_loop3A_140 = arith.constant 45.2548332 : f32
        %parallel_loop3A_141 = vector.broadcast %parallel_loop3A_140 : f32 to vector<16xf32>
        %parallel_loop3A_142 = arith.mulf %parallel_loop3A_139, %parallel_loop3A_141 : vector<16xf32>
        %parallel_loop3A_143 = arith.index_cast %parallel_loop3A_75 : i32 to index
        %parallel_loop3A_144 = arith.constant 80 : index
        %parallel_loop3A_145 = tpu.vector_load %arg6[%parallel_loop3A_143, %parallel_loop3A_144] {strides = array<i32>} : memref<16x2048xf32, #tpu.memory_space<vmem>>, vector<1x16xf32>,
        %parallel_loop3A_146 = vector.shape_cast %parallel_loop3A_145 : vector<1x16xf32> to vector<16xf32>
        %parallel_loop3A_147 = vector.shape_cast %parallel_loop3A_142 : vector<16xf32> to vector<1x16xf32>
        tpu.vector_store %arg6[%parallel_loop3A_143, %parallel_loop3A_144], %parallel_loop3A_147 {strides = array<i32>} : memref<16x2048xf32, #tpu.memory_space<vmem>>, vector<1x16xf32>,
        %parallel_loop3A_148 = arith.index_cast %parallel_loop3A_75 : i32 to index
        %parallel_loop3A_149 = arith.constant 96 : index
        %parallel_loop3A_150 = tpu.vector_load %arg6[%parallel_loop3A_148, %parallel_loop3A_149] {strides = array<i32>} : memref<16x2048xf32, #tpu.memory_space<vmem>>, vector<1x16xf32>,
        %parallel_loop3A_151 = vector.shape_cast %parallel_loop3A_150 : vector<1x16xf32> to vector<16xf32>
        %parallel_loop3A_152 = arith.constant 45.2548332 : f32
        %parallel_loop3A_153 = vector.broadcast %parallel_loop3A_152 : f32 to vector<16xf32>
        %parallel_loop3A_154 = arith.mulf %parallel_loop3A_151, %parallel_loop3A_153 : vector<16xf32>
        %parallel_loop3A_155 = arith.index_cast %parallel_loop3A_75 : i32 to index
        %parallel_loop3A_156 = arith.constant 96 : index
        %parallel_loop3A_157 = tpu.vector_load %arg6[%parallel_loop3A_155, %parallel_loop3A_156] {strides = array<i32>} : memref<16x2048xf32, #tpu.memory_space<vmem>>, vector<1x16xf32>,
        %parallel_loop3A_158 = vector.shape_cast %parallel_loop3A_157 : vector<1x16xf32> to vector<16xf32>
        %parallel_loop3A_159 = vector.shape_cast %parallel_loop3A_154 : vector<16xf32> to vector<1x16xf32>
        tpu.vector_store %arg6[%parallel_loop3A_155, %parallel_loop3A_156], %parallel_loop3A_159 {strides = array<i32>} : memref<16x2048xf32, #tpu.memory_space<vmem>>, vector<1x16xf32>,
        %parallel_loop3A_160 = arith.index_cast %parallel_loop3A_75 : i32 to index
        %parallel_loop3A_161 = arith.constant 112 : index
        %parallel_loop3A_162 = tpu.vector_load %arg6[%parallel_loop3A_160, %parallel_loop3A_161] {strides = array<i32>} : memref<16x2048xf32, #tpu.memory_space<vmem>>, vector<1x16xf32>,
        %parallel_loop3A_163 = vector.shape_cast %parallel_loop3A_162 : vector<1x16xf32> to vector<16xf32>
        %parallel_loop3A_164 = arith.constant 45.2548332 : f32
        %parallel_loop3A_165 = vector.broadcast %parallel_loop3A_164 : f32 to vector<16xf32>
        %parallel_loop3A_166 = arith.mulf %parallel_loop3A_163, %parallel_loop3A_165 : vector<16xf32>
        %parallel_loop3A_167 = arith.index_cast %parallel_loop3A_75 : i32 to index
        %parallel_loop3A_168 = arith.constant 112 : index
        %parallel_loop3A_169 = tpu.vector_load %arg6[%parallel_loop3A_167, %parallel_loop3A_168] {strides = array<i32>} : memref<16x2048xf32, #tpu.memory_space<vmem>>, vector<1x16xf32>,
        %parallel_loop3A_170 = vector.shape_cast %parallel_loop3A_169 : vector<1x16xf32> to vector<16xf32>
        %parallel_loop3A_171 = vector.shape_cast %parallel_loop3A_166 : vector<16xf32> to vector<1x16xf32>
        tpu.vector_store %arg6[%parallel_loop3A_167, %parallel_loop3A_168], %parallel_loop3A_171 {strides = array<i32>} : memref<16x2048xf32, #tpu.memory_space<vmem>>, vector<1x16xf32>,
        %parallel_loop3A_172 = arith.index_cast %parallel_loop3A_75 : i32 to index
        %parallel_loop3A_173 = arith.constant 128 : index
        %parallel_loop3A_174 = tpu.vector_load %arg6[%parallel_loop3A_172, %parallel_loop3A_173] {strides = array<i32>} : memref<16x2048xf32, #tpu.memory_space<vmem>>, vector<1x16xf32>,
        %parallel_loop3A_175 = vector.shape_cast %parallel_loop3A_174 : vector<1x16xf32> to vector<16xf32>
        %parallel_loop3A_176 = arith.constant 45.2548332 : f32
        %parallel_loop3A_177 = vector.broadcast %parallel_loop3A_176 : f32 to vector<16xf32>
        %parallel_loop3A_178 = arith.mulf %parallel_loop3A_175, %parallel_loop3A_177 : vector<16xf32>
        %parallel_loop3A_179 = arith.index_cast %parallel_loop3A_75 : i32 to index
        %parallel_loop3A_180 = arith.constant 128 : index
        %parallel_loop3A_181 = tpu.vector_load %arg6[%parallel_loop3A_179, %parallel_loop3A_180] {strides = array<i32>} : memref<16x2048xf32, #tpu.memory_space<vmem>>, vector<1x16xf32>,
        %parallel_loop3A_182 = vector.shape_cast %parallel_loop3A_181 : vector<1x16xf32> to vector<16xf32>
        %parallel_loop3A_183 = vector.shape_cast %parallel_loop3A_178 : vector<16xf32> to vector<1x16xf32>
        tpu.vector_store %arg6[%parallel_loop3A_179, %parallel_loop3A_180], %parallel_loop3A_183 {strides = array<i32>} : memref<16x2048xf32, #tpu.memory_space<vmem>>, vector<1x16xf32>,
        %parallel_loop3A_184 = arith.index_cast %parallel_loop3A_75 : i32 to index
        %parallel_loop3A_185 = arith.constant 144 : index
        %parallel_loop3A_186 = tpu.vector_load %arg6[%parallel_loop3A_184, %parallel_loop3A_185] {strides = array<i32>} : memref<16x2048xf32, #tpu.memory_space<vmem>>, vector<1x16xf32>,
        %parallel_loop3A_187 = vector.shape_cast %parallel_loop3A_186 : vector<1x16xf32> to vector<16xf32>
        %parallel_loop3A_188 = arith.constant 45.2548332 : f32
        %parallel_loop3A_189 = vector.broadcast %parallel_loop3A_188 : f32 to vector<16xf32>
        %parallel_loop3A_190 = arith.mulf %parallel_loop3A_187, %parallel_loop3A_189 : vector<16xf32>
        %parallel_loop3A_191 = arith.index_cast %parallel_loop3A_75 : i32 to index
        %parallel_loop3A_192 = arith.constant 144 : index
        %parallel_loop3A_193 = tpu.vector_load %arg6[%parallel_loop3A_191, %parallel_loop3A_192] {strides = array<i32>} : memref<16x2048xf32, #tpu.memory_space<vmem>>, vector<1x16xf32>,
        %parallel_loop3A_194 = vector.shape_cast %parallel_loop3A_193 : vector<1x16xf32> to vector<16xf32>
        %parallel_loop3A_195 = vector.shape_cast %parallel_loop3A_190 : vector<16xf32> to vector<1x16xf32>
        tpu.vector_store %arg6[%parallel_loop3A_191, %parallel_loop3A_192], %parallel_loop3A_195 {strides = array<i32>} : memref<16x2048xf32, #tpu.memory_space<vmem>>, vector<1x16xf32>,
        %parallel_loop3A_196 = arith.index_cast %parallel_loop3A_75 : i32 to index
        %parallel_loop3A_197 = arith.constant 160 : index
        %parallel_loop3A_198 = tpu.vector_load %arg6[%parallel_loop3A_196, %parallel_loop3A_197] {strides = array<i32>} : memref<16x2048xf32, #tpu.memory_space<vmem>>, vector<1x16xf32>,
        %parallel_loop3A_199 = vector.shape_cast %parallel_loop3A_198 : vector<1x16xf32> to vector<16xf32>
        %parallel_loop3A_200 = arith.constant 45.2548332 : f32
        %parallel_loop3A_201 = vector.broadcast %parallel_loop3A_200 : f32 to vector<16xf32>
        %parallel_loop3A_202 = arith.mulf %parallel_loop3A_199, %parallel_loop3A_201 : vector<16xf32>
        %parallel_loop3A_203 = arith.index_cast %parallel_loop3A_75 : i32 to index
        %parallel_loop3A_204 = arith.constant 160 : index
        %parallel_loop3A_205 = tpu.vector_load %arg6[%parallel_loop3A_203, %parallel_loop3A_204] {strides = array<i32>} : memref<16x2048xf32, #tpu.memory_space<vmem>>, vector<1x16xf32>,
        %parallel_loop3A_206 = vector.shape_cast %parallel_loop3A_205 : vector<1x16xf32> to vector<16xf32>
        %parallel_loop3A_207 = vector.shape_cast %parallel_loop3A_202 : vector<16xf32> to vector<1x16xf32>
        tpu.vector_store %arg6[%parallel_loop3A_203, %parallel_loop3A_204], %parallel_loop3A_207 {strides = array<i32>} : memref<16x2048xf32, #tpu.memory_space<vmem>>, vector<1x16xf32>,
        %parallel_loop3A_208 = arith.index_cast %parallel_loop3A_75 : i32 to index
        %parallel_loop3A_209 = arith.constant 176 : index
        %parallel_loop3A_210 = tpu.vector_load %arg6[%parallel_loop3A_208, %parallel_loop3A_209] {strides = array<i32>} : memref<16x2048xf32, #tpu.memory_space<vmem>>, vector<1x16xf32>,
        %parallel_loop3A_211 = vector.shape_cast %parallel_loop3A_210 : vector<1x16xf32> to vector<16xf32>
        %parallel_loop3A_212 = arith.constant 45.2548332 : f32
        %parallel_loop3A_213 = vector.broadcast %parallel_loop3A_212 : f32 to vector<16xf32>
        %parallel_loop3A_214 = arith.mulf %parallel_loop3A_211, %parallel_loop3A_213 : vector<16xf32>
        %parallel_loop3A_215 = arith.index_cast %parallel_loop3A_75 : i32 to index
        %parallel_loop3A_216 = arith.constant 176 : index
        %parallel_loop3A_217 = tpu.vector_load %arg6[%parallel_loop3A_215, %parallel_loop3A_216] {strides = array<i32>} : memref<16x2048xf32, #tpu.memory_space<vmem>>, vector<1x16xf32>,
        %parallel_loop3A_218 = vector.shape_cast %parallel_loop3A_217 : vector<1x16xf32> to vector<16xf32>
        %parallel_loop3A_219 = vector.shape_cast %parallel_loop3A_214 : vector<16xf32> to vector<1x16xf32>
        tpu.vector_store %arg6[%parallel_loop3A_215, %parallel_loop3A_216], %parallel_loop3A_219 {strides = array<i32>} : memref<16x2048xf32, #tpu.memory_space<vmem>>, vector<1x16xf32>,
        %parallel_loop3A_220 = arith.index_cast %parallel_loop3A_75 : i32 to index
        %parallel_loop3A_221 = arith.constant 192 : index
        %parallel_loop3A_222 = tpu.vector_load %arg6[%parallel_loop3A_220, %parallel_loop3A_221] {strides = array<i32>} : memref<16x2048xf32, #tpu.memory_space<vmem>>, vector<1x16xf32>,
        %parallel_loop3A_223 = vector.shape_cast %parallel_loop3A_222 : vector<1x16xf32> to vector<16xf32>
        %parallel_loop3A_224 = arith.constant 45.2548332 : f32
        %parallel_loop3A_225 = vector.broadcast %parallel_loop3A_224 : f32 to vector<16xf32>
        %parallel_loop3A_226 = arith.mulf %parallel_loop3A_223, %parallel_loop3A_225 : vector<16xf32>
        %parallel_loop3A_227 = arith.index_cast %parallel_loop3A_75 : i32 to index
        %parallel_loop3A_228 = arith.constant 192 : index
        %parallel_loop3A_229 = tpu.vector_load %arg6[%parallel_loop3A_227, %parallel_loop3A_228] {strides = array<i32>} : memref<16x2048xf32, #tpu.memory_space<vmem>>, vector<1x16xf32>,
        %parallel_loop3A_230 = vector.shape_cast %parallel_loop3A_229 : vector<1x16xf32> to vector<16xf32>
        %parallel_loop3A_231 = vector.shape_cast %parallel_loop3A_226 : vector<16xf32> to vector<1x16xf32>
        tpu.vector_store %arg6[%parallel_loop3A_227, %parallel_loop3A_228], %parallel_loop3A_231 {strides = array<i32>} : memref<16x2048xf32, #tpu.memory_space<vmem>>, vector<1x16xf32>,
        %parallel_loop3A_232 = arith.index_cast %parallel_loop3A_75 : i32 to index
        %parallel_loop3A_233 = arith.constant 208 : index
        %parallel_loop3A_234 = tpu.vector_load %arg6[%parallel_loop3A_232, %parallel_loop3A_233] {strides = array<i32>} : memref<16x2048xf32, #tpu.memory_space<vmem>>, vector<1x16xf32>,
        %parallel_loop3A_235 = vector.shape_cast %parallel_loop3A_234 : vector<1x16xf32> to vector<16xf32>
        %parallel_loop3A_236 = arith.constant 45.2548332 : f32
        %parallel_loop3A_237 = vector.broadcast %parallel_loop3A_236 : f32 to vector<16xf32>
        %parallel_loop3A_238 = arith.mulf %parallel_loop3A_235, %parallel_loop3A_237 : vector<16xf32>
        %parallel_loop3A_239 = arith.index_cast %parallel_loop3A_75 : i32 to index
        %parallel_loop3A_240 = arith.constant 208 : index
        %parallel_loop3A_241 = tpu.vector_load %arg6[%parallel_loop3A_239, %parallel_loop3A_240] {strides = array<i32>} : memref<16x2048xf32, #tpu.memory_space<vmem>>, vector<1x16xf32>,
        %parallel_loop3A_242 = vector.shape_cast %parallel_loop3A_241 : vector<1x16xf32> to vector<16xf32>
        %parallel_loop3A_243 = vector.shape_cast %parallel_loop3A_238 : vector<16xf32> to vector<1x16xf32>
        tpu.vector_store %arg6[%parallel_loop3A_239, %parallel_loop3A_240], %parallel_loop3A_243 {strides = array<i32>} : memref<16x2048xf32, #tpu.memory_space<vmem>>, vector<1x16xf32>,
        %parallel_loop3A_244 = arith.index_cast %parallel_loop3A_75 : i32 to index
        %parallel_loop3A_245 = arith.constant 224 : index
        %parallel_loop3A_246 = tpu.vector_load %arg6[%parallel_loop3A_244, %parallel_loop3A_245] {strides = array<i32>} : memref<16x2048xf32, #tpu.memory_space<vmem>>, vector<1x16xf32>,
        %parallel_loop3A_247 = vector.shape_cast %parallel_loop3A_246 : vector<1x16xf32> to vector<16xf32>
        %parallel_loop3A_248 = arith.constant 45.2548332 : f32
        %parallel_loop3A_249 = vector.broadcast %parallel_loop3A_248 : f32 to vector<16xf32>
        %parallel_loop3A_250 = arith.mulf %parallel_loop3A_247, %parallel_loop3A_249 : vector<16xf32>
        %parallel_loop3A_251 = arith.index_cast %parallel_loop3A_75 : i32 to index
        %parallel_loop3A_252 = arith.constant 224 : index
        %parallel_loop3A_253 = tpu.vector_load %arg6[%parallel_loop3A_251, %parallel_loop3A_252] {strides = array<i32>} : memref<16x2048xf32, #tpu.memory_space<vmem>>, vector<1x16xf32>,
        %parallel_loop3A_254 = vector.shape_cast %parallel_loop3A_253 : vector<1x16xf32> to vector<16xf32>
        %parallel_loop3A_255 = vector.shape_cast %parallel_loop3A_250 : vector<16xf32> to vector<1x16xf32>
        tpu.vector_store %arg6[%parallel_loop3A_251, %parallel_loop3A_252], %parallel_loop3A_255 {strides = array<i32>} : memref<16x2048xf32, #tpu.memory_space<vmem>>, vector<1x16xf32>,
        %parallel_loop3A_256 = arith.index_cast %parallel_loop3A_75 : i32 to index
        %parallel_loop3A_257 = arith.constant 240 : index
        %parallel_loop3A_258 = tpu.vector_load %arg6[%parallel_loop3A_256, %parallel_loop3A_257] {strides = array<i32>} : memref<16x2048xf32, #tpu.memory_space<vmem>>, vector<1x16xf32>,
        %parallel_loop3A_259 = vector.shape_cast %parallel_loop3A_258 : vector<1x16xf32> to vector<16xf32>
        %parallel_loop3A_260 = arith.constant 45.2548332 : f32
        %parallel_loop3A_261 = vector.broadcast %parallel_loop3A_260 : f32 to vector<16xf32>
        %parallel_loop3A_262 = arith.mulf %parallel_loop3A_259, %parallel_loop3A_261 : vector<16xf32>
        %parallel_loop3A_263 = arith.index_cast %parallel_loop3A_75 : i32 to index
        %parallel_loop3A_264 = arith.constant 240 : index
        %parallel_loop3A_265 = tpu.vector_load %arg6[%parallel_loop3A_263, %parallel_loop3A_264] {strides = array<i32>} : memref<16x2048xf32, #tpu.memory_space<vmem>>, vector<1x16xf32>,
        %parallel_loop3A_266 = vector.shape_cast %parallel_loop3A_265 : vector<1x16xf32> to vector<16xf32>
        %parallel_loop3A_267 = vector.shape_cast %parallel_loop3A_262 : vector<16xf32> to vector<1x16xf32>
        tpu.vector_store %arg6[%parallel_loop3A_263, %parallel_loop3A_264], %parallel_loop3A_267 {strides = array<i32>} : memref<16x2048xf32, #tpu.memory_space<vmem>>, vector<1x16xf32>,
        %parallel_loop3A_268 = arith.index_cast %parallel_loop3A_75 : i32 to index
        %parallel_loop3A_269 = arith.constant 256 : index
        %parallel_loop3A_270 = tpu.vector_load %arg6[%parallel_loop3A_268, %parallel_loop3A_269] {strides = array<i32>} : memref<16x2048xf32, #tpu.memory_space<vmem>>, vector<1x16xf32>,
        %parallel_loop3A_271 = vector.shape_cast %parallel_loop3A_270 : vector<1x16xf32> to vector<16xf32>
        %parallel_loop3A_272 = arith.constant 45.2548332 : f32
        %parallel_loop3A_273 = vector.broadcast %parallel_loop3A_272 : f32 to vector<16xf32>
        %parallel_loop3A_274 = arith.mulf %parallel_loop3A_271, %parallel_loop3A_273 : vector<16xf32>
        %parallel_loop3A_275 = arith.index_cast %parallel_loop3A_75 : i32 to index
        %parallel_loop3A_276 = arith.constant 256 : index
        %parallel_loop3A_277 = tpu.vector_load %arg6[%parallel_loop3A_275, %parallel_loop3A_276] {strides = array<i32>} : memref<16x2048xf32, #tpu.memory_space<vmem>>, vector<1x16xf32>,
        %parallel_loop3A_278 = vector.shape_cast %parallel_loop3A_277 : vector<1x16xf32> to vector<16xf32>
        %parallel_loop3A_279 = vector.shape_cast %parallel_loop3A_274 : vector<16xf32> to vector<1x16xf32>
        tpu.vector_store %arg6[%parallel_loop3A_275, %parallel_loop3A_276], %parallel_loop3A_279 {strides = array<i32>} : memref<16x2048xf32, #tpu.memory_space<vmem>>, vector<1x16xf32>,
        %parallel_loop3A_280 = arith.index_cast %parallel_loop3A_75 : i32 to index
        %parallel_loop3A_281 = arith.constant 272 : index
        %parallel_loop3A_282 = tpu.vector_load %arg6[%parallel_loop3A_280, %parallel_loop3A_281] {strides = array<i32>} : memref<16x2048xf32, #tpu.memory_space<vmem>>, vector<1x16xf32>,
        %parallel_loop3A_283 = vector.shape_cast %parallel_loop3A_282 : vector<1x16xf32> to vector<16xf32>
        %parallel_loop3A_284 = arith.constant 45.2548332 : f32
        %parallel_loop3A_285 = vector.broadcast %parallel_loop3A_284 : f32 to vector<16xf32>
        %parallel_loop3A_286 = arith.mulf %parallel_loop3A_283, %parallel_loop3A_285 : vector<16xf32>
        %parallel_loop3A_287 = arith.index_cast %parallel_loop3A_75 : i32 to index
        %parallel_loop3A_288 = arith.constant 272 : index
        %parallel_loop3A_289 = tpu.vector_load %arg6[%parallel_loop3A_287, %parallel_loop3A_288] {strides = array<i32>} : memref<16x2048xf32, #tpu.memory_space<vmem>>, vector<1x16xf32>,
        %parallel_loop3A_290 = vector.shape_cast %parallel_loop3A_289 : vector<1x16xf32> to vector<16xf32>
        %parallel_loop3A_291 = vector.shape_cast %parallel_loop3A_286 : vector<16xf32> to vector<1x16xf32>
        tpu.vector_store %arg6[%parallel_loop3A_287, %parallel_loop3A_288], %parallel_loop3A_291 {strides = array<i32>} : memref<16x2048xf32, #tpu.memory_space<vmem>>, vector<1x16xf32>,
        %parallel_loop3A_292 = arith.index_cast %parallel_loop3A_75 : i32 to index
        %parallel_loop3A_293 = arith.constant 288 : index
        %parallel_loop3A_294 = tpu.vector_load %arg6[%parallel_loop3A_292, %parallel_loop3A_293] {strides = array<i32>} : memref<16x2048xf32, #tpu.memory_space<vmem>>, vector<1x16xf32>,
        %parallel_loop3A_295 = vector.shape_cast %parallel_loop3A_294 : vector<1x16xf32> to vector<16xf32>
        %parallel_loop3A_296 = arith.constant 45.2548332 : f32
        %parallel_loop3A_297 = vector.broadcast %parallel_loop3A_296 : f32 to vector<16xf32>
        %parallel_loop3A_298 = arith.mulf %parallel_loop3A_295, %parallel_loop3A_297 : vector<16xf32>
        %parallel_loop3A_299 = arith.index_cast %parallel_loop3A_75 : i32 to index
        %parallel_loop3A_300 = arith.constant 288 : index
        %parallel_loop3A_301 = tpu.vector_load %arg6[%parallel_loop3A_299, %parallel_loop3A_300] {strides = array<i32>} : memref<16x2048xf32, #tpu.memory_space<vmem>>, vector<1x16xf32>,
        %parallel_loop3A_302 = vector.shape_cast %parallel_loop3A_301 : vector<1x16xf32> to vector<16xf32>
        %parallel_loop3A_303 = vector.shape_cast %parallel_loop3A_298 : vector<16xf32> to vector<1x16xf32>
        tpu.vector_store %arg6[%parallel_loop3A_299, %parallel_loop3A_300], %parallel_loop3A_303 {strides = array<i32>} : memref<16x2048xf32, #tpu.memory_space<vmem>>, vector<1x16xf32>,
        %parallel_loop3A_304 = arith.index_cast %parallel_loop3A_75 : i32 to index
        %parallel_loop3A_305 = arith.constant 304 : index
        %parallel_loop3A_306 = tpu.vector_load %arg6[%parallel_loop3A_304, %parallel_loop3A_305] {strides = array<i32>} : memref<16x2048xf32, #tpu.memory_space<vmem>>, vector<1x16xf32>,
        %parallel_loop3A_307 = vector.shape_cast %parallel_loop3A_306 : vector<1x16xf32> to vector<16xf32>
        %parallel_loop3A_308 = arith.constant 45.2548332 : f32
        %parallel_loop3A_309 = vector.broadcast %parallel_loop3A_308 : f32 to vector<16xf32>
        %parallel_loop3A_310 = arith.mulf %parallel_loop3A_307, %parallel_loop3A_309 : vector<16xf32>
        %parallel_loop3A_311 = arith.index_cast %parallel_loop3A_75 : i32 to index
        %parallel_loop3A_312 = arith.constant 304 : index
        %parallel_loop3A_313 = tpu.vector_load %arg6[%parallel_loop3A_311, %parallel_loop3A_312] {strides = array<i32>} : memref<16x2048xf32, #tpu.memory_space<vmem>>, vector<1x16xf32>,
        %parallel_loop3A_314 = vector.shape_cast %parallel_loop3A_313 : vector<1x16xf32> to vector<16xf32>
        %parallel_loop3A_315 = vector.shape_cast %parallel_loop3A_310 : vector<16xf32> to vector<1x16xf32>
        tpu.vector_store %arg6[%parallel_loop3A_311, %parallel_loop3A_312], %parallel_loop3A_315 {strides = array<i32>} : memref<16x2048xf32, #tpu.memory_space<vmem>>, vector<1x16xf32>,
        %parallel_loop3A_316 = arith.index_cast %parallel_loop3A_75 : i32 to index
        %parallel_loop3A_317 = arith.constant 320 : index
        %parallel_loop3A_318 = tpu.vector_load %arg6[%parallel_loop3A_316, %parallel_loop3A_317] {strides = array<i32>} : memref<16x2048xf32, #tpu.memory_space<vmem>>, vector<1x16xf32>,
        %parallel_loop3A_319 = vector.shape_cast %parallel_loop3A_318 : vector<1x16xf32> to vector<16xf32>
        %parallel_loop3A_320 = arith.constant 45.2548332 : f32
        %parallel_loop3A_321 = vector.broadcast %parallel_loop3A_320 : f32 to vector<16xf32>
        %parallel_loop3A_322 = arith.mulf %parallel_loop3A_319, %parallel_loop3A_321 : vector<16xf32>
        %parallel_loop3A_323 = arith.index_cast %parallel_loop3A_75 : i32 to index
        %parallel_loop3A_324 = arith.constant 320 : index
        %parallel_loop3A_325 = tpu.vector_load %arg6[%parallel_loop3A_323, %parallel_loop3A_324] {strides = array<i32>} : memref<16x2048xf32, #tpu.memory_space<vmem>>, vector<1x16xf32>,
        %parallel_loop3A_326 = vector.shape_cast %parallel_loop3A_325 : vector<1x16xf32> to vector<16xf32>
        %parallel_loop3A_327 = vector.shape_cast %parallel_loop3A_322 : vector<16xf32> to vector<1x16xf32>
        tpu.vector_store %arg6[%parallel_loop3A_323, %parallel_loop3A_324], %parallel_loop3A_327 {strides = array<i32>} : memref<16x2048xf32, #tpu.memory_space<vmem>>, vector<1x16xf32>,
        %parallel_loop3A_328 = arith.index_cast %parallel_loop3A_75 : i32 to index
        %parallel_loop3A_329 = arith.constant 336 : index
        %parallel_loop3A_330 = tpu.vector_load %arg6[%parallel_loop3A_328, %parallel_loop3A_329] {strides = array<i32>} : memref<16x2048xf32, #tpu.memory_space<vmem>>, vector<1x16xf32>,
        %parallel_loop3A_331 = vector.shape_cast %parallel_loop3A_330 : vector<1x16xf32> to vector<16xf32>
        %parallel_loop3A_332 = arith.constant 45.2548332 : f32
        %parallel_loop3A_333 = vector.broadcast %parallel_loop3A_332 : f32 to vector<16xf32>
        %parallel_loop3A_334 = arith.mulf %parallel_loop3A_331, %parallel_loop3A_333 : vector<16xf32>
        %parallel_loop3A_335 = arith.index_cast %parallel_loop3A_75 : i32 to index
        %parallel_loop3A_336 = arith.constant 336 : index
        %parallel_loop3A_337 = tpu.vector_load %arg6[%parallel_loop3A_335, %parallel_loop3A_336] {strides = array<i32>} : memref<16x2048xf32, #tpu.memory_space<vmem>>, vector<1x16xf32>,
        %parallel_loop3A_338 = vector.shape_cast %parallel_loop3A_337 : vector<1x16xf32> to vector<16xf32>
        %parallel_loop3A_339 = vector.shape_cast %parallel_loop3A_334 : vector<16xf32> to vector<1x16xf32>
        tpu.vector_store %arg6[%parallel_loop3A_335, %parallel_loop3A_336], %parallel_loop3A_339 {strides = array<i32>} : memref<16x2048xf32, #tpu.memory_space<vmem>>, vector<1x16xf32>,
        %parallel_loop3A_340 = arith.index_cast %parallel_loop3A_75 : i32 to index
        %parallel_loop3A_341 = arith.constant 352 : index
        %parallel_loop3A_342 = tpu.vector_load %arg6[%parallel_loop3A_340, %parallel_loop3A_341] {strides = array<i32>} : memref<16x2048xf32, #tpu.memory_space<vmem>>, vector<1x16xf32>,
        %parallel_loop3A_343 = vector.shape_cast %parallel_loop3A_342 : vector<1x16xf32> to vector<16xf32>
        %parallel_loop3A_344 = arith.constant 45.2548332 : f32
        %parallel_loop3A_345 = vector.broadcast %parallel_loop3A_344 : f32 to vector<16xf32>
        %parallel_loop3A_346 = arith.mulf %parallel_loop3A_343, %parallel_loop3A_345 : vector<16xf32>
        %parallel_loop3A_347 = arith.index_cast %parallel_loop3A_75 : i32 to index
        %parallel_loop3A_348 = arith.constant 352 : index
        %parallel_loop3A_349 = tpu.vector_load %arg6[%parallel_loop3A_347, %parallel_loop3A_348] {strides = array<i32>} : memref<16x2048xf32, #tpu.memory_space<vmem>>, vector<1x16xf32>,
        %parallel_loop3A_350 = vector.shape_cast %parallel_loop3A_349 : vector<1x16xf32> to vector<16xf32>
        %parallel_loop3A_351 = vector.shape_cast %parallel_loop3A_346 : vector<16xf32> to vector<1x16xf32>
        tpu.vector_store %arg6[%parallel_loop3A_347, %parallel_loop3A_348], %parallel_loop3A_351 {strides = array<i32>} : memref<16x2048xf32, #tpu.memory_space<vmem>>, vector<1x16xf32>,
        %parallel_loop3A_352 = arith.index_cast %parallel_loop3A_75 : i32 to index
        %parallel_loop3A_353 = arith.constant 368 : index
        %parallel_loop3A_354 = tpu.vector_load %arg6[%parallel_loop3A_352, %parallel_loop3A_353] {strides = array<i32>} : memref<16x2048xf32, #tpu.memory_space<vmem>>, vector<1x16xf32>,
        %parallel_loop3A_355 = vector.shape_cast %parallel_loop3A_354 : vector<1x16xf32> to vector<16xf32>
        %parallel_loop3A_356 = arith.constant 45.2548332 : f32
        %parallel_loop3A_357 = vector.broadcast %parallel_loop3A_356 : f32 to vector<16xf32>
        %parallel_loop3A_358 = arith.mulf %parallel_loop3A_355, %parallel_loop3A_357 : vector<16xf32>
        %parallel_loop3A_359 = arith.index_cast %parallel_loop3A_75 : i32 to index
        %parallel_loop3A_360 = arith.constant 368 : index
        %parallel_loop3A_361 = tpu.vector_load %arg6[%parallel_loop3A_359, %parallel_loop3A_360] {strides = array<i32>} : memref<16x2048xf32, #tpu.memory_space<vmem>>, vector<1x16xf32>,
        %parallel_loop3A_362 = vector.shape_cast %parallel_loop3A_361 : vector<1x16xf32> to vector<16xf32>
        %parallel_loop3A_363 = vector.shape_cast %parallel_loop3A_358 : vector<16xf32> to vector<1x16xf32>
        tpu.vector_store %arg6[%parallel_loop3A_359, %parallel_loop3A_360], %parallel_loop3A_363 {strides = array<i32>} : memref<16x2048xf32, #tpu.memory_space<vmem>>, vector<1x16xf32>,
        %parallel_loop3A_364 = arith.index_cast %parallel_loop3A_75 : i32 to index
        %parallel_loop3A_365 = arith.constant 384 : index
        %parallel_loop3A_366 = tpu.vector_load %arg6[%parallel_loop3A_364, %parallel_loop3A_365] {strides = array<i32>} : memref<16x2048xf32, #tpu.memory_space<vmem>>, vector<1x16xf32>,
        %parallel_loop3A_367 = vector.shape_cast %parallel_loop3A_366 : vector<1x16xf32> to vector<16xf32>
        %parallel_loop3A_368 = arith.constant 45.2548332 : f32
        %parallel_loop3A_369 = vector.broadcast %parallel_loop3A_368 : f32 to vector<16xf32>
        %parallel_loop3A_370 = arith.mulf %parallel_loop3A_367, %parallel_loop3A_369 : vector<16xf32>
        %parallel_loop3A_371 = arith.index_cast %parallel_loop3A_75 : i32 to index
        %parallel_loop3A_372 = arith.constant 384 : index
        %parallel_loop3A_373 = tpu.vector_load %arg6[%parallel_loop3A_371, %parallel_loop3A_372] {strides = array<i32>} : memref<16x2048xf32, #tpu.memory_space<vmem>>, vector<1x16xf32>,
        %parallel_loop3A_374 = vector.shape_cast %parallel_loop3A_373 : vector<1x16xf32> to vector<16xf32>
        %parallel_loop3A_375 = vector.shape_cast %parallel_loop3A_370 : vector<16xf32> to vector<1x16xf32>
        tpu.vector_store %arg6[%parallel_loop3A_371, %parallel_loop3A_372], %parallel_loop3A_375 {strides = array<i32>} : memref<16x2048xf32, #tpu.memory_space<vmem>>, vector<1x16xf32>,
        %parallel_loop3A_376 = arith.index_cast %parallel_loop3A_75 : i32 to index
        %parallel_loop3A_377 = arith.constant 400 : index
        %parallel_loop3A_378 = tpu.vector_load %arg6[%parallel_loop3A_376, %parallel_loop3A_377] {strides = array<i32>} : memref<16x2048xf32, #tpu.memory_space<vmem>>, vector<1x16xf32>,
        %parallel_loop3A_379 = vector.shape_cast %parallel_loop3A_378 : vector<1x16xf32> to vector<16xf32>
        %parallel_loop3A_380 = arith.constant 45.2548332 : f32
        %parallel_loop3A_381 = vector.broadcast %parallel_loop3A_380 : f32 to vector<16xf32>
        %parallel_loop3A_382 = arith.mulf %parallel_loop3A_379, %parallel_loop3A_381 : vector<16xf32>
        %parallel_loop3A_383 = arith.index_cast %parallel_loop3A_75 : i32 to index
        %parallel_loop3A_384 = arith.constant 400 : index
        %parallel_loop3A_385 = tpu.vector_load %arg6[%parallel_loop3A_383, %parallel_loop3A_384] {strides = array<i32>} : memref<16x2048xf32, #tpu.memory_space<vmem>>, vector<1x16xf32>,
        %parallel_loop3A_386 = vector.shape_cast %parallel_loop3A_385 : vector<1x16xf32> to vector<16xf32>
        %parallel_loop3A_387 = vector.shape_cast %parallel_loop3A_382 : vector<16xf32> to vector<1x16xf32>
        tpu.vector_store %arg6[%parallel_loop3A_383, %parallel_loop3A_384], %parallel_loop3A_387 {strides = array<i32>} : memref<16x2048xf32, #tpu.memory_space<vmem>>, vector<1x16xf32>,
        %parallel_loop3A_388 = arith.index_cast %parallel_loop3A_75 : i32 to index
        %parallel_loop3A_389 = arith.constant 416 : index
        %parallel_loop3A_390 = tpu.vector_load %arg6[%parallel_loop3A_388, %parallel_loop3A_389] {strides = array<i32>} : memref<16x2048xf32, #tpu.memory_space<vmem>>, vector<1x16xf32>,
        %parallel_loop3A_391 = vector.shape_cast %parallel_loop3A_390 : vector<1x16xf32> to vector<16xf32>
        %parallel_loop3A_392 = arith.constant 45.2548332 : f32
        %parallel_loop3A_393 = vector.broadcast %parallel_loop3A_392 : f32 to vector<16xf32>
        %parallel_loop3A_394 = arith.mulf %parallel_loop3A_391, %parallel_loop3A_393 : vector<16xf32>
        %parallel_loop3A_395 = arith.index_cast %parallel_loop3A_75 : i32 to index
        %parallel_loop3A_396 = arith.constant 416 : index
        %parallel_loop3A_397 = tpu.vector_load %arg6[%parallel_loop3A_395, %parallel_loop3A_396] {strides = array<i32>} : memref<16x2048xf32, #tpu.memory_space<vmem>>, vector<1x16xf32>,
        %parallel_loop3A_398 = vector.shape_cast %parallel_loop3A_397 : vector<1x16xf32> to vector<16xf32>
        %parallel_loop3A_399 = vector.shape_cast %parallel_loop3A_394 : vector<16xf32> to vector<1x16xf32>
        tpu.vector_store %arg6[%parallel_loop3A_395, %parallel_loop3A_396], %parallel_loop3A_399 {strides = array<i32>} : memref<16x2048xf32, #tpu.memory_space<vmem>>, vector<1x16xf32>,
        %parallel_loop3A_400 = arith.index_cast %parallel_loop3A_75 : i32 to index
        %parallel_loop3A_401 = arith.constant 432 : index
        %parallel_loop3A_402 = tpu.vector_load %arg6[%parallel_loop3A_400, %parallel_loop3A_401] {strides = array<i32>} : memref<16x2048xf32, #tpu.memory_space<vmem>>, vector<1x16xf32>,
        %parallel_loop3A_403 = vector.shape_cast %parallel_loop3A_402 : vector<1x16xf32> to vector<16xf32>
        %parallel_loop3A_404 = arith.constant 45.2548332 : f32
        %parallel_loop3A_405 = vector.broadcast %parallel_loop3A_404 : f32 to vector<16xf32>
        %parallel_loop3A_406 = arith.mulf %parallel_loop3A_403, %parallel_loop3A_405 : vector<16xf32>
        %parallel_loop3A_407 = arith.index_cast %parallel_loop3A_75 : i32 to index
        %parallel_loop3A_408 = arith.constant 432 : index
        %parallel_loop3A_409 = tpu.vector_load %arg6[%parallel_loop3A_407, %parallel_loop3A_408] {strides = array<i32>} : memref<16x2048xf32, #tpu.memory_space<vmem>>, vector<1x16xf32>,
        %parallel_loop3A_410 = vector.shape_cast %parallel_loop3A_409 : vector<1x16xf32> to vector<16xf32>
        %parallel_loop3A_411 = vector.shape_cast %parallel_loop3A_406 : vector<16xf32> to vector<1x16xf32>
        tpu.vector_store %arg6[%parallel_loop3A_407, %parallel_loop3A_408], %parallel_loop3A_411 {strides = array<i32>} : memref<16x2048xf32, #tpu.memory_space<vmem>>, vector<1x16xf32>,
        %parallel_loop3A_412 = arith.index_cast %parallel_loop3A_75 : i32 to index
        %parallel_loop3A_413 = arith.constant 448 : index
        %parallel_loop3A_414 = tpu.vector_load %arg6[%parallel_loop3A_412, %parallel_loop3A_413] {strides = array<i32>} : memref<16x2048xf32, #tpu.memory_space<vmem>>, vector<1x16xf32>,
        %parallel_loop3A_415 = vector.shape_cast %parallel_loop3A_414 : vector<1x16xf32> to vector<16xf32>
        %parallel_loop3A_416 = arith.constant 45.2548332 : f32
        %parallel_loop3A_417 = vector.broadcast %parallel_loop3A_416 : f32 to vector<16xf32>
        %parallel_loop3A_418 = arith.mulf %parallel_loop3A_415, %parallel_loop3A_417 : vector<16xf32>
        %parallel_loop3A_419 = arith.index_cast %parallel_loop3A_75 : i32 to index
        %parallel_loop3A_420 = arith.constant 448 : index
        %parallel_loop3A_421 = tpu.vector_load %arg6[%parallel_loop3A_419, %parallel_loop3A_420] {strides = array<i32>} : memref<16x2048xf32, #tpu.memory_space<vmem>>, vector<1x16xf32>,
        %parallel_loop3A_422 = vector.shape_cast %parallel_loop3A_421 : vector<1x16xf32> to vector<16xf32>
        %parallel_loop3A_423 = vector.shape_cast %parallel_loop3A_418 : vector<16xf32> to vector<1x16xf32>
        tpu.vector_store %arg6[%parallel_loop3A_419, %parallel_loop3A_420], %parallel_loop3A_423 {strides = array<i32>} : memref<16x2048xf32, #tpu.memory_space<vmem>>, vector<1x16xf32>,
        %parallel_loop3A_424 = arith.index_cast %parallel_loop3A_75 : i32 to index
        %parallel_loop3A_425 = arith.constant 464 : index
        %parallel_loop3A_426 = tpu.vector_load %arg6[%parallel_loop3A_424, %parallel_loop3A_425] {strides = array<i32>} : memref<16x2048xf32, #tpu.memory_space<vmem>>, vector<1x16xf32>,
        %parallel_loop3A_427 = vector.shape_cast %parallel_loop3A_426 : vector<1x16xf32> to vector<16xf32>
        %parallel_loop3A_428 = arith.constant 45.2548332 : f32
        %parallel_loop3A_429 = vector.broadcast %parallel_loop3A_428 : f32 to vector<16xf32>
        %parallel_loop3A_430 = arith.mulf %parallel_loop3A_427, %parallel_loop3A_429 : vector<16xf32>
        %parallel_loop3A_431 = arith.index_cast %parallel_loop3A_75 : i32 to index
        %parallel_loop3A_432 = arith.constant 464 : index
        %parallel_loop3A_433 = tpu.vector_load %arg6[%parallel_loop3A_431, %parallel_loop3A_432] {strides = array<i32>} : memref<16x2048xf32, #tpu.memory_space<vmem>>, vector<1x16xf32>,
        %parallel_loop3A_434 = vector.shape_cast %parallel_loop3A_433 : vector<1x16xf32> to vector<16xf32>
        %parallel_loop3A_435 = vector.shape_cast %parallel_loop3A_430 : vector<16xf32> to vector<1x16xf32>
        tpu.vector_store %arg6[%parallel_loop3A_431, %parallel_loop3A_432], %parallel_loop3A_435 {strides = array<i32>} : memref<16x2048xf32, #tpu.memory_space<vmem>>, vector<1x16xf32>,
        %parallel_loop3A_436 = arith.index_cast %parallel_loop3A_75 : i32 to index
        %parallel_loop3A_437 = arith.constant 480 : index
        %parallel_loop3A_438 = tpu.vector_load %arg6[%parallel_loop3A_436, %parallel_loop3A_437] {strides = array<i32>} : memref<16x2048xf32, #tpu.memory_space<vmem>>, vector<1x16xf32>,
        %parallel_loop3A_439 = vector.shape_cast %parallel_loop3A_438 : vector<1x16xf32> to vector<16xf32>
        %parallel_loop3A_440 = arith.constant 45.2548332 : f32
        %parallel_loop3A_441 = vector.broadcast %parallel_loop3A_440 : f32 to vector<16xf32>
        %parallel_loop3A_442 = arith.mulf %parallel_loop3A_439, %parallel_loop3A_441 : vector<16xf32>
        %parallel_loop3A_443 = arith.index_cast %parallel_loop3A_75 : i32 to index
        %parallel_loop3A_444 = arith.constant 480 : index
        %parallel_loop3A_445 = tpu.vector_load %arg6[%parallel_loop3A_443, %parallel_loop3A_444] {strides = array<i32>} : memref<16x2048xf32, #tpu.memory_space<vmem>>, vector<1x16xf32>,
        %parallel_loop3A_446 = vector.shape_cast %parallel_loop3A_445 : vector<1x16xf32> to vector<16xf32>
        %parallel_loop3A_447 = vector.shape_cast %parallel_loop3A_442 : vector<16xf32> to vector<1x16xf32>
        tpu.vector_store %arg6[%parallel_loop3A_443, %parallel_loop3A_444], %parallel_loop3A_447 {strides = array<i32>} : memref<16x2048xf32, #tpu.memory_space<vmem>>, vector<1x16xf32>,
        %parallel_loop3A_448 = arith.index_cast %parallel_loop3A_75 : i32 to index
        %parallel_loop3A_449 = arith.constant 496 : index
        %parallel_loop3A_450 = tpu.vector_load %arg6[%parallel_loop3A_448, %parallel_loop3A_449] {strides = array<i32>} : memref<16x2048xf32, #tpu.memory_space<vmem>>, vector<1x16xf32>,
        %parallel_loop3A_451 = vector.shape_cast %parallel_loop3A_450 : vector<1x16xf32> to vector<16xf32>
        %parallel_loop3A_452 = arith.constant 45.2548332 : f32
        %parallel_loop3A_453 = vector.broadcast %parallel_loop3A_452 : f32 to vector<16xf32>
        %parallel_loop3A_454 = arith.mulf %parallel_loop3A_451, %parallel_loop3A_453 : vector<16xf32>
        %parallel_loop3A_455 = arith.index_cast %parallel_loop3A_75 : i32 to index
        %parallel_loop3A_456 = arith.constant 496 : index
        %parallel_loop3A_457 = tpu.vector_load %arg6[%parallel_loop3A_455, %parallel_loop3A_456] {strides = array<i32>} : memref<16x2048xf32, #tpu.memory_space<vmem>>, vector<1x16xf32>,
        %parallel_loop3A_458 = vector.shape_cast %parallel_loop3A_457 : vector<1x16xf32> to vector<16xf32>
        %parallel_loop3A_459 = vector.shape_cast %parallel_loop3A_454 : vector<16xf32> to vector<1x16xf32>
        tpu.vector_store %arg6[%parallel_loop3A_455, %parallel_loop3A_456], %parallel_loop3A_459 {strides = array<i32>} : memref<16x2048xf32, #tpu.memory_space<vmem>>, vector<1x16xf32>,
        %parallel_loop3A_460 = arith.index_cast %parallel_loop3A_75 : i32 to index
        %parallel_loop3A_461 = arith.constant 512 : index
        %parallel_loop3A_462 = tpu.vector_load %arg6[%parallel_loop3A_460, %parallel_loop3A_461] {strides = array<i32>} : memref<16x2048xf32, #tpu.memory_space<vmem>>, vector<1x16xf32>,
        %parallel_loop3A_463 = vector.shape_cast %parallel_loop3A_462 : vector<1x16xf32> to vector<16xf32>
        %parallel_loop3A_464 = arith.constant 45.2548332 : f32
        %parallel_loop3A_465 = vector.broadcast %parallel_loop3A_464 : f32 to vector<16xf32>
        %parallel_loop3A_466 = arith.mulf %parallel_loop3A_463, %parallel_loop3A_465 : vector<16xf32>
        %parallel_loop3A_467 = arith.index_cast %parallel_loop3A_75 : i32 to index
        %parallel_loop3A_468 = arith.constant 512 : index
        %parallel_loop3A_469 = tpu.vector_load %arg6[%parallel_loop3A_467, %parallel_loop3A_468] {strides = array<i32>} : memref<16x2048xf32, #tpu.memory_space<vmem>>, vector<1x16xf32>,
        %parallel_loop3A_470 = vector.shape_cast %parallel_loop3A_469 : vector<1x16xf32> to vector<16xf32>
        %parallel_loop3A_471 = vector.shape_cast %parallel_loop3A_466 : vector<16xf32> to vector<1x16xf32>
        tpu.vector_store %arg6[%parallel_loop3A_467, %parallel_loop3A_468], %parallel_loop3A_471 {strides = array<i32>} : memref<16x2048xf32, #tpu.memory_space<vmem>>, vector<1x16xf32>,
        %parallel_loop3A_472 = arith.index_cast %parallel_loop3A_75 : i32 to index
        %parallel_loop3A_473 = arith.constant 528 : index
        %parallel_loop3A_474 = tpu.vector_load %arg6[%parallel_loop3A_472, %parallel_loop3A_473] {strides = array<i32>} : memref<16x2048xf32, #tpu.memory_space<vmem>>, vector<1x16xf32>,
        %parallel_loop3A_475 = vector.shape_cast %parallel_loop3A_474 : vector<1x16xf32> to vector<16xf32>
        %parallel_loop3A_476 = arith.constant 45.2548332 : f32
        %parallel_loop3A_477 = vector.broadcast %parallel_loop3A_476 : f32 to vector<16xf32>
        %parallel_loop3A_478 = arith.mulf %parallel_loop3A_475, %parallel_loop3A_477 : vector<16xf32>
        %parallel_loop3A_479 = arith.index_cast %parallel_loop3A_75 : i32 to index
        %parallel_loop3A_480 = arith.constant 528 : index
        %parallel_loop3A_481 = tpu.vector_load %arg6[%parallel_loop3A_479, %parallel_loop3A_480] {strides = array<i32>} : memref<16x2048xf32, #tpu.memory_space<vmem>>, vector<1x16xf32>,
        %parallel_loop3A_482 = vector.shape_cast %parallel_loop3A_481 : vector<1x16xf32> to vector<16xf32>
        %parallel_loop3A_483 = vector.shape_cast %parallel_loop3A_478 : vector<16xf32> to vector<1x16xf32>
        tpu.vector_store %arg6[%parallel_loop3A_479, %parallel_loop3A_480], %parallel_loop3A_483 {strides = array<i32>} : memref<16x2048xf32, #tpu.memory_space<vmem>>, vector<1x16xf32>,
        %parallel_loop3A_484 = arith.index_cast %parallel_loop3A_75 : i32 to index
        %parallel_loop3A_485 = arith.constant 544 : index
        %parallel_loop3A_486 = tpu.vector_load %arg6[%parallel_loop3A_484, %parallel_loop3A_485] {strides = array<i32>} : memref<16x2048xf32, #tpu.memory_space<vmem>>, vector<1x16xf32>,
        %parallel_loop3A_487 = vector.shape_cast %parallel_loop3A_486 : vector<1x16xf32> to vector<16xf32>
        %parallel_loop3A_488 = arith.constant 45.2548332 : f32
        %parallel_loop3A_489 = vector.broadcast %parallel_loop3A_488 : f32 to vector<16xf32>
        %parallel_loop3A_490 = arith.mulf %parallel_loop3A_487, %parallel_loop3A_489 : vector<16xf32>
        %parallel_loop3A_491 = arith.index_cast %parallel_loop3A_75 : i32 to index
        %parallel_loop3A_492 = arith.constant 544 : index
        %parallel_loop3A_493 = tpu.vector_load %arg6[%parallel_loop3A_491, %parallel_loop3A_492] {strides = array<i32>} : memref<16x2048xf32, #tpu.memory_space<vmem>>, vector<1x16xf32>,
        %parallel_loop3A_494 = vector.shape_cast %parallel_loop3A_493 : vector<1x16xf32> to vector<16xf32>
        %parallel_loop3A_495 = vector.shape_cast %parallel_loop3A_490 : vector<16xf32> to vector<1x16xf32>
        tpu.vector_store %arg6[%parallel_loop3A_491, %parallel_loop3A_492], %parallel_loop3A_495 {strides = array<i32>} : memref<16x2048xf32, #tpu.memory_space<vmem>>, vector<1x16xf32>,
        %parallel_loop3A_496 = arith.index_cast %parallel_loop3A_75 : i32 to index
        %parallel_loop3A_497 = arith.constant 560 : index
        %parallel_loop3A_498 = tpu.vector_load %arg6[%parallel_loop3A_496, %parallel_loop3A_497] {strides = array<i32>} : memref<16x2048xf32, #tpu.memory_space<vmem>>, vector<1x16xf32>,
        %parallel_loop3A_499 = vector.shape_cast %parallel_loop3A_498 : vector<1x16xf32> to vector<16xf32>
        %parallel_loop3A_500 = arith.constant 45.2548332 : f32
        %parallel_loop3A_501 = vector.broadcast %parallel_loop3A_500 : f32 to vector<16xf32>
        %parallel_loop3A_502 = arith.mulf %parallel_loop3A_499, %parallel_loop3A_501 : vector<16xf32>
        %parallel_loop3A_503 = arith.index_cast %parallel_loop3A_75 : i32 to index
        %parallel_loop3A_504 = arith.constant 560 : index
        %parallel_loop3A_505 = tpu.vector_load %arg6[%parallel_loop3A_503, %parallel_loop3A_504] {strides = array<i32>} : memref<16x2048xf32, #tpu.memory_space<vmem>>, vector<1x16xf32>,
        %parallel_loop3A_506 = vector.shape_cast %parallel_loop3A_505 : vector<1x16xf32> to vector<16xf32>
        %parallel_loop3A_507 = vector.shape_cast %parallel_loop3A_502 : vector<16xf32> to vector<1x16xf32>
        tpu.vector_store %arg6[%parallel_loop3A_503, %parallel_loop3A_504], %parallel_loop3A_507 {strides = array<i32>} : memref<16x2048xf32, #tpu.memory_space<vmem>>, vector<1x16xf32>,
        %parallel_loop3A_508 = arith.index_cast %parallel_loop3A_75 : i32 to index
        %parallel_loop3A_509 = arith.constant 576 : index
        %parallel_loop3A_510 = tpu.vector_load %arg6[%parallel_loop3A_508, %parallel_loop3A_509] {strides = array<i32>} : memref<16x2048xf32, #tpu.memory_space<vmem>>, vector<1x16xf32>,
        %parallel_loop3A_511 = vector.shape_cast %parallel_loop3A_510 : vector<1x16xf32> to vector<16xf32>
        %parallel_loop3A_512 = arith.constant 45.2548332 : f32
        %parallel_loop3A_513 = vector.broadcast %parallel_loop3A_512 : f32 to vector<16xf32>
        %parallel_loop3A_514 = arith.mulf %parallel_loop3A_511, %parallel_loop3A_513 : vector<16xf32>
        %parallel_loop3A_515 = arith.index_cast %parallel_loop3A_75 : i32 to index
        %parallel_loop3A_516 = arith.constant 576 : index
        %parallel_loop3A_517 = tpu.vector_load %arg6[%parallel_loop3A_515, %parallel_loop3A_516] {strides = array<i32>} : memref<16x2048xf32, #tpu.memory_space<vmem>>, vector<1x16xf32>,
        %parallel_loop3A_518 = vector.shape_cast %parallel_loop3A_517 : vector<1x16xf32> to vector<16xf32>
        %parallel_loop3A_519 = vector.shape_cast %parallel_loop3A_514 : vector<16xf32> to vector<1x16xf32>
        tpu.vector_store %arg6[%parallel_loop3A_515, %parallel_loop3A_516], %parallel_loop3A_519 {strides = array<i32>} : memref<16x2048xf32, #tpu.memory_space<vmem>>, vector<1x16xf32>,
        %parallel_loop3A_520 = arith.index_cast %parallel_loop3A_75 : i32 to index
        %parallel_loop3A_521 = arith.constant 592 : index
        %parallel_loop3A_522 = tpu.vector_load %arg6[%parallel_loop3A_520, %parallel_loop3A_521] {strides = array<i32>} : memref<16x2048xf32, #tpu.memory_space<vmem>>, vector<1x16xf32>,
        %parallel_loop3A_523 = vector.shape_cast %parallel_loop3A_522 : vector<1x16xf32> to vector<16xf32>
        %parallel_loop3A_524 = arith.constant 45.2548332 : f32
        %parallel_loop3A_525 = vector.broadcast %parallel_loop3A_524 : f32 to vector<16xf32>
        %parallel_loop3A_526 = arith.mulf %parallel_loop3A_523, %parallel_loop3A_525 : vector<16xf32>
        %parallel_loop3A_527 = arith.index_cast %parallel_loop3A_75 : i32 to index
        %parallel_loop3A_528 = arith.constant 592 : index
        %parallel_loop3A_529 = tpu.vector_load %arg6[%parallel_loop3A_527, %parallel_loop3A_528] {strides = array<i32>} : memref<16x2048xf32, #tpu.memory_space<vmem>>, vector<1x16xf32>,
        %parallel_loop3A_530 = vector.shape_cast %parallel_loop3A_529 : vector<1x16xf32> to vector<16xf32>
        %parallel_loop3A_531 = vector.shape_cast %parallel_loop3A_526 : vector<16xf32> to vector<1x16xf32>
        tpu.vector_store %arg6[%parallel_loop3A_527, %parallel_loop3A_528], %parallel_loop3A_531 {strides = array<i32>} : memref<16x2048xf32, #tpu.memory_space<vmem>>, vector<1x16xf32>,
        %parallel_loop3A_532 = arith.index_cast %parallel_loop3A_75 : i32 to index
        %parallel_loop3A_533 = arith.constant 608 : index
        %parallel_loop3A_534 = tpu.vector_load %arg6[%parallel_loop3A_532, %parallel_loop3A_533] {strides = array<i32>} : memref<16x2048xf32, #tpu.memory_space<vmem>>, vector<1x16xf32>,
        %parallel_loop3A_535 = vector.shape_cast %parallel_loop3A_534 : vector<1x16xf32> to vector<16xf32>
        %parallel_loop3A_536 = arith.constant 45.2548332 : f32
        %parallel_loop3A_537 = vector.broadcast %parallel_loop3A_536 : f32 to vector<16xf32>
        %parallel_loop3A_538 = arith.mulf %parallel_loop3A_535, %parallel_loop3A_537 : vector<16xf32>
        %parallel_loop3A_539 = arith.index_cast %parallel_loop3A_75 : i32 to index
        %parallel_loop3A_540 = arith.constant 608 : index
        %parallel_loop3A_541 = tpu.vector_load %arg6[%parallel_loop3A_539, %parallel_loop3A_540] {strides = array<i32>} : memref<16x2048xf32, #tpu.memory_space<vmem>>, vector<1x16xf32>,
        %parallel_loop3A_542 = vector.shape_cast %parallel_loop3A_541 : vector<1x16xf32> to vector<16xf32>
        %parallel_loop3A_543 = vector.shape_cast %parallel_loop3A_538 : vector<16xf32> to vector<1x16xf32>
        tpu.vector_store %arg6[%parallel_loop3A_539, %parallel_loop3A_540], %parallel_loop3A_543 {strides = array<i32>} : memref<16x2048xf32, #tpu.memory_space<vmem>>, vector<1x16xf32>,
        %parallel_loop3A_544 = arith.index_cast %parallel_loop3A_75 : i32 to index
        %parallel_loop3A_545 = arith.constant 624 : index
        %parallel_loop3A_546 = tpu.vector_load %arg6[%parallel_loop3A_544, %parallel_loop3A_545] {strides = array<i32>} : memref<16x2048xf32, #tpu.memory_space<vmem>>, vector<1x16xf32>,
        %parallel_loop3A_547 = vector.shape_cast %parallel_loop3A_546 : vector<1x16xf32> to vector<16xf32>
        %parallel_loop3A_548 = arith.constant 45.2548332 : f32
        %parallel_loop3A_549 = vector.broadcast %parallel_loop3A_548 : f32 to vector<16xf32>
        %parallel_loop3A_550 = arith.mulf %parallel_loop3A_547, %parallel_loop3A_549 : vector<16xf32>
        %parallel_loop3A_551 = arith.index_cast %parallel_loop3A_75 : i32 to index
        %parallel_loop3A_552 = arith.constant 624 : index
        %parallel_loop3A_553 = tpu.vector_load %arg6[%parallel_loop3A_551, %parallel_loop3A_552] {strides = array<i32>} : memref<16x2048xf32, #tpu.memory_space<vmem>>, vector<1x16xf32>,
        %parallel_loop3A_554 = vector.shape_cast %parallel_loop3A_553 : vector<1x16xf32> to vector<16xf32>
        %parallel_loop3A_555 = vector.shape_cast %parallel_loop3A_550 : vector<16xf32> to vector<1x16xf32>
        tpu.vector_store %arg6[%parallel_loop3A_551, %parallel_loop3A_552], %parallel_loop3A_555 {strides = array<i32>} : memref<16x2048xf32, #tpu.memory_space<vmem>>, vector<1x16xf32>,
        %parallel_loop3A_556 = arith.index_cast %parallel_loop3A_75 : i32 to index
        %parallel_loop3A_557 = arith.constant 640 : index
        %parallel_loop3A_558 = tpu.vector_load %arg6[%parallel_loop3A_556, %parallel_loop3A_557] {strides = array<i32>} : memref<16x2048xf32, #tpu.memory_space<vmem>>, vector<1x16xf32>,
        %parallel_loop3A_559 = vector.shape_cast %parallel_loop3A_558 : vector<1x16xf32> to vector<16xf32>
        %parallel_loop3A_560 = arith.constant 45.2548332 : f32
        %parallel_loop3A_561 = vector.broadcast %parallel_loop3A_560 : f32 to vector<16xf32>
        %parallel_loop3A_562 = arith.mulf %parallel_loop3A_559, %parallel_loop3A_561 : vector<16xf32>
        %parallel_loop3A_563 = arith.index_cast %parallel_loop3A_75 : i32 to index
        %parallel_loop3A_564 = arith.constant 640 : index
        %parallel_loop3A_565 = tpu.vector_load %arg6[%parallel_loop3A_563, %parallel_loop3A_564] {strides = array<i32>} : memref<16x2048xf32, #tpu.memory_space<vmem>>, vector<1x16xf32>,
        %parallel_loop3A_566 = vector.shape_cast %parallel_loop3A_565 : vector<1x16xf32> to vector<16xf32>
        %parallel_loop3A_567 = vector.shape_cast %parallel_loop3A_562 : vector<16xf32> to vector<1x16xf32>
        tpu.vector_store %arg6[%parallel_loop3A_563, %parallel_loop3A_564], %parallel_loop3A_567 {strides = array<i32>} : memref<16x2048xf32, #tpu.memory_space<vmem>>, vector<1x16xf32>,
        %parallel_loop3A_568 = arith.index_cast %parallel_loop3A_75 : i32 to index
        %parallel_loop3A_569 = arith.constant 656 : index
        %parallel_loop3A_570 = tpu.vector_load %arg6[%parallel_loop3A_568, %parallel_loop3A_569] {strides = array<i32>} : memref<16x2048xf32, #tpu.memory_space<vmem>>, vector<1x16xf32>,
        %parallel_loop3A_571 = vector.shape_cast %parallel_loop3A_570 : vector<1x16xf32> to vector<16xf32>
        %parallel_loop3A_572 = arith.constant 45.2548332 : f32
        %parallel_loop3A_573 = vector.broadcast %parallel_loop3A_572 : f32 to vector<16xf32>
        %parallel_loop3A_574 = arith.mulf %parallel_loop3A_571, %parallel_loop3A_573 : vector<16xf32>
        %parallel_loop3A_575 = arith.index_cast %parallel_loop3A_75 : i32 to index
        %parallel_loop3A_576 = arith.constant 656 : index
        %parallel_loop3A_577 = tpu.vector_load %arg6[%parallel_loop3A_575, %parallel_loop3A_576] {strides = array<i32>} : memref<16x2048xf32, #tpu.memory_space<vmem>>, vector<1x16xf32>,
        %parallel_loop3A_578 = vector.shape_cast %parallel_loop3A_577 : vector<1x16xf32> to vector<16xf32>
        %parallel_loop3A_579 = vector.shape_cast %parallel_loop3A_574 : vector<16xf32> to vector<1x16xf32>
        tpu.vector_store %arg6[%parallel_loop3A_575, %parallel_loop3A_576], %parallel_loop3A_579 {strides = array<i32>} : memref<16x2048xf32, #tpu.memory_space<vmem>>, vector<1x16xf32>,
        %parallel_loop3A_580 = arith.index_cast %parallel_loop3A_75 : i32 to index
        %parallel_loop3A_581 = arith.constant 672 : index
        %parallel_loop3A_582 = tpu.vector_load %arg6[%parallel_loop3A_580, %parallel_loop3A_581] {strides = array<i32>} : memref<16x2048xf32, #tpu.memory_space<vmem>>, vector<1x16xf32>,
        %parallel_loop3A_583 = vector.shape_cast %parallel_loop3A_582 : vector<1x16xf32> to vector<16xf32>
        %parallel_loop3A_584 = arith.constant 45.2548332 : f32
        %parallel_loop3A_585 = vector.broadcast %parallel_loop3A_584 : f32 to vector<16xf32>
        %parallel_loop3A_586 = arith.mulf %parallel_loop3A_583, %parallel_loop3A_585 : vector<16xf32>
        %parallel_loop3A_587 = arith.index_cast %parallel_loop3A_75 : i32 to index
        %parallel_loop3A_588 = arith.constant 672 : index
        %parallel_loop3A_589 = tpu.vector_load %arg6[%parallel_loop3A_587, %parallel_loop3A_588] {strides = array<i32>} : memref<16x2048xf32, #tpu.memory_space<vmem>>, vector<1x16xf32>,
        %parallel_loop3A_590 = vector.shape_cast %parallel_loop3A_589 : vector<1x16xf32> to vector<16xf32>
        %parallel_loop3A_591 = vector.shape_cast %parallel_loop3A_586 : vector<16xf32> to vector<1x16xf32>
        tpu.vector_store %arg6[%parallel_loop3A_587, %parallel_loop3A_588], %parallel_loop3A_591 {strides = array<i32>} : memref<16x2048xf32, #tpu.memory_space<vmem>>, vector<1x16xf32>,
        %parallel_loop3A_592 = arith.index_cast %parallel_loop3A_75 : i32 to index
        %parallel_loop3A_593 = arith.constant 688 : index
        %parallel_loop3A_594 = tpu.vector_load %arg6[%parallel_loop3A_592, %parallel_loop3A_593] {strides = array<i32>} : memref<16x2048xf32, #tpu.memory_space<vmem>>, vector<1x16xf32>,
        %parallel_loop3A_595 = vector.shape_cast %parallel_loop3A_594 : vector<1x16xf32> to vector<16xf32>
        %parallel_loop3A_596 = arith.constant 45.2548332 : f32
        %parallel_loop3A_597 = vector.broadcast %parallel_loop3A_596 : f32 to vector<16xf32>
        %parallel_loop3A_598 = arith.mulf %parallel_loop3A_595, %parallel_loop3A_597 : vector<16xf32>
        %parallel_loop3A_599 = arith.index_cast %parallel_loop3A_75 : i32 to index
        %parallel_loop3A_600 = arith.constant 688 : index
        %parallel_loop3A_601 = tpu.vector_load %arg6[%parallel_loop3A_599, %parallel_loop3A_600] {strides = array<i32>} : memref<16x2048xf32, #tpu.memory_space<vmem>>, vector<1x16xf32>,
        %parallel_loop3A_602 = vector.shape_cast %parallel_loop3A_601 : vector<1x16xf32> to vector<16xf32>
        %parallel_loop3A_603 = vector.shape_cast %parallel_loop3A_598 : vector<16xf32> to vector<1x16xf32>
        tpu.vector_store %arg6[%parallel_loop3A_599, %parallel_loop3A_600], %parallel_loop3A_603 {strides = array<i32>} : memref<16x2048xf32, #tpu.memory_space<vmem>>, vector<1x16xf32>,
        %parallel_loop3A_604 = arith.index_cast %parallel_loop3A_75 : i32 to index
        %parallel_loop3A_605 = arith.constant 704 : index
        %parallel_loop3A_606 = tpu.vector_load %arg6[%parallel_loop3A_604, %parallel_loop3A_605] {strides = array<i32>} : memref<16x2048xf32, #tpu.memory_space<vmem>>, vector<1x16xf32>,
        %parallel_loop3A_607 = vector.shape_cast %parallel_loop3A_606 : vector<1x16xf32> to vector<16xf32>
        %parallel_loop3A_608 = arith.constant 45.2548332 : f32
        %parallel_loop3A_609 = vector.broadcast %parallel_loop3A_608 : f32 to vector<16xf32>
        %parallel_loop3A_610 = arith.mulf %parallel_loop3A_607, %parallel_loop3A_609 : vector<16xf32>
        %parallel_loop3A_611 = arith.index_cast %parallel_loop3A_75 : i32 to index
        %parallel_loop3A_612 = arith.constant 704 : index
        %parallel_loop3A_613 = tpu.vector_load %arg6[%parallel_loop3A_611, %parallel_loop3A_612] {strides = array<i32>} : memref<16x2048xf32, #tpu.memory_space<vmem>>, vector<1x16xf32>,
        %parallel_loop3A_614 = vector.shape_cast %parallel_loop3A_613 : vector<1x16xf32> to vector<16xf32>
        %parallel_loop3A_615 = vector.shape_cast %parallel_loop3A_610 : vector<16xf32> to vector<1x16xf32>
        tpu.vector_store %arg6[%parallel_loop3A_611, %parallel_loop3A_612], %parallel_loop3A_615 {strides = array<i32>} : memref<16x2048xf32, #tpu.memory_space<vmem>>, vector<1x16xf32>,
        %parallel_loop3A_616 = arith.index_cast %parallel_loop3A_75 : i32 to index
        %parallel_loop3A_617 = arith.constant 720 : index
        %parallel_loop3A_618 = tpu.vector_load %arg6[%parallel_loop3A_616, %parallel_loop3A_617] {strides = array<i32>} : memref<16x2048xf32, #tpu.memory_space<vmem>>, vector<1x16xf32>,
        %parallel_loop3A_619 = vector.shape_cast %parallel_loop3A_618 : vector<1x16xf32> to vector<16xf32>
        %parallel_loop3A_620 = arith.constant 45.2548332 : f32
        %parallel_loop3A_621 = vector.broadcast %parallel_loop3A_620 : f32 to vector<16xf32>
        %parallel_loop3A_622 = arith.mulf %parallel_loop3A_619, %parallel_loop3A_621 : vector<16xf32>
        %parallel_loop3A_623 = arith.index_cast %parallel_loop3A_75 : i32 to index
        %parallel_loop3A_624 = arith.constant 720 : index
        %parallel_loop3A_625 = tpu.vector_load %arg6[%parallel_loop3A_623, %parallel_loop3A_624] {strides = array<i32>} : memref<16x2048xf32, #tpu.memory_space<vmem>>, vector<1x16xf32>,
        %parallel_loop3A_626 = vector.shape_cast %parallel_loop3A_625 : vector<1x16xf32> to vector<16xf32>
        %parallel_loop3A_627 = vector.shape_cast %parallel_loop3A_622 : vector<16xf32> to vector<1x16xf32>
        tpu.vector_store %arg6[%parallel_loop3A_623, %parallel_loop3A_624], %parallel_loop3A_627 {strides = array<i32>} : memref<16x2048xf32, #tpu.memory_space<vmem>>, vector<1x16xf32>,
        %parallel_loop3A_628 = arith.index_cast %parallel_loop3A_75 : i32 to index
        %parallel_loop3A_629 = arith.constant 736 : index
        %parallel_loop3A_630 = tpu.vector_load %arg6[%parallel_loop3A_628, %parallel_loop3A_629] {strides = array<i32>} : memref<16x2048xf32, #tpu.memory_space<vmem>>, vector<1x16xf32>,
        %parallel_loop3A_631 = vector.shape_cast %parallel_loop3A_630 : vector<1x16xf32> to vector<16xf32>
        %parallel_loop3A_632 = arith.constant 45.2548332 : f32
        %parallel_loop3A_633 = vector.broadcast %parallel_loop3A_632 : f32 to vector<16xf32>
        %parallel_loop3A_634 = arith.mulf %parallel_loop3A_631, %parallel_loop3A_633 : vector<16xf32>
        %parallel_loop3A_635 = arith.index_cast %parallel_loop3A_75 : i32 to index
        %parallel_loop3A_636 = arith.constant 736 : index
        %parallel_loop3A_637 = tpu.vector_load %arg6[%parallel_loop3A_635, %parallel_loop3A_636] {strides = array<i32>} : memref<16x2048xf32, #tpu.memory_space<vmem>>, vector<1x16xf32>,
        %parallel_loop3A_638 = vector.shape_cast %parallel_loop3A_637 : vector<1x16xf32> to vector<16xf32>
        %parallel_loop3A_639 = vector.shape_cast %parallel_loop3A_634 : vector<16xf32> to vector<1x16xf32>
        tpu.vector_store %arg6[%parallel_loop3A_635, %parallel_loop3A_636], %parallel_loop3A_639 {strides = array<i32>} : memref<16x2048xf32, #tpu.memory_space<vmem>>, vector<1x16xf32>,
        %parallel_loop3A_640 = arith.index_cast %parallel_loop3A_75 : i32 to index
        %parallel_loop3A_641 = arith.constant 752 : index
        %parallel_loop3A_642 = tpu.vector_load %arg6[%parallel_loop3A_640, %parallel_loop3A_641] {strides = array<i32>} : memref<16x2048xf32, #tpu.memory_space<vmem>>, vector<1x16xf32>,
        %parallel_loop3A_643 = vector.shape_cast %parallel_loop3A_642 : vector<1x16xf32> to vector<16xf32>
        %parallel_loop3A_644 = arith.constant 45.2548332 : f32
        %parallel_loop3A_645 = vector.broadcast %parallel_loop3A_644 : f32 to vector<16xf32>
        %parallel_loop3A_646 = arith.mulf %parallel_loop3A_643, %parallel_loop3A_645 : vector<16xf32>
        %parallel_loop3A_647 = arith.index_cast %parallel_loop3A_75 : i32 to index
        %parallel_loop3A_648 = arith.constant 752 : index
        %parallel_loop3A_649 = tpu.vector_load %arg6[%parallel_loop3A_647, %parallel_loop3A_648] {strides = array<i32>} : memref<16x2048xf32, #tpu.memory_space<vmem>>, vector<1x16xf32>,
        %parallel_loop3A_650 = vector.shape_cast %parallel_loop3A_649 : vector<1x16xf32> to vector<16xf32>
        %parallel_loop3A_651 = vector.shape_cast %parallel_loop3A_646 : vector<16xf32> to vector<1x16xf32>
        tpu.vector_store %arg6[%parallel_loop3A_647, %parallel_loop3A_648], %parallel_loop3A_651 {strides = array<i32>} : memref<16x2048xf32, #tpu.memory_space<vmem>>, vector<1x16xf32>,
        %parallel_loop3A_652 = arith.index_cast %parallel_loop3A_75 : i32 to index
        %parallel_loop3A_653 = arith.constant 768 : index
        %parallel_loop3A_654 = tpu.vector_load %arg6[%parallel_loop3A_652, %parallel_loop3A_653] {strides = array<i32>} : memref<16x2048xf32, #tpu.memory_space<vmem>>, vector<1x16xf32>,
        %parallel_loop3A_655 = vector.shape_cast %parallel_loop3A_654 : vector<1x16xf32> to vector<16xf32>
        %parallel_loop3A_656 = arith.constant 45.2548332 : f32
        %parallel_loop3A_657 = vector.broadcast %parallel_loop3A_656 : f32 to vector<16xf32>
        %parallel_loop3A_658 = arith.mulf %parallel_loop3A_655, %parallel_loop3A_657 : vector<16xf32>
        %parallel_loop3A_659 = arith.index_cast %parallel_loop3A_75 : i32 to index
        %parallel_loop3A_660 = arith.constant 768 : index
        %parallel_loop3A_661 = tpu.vector_load %arg6[%parallel_loop3A_659, %parallel_loop3A_660] {strides = array<i32>} : memref<16x2048xf32, #tpu.memory_space<vmem>>, vector<1x16xf32>,
        %parallel_loop3A_662 = vector.shape_cast %parallel_loop3A_661 : vector<1x16xf32> to vector<16xf32>
        %parallel_loop3A_663 = vector.shape_cast %parallel_loop3A_658 : vector<16xf32> to vector<1x16xf32>
        tpu.vector_store %arg6[%parallel_loop3A_659, %parallel_loop3A_660], %parallel_loop3A_663 {strides = array<i32>} : memref<16x2048xf32, #tpu.memory_space<vmem>>, vector<1x16xf32>,
        %parallel_loop3A_664 = arith.index_cast %parallel_loop3A_75 : i32 to index
        %parallel_loop3A_665 = arith.constant 784 : index
        %parallel_loop3A_666 = tpu.vector_load %arg6[%parallel_loop3A_664, %parallel_loop3A_665] {strides = array<i32>} : memref<16x2048xf32, #tpu.memory_space<vmem>>, vector<1x16xf32>,
        %parallel_loop3A_667 = vector.shape_cast %parallel_loop3A_666 : vector<1x16xf32> to vector<16xf32>
        %parallel_loop3A_668 = arith.constant 45.2548332 : f32
        %parallel_loop3A_669 = vector.broadcast %parallel_loop3A_668 : f32 to vector<16xf32>
        %parallel_loop3A_670 = arith.mulf %parallel_loop3A_667, %parallel_loop3A_669 : vector<16xf32>
        %parallel_loop3A_671 = arith.index_cast %parallel_loop3A_75 : i32 to index
        %parallel_loop3A_672 = arith.constant 784 : index
        %parallel_loop3A_673 = tpu.vector_load %arg6[%parallel_loop3A_671, %parallel_loop3A_672] {strides = array<i32>} : memref<16x2048xf32, #tpu.memory_space<vmem>>, vector<1x16xf32>,
        %parallel_loop3A_674 = vector.shape_cast %parallel_loop3A_673 : vector<1x16xf32> to vector<16xf32>
        %parallel_loop3A_675 = vector.shape_cast %parallel_loop3A_670 : vector<16xf32> to vector<1x16xf32>
        tpu.vector_store %arg6[%parallel_loop3A_671, %parallel_loop3A_672], %parallel_loop3A_675 {strides = array<i32>} : memref<16x2048xf32, #tpu.memory_space<vmem>>, vector<1x16xf32>,
        %parallel_loop3A_676 = arith.index_cast %parallel_loop3A_75 : i32 to index
        %parallel_loop3A_677 = arith.constant 800 : index
        %parallel_loop3A_678 = tpu.vector_load %arg6[%parallel_loop3A_676, %parallel_loop3A_677] {strides = array<i32>} : memref<16x2048xf32, #tpu.memory_space<vmem>>, vector<1x16xf32>,
        %parallel_loop3A_679 = vector.shape_cast %parallel_loop3A_678 : vector<1x16xf32> to vector<16xf32>
        %parallel_loop3A_680 = arith.constant 45.2548332 : f32
        %parallel_loop3A_681 = vector.broadcast %parallel_loop3A_680 : f32 to vector<16xf32>
        %parallel_loop3A_682 = arith.mulf %parallel_loop3A_679, %parallel_loop3A_681 : vector<16xf32>
        %parallel_loop3A_683 = arith.index_cast %parallel_loop3A_75 : i32 to index
        %parallel_loop3A_684 = arith.constant 800 : index
        %parallel_loop3A_685 = tpu.vector_load %arg6[%parallel_loop3A_683, %parallel_loop3A_684] {strides = array<i32>} : memref<16x2048xf32, #tpu.memory_space<vmem>>, vector<1x16xf32>,
        %parallel_loop3A_686 = vector.shape_cast %parallel_loop3A_685 : vector<1x16xf32> to vector<16xf32>
        %parallel_loop3A_687 = vector.shape_cast %parallel_loop3A_682 : vector<16xf32> to vector<1x16xf32>
        tpu.vector_store %arg6[%parallel_loop3A_683, %parallel_loop3A_684], %parallel_loop3A_687 {strides = array<i32>} : memref<16x2048xf32, #tpu.memory_space<vmem>>, vector<1x16xf32>,
        %parallel_loop3A_688 = arith.index_cast %parallel_loop3A_75 : i32 to index
        %parallel_loop3A_689 = arith.constant 816 : index
        %parallel_loop3A_690 = tpu.vector_load %arg6[%parallel_loop3A_688, %parallel_loop3A_689] {strides = array<i32>} : memref<16x2048xf32, #tpu.memory_space<vmem>>, vector<1x16xf32>,
        %parallel_loop3A_691 = vector.shape_cast %parallel_loop3A_690 : vector<1x16xf32> to vector<16xf32>
        %parallel_loop3A_692 = arith.constant 45.2548332 : f32
        %parallel_loop3A_693 = vector.broadcast %parallel_loop3A_692 : f32 to vector<16xf32>
        %parallel_loop3A_694 = arith.mulf %parallel_loop3A_691, %parallel_loop3A_693 : vector<16xf32>
        %parallel_loop3A_695 = arith.index_cast %parallel_loop3A_75 : i32 to index
        %parallel_loop3A_696 = arith.constant 816 : index
        %parallel_loop3A_697 = tpu.vector_load %arg6[%parallel_loop3A_695, %parallel_loop3A_696] {strides = array<i32>} : memref<16x2048xf32, #tpu.memory_space<vmem>>, vector<1x16xf32>,
        %parallel_loop3A_698 = vector.shape_cast %parallel_loop3A_697 : vector<1x16xf32> to vector<16xf32>
        %parallel_loop3A_699 = vector.shape_cast %parallel_loop3A_694 : vector<16xf32> to vector<1x16xf32>
        tpu.vector_store %arg6[%parallel_loop3A_695, %parallel_loop3A_696], %parallel_loop3A_699 {strides = array<i32>} : memref<16x2048xf32, #tpu.memory_space<vmem>>, vector<1x16xf32>,
        %parallel_loop3A_700 = arith.index_cast %parallel_loop3A_75 : i32 to index
        %parallel_loop3A_701 = arith.constant 832 : index
        %parallel_loop3A_702 = tpu.vector_load %arg6[%parallel_loop3A_700, %parallel_loop3A_701] {strides = array<i32>} : memref<16x2048xf32, #tpu.memory_space<vmem>>, vector<1x16xf32>,
        %parallel_loop3A_703 = vector.shape_cast %parallel_loop3A_702 : vector<1x16xf32> to vector<16xf32>
        %parallel_loop3A_704 = arith.constant 45.2548332 : f32
        %parallel_loop3A_705 = vector.broadcast %parallel_loop3A_704 : f32 to vector<16xf32>
        %parallel_loop3A_706 = arith.mulf %parallel_loop3A_703, %parallel_loop3A_705 : vector<16xf32>
        %parallel_loop3A_707 = arith.index_cast %parallel_loop3A_75 : i32 to index
        %parallel_loop3A_708 = arith.constant 832 : index
        %parallel_loop3A_709 = tpu.vector_load %arg6[%parallel_loop3A_707, %parallel_loop3A_708] {strides = array<i32>} : memref<16x2048xf32, #tpu.memory_space<vmem>>, vector<1x16xf32>,
        %parallel_loop3A_710 = vector.shape_cast %parallel_loop3A_709 : vector<1x16xf32> to vector<16xf32>
        %parallel_loop3A_711 = vector.shape_cast %parallel_loop3A_706 : vector<16xf32> to vector<1x16xf32>
        tpu.vector_store %arg6[%parallel_loop3A_707, %parallel_loop3A_708], %parallel_loop3A_711 {strides = array<i32>} : memref<16x2048xf32, #tpu.memory_space<vmem>>, vector<1x16xf32>,
        %parallel_loop3A_712 = arith.index_cast %parallel_loop3A_75 : i32 to index
        %parallel_loop3A_713 = arith.constant 848 : index
        %parallel_loop3A_714 = tpu.vector_load %arg6[%parallel_loop3A_712, %parallel_loop3A_713] {strides = array<i32>} : memref<16x2048xf32, #tpu.memory_space<vmem>>, vector<1x16xf32>,
        %parallel_loop3A_715 = vector.shape_cast %parallel_loop3A_714 : vector<1x16xf32> to vector<16xf32>
        %parallel_loop3A_716 = arith.constant 45.2548332 : f32
        %parallel_loop3A_717 = vector.broadcast %parallel_loop3A_716 : f32 to vector<16xf32>
        %parallel_loop3A_718 = arith.mulf %parallel_loop3A_715, %parallel_loop3A_717 : vector<16xf32>
        %parallel_loop3A_719 = arith.index_cast %parallel_loop3A_75 : i32 to index
        %parallel_loop3A_720 = arith.constant 848 : index
        %parallel_loop3A_721 = tpu.vector_load %arg6[%parallel_loop3A_719, %parallel_loop3A_720] {strides = array<i32>} : memref<16x2048xf32, #tpu.memory_space<vmem>>, vector<1x16xf32>,
        %parallel_loop3A_722 = vector.shape_cast %parallel_loop3A_721 : vector<1x16xf32> to vector<16xf32>
        %parallel_loop3A_723 = vector.shape_cast %parallel_loop3A_718 : vector<16xf32> to vector<1x16xf32>
        tpu.vector_store %arg6[%parallel_loop3A_719, %parallel_loop3A_720], %parallel_loop3A_723 {strides = array<i32>} : memref<16x2048xf32, #tpu.memory_space<vmem>>, vector<1x16xf32>,
        %parallel_loop3A_724 = arith.index_cast %parallel_loop3A_75 : i32 to index
        %parallel_loop3A_725 = arith.constant 864 : index
        %parallel_loop3A_726 = tpu.vector_load %arg6[%parallel_loop3A_724, %parallel_loop3A_725] {strides = array<i32>} : memref<16x2048xf32, #tpu.memory_space<vmem>>, vector<1x16xf32>,
        %parallel_loop3A_727 = vector.shape_cast %parallel_loop3A_726 : vector<1x16xf32> to vector<16xf32>
        %parallel_loop3A_728 = arith.constant 45.2548332 : f32
        %parallel_loop3A_729 = vector.broadcast %parallel_loop3A_728 : f32 to vector<16xf32>
        %parallel_loop3A_730 = arith.mulf %parallel_loop3A_727, %parallel_loop3A_729 : vector<16xf32>
        %parallel_loop3A_731 = arith.index_cast %parallel_loop3A_75 : i32 to index
        %parallel_loop3A_732 = arith.constant 864 : index
        %parallel_loop3A_733 = tpu.vector_load %arg6[%parallel_loop3A_731, %parallel_loop3A_732] {strides = array<i32>} : memref<16x2048xf32, #tpu.memory_space<vmem>>, vector<1x16xf32>,
        %parallel_loop3A_734 = vector.shape_cast %parallel_loop3A_733 : vector<1x16xf32> to vector<16xf32>
        %parallel_loop3A_735 = vector.shape_cast %parallel_loop3A_730 : vector<16xf32> to vector<1x16xf32>
        tpu.vector_store %arg6[%parallel_loop3A_731, %parallel_loop3A_732], %parallel_loop3A_735 {strides = array<i32>} : memref<16x2048xf32, #tpu.memory_space<vmem>>, vector<1x16xf32>,
        %parallel_loop3A_736 = arith.index_cast %parallel_loop3A_75 : i32 to index
        %parallel_loop3A_737 = arith.constant 880 : index
        %parallel_loop3A_738 = tpu.vector_load %arg6[%parallel_loop3A_736, %parallel_loop3A_737] {strides = array<i32>} : memref<16x2048xf32, #tpu.memory_space<vmem>>, vector<1x16xf32>,
        %parallel_loop3A_739 = vector.shape_cast %parallel_loop3A_738 : vector<1x16xf32> to vector<16xf32>
        %parallel_loop3A_740 = arith.constant 45.2548332 : f32
        %parallel_loop3A_741 = vector.broadcast %parallel_loop3A_740 : f32 to vector<16xf32>
        %parallel_loop3A_742 = arith.mulf %parallel_loop3A_739, %parallel_loop3A_741 : vector<16xf32>
        %parallel_loop3A_743 = arith.index_cast %parallel_loop3A_75 : i32 to index
        %parallel_loop3A_744 = arith.constant 880 : index
        %parallel_loop3A_745 = tpu.vector_load %arg6[%parallel_loop3A_743, %parallel_loop3A_744] {strides = array<i32>} : memref<16x2048xf32, #tpu.memory_space<vmem>>, vector<1x16xf32>,
        %parallel_loop3A_746 = vector.shape_cast %parallel_loop3A_745 : vector<1x16xf32> to vector<16xf32>
        %parallel_loop3A_747 = vector.shape_cast %parallel_loop3A_742 : vector<16xf32> to vector<1x16xf32>
        tpu.vector_store %arg6[%parallel_loop3A_743, %parallel_loop3A_744], %parallel_loop3A_747 {strides = array<i32>} : memref<16x2048xf32, #tpu.memory_space<vmem>>, vector<1x16xf32>,
        %parallel_loop3A_748 = arith.index_cast %parallel_loop3A_75 : i32 to index
        %parallel_loop3A_749 = arith.constant 896 : index
        %parallel_loop3A_750 = tpu.vector_load %arg6[%parallel_loop3A_748, %parallel_loop3A_749] {strides = array<i32>} : memref<16x2048xf32, #tpu.memory_space<vmem>>, vector<1x16xf32>,
        %parallel_loop3A_751 = vector.shape_cast %parallel_loop3A_750 : vector<1x16xf32> to vector<16xf32>
        %parallel_loop3A_752 = arith.constant 45.2548332 : f32
        %parallel_loop3A_753 = vector.broadcast %parallel_loop3A_752 : f32 to vector<16xf32>
        %parallel_loop3A_754 = arith.mulf %parallel_loop3A_751, %parallel_loop3A_753 : vector<16xf32>
        %parallel_loop3A_755 = arith.index_cast %parallel_loop3A_75 : i32 to index
        %parallel_loop3A_756 = arith.constant 896 : index
        %parallel_loop3A_757 = tpu.vector_load %arg6[%parallel_loop3A_755, %parallel_loop3A_756] {strides = array<i32>} : memref<16x2048xf32, #tpu.memory_space<vmem>>, vector<1x16xf32>,
        %parallel_loop3A_758 = vector.shape_cast %parallel_loop3A_757 : vector<1x16xf32> to vector<16xf32>
        %parallel_loop3A_759 = vector.shape_cast %parallel_loop3A_754 : vector<16xf32> to vector<1x16xf32>
        tpu.vector_store %arg6[%parallel_loop3A_755, %parallel_loop3A_756], %parallel_loop3A_759 {strides = array<i32>} : memref<16x2048xf32, #tpu.memory_space<vmem>>, vector<1x16xf32>,
        %parallel_loop3A_760 = arith.index_cast %parallel_loop3A_75 : i32 to index
        %parallel_loop3A_761 = arith.constant 912 : index
        %parallel_loop3A_762 = tpu.vector_load %arg6[%parallel_loop3A_760, %parallel_loop3A_761] {strides = array<i32>} : memref<16x2048xf32, #tpu.memory_space<vmem>>, vector<1x16xf32>,
        %parallel_loop3A_763 = vector.shape_cast %parallel_loop3A_762 : vector<1x16xf32> to vector<16xf32>
        %parallel_loop3A_764 = arith.constant 45.2548332 : f32
        %parallel_loop3A_765 = vector.broadcast %parallel_loop3A_764 : f32 to vector<16xf32>
        %parallel_loop3A_766 = arith.mulf %parallel_loop3A_763, %parallel_loop3A_765 : vector<16xf32>
        %parallel_loop3A_767 = arith.index_cast %parallel_loop3A_75 : i32 to index
        %parallel_loop3A_768 = arith.constant 912 : index
        %parallel_loop3A_769 = tpu.vector_load %arg6[%parallel_loop3A_767, %parallel_loop3A_768] {strides = array<i32>} : memref<16x2048xf32, #tpu.memory_space<vmem>>, vector<1x16xf32>,
        %parallel_loop3A_770 = vector.shape_cast %parallel_loop3A_769 : vector<1x16xf32> to vector<16xf32>
        %parallel_loop3A_771 = vector.shape_cast %parallel_loop3A_766 : vector<16xf32> to vector<1x16xf32>
        tpu.vector_store %arg6[%parallel_loop3A_767, %parallel_loop3A_768], %parallel_loop3A_771 {strides = array<i32>} : memref<16x2048xf32, #tpu.memory_space<vmem>>, vector<1x16xf32>,
        %parallel_loop3A_772 = arith.index_cast %parallel_loop3A_75 : i32 to index
        %parallel_loop3A_773 = arith.constant 928 : index
        %parallel_loop3A_774 = tpu.vector_load %arg6[%parallel_loop3A_772, %parallel_loop3A_773] {strides = array<i32>} : memref<16x2048xf32, #tpu.memory_space<vmem>>, vector<1x16xf32>,
        %parallel_loop3A_775 = vector.shape_cast %parallel_loop3A_774 : vector<1x16xf32> to vector<16xf32>
        %parallel_loop3A_776 = arith.constant 45.2548332 : f32
        %parallel_loop3A_777 = vector.broadcast %parallel_loop3A_776 : f32 to vector<16xf32>
        %parallel_loop3A_778 = arith.mulf %parallel_loop3A_775, %parallel_loop3A_777 : vector<16xf32>
        %parallel_loop3A_779 = arith.index_cast %parallel_loop3A_75 : i32 to index
        %parallel_loop3A_780 = arith.constant 928 : index
        %parallel_loop3A_781 = tpu.vector_load %arg6[%parallel_loop3A_779, %parallel_loop3A_780] {strides = array<i32>} : memref<16x2048xf32, #tpu.memory_space<vmem>>, vector<1x16xf32>,
        %parallel_loop3A_782 = vector.shape_cast %parallel_loop3A_781 : vector<1x16xf32> to vector<16xf32>
        %parallel_loop3A_783 = vector.shape_cast %parallel_loop3A_778 : vector<16xf32> to vector<1x16xf32>
        tpu.vector_store %arg6[%parallel_loop3A_779, %parallel_loop3A_780], %parallel_loop3A_783 {strides = array<i32>} : memref<16x2048xf32, #tpu.memory_space<vmem>>, vector<1x16xf32>,
        %parallel_loop3A_784 = arith.index_cast %parallel_loop3A_75 : i32 to index
        %parallel_loop3A_785 = arith.constant 944 : index
        %parallel_loop3A_786 = tpu.vector_load %arg6[%parallel_loop3A_784, %parallel_loop3A_785] {strides = array<i32>} : memref<16x2048xf32, #tpu.memory_space<vmem>>, vector<1x16xf32>,
        %parallel_loop3A_787 = vector.shape_cast %parallel_loop3A_786 : vector<1x16xf32> to vector<16xf32>
        %parallel_loop3A_788 = arith.constant 45.2548332 : f32
        %parallel_loop3A_789 = vector.broadcast %parallel_loop3A_788 : f32 to vector<16xf32>
        %parallel_loop3A_790 = arith.mulf %parallel_loop3A_787, %parallel_loop3A_789 : vector<16xf32>
        %parallel_loop3A_791 = arith.index_cast %parallel_loop3A_75 : i32 to index
        %parallel_loop3A_792 = arith.constant 944 : index
        %parallel_loop3A_793 = tpu.vector_load %arg6[%parallel_loop3A_791, %parallel_loop3A_792] {strides = array<i32>} : memref<16x2048xf32, #tpu.memory_space<vmem>>, vector<1x16xf32>,
        %parallel_loop3A_794 = vector.shape_cast %parallel_loop3A_793 : vector<1x16xf32> to vector<16xf32>
        %parallel_loop3A_795 = vector.shape_cast %parallel_loop3A_790 : vector<16xf32> to vector<1x16xf32>
        tpu.vector_store %arg6[%parallel_loop3A_791, %parallel_loop3A_792], %parallel_loop3A_795 {strides = array<i32>} : memref<16x2048xf32, #tpu.memory_space<vmem>>, vector<1x16xf32>,
        %parallel_loop3A_796 = arith.index_cast %parallel_loop3A_75 : i32 to index
        %parallel_loop3A_797 = arith.constant 960 : index
        %parallel_loop3A_798 = tpu.vector_load %arg6[%parallel_loop3A_796, %parallel_loop3A_797] {strides = array<i32>} : memref<16x2048xf32, #tpu.memory_space<vmem>>, vector<1x16xf32>,
        %parallel_loop3A_799 = vector.shape_cast %parallel_loop3A_798 : vector<1x16xf32> to vector<16xf32>
        %parallel_loop3A_800 = arith.constant 45.2548332 : f32
        %parallel_loop3A_801 = vector.broadcast %parallel_loop3A_800 : f32 to vector<16xf32>
        %parallel_loop3A_802 = arith.mulf %parallel_loop3A_799, %parallel_loop3A_801 : vector<16xf32>
        %parallel_loop3A_803 = arith.index_cast %parallel_loop3A_75 : i32 to index
        %parallel_loop3A_804 = arith.constant 960 : index
        %parallel_loop3A_805 = tpu.vector_load %arg6[%parallel_loop3A_803, %parallel_loop3A_804] {strides = array<i32>} : memref<16x2048xf32, #tpu.memory_space<vmem>>, vector<1x16xf32>,
        %parallel_loop3A_806 = vector.shape_cast %parallel_loop3A_805 : vector<1x16xf32> to vector<16xf32>
        %parallel_loop3A_807 = vector.shape_cast %parallel_loop3A_802 : vector<16xf32> to vector<1x16xf32>
        tpu.vector_store %arg6[%parallel_loop3A_803, %parallel_loop3A_804], %parallel_loop3A_807 {strides = array<i32>} : memref<16x2048xf32, #tpu.memory_space<vmem>>, vector<1x16xf32>,
        %parallel_loop3A_808 = arith.index_cast %parallel_loop3A_75 : i32 to index
        %parallel_loop3A_809 = arith.constant 976 : index
        %parallel_loop3A_810 = tpu.vector_load %arg6[%parallel_loop3A_808, %parallel_loop3A_809] {strides = array<i32>} : memref<16x2048xf32, #tpu.memory_space<vmem>>, vector<1x16xf32>,
        %parallel_loop3A_811 = vector.shape_cast %parallel_loop3A_810 : vector<1x16xf32> to vector<16xf32>
        %parallel_loop3A_812 = arith.constant 45.2548332 : f32
        %parallel_loop3A_813 = vector.broadcast %parallel_loop3A_812 : f32 to vector<16xf32>
        %parallel_loop3A_814 = arith.mulf %parallel_loop3A_811, %parallel_loop3A_813 : vector<16xf32>
        %parallel_loop3A_815 = arith.index_cast %parallel_loop3A_75 : i32 to index
        %parallel_loop3A_816 = arith.constant 976 : index
        %parallel_loop3A_817 = tpu.vector_load %arg6[%parallel_loop3A_815, %parallel_loop3A_816] {strides = array<i32>} : memref<16x2048xf32, #tpu.memory_space<vmem>>, vector<1x16xf32>,
        %parallel_loop3A_818 = vector.shape_cast %parallel_loop3A_817 : vector<1x16xf32> to vector<16xf32>
        %parallel_loop3A_819 = vector.shape_cast %parallel_loop3A_814 : vector<16xf32> to vector<1x16xf32>
        tpu.vector_store %arg6[%parallel_loop3A_815, %parallel_loop3A_816], %parallel_loop3A_819 {strides = array<i32>} : memref<16x2048xf32, #tpu.memory_space<vmem>>, vector<1x16xf32>,
        %parallel_loop3A_820 = arith.index_cast %parallel_loop3A_75 : i32 to index
        %parallel_loop3A_821 = arith.constant 992 : index
        %parallel_loop3A_822 = tpu.vector_load %arg6[%parallel_loop3A_820, %parallel_loop3A_821] {strides = array<i32>} : memref<16x2048xf32, #tpu.memory_space<vmem>>, vector<1x16xf32>,
        %parallel_loop3A_823 = vector.shape_cast %parallel_loop3A_822 : vector<1x16xf32> to vector<16xf32>
        %parallel_loop3A_824 = arith.constant 45.2548332 : f32
        %parallel_loop3A_825 = vector.broadcast %parallel_loop3A_824 : f32 to vector<16xf32>
        %parallel_loop3A_826 = arith.mulf %parallel_loop3A_823, %parallel_loop3A_825 : vector<16xf32>
        %parallel_loop3A_827 = arith.index_cast %parallel_loop3A_75 : i32 to index
        %parallel_loop3A_828 = arith.constant 992 : index
        %parallel_loop3A_829 = tpu.vector_load %arg6[%parallel_loop3A_827, %parallel_loop3A_828] {strides = array<i32>} : memref<16x2048xf32, #tpu.memory_space<vmem>>, vector<1x16xf32>,
        %parallel_loop3A_830 = vector.shape_cast %parallel_loop3A_829 : vector<1x16xf32> to vector<16xf32>
        %parallel_loop3A_831 = vector.shape_cast %parallel_loop3A_826 : vector<16xf32> to vector<1x16xf32>
        tpu.vector_store %arg6[%parallel_loop3A_827, %parallel_loop3A_828], %parallel_loop3A_831 {strides = array<i32>} : memref<16x2048xf32, #tpu.memory_space<vmem>>, vector<1x16xf32>,
        %parallel_loop3A_832 = arith.index_cast %parallel_loop3A_75 : i32 to index
        %parallel_loop3A_833 = arith.constant 1008 : index
        %parallel_loop3A_834 = tpu.vector_load %arg6[%parallel_loop3A_832, %parallel_loop3A_833] {strides = array<i32>} : memref<16x2048xf32, #tpu.memory_space<vmem>>, vector<1x16xf32>,
        %parallel_loop3A_835 = vector.shape_cast %parallel_loop3A_834 : vector<1x16xf32> to vector<16xf32>
        %parallel_loop3A_836 = arith.constant 45.2548332 : f32
        %parallel_loop3A_837 = vector.broadcast %parallel_loop3A_836 : f32 to vector<16xf32>
        %parallel_loop3A_838 = arith.mulf %parallel_loop3A_835, %parallel_loop3A_837 : vector<16xf32>
        %parallel_loop3A_839 = arith.index_cast %parallel_loop3A_75 : i32 to index
        %parallel_loop3A_840 = arith.constant 1008 : index
        %parallel_loop3A_841 = tpu.vector_load %arg6[%parallel_loop3A_839, %parallel_loop3A_840] {strides = array<i32>} : memref<16x2048xf32, #tpu.memory_space<vmem>>, vector<1x16xf32>,
        %parallel_loop3A_842 = vector.shape_cast %parallel_loop3A_841 : vector<1x16xf32> to vector<16xf32>
        %parallel_loop3A_843 = vector.shape_cast %parallel_loop3A_838 : vector<16xf32> to vector<1x16xf32>
        tpu.vector_store %arg6[%parallel_loop3A_839, %parallel_loop3A_840], %parallel_loop3A_843 {strides = array<i32>} : memref<16x2048xf32, #tpu.memory_space<vmem>>, vector<1x16xf32>,
        %parallel_loop3A_844 = arith.index_cast %parallel_loop3A_75 : i32 to index
        %parallel_loop3A_845 = arith.constant 1024 : index
        %parallel_loop3A_846 = tpu.vector_load %arg6[%parallel_loop3A_844, %parallel_loop3A_845] {strides = array<i32>} : memref<16x2048xf32, #tpu.memory_space<vmem>>, vector<1x16xf32>,
        %parallel_loop3A_847 = vector.shape_cast %parallel_loop3A_846 : vector<1x16xf32> to vector<16xf32>
        %parallel_loop3A_848 = arith.constant 45.2548332 : f32
        %parallel_loop3A_849 = vector.broadcast %parallel_loop3A_848 : f32 to vector<16xf32>
        %parallel_loop3A_850 = arith.mulf %parallel_loop3A_847, %parallel_loop3A_849 : vector<16xf32>
        %parallel_loop3A_851 = arith.index_cast %parallel_loop3A_75 : i32 to index
        %parallel_loop3A_852 = arith.constant 1024 : index
        %parallel_loop3A_853 = tpu.vector_load %arg6[%parallel_loop3A_851, %parallel_loop3A_852] {strides = array<i32>} : memref<16x2048xf32, #tpu.memory_space<vmem>>, vector<1x16xf32>,
        %parallel_loop3A_854 = vector.shape_cast %parallel_loop3A_853 : vector<1x16xf32> to vector<16xf32>
        %parallel_loop3A_855 = vector.shape_cast %parallel_loop3A_850 : vector<16xf32> to vector<1x16xf32>
        tpu.vector_store %arg6[%parallel_loop3A_851, %parallel_loop3A_852], %parallel_loop3A_855 {strides = array<i32>} : memref<16x2048xf32, #tpu.memory_space<vmem>>, vector<1x16xf32>,
        %parallel_loop3A_856 = arith.index_cast %parallel_loop3A_75 : i32 to index
        %parallel_loop3A_857 = arith.constant 1040 : index
        %parallel_loop3A_858 = tpu.vector_load %arg6[%parallel_loop3A_856, %parallel_loop3A_857] {strides = array<i32>} : memref<16x2048xf32, #tpu.memory_space<vmem>>, vector<1x16xf32>,
        %parallel_loop3A_859 = vector.shape_cast %parallel_loop3A_858 : vector<1x16xf32> to vector<16xf32>
        %parallel_loop3A_860 = arith.constant 45.2548332 : f32
        %parallel_loop3A_861 = vector.broadcast %parallel_loop3A_860 : f32 to vector<16xf32>
        %parallel_loop3A_862 = arith.mulf %parallel_loop3A_859, %parallel_loop3A_861 : vector<16xf32>
        %parallel_loop3A_863 = arith.index_cast %parallel_loop3A_75 : i32 to index
        %parallel_loop3A_864 = arith.constant 1040 : index
        %parallel_loop3A_865 = tpu.vector_load %arg6[%parallel_loop3A_863, %parallel_loop3A_864] {strides = array<i32>} : memref<16x2048xf32, #tpu.memory_space<vmem>>, vector<1x16xf32>,
        %parallel_loop3A_866 = vector.shape_cast %parallel_loop3A_865 : vector<1x16xf32> to vector<16xf32>
        %parallel_loop3A_867 = vector.shape_cast %parallel_loop3A_862 : vector<16xf32> to vector<1x16xf32>
        tpu.vector_store %arg6[%parallel_loop3A_863, %parallel_loop3A_864], %parallel_loop3A_867 {strides = array<i32>} : memref<16x2048xf32, #tpu.memory_space<vmem>>, vector<1x16xf32>,
        %parallel_loop3A_868 = arith.index_cast %parallel_loop3A_75 : i32 to index
        %parallel_loop3A_869 = arith.constant 1056 : index
        %parallel_loop3A_870 = tpu.vector_load %arg6[%parallel_loop3A_868, %parallel_loop3A_869] {strides = array<i32>} : memref<16x2048xf32, #tpu.memory_space<vmem>>, vector<1x16xf32>,
        %parallel_loop3A_871 = vector.shape_cast %parallel_loop3A_870 : vector<1x16xf32> to vector<16xf32>
        %parallel_loop3A_872 = arith.constant 45.2548332 : f32
        %parallel_loop3A_873 = vector.broadcast %parallel_loop3A_872 : f32 to vector<16xf32>
        %parallel_loop3A_874 = arith.mulf %parallel_loop3A_871, %parallel_loop3A_873 : vector<16xf32>
        %parallel_loop3A_875 = arith.index_cast %parallel_loop3A_75 : i32 to index
        %parallel_loop3A_876 = arith.constant 1056 : index
        %parallel_loop3A_877 = tpu.vector_load %arg6[%parallel_loop3A_875, %parallel_loop3A_876] {strides = array<i32>} : memref<16x2048xf32, #tpu.memory_space<vmem>>, vector<1x16xf32>,
        %parallel_loop3A_878 = vector.shape_cast %parallel_loop3A_877 : vector<1x16xf32> to vector<16xf32>
        %parallel_loop3A_879 = vector.shape_cast %parallel_loop3A_874 : vector<16xf32> to vector<1x16xf32>
        tpu.vector_store %arg6[%parallel_loop3A_875, %parallel_loop3A_876], %parallel_loop3A_879 {strides = array<i32>} : memref<16x2048xf32, #tpu.memory_space<vmem>>, vector<1x16xf32>,
        %parallel_loop3A_880 = arith.index_cast %parallel_loop3A_75 : i32 to index
        %parallel_loop3A_881 = arith.constant 1072 : index
        %parallel_loop3A_882 = tpu.vector_load %arg6[%parallel_loop3A_880, %parallel_loop3A_881] {strides = array<i32>} : memref<16x2048xf32, #tpu.memory_space<vmem>>, vector<1x16xf32>,
        %parallel_loop3A_883 = vector.shape_cast %parallel_loop3A_882 : vector<1x16xf32> to vector<16xf32>
        %parallel_loop3A_884 = arith.constant 45.2548332 : f32
        %parallel_loop3A_885 = vector.broadcast %parallel_loop3A_884 : f32 to vector<16xf32>
        %parallel_loop3A_886 = arith.mulf %parallel_loop3A_883, %parallel_loop3A_885 : vector<16xf32>
        %parallel_loop3A_887 = arith.index_cast %parallel_loop3A_75 : i32 to index
        %parallel_loop3A_888 = arith.constant 1072 : index
        %parallel_loop3A_889 = tpu.vector_load %arg6[%parallel_loop3A_887, %parallel_loop3A_888] {strides = array<i32>} : memref<16x2048xf32, #tpu.memory_space<vmem>>, vector<1x16xf32>,
        %parallel_loop3A_890 = vector.shape_cast %parallel_loop3A_889 : vector<1x16xf32> to vector<16xf32>
        %parallel_loop3A_891 = vector.shape_cast %parallel_loop3A_886 : vector<16xf32> to vector<1x16xf32>
        tpu.vector_store %arg6[%parallel_loop3A_887, %parallel_loop3A_888], %parallel_loop3A_891 {strides = array<i32>} : memref<16x2048xf32, #tpu.memory_space<vmem>>, vector<1x16xf32>,
        %parallel_loop3A_892 = arith.index_cast %parallel_loop3A_75 : i32 to index
        %parallel_loop3A_893 = arith.constant 1088 : index
        %parallel_loop3A_894 = tpu.vector_load %arg6[%parallel_loop3A_892, %parallel_loop3A_893] {strides = array<i32>} : memref<16x2048xf32, #tpu.memory_space<vmem>>, vector<1x16xf32>,
        %parallel_loop3A_895 = vector.shape_cast %parallel_loop3A_894 : vector<1x16xf32> to vector<16xf32>
        %parallel_loop3A_896 = arith.constant 45.2548332 : f32
        %parallel_loop3A_897 = vector.broadcast %parallel_loop3A_896 : f32 to vector<16xf32>
        %parallel_loop3A_898 = arith.mulf %parallel_loop3A_895, %parallel_loop3A_897 : vector<16xf32>
        %parallel_loop3A_899 = arith.index_cast %parallel_loop3A_75 : i32 to index
        %parallel_loop3A_900 = arith.constant 1088 : index
        %parallel_loop3A_901 = tpu.vector_load %arg6[%parallel_loop3A_899, %parallel_loop3A_900] {strides = array<i32>} : memref<16x2048xf32, #tpu.memory_space<vmem>>, vector<1x16xf32>,
        %parallel_loop3A_902 = vector.shape_cast %parallel_loop3A_901 : vector<1x16xf32> to vector<16xf32>
        %parallel_loop3A_903 = vector.shape_cast %parallel_loop3A_898 : vector<16xf32> to vector<1x16xf32>
        tpu.vector_store %arg6[%parallel_loop3A_899, %parallel_loop3A_900], %parallel_loop3A_903 {strides = array<i32>} : memref<16x2048xf32, #tpu.memory_space<vmem>>, vector<1x16xf32>,
        %parallel_loop3A_904 = arith.index_cast %parallel_loop3A_75 : i32 to index
        %parallel_loop3A_905 = arith.constant 1104 : index
        %parallel_loop3A_906 = tpu.vector_load %arg6[%parallel_loop3A_904, %parallel_loop3A_905] {strides = array<i32>} : memref<16x2048xf32, #tpu.memory_space<vmem>>, vector<1x16xf32>,
        %parallel_loop3A_907 = vector.shape_cast %parallel_loop3A_906 : vector<1x16xf32> to vector<16xf32>
        %parallel_loop3A_908 = arith.constant 45.2548332 : f32
        %parallel_loop3A_909 = vector.broadcast %parallel_loop3A_908 : f32 to vector<16xf32>
        %parallel_loop3A_910 = arith.mulf %parallel_loop3A_907, %parallel_loop3A_909 : vector<16xf32>
        %parallel_loop3A_911 = arith.index_cast %parallel_loop3A_75 : i32 to index
        %parallel_loop3A_912 = arith.constant 1104 : index
        %parallel_loop3A_913 = tpu.vector_load %arg6[%parallel_loop3A_911, %parallel_loop3A_912] {strides = array<i32>} : memref<16x2048xf32, #tpu.memory_space<vmem>>, vector<1x16xf32>,
        %parallel_loop3A_914 = vector.shape_cast %parallel_loop3A_913 : vector<1x16xf32> to vector<16xf32>
        %parallel_loop3A_915 = vector.shape_cast %parallel_loop3A_910 : vector<16xf32> to vector<1x16xf32>
        tpu.vector_store %arg6[%parallel_loop3A_911, %parallel_loop3A_912], %parallel_loop3A_915 {strides = array<i32>} : memref<16x2048xf32, #tpu.memory_space<vmem>>, vector<1x16xf32>,
        %parallel_loop3A_916 = arith.index_cast %parallel_loop3A_75 : i32 to index
        %parallel_loop3A_917 = arith.constant 1120 : index
        %parallel_loop3A_918 = tpu.vector_load %arg6[%parallel_loop3A_916, %parallel_loop3A_917] {strides = array<i32>} : memref<16x2048xf32, #tpu.memory_space<vmem>>, vector<1x16xf32>,
        %parallel_loop3A_919 = vector.shape_cast %parallel_loop3A_918 : vector<1x16xf32> to vector<16xf32>
        %parallel_loop3A_920 = arith.constant 45.2548332 : f32
        %parallel_loop3A_921 = vector.broadcast %parallel_loop3A_920 : f32 to vector<16xf32>
        %parallel_loop3A_922 = arith.mulf %parallel_loop3A_919, %parallel_loop3A_921 : vector<16xf32>
        %parallel_loop3A_923 = arith.index_cast %parallel_loop3A_75 : i32 to index
        %parallel_loop3A_924 = arith.constant 1120 : index
        %parallel_loop3A_925 = tpu.vector_load %arg6[%parallel_loop3A_923, %parallel_loop3A_924] {strides = array<i32>} : memref<16x2048xf32, #tpu.memory_space<vmem>>, vector<1x16xf32>,
        %parallel_loop3A_926 = vector.shape_cast %parallel_loop3A_925 : vector<1x16xf32> to vector<16xf32>
        %parallel_loop3A_927 = vector.shape_cast %parallel_loop3A_922 : vector<16xf32> to vector<1x16xf32>
        tpu.vector_store %arg6[%parallel_loop3A_923, %parallel_loop3A_924], %parallel_loop3A_927 {strides = array<i32>} : memref<16x2048xf32, #tpu.memory_space<vmem>>, vector<1x16xf32>,
        %parallel_loop3A_928 = arith.index_cast %parallel_loop3A_75 : i32 to index
        %parallel_loop3A_929 = arith.constant 1136 : index
        %parallel_loop3A_930 = tpu.vector_load %arg6[%parallel_loop3A_928, %parallel_loop3A_929] {strides = array<i32>} : memref<16x2048xf32, #tpu.memory_space<vmem>>, vector<1x16xf32>,
        %parallel_loop3A_931 = vector.shape_cast %parallel_loop3A_930 : vector<1x16xf32> to vector<16xf32>
        %parallel_loop3A_932 = arith.constant 45.2548332 : f32
        %parallel_loop3A_933 = vector.broadcast %parallel_loop3A_932 : f32 to vector<16xf32>
        %parallel_loop3A_934 = arith.mulf %parallel_loop3A_931, %parallel_loop3A_933 : vector<16xf32>
        %parallel_loop3A_935 = arith.index_cast %parallel_loop3A_75 : i32 to index
        %parallel_loop3A_936 = arith.constant 1136 : index
        %parallel_loop3A_937 = tpu.vector_load %arg6[%parallel_loop3A_935, %parallel_loop3A_936] {strides = array<i32>} : memref<16x2048xf32, #tpu.memory_space<vmem>>, vector<1x16xf32>,
        %parallel_loop3A_938 = vector.shape_cast %parallel_loop3A_937 : vector<1x16xf32> to vector<16xf32>
        %parallel_loop3A_939 = vector.shape_cast %parallel_loop3A_934 : vector<16xf32> to vector<1x16xf32>
        tpu.vector_store %arg6[%parallel_loop3A_935, %parallel_loop3A_936], %parallel_loop3A_939 {strides = array<i32>} : memref<16x2048xf32, #tpu.memory_space<vmem>>, vector<1x16xf32>,
        %parallel_loop3A_940 = arith.index_cast %parallel_loop3A_75 : i32 to index
        %parallel_loop3A_941 = arith.constant 1152 : index
        %parallel_loop3A_942 = tpu.vector_load %arg6[%parallel_loop3A_940, %parallel_loop3A_941] {strides = array<i32>} : memref<16x2048xf32, #tpu.memory_space<vmem>>, vector<1x16xf32>,
        %parallel_loop3A_943 = vector.shape_cast %parallel_loop3A_942 : vector<1x16xf32> to vector<16xf32>
        %parallel_loop3A_944 = arith.constant 45.2548332 : f32
        %parallel_loop3A_945 = vector.broadcast %parallel_loop3A_944 : f32 to vector<16xf32>
        %parallel_loop3A_946 = arith.mulf %parallel_loop3A_943, %parallel_loop3A_945 : vector<16xf32>
        %parallel_loop3A_947 = arith.index_cast %parallel_loop3A_75 : i32 to index
        %parallel_loop3A_948 = arith.constant 1152 : index
        %parallel_loop3A_949 = tpu.vector_load %arg6[%parallel_loop3A_947, %parallel_loop3A_948] {strides = array<i32>} : memref<16x2048xf32, #tpu.memory_space<vmem>>, vector<1x16xf32>,
        %parallel_loop3A_950 = vector.shape_cast %parallel_loop3A_949 : vector<1x16xf32> to vector<16xf32>
        %parallel_loop3A_951 = vector.shape_cast %parallel_loop3A_946 : vector<16xf32> to vector<1x16xf32>
        tpu.vector_store %arg6[%parallel_loop3A_947, %parallel_loop3A_948], %parallel_loop3A_951 {strides = array<i32>} : memref<16x2048xf32, #tpu.memory_space<vmem>>, vector<1x16xf32>,
        %parallel_loop3A_952 = arith.index_cast %parallel_loop3A_75 : i32 to index
        %parallel_loop3A_953 = arith.constant 1168 : index
        %parallel_loop3A_954 = tpu.vector_load %arg6[%parallel_loop3A_952, %parallel_loop3A_953] {strides = array<i32>} : memref<16x2048xf32, #tpu.memory_space<vmem>>, vector<1x16xf32>,
        %parallel_loop3A_955 = vector.shape_cast %parallel_loop3A_954 : vector<1x16xf32> to vector<16xf32>
        %parallel_loop3A_956 = arith.constant 45.2548332 : f32
        %parallel_loop3A_957 = vector.broadcast %parallel_loop3A_956 : f32 to vector<16xf32>
        %parallel_loop3A_958 = arith.mulf %parallel_loop3A_955, %parallel_loop3A_957 : vector<16xf32>
        %parallel_loop3A_959 = arith.index_cast %parallel_loop3A_75 : i32 to index
        %parallel_loop3A_960 = arith.constant 1168 : index
        %parallel_loop3A_961 = tpu.vector_load %arg6[%parallel_loop3A_959, %parallel_loop3A_960] {strides = array<i32>} : memref<16x2048xf32, #tpu.memory_space<vmem>>, vector<1x16xf32>,
        %parallel_loop3A_962 = vector.shape_cast %parallel_loop3A_961 : vector<1x16xf32> to vector<16xf32>
        %parallel_loop3A_963 = vector.shape_cast %parallel_loop3A_958 : vector<16xf32> to vector<1x16xf32>
        tpu.vector_store %arg6[%parallel_loop3A_959, %parallel_loop3A_960], %parallel_loop3A_963 {strides = array<i32>} : memref<16x2048xf32, #tpu.memory_space<vmem>>, vector<1x16xf32>,
        %parallel_loop3A_964 = arith.index_cast %parallel_loop3A_75 : i32 to index
        %parallel_loop3A_965 = arith.constant 1184 : index
        %parallel_loop3A_966 = tpu.vector_load %arg6[%parallel_loop3A_964, %parallel_loop3A_965] {strides = array<i32>} : memref<16x2048xf32, #tpu.memory_space<vmem>>, vector<1x16xf32>,
        %parallel_loop3A_967 = vector.shape_cast %parallel_loop3A_966 : vector<1x16xf32> to vector<16xf32>
        %parallel_loop3A_968 = arith.constant 45.2548332 : f32
        %parallel_loop3A_969 = vector.broadcast %parallel_loop3A_968 : f32 to vector<16xf32>
        %parallel_loop3A_970 = arith.mulf %parallel_loop3A_967, %parallel_loop3A_969 : vector<16xf32>
        %parallel_loop3A_971 = arith.index_cast %parallel_loop3A_75 : i32 to index
        %parallel_loop3A_972 = arith.constant 1184 : index
        %parallel_loop3A_973 = tpu.vector_load %arg6[%parallel_loop3A_971, %parallel_loop3A_972] {strides = array<i32>} : memref<16x2048xf32, #tpu.memory_space<vmem>>, vector<1x16xf32>,
        %parallel_loop3A_974 = vector.shape_cast %parallel_loop3A_973 : vector<1x16xf32> to vector<16xf32>
        %parallel_loop3A_975 = vector.shape_cast %parallel_loop3A_970 : vector<16xf32> to vector<1x16xf32>
        tpu.vector_store %arg6[%parallel_loop3A_971, %parallel_loop3A_972], %parallel_loop3A_975 {strides = array<i32>} : memref<16x2048xf32, #tpu.memory_space<vmem>>, vector<1x16xf32>,
        %parallel_loop3A_976 = arith.index_cast %parallel_loop3A_75 : i32 to index
        %parallel_loop3A_977 = arith.constant 1200 : index
        %parallel_loop3A_978 = tpu.vector_load %arg6[%parallel_loop3A_976, %parallel_loop3A_977] {strides = array<i32>} : memref<16x2048xf32, #tpu.memory_space<vmem>>, vector<1x16xf32>,
        %parallel_loop3A_979 = vector.shape_cast %parallel_loop3A_978 : vector<1x16xf32> to vector<16xf32>
        %parallel_loop3A_980 = arith.constant 45.2548332 : f32
        %parallel_loop3A_981 = vector.broadcast %parallel_loop3A_980 : f32 to vector<16xf32>
        %parallel_loop3A_982 = arith.mulf %parallel_loop3A_979, %parallel_loop3A_981 : vector<16xf32>
        %parallel_loop3A_983 = arith.index_cast %parallel_loop3A_75 : i32 to index
        %parallel_loop3A_984 = arith.constant 1200 : index
        %parallel_loop3A_985 = tpu.vector_load %arg6[%parallel_loop3A_983, %parallel_loop3A_984] {strides = array<i32>} : memref<16x2048xf32, #tpu.memory_space<vmem>>, vector<1x16xf32>,
        %parallel_loop3A_986 = vector.shape_cast %parallel_loop3A_985 : vector<1x16xf32> to vector<16xf32>
        %parallel_loop3A_987 = vector.shape_cast %parallel_loop3A_982 : vector<16xf32> to vector<1x16xf32>
        tpu.vector_store %arg6[%parallel_loop3A_983, %parallel_loop3A_984], %parallel_loop3A_987 {strides = array<i32>} : memref<16x2048xf32, #tpu.memory_space<vmem>>, vector<1x16xf32>,
        %parallel_loop3A_988 = arith.index_cast %parallel_loop3A_75 : i32 to index
        %parallel_loop3A_989 = arith.constant 1216 : index
        %parallel_loop3A_990 = tpu.vector_load %arg6[%parallel_loop3A_988, %parallel_loop3A_989] {strides = array<i32>} : memref<16x2048xf32, #tpu.memory_space<vmem>>, vector<1x16xf32>,
        %parallel_loop3A_991 = vector.shape_cast %parallel_loop3A_990 : vector<1x16xf32> to vector<16xf32>
        %parallel_loop3A_992 = arith.constant 45.2548332 : f32
        %parallel_loop3A_993 = vector.broadcast %parallel_loop3A_992 : f32 to vector<16xf32>
        %parallel_loop3A_994 = arith.mulf %parallel_loop3A_991, %parallel_loop3A_993 : vector<16xf32>
        %parallel_loop3A_995 = arith.index_cast %parallel_loop3A_75 : i32 to index
        %parallel_loop3A_996 = arith.constant 1216 : index
        %parallel_loop3A_997 = tpu.vector_load %arg6[%parallel_loop3A_995, %parallel_loop3A_996] {strides = array<i32>} : memref<16x2048xf32, #tpu.memory_space<vmem>>, vector<1x16xf32>,
        %parallel_loop3A_998 = vector.shape_cast %parallel_loop3A_997 : vector<1x16xf32> to vector<16xf32>
        %parallel_loop3A_999 = vector.shape_cast %parallel_loop3A_994 : vector<16xf32> to vector<1x16xf32>
        tpu.vector_store %arg6[%parallel_loop3A_995, %parallel_loop3A_996], %parallel_loop3A_999 {strides = array<i32>} : memref<16x2048xf32, #tpu.memory_space<vmem>>, vector<1x16xf32>,
        %parallel_loop3A_1000 = arith.index_cast %parallel_loop3A_75 : i32 to index
        %parallel_loop3A_1001 = arith.constant 1232 : index
        %parallel_loop3A_1002 = tpu.vector_load %arg6[%parallel_loop3A_1000, %parallel_loop3A_1001] {strides = array<i32>} : memref<16x2048xf32, #tpu.memory_space<vmem>>, vector<1x16xf32>,
        %parallel_loop3A_1003 = vector.shape_cast %parallel_loop3A_1002 : vector<1x16xf32> to vector<16xf32>
        %parallel_loop3A_1004 = arith.constant 45.2548332 : f32
        %parallel_loop3A_1005 = vector.broadcast %parallel_loop3A_1004 : f32 to vector<16xf32>
        %parallel_loop3A_1006 = arith.mulf %parallel_loop3A_1003, %parallel_loop3A_1005 : vector<16xf32>
        %parallel_loop3A_1007 = arith.index_cast %parallel_loop3A_75 : i32 to index
        %parallel_loop3A_1008 = arith.constant 1232 : index
        %parallel_loop3A_1009 = tpu.vector_load %arg6[%parallel_loop3A_1007, %parallel_loop3A_1008] {strides = array<i32>} : memref<16x2048xf32, #tpu.memory_space<vmem>>, vector<1x16xf32>,
        %parallel_loop3A_1010 = vector.shape_cast %parallel_loop3A_1009 : vector<1x16xf32> to vector<16xf32>
        %parallel_loop3A_1011 = vector.shape_cast %parallel_loop3A_1006 : vector<16xf32> to vector<1x16xf32>
        tpu.vector_store %arg6[%parallel_loop3A_1007, %parallel_loop3A_1008], %parallel_loop3A_1011 {strides = array<i32>} : memref<16x2048xf32, #tpu.memory_space<vmem>>, vector<1x16xf32>,
        %parallel_loop3A_1012 = arith.index_cast %parallel_loop3A_75 : i32 to index
        %parallel_loop3A_1013 = arith.constant 1248 : index
        %parallel_loop3A_1014 = tpu.vector_load %arg6[%parallel_loop3A_1012, %parallel_loop3A_1013] {strides = array<i32>} : memref<16x2048xf32, #tpu.memory_space<vmem>>, vector<1x16xf32>,
        %parallel_loop3A_1015 = vector.shape_cast %parallel_loop3A_1014 : vector<1x16xf32> to vector<16xf32>
        %parallel_loop3A_1016 = arith.constant 45.2548332 : f32
        %parallel_loop3A_1017 = vector.broadcast %parallel_loop3A_1016 : f32 to vector<16xf32>
        %parallel_loop3A_1018 = arith.mulf %parallel_loop3A_1015, %parallel_loop3A_1017 : vector<16xf32>
        %parallel_loop3A_1019 = arith.index_cast %parallel_loop3A_75 : i32 to index
        %parallel_loop3A_1020 = arith.constant 1248 : index
        %parallel_loop3A_1021 = tpu.vector_load %arg6[%parallel_loop3A_1019, %parallel_loop3A_1020] {strides = array<i32>} : memref<16x2048xf32, #tpu.memory_space<vmem>>, vector<1x16xf32>,
        %parallel_loop3A_1022 = vector.shape_cast %parallel_loop3A_1021 : vector<1x16xf32> to vector<16xf32>
        %parallel_loop3A_1023 = vector.shape_cast %parallel_loop3A_1018 : vector<16xf32> to vector<1x16xf32>
        tpu.vector_store %arg6[%parallel_loop3A_1019, %parallel_loop3A_1020], %parallel_loop3A_1023 {strides = array<i32>} : memref<16x2048xf32, #tpu.memory_space<vmem>>, vector<1x16xf32>,
        %parallel_loop3A_1024 = arith.index_cast %parallel_loop3A_75 : i32 to index
        %parallel_loop3A_1025 = arith.constant 1264 : index
        %parallel_loop3A_1026 = tpu.vector_load %arg6[%parallel_loop3A_1024, %parallel_loop3A_1025] {strides = array<i32>} : memref<16x2048xf32, #tpu.memory_space<vmem>>, vector<1x16xf32>,
        %parallel_loop3A_1027 = vector.shape_cast %parallel_loop3A_1026 : vector<1x16xf32> to vector<16xf32>
        %parallel_loop3A_1028 = arith.constant 45.2548332 : f32
        %parallel_loop3A_1029 = vector.broadcast %parallel_loop3A_1028 : f32 to vector<16xf32>
        %parallel_loop3A_1030 = arith.mulf %parallel_loop3A_1027, %parallel_loop3A_1029 : vector<16xf32>
        %parallel_loop3A_1031 = arith.index_cast %parallel_loop3A_75 : i32 to index
        %parallel_loop3A_1032 = arith.constant 1264 : index
        %parallel_loop3A_1033 = tpu.vector_load %arg6[%parallel_loop3A_1031, %parallel_loop3A_1032] {strides = array<i32>} : memref<16x2048xf32, #tpu.memory_space<vmem>>, vector<1x16xf32>,
        %parallel_loop3A_1034 = vector.shape_cast %parallel_loop3A_1033 : vector<1x16xf32> to vector<16xf32>
        %parallel_loop3A_1035 = vector.shape_cast %parallel_loop3A_1030 : vector<16xf32> to vector<1x16xf32>
        tpu.vector_store %arg6[%parallel_loop3A_1031, %parallel_loop3A_1032], %parallel_loop3A_1035 {strides = array<i32>} : memref<16x2048xf32, #tpu.memory_space<vmem>>, vector<1x16xf32>,
        %parallel_loop3A_1036 = arith.index_cast %parallel_loop3A_75 : i32 to index
        %parallel_loop3A_1037 = arith.constant 1280 : index
        %parallel_loop3A_1038 = tpu.vector_load %arg6[%parallel_loop3A_1036, %parallel_loop3A_1037] {strides = array<i32>} : memref<16x2048xf32, #tpu.memory_space<vmem>>, vector<1x16xf32>,
        %parallel_loop3A_1039 = vector.shape_cast %parallel_loop3A_1038 : vector<1x16xf32> to vector<16xf32>
        %parallel_loop3A_1040 = arith.constant 45.2548332 : f32
        %parallel_loop3A_1041 = vector.broadcast %parallel_loop3A_1040 : f32 to vector<16xf32>
        %parallel_loop3A_1042 = arith.mulf %parallel_loop3A_1039, %parallel_loop3A_1041 : vector<16xf32>
        %parallel_loop3A_1043 = arith.index_cast %parallel_loop3A_75 : i32 to index
        %parallel_loop3A_1044 = arith.constant 1280 : index
        %parallel_loop3A_1045 = tpu.vector_load %arg6[%parallel_loop3A_1043, %parallel_loop3A_1044] {strides = array<i32>} : memref<16x2048xf32, #tpu.memory_space<vmem>>, vector<1x16xf32>,
        %parallel_loop3A_1046 = vector.shape_cast %parallel_loop3A_1045 : vector<1x16xf32> to vector<16xf32>
        %parallel_loop3A_1047 = vector.shape_cast %parallel_loop3A_1042 : vector<16xf32> to vector<1x16xf32>
        tpu.vector_store %arg6[%parallel_loop3A_1043, %parallel_loop3A_1044], %parallel_loop3A_1047 {strides = array<i32>} : memref<16x2048xf32, #tpu.memory_space<vmem>>, vector<1x16xf32>,
        %parallel_loop3A_1048 = arith.index_cast %parallel_loop3A_75 : i32 to index
        %parallel_loop3A_1049 = arith.constant 1296 : index
        %parallel_loop3A_1050 = tpu.vector_load %arg6[%parallel_loop3A_1048, %parallel_loop3A_1049] {strides = array<i32>} : memref<16x2048xf32, #tpu.memory_space<vmem>>, vector<1x16xf32>,
        %parallel_loop3A_1051 = vector.shape_cast %parallel_loop3A_1050 : vector<1x16xf32> to vector<16xf32>
        %parallel_loop3A_1052 = arith.constant 45.2548332 : f32
        %parallel_loop3A_1053 = vector.broadcast %parallel_loop3A_1052 : f32 to vector<16xf32>
        %parallel_loop3A_1054 = arith.mulf %parallel_loop3A_1051, %parallel_loop3A_1053 : vector<16xf32>
        %parallel_loop3A_1055 = arith.index_cast %parallel_loop3A_75 : i32 to index
        %parallel_loop3A_1056 = arith.constant 1296 : index
        %parallel_loop3A_1057 = tpu.vector_load %arg6[%parallel_loop3A_1055, %parallel_loop3A_1056] {strides = array<i32>} : memref<16x2048xf32, #tpu.memory_space<vmem>>, vector<1x16xf32>,
        %parallel_loop3A_1058 = vector.shape_cast %parallel_loop3A_1057 : vector<1x16xf32> to vector<16xf32>
        %parallel_loop3A_1059 = vector.shape_cast %parallel_loop3A_1054 : vector<16xf32> to vector<1x16xf32>
        tpu.vector_store %arg6[%parallel_loop3A_1055, %parallel_loop3A_1056], %parallel_loop3A_1059 {strides = array<i32>} : memref<16x2048xf32, #tpu.memory_space<vmem>>, vector<1x16xf32>,
        %parallel_loop3A_1060 = arith.index_cast %parallel_loop3A_75 : i32 to index
        %parallel_loop3A_1061 = arith.constant 1312 : index
        %parallel_loop3A_1062 = tpu.vector_load %arg6[%parallel_loop3A_1060, %parallel_loop3A_1061] {strides = array<i32>} : memref<16x2048xf32, #tpu.memory_space<vmem>>, vector<1x16xf32>,
        %parallel_loop3A_1063 = vector.shape_cast %parallel_loop3A_1062 : vector<1x16xf32> to vector<16xf32>
        %parallel_loop3A_1064 = arith.constant 45.2548332 : f32
        %parallel_loop3A_1065 = vector.broadcast %parallel_loop3A_1064 : f32 to vector<16xf32>
        %parallel_loop3A_1066 = arith.mulf %parallel_loop3A_1063, %parallel_loop3A_1065 : vector<16xf32>
        %parallel_loop3A_1067 = arith.index_cast %parallel_loop3A_75 : i32 to index
        %parallel_loop3A_1068 = arith.constant 1312 : index
        %parallel_loop3A_1069 = tpu.vector_load %arg6[%parallel_loop3A_1067, %parallel_loop3A_1068] {strides = array<i32>} : memref<16x2048xf32, #tpu.memory_space<vmem>>, vector<1x16xf32>,
        %parallel_loop3A_1070 = vector.shape_cast %parallel_loop3A_1069 : vector<1x16xf32> to vector<16xf32>
        %parallel_loop3A_1071 = vector.shape_cast %parallel_loop3A_1066 : vector<16xf32> to vector<1x16xf32>
        tpu.vector_store %arg6[%parallel_loop3A_1067, %parallel_loop3A_1068], %parallel_loop3A_1071 {strides = array<i32>} : memref<16x2048xf32, #tpu.memory_space<vmem>>, vector<1x16xf32>,
        %parallel_loop3A_1072 = arith.index_cast %parallel_loop3A_75 : i32 to index
        %parallel_loop3A_1073 = arith.constant 1328 : index
        %parallel_loop3A_1074 = tpu.vector_load %arg6[%parallel_loop3A_1072, %parallel_loop3A_1073] {strides = array<i32>} : memref<16x2048xf32, #tpu.memory_space<vmem>>, vector<1x16xf32>,
        %parallel_loop3A_1075 = vector.shape_cast %parallel_loop3A_1074 : vector<1x16xf32> to vector<16xf32>
        %parallel_loop3A_1076 = arith.constant 45.2548332 : f32
        %parallel_loop3A_1077 = vector.broadcast %parallel_loop3A_1076 : f32 to vector<16xf32>
        %parallel_loop3A_1078 = arith.mulf %parallel_loop3A_1075, %parallel_loop3A_1077 : vector<16xf32>
        %parallel_loop3A_1079 = arith.index_cast %parallel_loop3A_75 : i32 to index
        %parallel_loop3A_1080 = arith.constant 1328 : index
        %parallel_loop3A_1081 = tpu.vector_load %arg6[%parallel_loop3A_1079, %parallel_loop3A_1080] {strides = array<i32>} : memref<16x2048xf32, #tpu.memory_space<vmem>>, vector<1x16xf32>,
        %parallel_loop3A_1082 = vector.shape_cast %parallel_loop3A_1081 : vector<1x16xf32> to vector<16xf32>
        %parallel_loop3A_1083 = vector.shape_cast %parallel_loop3A_1078 : vector<16xf32> to vector<1x16xf32>
        tpu.vector_store %arg6[%parallel_loop3A_1079, %parallel_loop3A_1080], %parallel_loop3A_1083 {strides = array<i32>} : memref<16x2048xf32, #tpu.memory_space<vmem>>, vector<1x16xf32>,
        %parallel_loop3A_1084 = arith.index_cast %parallel_loop3A_75 : i32 to index
        %parallel_loop3A_1085 = arith.constant 1344 : index
        %parallel_loop3A_1086 = tpu.vector_load %arg6[%parallel_loop3A_1084, %parallel_loop3A_1085] {strides = array<i32>} : memref<16x2048xf32, #tpu.memory_space<vmem>>, vector<1x16xf32>,
        %parallel_loop3A_1087 = vector.shape_cast %parallel_loop3A_1086 : vector<1x16xf32> to vector<16xf32>
        %parallel_loop3A_1088 = arith.constant 45.2548332 : f32
        %parallel_loop3A_1089 = vector.broadcast %parallel_loop3A_1088 : f32 to vector<16xf32>
        %parallel_loop3A_1090 = arith.mulf %parallel_loop3A_1087, %parallel_loop3A_1089 : vector<16xf32>
        %parallel_loop3A_1091 = arith.index_cast %parallel_loop3A_75 : i32 to index
        %parallel_loop3A_1092 = arith.constant 1344 : index
        %parallel_loop3A_1093 = tpu.vector_load %arg6[%parallel_loop3A_1091, %parallel_loop3A_1092] {strides = array<i32>} : memref<16x2048xf32, #tpu.memory_space<vmem>>, vector<1x16xf32>,
        %parallel_loop3A_1094 = vector.shape_cast %parallel_loop3A_1093 : vector<1x16xf32> to vector<16xf32>
        %parallel_loop3A_1095 = vector.shape_cast %parallel_loop3A_1090 : vector<16xf32> to vector<1x16xf32>
        tpu.vector_store %arg6[%parallel_loop3A_1091, %parallel_loop3A_1092], %parallel_loop3A_1095 {strides = array<i32>} : memref<16x2048xf32, #tpu.memory_space<vmem>>, vector<1x16xf32>,
        %parallel_loop3A_1096 = arith.index_cast %parallel_loop3A_75 : i32 to index
        %parallel_loop3A_1097 = arith.constant 1360 : index
        %parallel_loop3A_1098 = tpu.vector_load %arg6[%parallel_loop3A_1096, %parallel_loop3A_1097] {strides = array<i32>} : memref<16x2048xf32, #tpu.memory_space<vmem>>, vector<1x16xf32>,
        %parallel_loop3A_1099 = vector.shape_cast %parallel_loop3A_1098 : vector<1x16xf32> to vector<16xf32>
        %parallel_loop3A_1100 = arith.constant 45.2548332 : f32
        %parallel_loop3A_1101 = vector.broadcast %parallel_loop3A_1100 : f32 to vector<16xf32>
        %parallel_loop3A_1102 = arith.mulf %parallel_loop3A_1099, %parallel_loop3A_1101 : vector<16xf32>
        %parallel_loop3A_1103 = arith.index_cast %parallel_loop3A_75 : i32 to index
        %parallel_loop3A_1104 = arith.constant 1360 : index
        %parallel_loop3A_1105 = tpu.vector_load %arg6[%parallel_loop3A_1103, %parallel_loop3A_1104] {strides = array<i32>} : memref<16x2048xf32, #tpu.memory_space<vmem>>, vector<1x16xf32>,
        %parallel_loop3A_1106 = vector.shape_cast %parallel_loop3A_1105 : vector<1x16xf32> to vector<16xf32>
        %parallel_loop3A_1107 = vector.shape_cast %parallel_loop3A_1102 : vector<16xf32> to vector<1x16xf32>
        tpu.vector_store %arg6[%parallel_loop3A_1103, %parallel_loop3A_1104], %parallel_loop3A_1107 {strides = array<i32>} : memref<16x2048xf32, #tpu.memory_space<vmem>>, vector<1x16xf32>,
        %parallel_loop3A_1108 = arith.index_cast %parallel_loop3A_75 : i32 to index
        %parallel_loop3A_1109 = arith.constant 1376 : index
        %parallel_loop3A_1110 = tpu.vector_load %arg6[%parallel_loop3A_1108, %parallel_loop3A_1109] {strides = array<i32>} : memref<16x2048xf32, #tpu.memory_space<vmem>>, vector<1x16xf32>,
        %parallel_loop3A_1111 = vector.shape_cast %parallel_loop3A_1110 : vector<1x16xf32> to vector<16xf32>
        %parallel_loop3A_1112 = arith.constant 45.2548332 : f32
        %parallel_loop3A_1113 = vector.broadcast %parallel_loop3A_1112 : f32 to vector<16xf32>
        %parallel_loop3A_1114 = arith.mulf %parallel_loop3A_1111, %parallel_loop3A_1113 : vector<16xf32>
        %parallel_loop3A_1115 = arith.index_cast %parallel_loop3A_75 : i32 to index
        %parallel_loop3A_1116 = arith.constant 1376 : index
        %parallel_loop3A_1117 = tpu.vector_load %arg6[%parallel_loop3A_1115, %parallel_loop3A_1116] {strides = array<i32>} : memref<16x2048xf32, #tpu.memory_space<vmem>>, vector<1x16xf32>,
        %parallel_loop3A_1118 = vector.shape_cast %parallel_loop3A_1117 : vector<1x16xf32> to vector<16xf32>
        %parallel_loop3A_1119 = vector.shape_cast %parallel_loop3A_1114 : vector<16xf32> to vector<1x16xf32>
        tpu.vector_store %arg6[%parallel_loop3A_1115, %parallel_loop3A_1116], %parallel_loop3A_1119 {strides = array<i32>} : memref<16x2048xf32, #tpu.memory_space<vmem>>, vector<1x16xf32>,
        %parallel_loop3A_1120 = arith.index_cast %parallel_loop3A_75 : i32 to index
        %parallel_loop3A_1121 = arith.constant 1392 : index
        %parallel_loop3A_1122 = tpu.vector_load %arg6[%parallel_loop3A_1120, %parallel_loop3A_1121] {strides = array<i32>} : memref<16x2048xf32, #tpu.memory_space<vmem>>, vector<1x16xf32>,
        %parallel_loop3A_1123 = vector.shape_cast %parallel_loop3A_1122 : vector<1x16xf32> to vector<16xf32>
        %parallel_loop3A_1124 = arith.constant 45.2548332 : f32
        %parallel_loop3A_1125 = vector.broadcast %parallel_loop3A_1124 : f32 to vector<16xf32>
        %parallel_loop3A_1126 = arith.mulf %parallel_loop3A_1123, %parallel_loop3A_1125 : vector<16xf32>
        %parallel_loop3A_1127 = arith.index_cast %parallel_loop3A_75 : i32 to index
        %parallel_loop3A_1128 = arith.constant 1392 : index
        %parallel_loop3A_1129 = tpu.vector_load %arg6[%parallel_loop3A_1127, %parallel_loop3A_1128] {strides = array<i32>} : memref<16x2048xf32, #tpu.memory_space<vmem>>, vector<1x16xf32>,
        %parallel_loop3A_1130 = vector.shape_cast %parallel_loop3A_1129 : vector<1x16xf32> to vector<16xf32>
        %parallel_loop3A_1131 = vector.shape_cast %parallel_loop3A_1126 : vector<16xf32> to vector<1x16xf32>
        tpu.vector_store %arg6[%parallel_loop3A_1127, %parallel_loop3A_1128], %parallel_loop3A_1131 {strides = array<i32>} : memref<16x2048xf32, #tpu.memory_space<vmem>>, vector<1x16xf32>,
        %parallel_loop3A_1132 = arith.index_cast %parallel_loop3A_75 : i32 to index
        %parallel_loop3A_1133 = arith.constant 1408 : index
        %parallel_loop3A_1134 = tpu.vector_load %arg6[%parallel_loop3A_1132, %parallel_loop3A_1133] {strides = array<i32>} : memref<16x2048xf32, #tpu.memory_space<vmem>>, vector<1x16xf32>,
        %parallel_loop3A_1135 = vector.shape_cast %parallel_loop3A_1134 : vector<1x16xf32> to vector<16xf32>
        %parallel_loop3A_1136 = arith.constant 45.2548332 : f32
        %parallel_loop3A_1137 = vector.broadcast %parallel_loop3A_1136 : f32 to vector<16xf32>
        %parallel_loop3A_1138 = arith.mulf %parallel_loop3A_1135, %parallel_loop3A_1137 : vector<16xf32>
        %parallel_loop3A_1139 = arith.index_cast %parallel_loop3A_75 : i32 to index
        %parallel_loop3A_1140 = arith.constant 1408 : index
        %parallel_loop3A_1141 = tpu.vector_load %arg6[%parallel_loop3A_1139, %parallel_loop3A_1140] {strides = array<i32>} : memref<16x2048xf32, #tpu.memory_space<vmem>>, vector<1x16xf32>,
        %parallel_loop3A_1142 = vector.shape_cast %parallel_loop3A_1141 : vector<1x16xf32> to vector<16xf32>
        %parallel_loop3A_1143 = vector.shape_cast %parallel_loop3A_1138 : vector<16xf32> to vector<1x16xf32>
        tpu.vector_store %arg6[%parallel_loop3A_1139, %parallel_loop3A_1140], %parallel_loop3A_1143 {strides = array<i32>} : memref<16x2048xf32, #tpu.memory_space<vmem>>, vector<1x16xf32>,
        %parallel_loop3A_1144 = arith.index_cast %parallel_loop3A_75 : i32 to index
        %parallel_loop3A_1145 = arith.constant 1424 : index
        %parallel_loop3A_1146 = tpu.vector_load %arg6[%parallel_loop3A_1144, %parallel_loop3A_1145] {strides = array<i32>} : memref<16x2048xf32, #tpu.memory_space<vmem>>, vector<1x16xf32>,
        %parallel_loop3A_1147 = vector.shape_cast %parallel_loop3A_1146 : vector<1x16xf32> to vector<16xf32>
        %parallel_loop3A_1148 = arith.constant 45.2548332 : f32
        %parallel_loop3A_1149 = vector.broadcast %parallel_loop3A_1148 : f32 to vector<16xf32>
        %parallel_loop3A_1150 = arith.mulf %parallel_loop3A_1147, %parallel_loop3A_1149 : vector<16xf32>
        %parallel_loop3A_1151 = arith.index_cast %parallel_loop3A_75 : i32 to index
        %parallel_loop3A_1152 = arith.constant 1424 : index
        %parallel_loop3A_1153 = tpu.vector_load %arg6[%parallel_loop3A_1151, %parallel_loop3A_1152] {strides = array<i32>} : memref<16x2048xf32, #tpu.memory_space<vmem>>, vector<1x16xf32>,
        %parallel_loop3A_1154 = vector.shape_cast %parallel_loop3A_1153 : vector<1x16xf32> to vector<16xf32>
        %parallel_loop3A_1155 = vector.shape_cast %parallel_loop3A_1150 : vector<16xf32> to vector<1x16xf32>
        tpu.vector_store %arg6[%parallel_loop3A_1151, %parallel_loop3A_1152], %parallel_loop3A_1155 {strides = array<i32>} : memref<16x2048xf32, #tpu.memory_space<vmem>>, vector<1x16xf32>,
        %parallel_loop3A_1156 = arith.index_cast %parallel_loop3A_75 : i32 to index
        %parallel_loop3A_1157 = arith.constant 1440 : index
        %parallel_loop3A_1158 = tpu.vector_load %arg6[%parallel_loop3A_1156, %parallel_loop3A_1157] {strides = array<i32>} : memref<16x2048xf32, #tpu.memory_space<vmem>>, vector<1x16xf32>,
        %parallel_loop3A_1159 = vector.shape_cast %parallel_loop3A_1158 : vector<1x16xf32> to vector<16xf32>
        %parallel_loop3A_1160 = arith.constant 45.2548332 : f32
        %parallel_loop3A_1161 = vector.broadcast %parallel_loop3A_1160 : f32 to vector<16xf32>
        %parallel_loop3A_1162 = arith.mulf %parallel_loop3A_1159, %parallel_loop3A_1161 : vector<16xf32>
        %parallel_loop3A_1163 = arith.index_cast %parallel_loop3A_75 : i32 to index
        %parallel_loop3A_1164 = arith.constant 1440 : index
        %parallel_loop3A_1165 = tpu.vector_load %arg6[%parallel_loop3A_1163, %parallel_loop3A_1164] {strides = array<i32>} : memref<16x2048xf32, #tpu.memory_space<vmem>>, vector<1x16xf32>,
        %parallel_loop3A_1166 = vector.shape_cast %parallel_loop3A_1165 : vector<1x16xf32> to vector<16xf32>
        %parallel_loop3A_1167 = vector.shape_cast %parallel_loop3A_1162 : vector<16xf32> to vector<1x16xf32>
        tpu.vector_store %arg6[%parallel_loop3A_1163, %parallel_loop3A_1164], %parallel_loop3A_1167 {strides = array<i32>} : memref<16x2048xf32, #tpu.memory_space<vmem>>, vector<1x16xf32>,
        %parallel_loop3A_1168 = arith.index_cast %parallel_loop3A_75 : i32 to index
        %parallel_loop3A_1169 = arith.constant 1456 : index
        %parallel_loop3A_1170 = tpu.vector_load %arg6[%parallel_loop3A_1168, %parallel_loop3A_1169] {strides = array<i32>} : memref<16x2048xf32, #tpu.memory_space<vmem>>, vector<1x16xf32>,
        %parallel_loop3A_1171 = vector.shape_cast %parallel_loop3A_1170 : vector<1x16xf32> to vector<16xf32>
        %parallel_loop3A_1172 = arith.constant 45.2548332 : f32
        %parallel_loop3A_1173 = vector.broadcast %parallel_loop3A_1172 : f32 to vector<16xf32>
        %parallel_loop3A_1174 = arith.mulf %parallel_loop3A_1171, %parallel_loop3A_1173 : vector<16xf32>
        %parallel_loop3A_1175 = arith.index_cast %parallel_loop3A_75 : i32 to index
        %parallel_loop3A_1176 = arith.constant 1456 : index
        %parallel_loop3A_1177 = tpu.vector_load %arg6[%parallel_loop3A_1175, %parallel_loop3A_1176] {strides = array<i32>} : memref<16x2048xf32, #tpu.memory_space<vmem>>, vector<1x16xf32>,
        %parallel_loop3A_1178 = vector.shape_cast %parallel_loop3A_1177 : vector<1x16xf32> to vector<16xf32>
        %parallel_loop3A_1179 = vector.shape_cast %parallel_loop3A_1174 : vector<16xf32> to vector<1x16xf32>
        tpu.vector_store %arg6[%parallel_loop3A_1175, %parallel_loop3A_1176], %parallel_loop3A_1179 {strides = array<i32>} : memref<16x2048xf32, #tpu.memory_space<vmem>>, vector<1x16xf32>,
        %parallel_loop3A_1180 = arith.index_cast %parallel_loop3A_75 : i32 to index
        %parallel_loop3A_1181 = arith.constant 1472 : index
        %parallel_loop3A_1182 = tpu.vector_load %arg6[%parallel_loop3A_1180, %parallel_loop3A_1181] {strides = array<i32>} : memref<16x2048xf32, #tpu.memory_space<vmem>>, vector<1x16xf32>,
        %parallel_loop3A_1183 = vector.shape_cast %parallel_loop3A_1182 : vector<1x16xf32> to vector<16xf32>
        %parallel_loop3A_1184 = arith.constant 45.2548332 : f32
        %parallel_loop3A_1185 = vector.broadcast %parallel_loop3A_1184 : f32 to vector<16xf32>
        %parallel_loop3A_1186 = arith.mulf %parallel_loop3A_1183, %parallel_loop3A_1185 : vector<16xf32>
        %parallel_loop3A_1187 = arith.index_cast %parallel_loop3A_75 : i32 to index
        %parallel_loop3A_1188 = arith.constant 1472 : index
        %parallel_loop3A_1189 = tpu.vector_load %arg6[%parallel_loop3A_1187, %parallel_loop3A_1188] {strides = array<i32>} : memref<16x2048xf32, #tpu.memory_space<vmem>>, vector<1x16xf32>,
        %parallel_loop3A_1190 = vector.shape_cast %parallel_loop3A_1189 : vector<1x16xf32> to vector<16xf32>
        %parallel_loop3A_1191 = vector.shape_cast %parallel_loop3A_1186 : vector<16xf32> to vector<1x16xf32>
        tpu.vector_store %arg6[%parallel_loop3A_1187, %parallel_loop3A_1188], %parallel_loop3A_1191 {strides = array<i32>} : memref<16x2048xf32, #tpu.memory_space<vmem>>, vector<1x16xf32>,
        %parallel_loop3A_1192 = arith.index_cast %parallel_loop3A_75 : i32 to index
        %parallel_loop3A_1193 = arith.constant 1488 : index
        %parallel_loop3A_1194 = tpu.vector_load %arg6[%parallel_loop3A_1192, %parallel_loop3A_1193] {strides = array<i32>} : memref<16x2048xf32, #tpu.memory_space<vmem>>, vector<1x16xf32>,
        %parallel_loop3A_1195 = vector.shape_cast %parallel_loop3A_1194 : vector<1x16xf32> to vector<16xf32>
        %parallel_loop3A_1196 = arith.constant 45.2548332 : f32
        %parallel_loop3A_1197 = vector.broadcast %parallel_loop3A_1196 : f32 to vector<16xf32>
        %parallel_loop3A_1198 = arith.mulf %parallel_loop3A_1195, %parallel_loop3A_1197 : vector<16xf32>
        %parallel_loop3A_1199 = arith.index_cast %parallel_loop3A_75 : i32 to index
        %parallel_loop3A_1200 = arith.constant 1488 : index
        %parallel_loop3A_1201 = tpu.vector_load %arg6[%parallel_loop3A_1199, %parallel_loop3A_1200] {strides = array<i32>} : memref<16x2048xf32, #tpu.memory_space<vmem>>, vector<1x16xf32>,
        %parallel_loop3A_1202 = vector.shape_cast %parallel_loop3A_1201 : vector<1x16xf32> to vector<16xf32>
        %parallel_loop3A_1203 = vector.shape_cast %parallel_loop3A_1198 : vector<16xf32> to vector<1x16xf32>
        tpu.vector_store %arg6[%parallel_loop3A_1199, %parallel_loop3A_1200], %parallel_loop3A_1203 {strides = array<i32>} : memref<16x2048xf32, #tpu.memory_space<vmem>>, vector<1x16xf32>,
        %parallel_loop3A_1204 = arith.index_cast %parallel_loop3A_75 : i32 to index
        %parallel_loop3A_1205 = arith.constant 1504 : index
        %parallel_loop3A_1206 = tpu.vector_load %arg6[%parallel_loop3A_1204, %parallel_loop3A_1205] {strides = array<i32>} : memref<16x2048xf32, #tpu.memory_space<vmem>>, vector<1x16xf32>,
        %parallel_loop3A_1207 = vector.shape_cast %parallel_loop3A_1206 : vector<1x16xf32> to vector<16xf32>
        %parallel_loop3A_1208 = arith.constant 45.2548332 : f32
        %parallel_loop3A_1209 = vector.broadcast %parallel_loop3A_1208 : f32 to vector<16xf32>
        %parallel_loop3A_1210 = arith.mulf %parallel_loop3A_1207, %parallel_loop3A_1209 : vector<16xf32>
        %parallel_loop3A_1211 = arith.index_cast %parallel_loop3A_75 : i32 to index
        %parallel_loop3A_1212 = arith.constant 1504 : index
        %parallel_loop3A_1213 = tpu.vector_load %arg6[%parallel_loop3A_1211, %parallel_loop3A_1212] {strides = array<i32>} : memref<16x2048xf32, #tpu.memory_space<vmem>>, vector<1x16xf32>,
        %parallel_loop3A_1214 = vector.shape_cast %parallel_loop3A_1213 : vector<1x16xf32> to vector<16xf32>
        %parallel_loop3A_1215 = vector.shape_cast %parallel_loop3A_1210 : vector<16xf32> to vector<1x16xf32>
        tpu.vector_store %arg6[%parallel_loop3A_1211, %parallel_loop3A_1212], %parallel_loop3A_1215 {strides = array<i32>} : memref<16x2048xf32, #tpu.memory_space<vmem>>, vector<1x16xf32>,
        %parallel_loop3A_1216 = arith.index_cast %parallel_loop3A_75 : i32 to index
        %parallel_loop3A_1217 = arith.constant 1520 : index
        %parallel_loop3A_1218 = tpu.vector_load %arg6[%parallel_loop3A_1216, %parallel_loop3A_1217] {strides = array<i32>} : memref<16x2048xf32, #tpu.memory_space<vmem>>, vector<1x16xf32>,
        %parallel_loop3A_1219 = vector.shape_cast %parallel_loop3A_1218 : vector<1x16xf32> to vector<16xf32>
        %parallel_loop3A_1220 = arith.constant 45.2548332 : f32
        %parallel_loop3A_1221 = vector.broadcast %parallel_loop3A_1220 : f32 to vector<16xf32>
        %parallel_loop3A_1222 = arith.mulf %parallel_loop3A_1219, %parallel_loop3A_1221 : vector<16xf32>
        %parallel_loop3A_1223 = arith.index_cast %parallel_loop3A_75 : i32 to index
        %parallel_loop3A_1224 = arith.constant 1520 : index
        %parallel_loop3A_1225 = tpu.vector_load %arg6[%parallel_loop3A_1223, %parallel_loop3A_1224] {strides = array<i32>} : memref<16x2048xf32, #tpu.memory_space<vmem>>, vector<1x16xf32>,
        %parallel_loop3A_1226 = vector.shape_cast %parallel_loop3A_1225 : vector<1x16xf32> to vector<16xf32>
        %parallel_loop3A_1227 = vector.shape_cast %parallel_loop3A_1222 : vector<16xf32> to vector<1x16xf32>
        tpu.vector_store %arg6[%parallel_loop3A_1223, %parallel_loop3A_1224], %parallel_loop3A_1227 {strides = array<i32>} : memref<16x2048xf32, #tpu.memory_space<vmem>>, vector<1x16xf32>,
        %parallel_loop3A_1228 = arith.index_cast %parallel_loop3A_75 : i32 to index
        %parallel_loop3A_1229 = arith.constant 1536 : index
        %parallel_loop3A_1230 = tpu.vector_load %arg6[%parallel_loop3A_1228, %parallel_loop3A_1229] {strides = array<i32>} : memref<16x2048xf32, #tpu.memory_space<vmem>>, vector<1x16xf32>,
        %parallel_loop3A_1231 = vector.shape_cast %parallel_loop3A_1230 : vector<1x16xf32> to vector<16xf32>
        %parallel_loop3A_1232 = arith.constant 45.2548332 : f32
        %parallel_loop3A_1233 = vector.broadcast %parallel_loop3A_1232 : f32 to vector<16xf32>
        %parallel_loop3A_1234 = arith.mulf %parallel_loop3A_1231, %parallel_loop3A_1233 : vector<16xf32>
        %parallel_loop3A_1235 = arith.index_cast %parallel_loop3A_75 : i32 to index
        %parallel_loop3A_1236 = arith.constant 1536 : index
        %parallel_loop3A_1237 = tpu.vector_load %arg6[%parallel_loop3A_1235, %parallel_loop3A_1236] {strides = array<i32>} : memref<16x2048xf32, #tpu.memory_space<vmem>>, vector<1x16xf32>,
        %parallel_loop3A_1238 = vector.shape_cast %parallel_loop3A_1237 : vector<1x16xf32> to vector<16xf32>
        %parallel_loop3A_1239 = vector.shape_cast %parallel_loop3A_1234 : vector<16xf32> to vector<1x16xf32>
        tpu.vector_store %arg6[%parallel_loop3A_1235, %parallel_loop3A_1236], %parallel_loop3A_1239 {strides = array<i32>} : memref<16x2048xf32, #tpu.memory_space<vmem>>, vector<1x16xf32>,
        %parallel_loop3A_1240 = arith.index_cast %parallel_loop3A_75 : i32 to index
        %parallel_loop3A_1241 = arith.constant 1552 : index
        %parallel_loop3A_1242 = tpu.vector_load %arg6[%parallel_loop3A_1240, %parallel_loop3A_1241] {strides = array<i32>} : memref<16x2048xf32, #tpu.memory_space<vmem>>, vector<1x16xf32>,
        %parallel_loop3A_1243 = vector.shape_cast %parallel_loop3A_1242 : vector<1x16xf32> to vector<16xf32>
        %parallel_loop3A_1244 = arith.constant 45.2548332 : f32
        %parallel_loop3A_1245 = vector.broadcast %parallel_loop3A_1244 : f32 to vector<16xf32>
        %parallel_loop3A_1246 = arith.mulf %parallel_loop3A_1243, %parallel_loop3A_1245 : vector<16xf32>
        %parallel_loop3A_1247 = arith.index_cast %parallel_loop3A_75 : i32 to index
        %parallel_loop3A_1248 = arith.constant 1552 : index
        %parallel_loop3A_1249 = tpu.vector_load %arg6[%parallel_loop3A_1247, %parallel_loop3A_1248] {strides = array<i32>} : memref<16x2048xf32, #tpu.memory_space<vmem>>, vector<1x16xf32>,
        %parallel_loop3A_1250 = vector.shape_cast %parallel_loop3A_1249 : vector<1x16xf32> to vector<16xf32>
        %parallel_loop3A_1251 = vector.shape_cast %parallel_loop3A_1246 : vector<16xf32> to vector<1x16xf32>
        tpu.vector_store %arg6[%parallel_loop3A_1247, %parallel_loop3A_1248], %parallel_loop3A_1251 {strides = array<i32>} : memref<16x2048xf32, #tpu.memory_space<vmem>>, vector<1x16xf32>,
        %parallel_loop3A_1252 = arith.index_cast %parallel_loop3A_75 : i32 to index
        %parallel_loop3A_1253 = arith.constant 1568 : index
        %parallel_loop3A_1254 = tpu.vector_load %arg6[%parallel_loop3A_1252, %parallel_loop3A_1253] {strides = array<i32>} : memref<16x2048xf32, #tpu.memory_space<vmem>>, vector<1x16xf32>,
        %parallel_loop3A_1255 = vector.shape_cast %parallel_loop3A_1254 : vector<1x16xf32> to vector<16xf32>
        %parallel_loop3A_1256 = arith.constant 45.2548332 : f32
        %parallel_loop3A_1257 = vector.broadcast %parallel_loop3A_1256 : f32 to vector<16xf32>
        %parallel_loop3A_1258 = arith.mulf %parallel_loop3A_1255, %parallel_loop3A_1257 : vector<16xf32>
        %parallel_loop3A_1259 = arith.index_cast %parallel_loop3A_75 : i32 to index
        %parallel_loop3A_1260 = arith.constant 1568 : index
        %parallel_loop3A_1261 = tpu.vector_load %arg6[%parallel_loop3A_1259, %parallel_loop3A_1260] {strides = array<i32>} : memref<16x2048xf32, #tpu.memory_space<vmem>>, vector<1x16xf32>,
        %parallel_loop3A_1262 = vector.shape_cast %parallel_loop3A_1261 : vector<1x16xf32> to vector<16xf32>
        %parallel_loop3A_1263 = vector.shape_cast %parallel_loop3A_1258 : vector<16xf32> to vector<1x16xf32>
        tpu.vector_store %arg6[%parallel_loop3A_1259, %parallel_loop3A_1260], %parallel_loop3A_1263 {strides = array<i32>} : memref<16x2048xf32, #tpu.memory_space<vmem>>, vector<1x16xf32>,
        %parallel_loop3A_1264 = arith.index_cast %parallel_loop3A_75 : i32 to index
        %parallel_loop3A_1265 = arith.constant 1584 : index
        %parallel_loop3A_1266 = tpu.vector_load %arg6[%parallel_loop3A_1264, %parallel_loop3A_1265] {strides = array<i32>} : memref<16x2048xf32, #tpu.memory_space<vmem>>, vector<1x16xf32>,
        %parallel_loop3A_1267 = vector.shape_cast %parallel_loop3A_1266 : vector<1x16xf32> to vector<16xf32>
        %parallel_loop3A_1268 = arith.constant 45.2548332 : f32
        %parallel_loop3A_1269 = vector.broadcast %parallel_loop3A_1268 : f32 to vector<16xf32>
        %parallel_loop3A_1270 = arith.mulf %parallel_loop3A_1267, %parallel_loop3A_1269 : vector<16xf32>
        %parallel_loop3A_1271 = arith.index_cast %parallel_loop3A_75 : i32 to index
        %parallel_loop3A_1272 = arith.constant 1584 : index
        %parallel_loop3A_1273 = tpu.vector_load %arg6[%parallel_loop3A_1271, %parallel_loop3A_1272] {strides = array<i32>} : memref<16x2048xf32, #tpu.memory_space<vmem>>, vector<1x16xf32>,
        %parallel_loop3A_1274 = vector.shape_cast %parallel_loop3A_1273 : vector<1x16xf32> to vector<16xf32>
        %parallel_loop3A_1275 = vector.shape_cast %parallel_loop3A_1270 : vector<16xf32> to vector<1x16xf32>
        tpu.vector_store %arg6[%parallel_loop3A_1271, %parallel_loop3A_1272], %parallel_loop3A_1275 {strides = array<i32>} : memref<16x2048xf32, #tpu.memory_space<vmem>>, vector<1x16xf32>,
        %parallel_loop3A_1276 = arith.index_cast %parallel_loop3A_75 : i32 to index
        %parallel_loop3A_1277 = arith.constant 1600 : index
        %parallel_loop3A_1278 = tpu.vector_load %arg6[%parallel_loop3A_1276, %parallel_loop3A_1277] {strides = array<i32>} : memref<16x2048xf32, #tpu.memory_space<vmem>>, vector<1x16xf32>,
        %parallel_loop3A_1279 = vector.shape_cast %parallel_loop3A_1278 : vector<1x16xf32> to vector<16xf32>
        %parallel_loop3A_1280 = arith.constant 45.2548332 : f32
        %parallel_loop3A_1281 = vector.broadcast %parallel_loop3A_1280 : f32 to vector<16xf32>
        %parallel_loop3A_1282 = arith.mulf %parallel_loop3A_1279, %parallel_loop3A_1281 : vector<16xf32>
        %parallel_loop3A_1283 = arith.index_cast %parallel_loop3A_75 : i32 to index
        %parallel_loop3A_1284 = arith.constant 1600 : index
        %parallel_loop3A_1285 = tpu.vector_load %arg6[%parallel_loop3A_1283, %parallel_loop3A_1284] {strides = array<i32>} : memref<16x2048xf32, #tpu.memory_space<vmem>>, vector<1x16xf32>,
        %parallel_loop3A_1286 = vector.shape_cast %parallel_loop3A_1285 : vector<1x16xf32> to vector<16xf32>
        %parallel_loop3A_1287 = vector.shape_cast %parallel_loop3A_1282 : vector<16xf32> to vector<1x16xf32>
        tpu.vector_store %arg6[%parallel_loop3A_1283, %parallel_loop3A_1284], %parallel_loop3A_1287 {strides = array<i32>} : memref<16x2048xf32, #tpu.memory_space<vmem>>, vector<1x16xf32>,
        %parallel_loop3A_1288 = arith.index_cast %parallel_loop3A_75 : i32 to index
        %parallel_loop3A_1289 = arith.constant 1616 : index
        %parallel_loop3A_1290 = tpu.vector_load %arg6[%parallel_loop3A_1288, %parallel_loop3A_1289] {strides = array<i32>} : memref<16x2048xf32, #tpu.memory_space<vmem>>, vector<1x16xf32>,
        %parallel_loop3A_1291 = vector.shape_cast %parallel_loop3A_1290 : vector<1x16xf32> to vector<16xf32>
        %parallel_loop3A_1292 = arith.constant 45.2548332 : f32
        %parallel_loop3A_1293 = vector.broadcast %parallel_loop3A_1292 : f32 to vector<16xf32>
        %parallel_loop3A_1294 = arith.mulf %parallel_loop3A_1291, %parallel_loop3A_1293 : vector<16xf32>
        %parallel_loop3A_1295 = arith.index_cast %parallel_loop3A_75 : i32 to index
        %parallel_loop3A_1296 = arith.constant 1616 : index
        %parallel_loop3A_1297 = tpu.vector_load %arg6[%parallel_loop3A_1295, %parallel_loop3A_1296] {strides = array<i32>} : memref<16x2048xf32, #tpu.memory_space<vmem>>, vector<1x16xf32>,
        %parallel_loop3A_1298 = vector.shape_cast %parallel_loop3A_1297 : vector<1x16xf32> to vector<16xf32>
        %parallel_loop3A_1299 = vector.shape_cast %parallel_loop3A_1294 : vector<16xf32> to vector<1x16xf32>
        tpu.vector_store %arg6[%parallel_loop3A_1295, %parallel_loop3A_1296], %parallel_loop3A_1299 {strides = array<i32>} : memref<16x2048xf32, #tpu.memory_space<vmem>>, vector<1x16xf32>,
        %parallel_loop3A_1300 = arith.index_cast %parallel_loop3A_75 : i32 to index
        %parallel_loop3A_1301 = arith.constant 1632 : index
        %parallel_loop3A_1302 = tpu.vector_load %arg6[%parallel_loop3A_1300, %parallel_loop3A_1301] {strides = array<i32>} : memref<16x2048xf32, #tpu.memory_space<vmem>>, vector<1x16xf32>,
        %parallel_loop3A_1303 = vector.shape_cast %parallel_loop3A_1302 : vector<1x16xf32> to vector<16xf32>
        %parallel_loop3A_1304 = arith.constant 45.2548332 : f32
        %parallel_loop3A_1305 = vector.broadcast %parallel_loop3A_1304 : f32 to vector<16xf32>
        %parallel_loop3A_1306 = arith.mulf %parallel_loop3A_1303, %parallel_loop3A_1305 : vector<16xf32>
        %parallel_loop3A_1307 = arith.index_cast %parallel_loop3A_75 : i32 to index
        %parallel_loop3A_1308 = arith.constant 1632 : index
        %parallel_loop3A_1309 = tpu.vector_load %arg6[%parallel_loop3A_1307, %parallel_loop3A_1308] {strides = array<i32>} : memref<16x2048xf32, #tpu.memory_space<vmem>>, vector<1x16xf32>,
        %parallel_loop3A_1310 = vector.shape_cast %parallel_loop3A_1309 : vector<1x16xf32> to vector<16xf32>
        %parallel_loop3A_1311 = vector.shape_cast %parallel_loop3A_1306 : vector<16xf32> to vector<1x16xf32>
        tpu.vector_store %arg6[%parallel_loop3A_1307, %parallel_loop3A_1308], %parallel_loop3A_1311 {strides = array<i32>} : memref<16x2048xf32, #tpu.memory_space<vmem>>, vector<1x16xf32>,
        %parallel_loop3A_1312 = arith.index_cast %parallel_loop3A_75 : i32 to index
        %parallel_loop3A_1313 = arith.constant 1648 : index
        %parallel_loop3A_1314 = tpu.vector_load %arg6[%parallel_loop3A_1312, %parallel_loop3A_1313] {strides = array<i32>} : memref<16x2048xf32, #tpu.memory_space<vmem>>, vector<1x16xf32>,
        %parallel_loop3A_1315 = vector.shape_cast %parallel_loop3A_1314 : vector<1x16xf32> to vector<16xf32>
        %parallel_loop3A_1316 = arith.constant 45.2548332 : f32
        %parallel_loop3A_1317 = vector.broadcast %parallel_loop3A_1316 : f32 to vector<16xf32>
        %parallel_loop3A_1318 = arith.mulf %parallel_loop3A_1315, %parallel_loop3A_1317 : vector<16xf32>
        %parallel_loop3A_1319 = arith.index_cast %parallel_loop3A_75 : i32 to index
        %parallel_loop3A_1320 = arith.constant 1648 : index
        %parallel_loop3A_1321 = tpu.vector_load %arg6[%parallel_loop3A_1319, %parallel_loop3A_1320] {strides = array<i32>} : memref<16x2048xf32, #tpu.memory_space<vmem>>, vector<1x16xf32>,
        %parallel_loop3A_1322 = vector.shape_cast %parallel_loop3A_1321 : vector<1x16xf32> to vector<16xf32>
        %parallel_loop3A_1323 = vector.shape_cast %parallel_loop3A_1318 : vector<16xf32> to vector<1x16xf32>
        tpu.vector_store %arg6[%parallel_loop3A_1319, %parallel_loop3A_1320], %parallel_loop3A_1323 {strides = array<i32>} : memref<16x2048xf32, #tpu.memory_space<vmem>>, vector<1x16xf32>,
        %parallel_loop3A_1324 = arith.index_cast %parallel_loop3A_75 : i32 to index
        %parallel_loop3A_1325 = arith.constant 1664 : index
        %parallel_loop3A_1326 = tpu.vector_load %arg6[%parallel_loop3A_1324, %parallel_loop3A_1325] {strides = array<i32>} : memref<16x2048xf32, #tpu.memory_space<vmem>>, vector<1x16xf32>,
        %parallel_loop3A_1327 = vector.shape_cast %parallel_loop3A_1326 : vector<1x16xf32> to vector<16xf32>
        %parallel_loop3A_1328 = arith.constant 45.2548332 : f32
        %parallel_loop3A_1329 = vector.broadcast %parallel_loop3A_1328 : f32 to vector<16xf32>
        %parallel_loop3A_1330 = arith.mulf %parallel_loop3A_1327, %parallel_loop3A_1329 : vector<16xf32>
        %parallel_loop3A_1331 = arith.index_cast %parallel_loop3A_75 : i32 to index
        %parallel_loop3A_1332 = arith.constant 1664 : index
        %parallel_loop3A_1333 = tpu.vector_load %arg6[%parallel_loop3A_1331, %parallel_loop3A_1332] {strides = array<i32>} : memref<16x2048xf32, #tpu.memory_space<vmem>>, vector<1x16xf32>,
        %parallel_loop3A_1334 = vector.shape_cast %parallel_loop3A_1333 : vector<1x16xf32> to vector<16xf32>
        %parallel_loop3A_1335 = vector.shape_cast %parallel_loop3A_1330 : vector<16xf32> to vector<1x16xf32>
        tpu.vector_store %arg6[%parallel_loop3A_1331, %parallel_loop3A_1332], %parallel_loop3A_1335 {strides = array<i32>} : memref<16x2048xf32, #tpu.memory_space<vmem>>, vector<1x16xf32>,
        %parallel_loop3A_1336 = arith.index_cast %parallel_loop3A_75 : i32 to index
        %parallel_loop3A_1337 = arith.constant 1680 : index
        %parallel_loop3A_1338 = tpu.vector_load %arg6[%parallel_loop3A_1336, %parallel_loop3A_1337] {strides = array<i32>} : memref<16x2048xf32, #tpu.memory_space<vmem>>, vector<1x16xf32>,
        %parallel_loop3A_1339 = vector.shape_cast %parallel_loop3A_1338 : vector<1x16xf32> to vector<16xf32>
        %parallel_loop3A_1340 = arith.constant 45.2548332 : f32
        %parallel_loop3A_1341 = vector.broadcast %parallel_loop3A_1340 : f32 to vector<16xf32>
        %parallel_loop3A_1342 = arith.mulf %parallel_loop3A_1339, %parallel_loop3A_1341 : vector<16xf32>
        %parallel_loop3A_1343 = arith.index_cast %parallel_loop3A_75 : i32 to index
        %parallel_loop3A_1344 = arith.constant 1680 : index
        %parallel_loop3A_1345 = tpu.vector_load %arg6[%parallel_loop3A_1343, %parallel_loop3A_1344] {strides = array<i32>} : memref<16x2048xf32, #tpu.memory_space<vmem>>, vector<1x16xf32>,
        %parallel_loop3A_1346 = vector.shape_cast %parallel_loop3A_1345 : vector<1x16xf32> to vector<16xf32>
        %parallel_loop3A_1347 = vector.shape_cast %parallel_loop3A_1342 : vector<16xf32> to vector<1x16xf32>
        tpu.vector_store %arg6[%parallel_loop3A_1343, %parallel_loop3A_1344], %parallel_loop3A_1347 {strides = array<i32>} : memref<16x2048xf32, #tpu.memory_space<vmem>>, vector<1x16xf32>,
        %parallel_loop3A_1348 = arith.index_cast %parallel_loop3A_75 : i32 to index
        %parallel_loop3A_1349 = arith.constant 1696 : index
        %parallel_loop3A_1350 = tpu.vector_load %arg6[%parallel_loop3A_1348, %parallel_loop3A_1349] {strides = array<i32>} : memref<16x2048xf32, #tpu.memory_space<vmem>>, vector<1x16xf32>,
        %parallel_loop3A_1351 = vector.shape_cast %parallel_loop3A_1350 : vector<1x16xf32> to vector<16xf32>
        %parallel_loop3A_1352 = arith.constant 45.2548332 : f32
        %parallel_loop3A_1353 = vector.broadcast %parallel_loop3A_1352 : f32 to vector<16xf32>
        %parallel_loop3A_1354 = arith.mulf %parallel_loop3A_1351, %parallel_loop3A_1353 : vector<16xf32>
        %parallel_loop3A_1355 = arith.index_cast %parallel_loop3A_75 : i32 to index
        %parallel_loop3A_1356 = arith.constant 1696 : index
        %parallel_loop3A_1357 = tpu.vector_load %arg6[%parallel_loop3A_1355, %parallel_loop3A_1356] {strides = array<i32>} : memref<16x2048xf32, #tpu.memory_space<vmem>>, vector<1x16xf32>,
        %parallel_loop3A_1358 = vector.shape_cast %parallel_loop3A_1357 : vector<1x16xf32> to vector<16xf32>
        %parallel_loop3A_1359 = vector.shape_cast %parallel_loop3A_1354 : vector<16xf32> to vector<1x16xf32>
        tpu.vector_store %arg6[%parallel_loop3A_1355, %parallel_loop3A_1356], %parallel_loop3A_1359 {strides = array<i32>} : memref<16x2048xf32, #tpu.memory_space<vmem>>, vector<1x16xf32>,
        %parallel_loop3A_1360 = arith.index_cast %parallel_loop3A_75 : i32 to index
        %parallel_loop3A_1361 = arith.constant 1712 : index
        %parallel_loop3A_1362 = tpu.vector_load %arg6[%parallel_loop3A_1360, %parallel_loop3A_1361] {strides = array<i32>} : memref<16x2048xf32, #tpu.memory_space<vmem>>, vector<1x16xf32>,
        %parallel_loop3A_1363 = vector.shape_cast %parallel_loop3A_1362 : vector<1x16xf32> to vector<16xf32>
        %parallel_loop3A_1364 = arith.constant 45.2548332 : f32
        %parallel_loop3A_1365 = vector.broadcast %parallel_loop3A_1364 : f32 to vector<16xf32>
        %parallel_loop3A_1366 = arith.mulf %parallel_loop3A_1363, %parallel_loop3A_1365 : vector<16xf32>
        %parallel_loop3A_1367 = arith.index_cast %parallel_loop3A_75 : i32 to index
        %parallel_loop3A_1368 = arith.constant 1712 : index
        %parallel_loop3A_1369 = tpu.vector_load %arg6[%parallel_loop3A_1367, %parallel_loop3A_1368] {strides = array<i32>} : memref<16x2048xf32, #tpu.memory_space<vmem>>, vector<1x16xf32>,
        %parallel_loop3A_1370 = vector.shape_cast %parallel_loop3A_1369 : vector<1x16xf32> to vector<16xf32>
        %parallel_loop3A_1371 = vector.shape_cast %parallel_loop3A_1366 : vector<16xf32> to vector<1x16xf32>
        tpu.vector_store %arg6[%parallel_loop3A_1367, %parallel_loop3A_1368], %parallel_loop3A_1371 {strides = array<i32>} : memref<16x2048xf32, #tpu.memory_space<vmem>>, vector<1x16xf32>,
        %parallel_loop3A_1372 = arith.index_cast %parallel_loop3A_75 : i32 to index
        %parallel_loop3A_1373 = arith.constant 1728 : index
        %parallel_loop3A_1374 = tpu.vector_load %arg6[%parallel_loop3A_1372, %parallel_loop3A_1373] {strides = array<i32>} : memref<16x2048xf32, #tpu.memory_space<vmem>>, vector<1x16xf32>,
        %parallel_loop3A_1375 = vector.shape_cast %parallel_loop3A_1374 : vector<1x16xf32> to vector<16xf32>
        %parallel_loop3A_1376 = arith.constant 45.2548332 : f32
        %parallel_loop3A_1377 = vector.broadcast %parallel_loop3A_1376 : f32 to vector<16xf32>
        %parallel_loop3A_1378 = arith.mulf %parallel_loop3A_1375, %parallel_loop3A_1377 : vector<16xf32>
        %parallel_loop3A_1379 = arith.index_cast %parallel_loop3A_75 : i32 to index
        %parallel_loop3A_1380 = arith.constant 1728 : index
        %parallel_loop3A_1381 = tpu.vector_load %arg6[%parallel_loop3A_1379, %parallel_loop3A_1380] {strides = array<i32>} : memref<16x2048xf32, #tpu.memory_space<vmem>>, vector<1x16xf32>,
        %parallel_loop3A_1382 = vector.shape_cast %parallel_loop3A_1381 : vector<1x16xf32> to vector<16xf32>
        %parallel_loop3A_1383 = vector.shape_cast %parallel_loop3A_1378 : vector<16xf32> to vector<1x16xf32>
        tpu.vector_store %arg6[%parallel_loop3A_1379, %parallel_loop3A_1380], %parallel_loop3A_1383 {strides = array<i32>} : memref<16x2048xf32, #tpu.memory_space<vmem>>, vector<1x16xf32>,
        %parallel_loop3A_1384 = arith.index_cast %parallel_loop3A_75 : i32 to index
        %parallel_loop3A_1385 = arith.constant 1744 : index
        %parallel_loop3A_1386 = tpu.vector_load %arg6[%parallel_loop3A_1384, %parallel_loop3A_1385] {strides = array<i32>} : memref<16x2048xf32, #tpu.memory_space<vmem>>, vector<1x16xf32>,
        %parallel_loop3A_1387 = vector.shape_cast %parallel_loop3A_1386 : vector<1x16xf32> to vector<16xf32>
        %parallel_loop3A_1388 = arith.constant 45.2548332 : f32
        %parallel_loop3A_1389 = vector.broadcast %parallel_loop3A_1388 : f32 to vector<16xf32>
        %parallel_loop3A_1390 = arith.mulf %parallel_loop3A_1387, %parallel_loop3A_1389 : vector<16xf32>
        %parallel_loop3A_1391 = arith.index_cast %parallel_loop3A_75 : i32 to index
        %parallel_loop3A_1392 = arith.constant 1744 : index
        %parallel_loop3A_1393 = tpu.vector_load %arg6[%parallel_loop3A_1391, %parallel_loop3A_1392] {strides = array<i32>} : memref<16x2048xf32, #tpu.memory_space<vmem>>, vector<1x16xf32>,
        %parallel_loop3A_1394 = vector.shape_cast %parallel_loop3A_1393 : vector<1x16xf32> to vector<16xf32>
        %parallel_loop3A_1395 = vector.shape_cast %parallel_loop3A_1390 : vector<16xf32> to vector<1x16xf32>
        tpu.vector_store %arg6[%parallel_loop3A_1391, %parallel_loop3A_1392], %parallel_loop3A_1395 {strides = array<i32>} : memref<16x2048xf32, #tpu.memory_space<vmem>>, vector<1x16xf32>,
        %parallel_loop3A_1396 = arith.index_cast %parallel_loop3A_75 : i32 to index
        %parallel_loop3A_1397 = arith.constant 1760 : index
        %parallel_loop3A_1398 = tpu.vector_load %arg6[%parallel_loop3A_1396, %parallel_loop3A_1397] {strides = array<i32>} : memref<16x2048xf32, #tpu.memory_space<vmem>>, vector<1x16xf32>,
        %parallel_loop3A_1399 = vector.shape_cast %parallel_loop3A_1398 : vector<1x16xf32> to vector<16xf32>
        %parallel_loop3A_1400 = arith.constant 45.2548332 : f32
        %parallel_loop3A_1401 = vector.broadcast %parallel_loop3A_1400 : f32 to vector<16xf32>
        %parallel_loop3A_1402 = arith.mulf %parallel_loop3A_1399, %parallel_loop3A_1401 : vector<16xf32>
        %parallel_loop3A_1403 = arith.index_cast %parallel_loop3A_75 : i32 to index
        %parallel_loop3A_1404 = arith.constant 1760 : index
        %parallel_loop3A_1405 = tpu.vector_load %arg6[%parallel_loop3A_1403, %parallel_loop3A_1404] {strides = array<i32>} : memref<16x2048xf32, #tpu.memory_space<vmem>>, vector<1x16xf32>,
        %parallel_loop3A_1406 = vector.shape_cast %parallel_loop3A_1405 : vector<1x16xf32> to vector<16xf32>
        %parallel_loop3A_1407 = vector.shape_cast %parallel_loop3A_1402 : vector<16xf32> to vector<1x16xf32>
        tpu.vector_store %arg6[%parallel_loop3A_1403, %parallel_loop3A_1404], %parallel_loop3A_1407 {strides = array<i32>} : memref<16x2048xf32, #tpu.memory_space<vmem>>, vector<1x16xf32>,
        %parallel_loop3A_1408 = arith.index_cast %parallel_loop3A_75 : i32 to index
        %parallel_loop3A_1409 = arith.constant 1776 : index
        %parallel_loop3A_1410 = tpu.vector_load %arg6[%parallel_loop3A_1408, %parallel_loop3A_1409] {strides = array<i32>} : memref<16x2048xf32, #tpu.memory_space<vmem>>, vector<1x16xf32>,
        %parallel_loop3A_1411 = vector.shape_cast %parallel_loop3A_1410 : vector<1x16xf32> to vector<16xf32>
        %parallel_loop3A_1412 = arith.constant 45.2548332 : f32
        %parallel_loop3A_1413 = vector.broadcast %parallel_loop3A_1412 : f32 to vector<16xf32>
        %parallel_loop3A_1414 = arith.mulf %parallel_loop3A_1411, %parallel_loop3A_1413 : vector<16xf32>
        %parallel_loop3A_1415 = arith.index_cast %parallel_loop3A_75 : i32 to index
        %parallel_loop3A_1416 = arith.constant 1776 : index
        %parallel_loop3A_1417 = tpu.vector_load %arg6[%parallel_loop3A_1415, %parallel_loop3A_1416] {strides = array<i32>} : memref<16x2048xf32, #tpu.memory_space<vmem>>, vector<1x16xf32>,
        %parallel_loop3A_1418 = vector.shape_cast %parallel_loop3A_1417 : vector<1x16xf32> to vector<16xf32>
        %parallel_loop3A_1419 = vector.shape_cast %parallel_loop3A_1414 : vector<16xf32> to vector<1x16xf32>
        tpu.vector_store %arg6[%parallel_loop3A_1415, %parallel_loop3A_1416], %parallel_loop3A_1419 {strides = array<i32>} : memref<16x2048xf32, #tpu.memory_space<vmem>>, vector<1x16xf32>,
        %parallel_loop3A_1420 = arith.index_cast %parallel_loop3A_75 : i32 to index
        %parallel_loop3A_1421 = arith.constant 1792 : index
        %parallel_loop3A_1422 = tpu.vector_load %arg6[%parallel_loop3A_1420, %parallel_loop3A_1421] {strides = array<i32>} : memref<16x2048xf32, #tpu.memory_space<vmem>>, vector<1x16xf32>,
        %parallel_loop3A_1423 = vector.shape_cast %parallel_loop3A_1422 : vector<1x16xf32> to vector<16xf32>
        %parallel_loop3A_1424 = arith.constant 45.2548332 : f32
        %parallel_loop3A_1425 = vector.broadcast %parallel_loop3A_1424 : f32 to vector<16xf32>
        %parallel_loop3A_1426 = arith.mulf %parallel_loop3A_1423, %parallel_loop3A_1425 : vector<16xf32>
        %parallel_loop3A_1427 = arith.index_cast %parallel_loop3A_75 : i32 to index
        %parallel_loop3A_1428 = arith.constant 1792 : index
        %parallel_loop3A_1429 = tpu.vector_load %arg6[%parallel_loop3A_1427, %parallel_loop3A_1428] {strides = array<i32>} : memref<16x2048xf32, #tpu.memory_space<vmem>>, vector<1x16xf32>,
        %parallel_loop3A_1430 = vector.shape_cast %parallel_loop3A_1429 : vector<1x16xf32> to vector<16xf32>
        %parallel_loop3A_1431 = vector.shape_cast %parallel_loop3A_1426 : vector<16xf32> to vector<1x16xf32>
        tpu.vector_store %arg6[%parallel_loop3A_1427, %parallel_loop3A_1428], %parallel_loop3A_1431 {strides = array<i32>} : memref<16x2048xf32, #tpu.memory_space<vmem>>, vector<1x16xf32>,
        %parallel_loop3A_1432 = arith.index_cast %parallel_loop3A_75 : i32 to index
        %parallel_loop3A_1433 = arith.constant 1808 : index
        %parallel_loop3A_1434 = tpu.vector_load %arg6[%parallel_loop3A_1432, %parallel_loop3A_1433] {strides = array<i32>} : memref<16x2048xf32, #tpu.memory_space<vmem>>, vector<1x16xf32>,
        %parallel_loop3A_1435 = vector.shape_cast %parallel_loop3A_1434 : vector<1x16xf32> to vector<16xf32>
        %parallel_loop3A_1436 = arith.constant 45.2548332 : f32
        %parallel_loop3A_1437 = vector.broadcast %parallel_loop3A_1436 : f32 to vector<16xf32>
        %parallel_loop3A_1438 = arith.mulf %parallel_loop3A_1435, %parallel_loop3A_1437 : vector<16xf32>
        %parallel_loop3A_1439 = arith.index_cast %parallel_loop3A_75 : i32 to index
        %parallel_loop3A_1440 = arith.constant 1808 : index
        %parallel_loop3A_1441 = tpu.vector_load %arg6[%parallel_loop3A_1439, %parallel_loop3A_1440] {strides = array<i32>} : memref<16x2048xf32, #tpu.memory_space<vmem>>, vector<1x16xf32>,
        %parallel_loop3A_1442 = vector.shape_cast %parallel_loop3A_1441 : vector<1x16xf32> to vector<16xf32>
        %parallel_loop3A_1443 = vector.shape_cast %parallel_loop3A_1438 : vector<16xf32> to vector<1x16xf32>
        tpu.vector_store %arg6[%parallel_loop3A_1439, %parallel_loop3A_1440], %parallel_loop3A_1443 {strides = array<i32>} : memref<16x2048xf32, #tpu.memory_space<vmem>>, vector<1x16xf32>,
        %parallel_loop3A_1444 = arith.index_cast %parallel_loop3A_75 : i32 to index
        %parallel_loop3A_1445 = arith.constant 1824 : index
        %parallel_loop3A_1446 = tpu.vector_load %arg6[%parallel_loop3A_1444, %parallel_loop3A_1445] {strides = array<i32>} : memref<16x2048xf32, #tpu.memory_space<vmem>>, vector<1x16xf32>,
        %parallel_loop3A_1447 = vector.shape_cast %parallel_loop3A_1446 : vector<1x16xf32> to vector<16xf32>
        %parallel_loop3A_1448 = arith.constant 45.2548332 : f32
        %parallel_loop3A_1449 = vector.broadcast %parallel_loop3A_1448 : f32 to vector<16xf32>
        %parallel_loop3A_1450 = arith.mulf %parallel_loop3A_1447, %parallel_loop3A_1449 : vector<16xf32>
        %parallel_loop3A_1451 = arith.index_cast %parallel_loop3A_75 : i32 to index
        %parallel_loop3A_1452 = arith.constant 1824 : index
        %parallel_loop3A_1453 = tpu.vector_load %arg6[%parallel_loop3A_1451, %parallel_loop3A_1452] {strides = array<i32>} : memref<16x2048xf32, #tpu.memory_space<vmem>>, vector<1x16xf32>,
        %parallel_loop3A_1454 = vector.shape_cast %parallel_loop3A_1453 : vector<1x16xf32> to vector<16xf32>
        %parallel_loop3A_1455 = vector.shape_cast %parallel_loop3A_1450 : vector<16xf32> to vector<1x16xf32>
        tpu.vector_store %arg6[%parallel_loop3A_1451, %parallel_loop3A_1452], %parallel_loop3A_1455 {strides = array<i32>} : memref<16x2048xf32, #tpu.memory_space<vmem>>, vector<1x16xf32>,
        %parallel_loop3A_1456 = arith.index_cast %parallel_loop3A_75 : i32 to index
        %parallel_loop3A_1457 = arith.constant 1840 : index
        %parallel_loop3A_1458 = tpu.vector_load %arg6[%parallel_loop3A_1456, %parallel_loop3A_1457] {strides = array<i32>} : memref<16x2048xf32, #tpu.memory_space<vmem>>, vector<1x16xf32>,
        %parallel_loop3A_1459 = vector.shape_cast %parallel_loop3A_1458 : vector<1x16xf32> to vector<16xf32>
        %parallel_loop3A_1460 = arith.constant 45.2548332 : f32
        %parallel_loop3A_1461 = vector.broadcast %parallel_loop3A_1460 : f32 to vector<16xf32>
        %parallel_loop3A_1462 = arith.mulf %parallel_loop3A_1459, %parallel_loop3A_1461 : vector<16xf32>
        %parallel_loop3A_1463 = arith.index_cast %parallel_loop3A_75 : i32 to index
        %parallel_loop3A_1464 = arith.constant 1840 : index
        %parallel_loop3A_1465 = tpu.vector_load %arg6[%parallel_loop3A_1463, %parallel_loop3A_1464] {strides = array<i32>} : memref<16x2048xf32, #tpu.memory_space<vmem>>, vector<1x16xf32>,
        %parallel_loop3A_1466 = vector.shape_cast %parallel_loop3A_1465 : vector<1x16xf32> to vector<16xf32>
        %parallel_loop3A_1467 = vector.shape_cast %parallel_loop3A_1462 : vector<16xf32> to vector<1x16xf32>
        tpu.vector_store %arg6[%parallel_loop3A_1463, %parallel_loop3A_1464], %parallel_loop3A_1467 {strides = array<i32>} : memref<16x2048xf32, #tpu.memory_space<vmem>>, vector<1x16xf32>,
        %parallel_loop3A_1468 = arith.index_cast %parallel_loop3A_75 : i32 to index
        %parallel_loop3A_1469 = arith.constant 1856 : index
        %parallel_loop3A_1470 = tpu.vector_load %arg6[%parallel_loop3A_1468, %parallel_loop3A_1469] {strides = array<i32>} : memref<16x2048xf32, #tpu.memory_space<vmem>>, vector<1x16xf32>,
        %parallel_loop3A_1471 = vector.shape_cast %parallel_loop3A_1470 : vector<1x16xf32> to vector<16xf32>
        %parallel_loop3A_1472 = arith.constant 45.2548332 : f32
        %parallel_loop3A_1473 = vector.broadcast %parallel_loop3A_1472 : f32 to vector<16xf32>
        %parallel_loop3A_1474 = arith.mulf %parallel_loop3A_1471, %parallel_loop3A_1473 : vector<16xf32>
        %parallel_loop3A_1475 = arith.index_cast %parallel_loop3A_75 : i32 to index
        %parallel_loop3A_1476 = arith.constant 1856 : index
        %parallel_loop3A_1477 = tpu.vector_load %arg6[%parallel_loop3A_1475, %parallel_loop3A_1476] {strides = array<i32>} : memref<16x2048xf32, #tpu.memory_space<vmem>>, vector<1x16xf32>,
        %parallel_loop3A_1478 = vector.shape_cast %parallel_loop3A_1477 : vector<1x16xf32> to vector<16xf32>
        %parallel_loop3A_1479 = vector.shape_cast %parallel_loop3A_1474 : vector<16xf32> to vector<1x16xf32>
        tpu.vector_store %arg6[%parallel_loop3A_1475, %parallel_loop3A_1476], %parallel_loop3A_1479 {strides = array<i32>} : memref<16x2048xf32, #tpu.memory_space<vmem>>, vector<1x16xf32>,
        %parallel_loop3A_1480 = arith.index_cast %parallel_loop3A_75 : i32 to index
        %parallel_loop3A_1481 = arith.constant 1872 : index
        %parallel_loop3A_1482 = tpu.vector_load %arg6[%parallel_loop3A_1480, %parallel_loop3A_1481] {strides = array<i32>} : memref<16x2048xf32, #tpu.memory_space<vmem>>, vector<1x16xf32>,
        %parallel_loop3A_1483 = vector.shape_cast %parallel_loop3A_1482 : vector<1x16xf32> to vector<16xf32>
        %parallel_loop3A_1484 = arith.constant 45.2548332 : f32
        %parallel_loop3A_1485 = vector.broadcast %parallel_loop3A_1484 : f32 to vector<16xf32>
        %parallel_loop3A_1486 = arith.mulf %parallel_loop3A_1483, %parallel_loop3A_1485 : vector<16xf32>
        %parallel_loop3A_1487 = arith.index_cast %parallel_loop3A_75 : i32 to index
        %parallel_loop3A_1488 = arith.constant 1872 : index
        %parallel_loop3A_1489 = tpu.vector_load %arg6[%parallel_loop3A_1487, %parallel_loop3A_1488] {strides = array<i32>} : memref<16x2048xf32, #tpu.memory_space<vmem>>, vector<1x16xf32>,
        %parallel_loop3A_1490 = vector.shape_cast %parallel_loop3A_1489 : vector<1x16xf32> to vector<16xf32>
        %parallel_loop3A_1491 = vector.shape_cast %parallel_loop3A_1486 : vector<16xf32> to vector<1x16xf32>
        tpu.vector_store %arg6[%parallel_loop3A_1487, %parallel_loop3A_1488], %parallel_loop3A_1491 {strides = array<i32>} : memref<16x2048xf32, #tpu.memory_space<vmem>>, vector<1x16xf32>,
        %parallel_loop3A_1492 = arith.index_cast %parallel_loop3A_75 : i32 to index
        %parallel_loop3A_1493 = arith.constant 1888 : index
        %parallel_loop3A_1494 = tpu.vector_load %arg6[%parallel_loop3A_1492, %parallel_loop3A_1493] {strides = array<i32>} : memref<16x2048xf32, #tpu.memory_space<vmem>>, vector<1x16xf32>,
        %parallel_loop3A_1495 = vector.shape_cast %parallel_loop3A_1494 : vector<1x16xf32> to vector<16xf32>
        %parallel_loop3A_1496 = arith.constant 45.2548332 : f32
        %parallel_loop3A_1497 = vector.broadcast %parallel_loop3A_1496 : f32 to vector<16xf32>
        %parallel_loop3A_1498 = arith.mulf %parallel_loop3A_1495, %parallel_loop3A_1497 : vector<16xf32>
        %parallel_loop3A_1499 = arith.index_cast %parallel_loop3A_75 : i32 to index
        %parallel_loop3A_1500 = arith.constant 1888 : index
        %parallel_loop3A_1501 = tpu.vector_load %arg6[%parallel_loop3A_1499, %parallel_loop3A_1500] {strides = array<i32>} : memref<16x2048xf32, #tpu.memory_space<vmem>>, vector<1x16xf32>,
        %parallel_loop3A_1502 = vector.shape_cast %parallel_loop3A_1501 : vector<1x16xf32> to vector<16xf32>
        %parallel_loop3A_1503 = vector.shape_cast %parallel_loop3A_1498 : vector<16xf32> to vector<1x16xf32>
        tpu.vector_store %arg6[%parallel_loop3A_1499, %parallel_loop3A_1500], %parallel_loop3A_1503 {strides = array<i32>} : memref<16x2048xf32, #tpu.memory_space<vmem>>, vector<1x16xf32>,
        %parallel_loop3A_1504 = arith.index_cast %parallel_loop3A_75 : i32 to index
        %parallel_loop3A_1505 = arith.constant 1904 : index
        %parallel_loop3A_1506 = tpu.vector_load %arg6[%parallel_loop3A_1504, %parallel_loop3A_1505] {strides = array<i32>} : memref<16x2048xf32, #tpu.memory_space<vmem>>, vector<1x16xf32>,
        %parallel_loop3A_1507 = vector.shape_cast %parallel_loop3A_1506 : vector<1x16xf32> to vector<16xf32>
        %parallel_loop3A_1508 = arith.constant 45.2548332 : f32
        %parallel_loop3A_1509 = vector.broadcast %parallel_loop3A_1508 : f32 to vector<16xf32>
        %parallel_loop3A_1510 = arith.mulf %parallel_loop3A_1507, %parallel_loop3A_1509 : vector<16xf32>
        %parallel_loop3A_1511 = arith.index_cast %parallel_loop3A_75 : i32 to index
        %parallel_loop3A_1512 = arith.constant 1904 : index
        %parallel_loop3A_1513 = tpu.vector_load %arg6[%parallel_loop3A_1511, %parallel_loop3A_1512] {strides = array<i32>} : memref<16x2048xf32, #tpu.memory_space<vmem>>, vector<1x16xf32>,
        %parallel_loop3A_1514 = vector.shape_cast %parallel_loop3A_1513 : vector<1x16xf32> to vector<16xf32>
        %parallel_loop3A_1515 = vector.shape_cast %parallel_loop3A_1510 : vector<16xf32> to vector<1x16xf32>
        tpu.vector_store %arg6[%parallel_loop3A_1511, %parallel_loop3A_1512], %parallel_loop3A_1515 {strides = array<i32>} : memref<16x2048xf32, #tpu.memory_space<vmem>>, vector<1x16xf32>,
        %parallel_loop3A_1516 = arith.index_cast %parallel_loop3A_75 : i32 to index
        %parallel_loop3A_1517 = arith.constant 1920 : index
        %parallel_loop3A_1518 = tpu.vector_load %arg6[%parallel_loop3A_1516, %parallel_loop3A_1517] {strides = array<i32>} : memref<16x2048xf32, #tpu.memory_space<vmem>>, vector<1x16xf32>,
        %parallel_loop3A_1519 = vector.shape_cast %parallel_loop3A_1518 : vector<1x16xf32> to vector<16xf32>
        %parallel_loop3A_1520 = arith.constant 45.2548332 : f32
        %parallel_loop3A_1521 = vector.broadcast %parallel_loop3A_1520 : f32 to vector<16xf32>
        %parallel_loop3A_1522 = arith.mulf %parallel_loop3A_1519, %parallel_loop3A_1521 : vector<16xf32>
        %parallel_loop3A_1523 = arith.index_cast %parallel_loop3A_75 : i32 to index
        %parallel_loop3A_1524 = arith.constant 1920 : index
        %parallel_loop3A_1525 = tpu.vector_load %arg6[%parallel_loop3A_1523, %parallel_loop3A_1524] {strides = array<i32>} : memref<16x2048xf32, #tpu.memory_space<vmem>>, vector<1x16xf32>,
        %parallel_loop3A_1526 = vector.shape_cast %parallel_loop3A_1525 : vector<1x16xf32> to vector<16xf32>
        %parallel_loop3A_1527 = vector.shape_cast %parallel_loop3A_1522 : vector<16xf32> to vector<1x16xf32>
        tpu.vector_store %arg6[%parallel_loop3A_1523, %parallel_loop3A_1524], %parallel_loop3A_1527 {strides = array<i32>} : memref<16x2048xf32, #tpu.memory_space<vmem>>, vector<1x16xf32>,
        %parallel_loop3A_1528 = arith.index_cast %parallel_loop3A_75 : i32 to index
        %parallel_loop3A_1529 = arith.constant 1936 : index
        %parallel_loop3A_1530 = tpu.vector_load %arg6[%parallel_loop3A_1528, %parallel_loop3A_1529] {strides = array<i32>} : memref<16x2048xf32, #tpu.memory_space<vmem>>, vector<1x16xf32>,
        %parallel_loop3A_1531 = vector.shape_cast %parallel_loop3A_1530 : vector<1x16xf32> to vector<16xf32>
        %parallel_loop3A_1532 = arith.constant 45.2548332 : f32
        %parallel_loop3A_1533 = vector.broadcast %parallel_loop3A_1532 : f32 to vector<16xf32>
        %parallel_loop3A_1534 = arith.mulf %parallel_loop3A_1531, %parallel_loop3A_1533 : vector<16xf32>
        %parallel_loop3A_1535 = arith.index_cast %parallel_loop3A_75 : i32 to index
        %parallel_loop3A_1536 = arith.constant 1936 : index
        %parallel_loop3A_1537 = tpu.vector_load %arg6[%parallel_loop3A_1535, %parallel_loop3A_1536] {strides = array<i32>} : memref<16x2048xf32, #tpu.memory_space<vmem>>, vector<1x16xf32>,
        %parallel_loop3A_1538 = vector.shape_cast %parallel_loop3A_1537 : vector<1x16xf32> to vector<16xf32>
        %parallel_loop3A_1539 = vector.shape_cast %parallel_loop3A_1534 : vector<16xf32> to vector<1x16xf32>
        tpu.vector_store %arg6[%parallel_loop3A_1535, %parallel_loop3A_1536], %parallel_loop3A_1539 {strides = array<i32>} : memref<16x2048xf32, #tpu.memory_space<vmem>>, vector<1x16xf32>,
        %parallel_loop3A_1540 = arith.index_cast %parallel_loop3A_75 : i32 to index
        %parallel_loop3A_1541 = arith.constant 1952 : index
        %parallel_loop3A_1542 = tpu.vector_load %arg6[%parallel_loop3A_1540, %parallel_loop3A_1541] {strides = array<i32>} : memref<16x2048xf32, #tpu.memory_space<vmem>>, vector<1x16xf32>,
        %parallel_loop3A_1543 = vector.shape_cast %parallel_loop3A_1542 : vector<1x16xf32> to vector<16xf32>
        %parallel_loop3A_1544 = arith.constant 45.2548332 : f32
        %parallel_loop3A_1545 = vector.broadcast %parallel_loop3A_1544 : f32 to vector<16xf32>
        %parallel_loop3A_1546 = arith.mulf %parallel_loop3A_1543, %parallel_loop3A_1545 : vector<16xf32>
        %parallel_loop3A_1547 = arith.index_cast %parallel_loop3A_75 : i32 to index
        %parallel_loop3A_1548 = arith.constant 1952 : index
        %parallel_loop3A_1549 = tpu.vector_load %arg6[%parallel_loop3A_1547, %parallel_loop3A_1548] {strides = array<i32>} : memref<16x2048xf32, #tpu.memory_space<vmem>>, vector<1x16xf32>,
        %parallel_loop3A_1550 = vector.shape_cast %parallel_loop3A_1549 : vector<1x16xf32> to vector<16xf32>
        %parallel_loop3A_1551 = vector.shape_cast %parallel_loop3A_1546 : vector<16xf32> to vector<1x16xf32>
        tpu.vector_store %arg6[%parallel_loop3A_1547, %parallel_loop3A_1548], %parallel_loop3A_1551 {strides = array<i32>} : memref<16x2048xf32, #tpu.memory_space<vmem>>, vector<1x16xf32>,
        %parallel_loop3A_1552 = arith.index_cast %parallel_loop3A_75 : i32 to index
        %parallel_loop3A_1553 = arith.constant 1968 : index
        %parallel_loop3A_1554 = tpu.vector_load %arg6[%parallel_loop3A_1552, %parallel_loop3A_1553] {strides = array<i32>} : memref<16x2048xf32, #tpu.memory_space<vmem>>, vector<1x16xf32>,
        %parallel_loop3A_1555 = vector.shape_cast %parallel_loop3A_1554 : vector<1x16xf32> to vector<16xf32>
        %parallel_loop3A_1556 = arith.constant 45.2548332 : f32
        %parallel_loop3A_1557 = vector.broadcast %parallel_loop3A_1556 : f32 to vector<16xf32>
        %parallel_loop3A_1558 = arith.mulf %parallel_loop3A_1555, %parallel_loop3A_1557 : vector<16xf32>
        %parallel_loop3A_1559 = arith.index_cast %parallel_loop3A_75 : i32 to index
        %parallel_loop3A_1560 = arith.constant 1968 : index
        %parallel_loop3A_1561 = tpu.vector_load %arg6[%parallel_loop3A_1559, %parallel_loop3A_1560] {strides = array<i32>} : memref<16x2048xf32, #tpu.memory_space<vmem>>, vector<1x16xf32>,
        %parallel_loop3A_1562 = vector.shape_cast %parallel_loop3A_1561 : vector<1x16xf32> to vector<16xf32>
        %parallel_loop3A_1563 = vector.shape_cast %parallel_loop3A_1558 : vector<16xf32> to vector<1x16xf32>
        tpu.vector_store %arg6[%parallel_loop3A_1559, %parallel_loop3A_1560], %parallel_loop3A_1563 {strides = array<i32>} : memref<16x2048xf32, #tpu.memory_space<vmem>>, vector<1x16xf32>,
        %parallel_loop3A_1564 = arith.index_cast %parallel_loop3A_75 : i32 to index
        %parallel_loop3A_1565 = arith.constant 1984 : index
        %parallel_loop3A_1566 = tpu.vector_load %arg6[%parallel_loop3A_1564, %parallel_loop3A_1565] {strides = array<i32>} : memref<16x2048xf32, #tpu.memory_space<vmem>>, vector<1x16xf32>,
        %parallel_loop3A_1567 = vector.shape_cast %parallel_loop3A_1566 : vector<1x16xf32> to vector<16xf32>
        %parallel_loop3A_1568 = arith.constant 45.2548332 : f32
        %parallel_loop3A_1569 = vector.broadcast %parallel_loop3A_1568 : f32 to vector<16xf32>
        %parallel_loop3A_1570 = arith.mulf %parallel_loop3A_1567, %parallel_loop3A_1569 : vector<16xf32>
        %parallel_loop3A_1571 = arith.index_cast %parallel_loop3A_75 : i32 to index
        %parallel_loop3A_1572 = arith.constant 1984 : index
        %parallel_loop3A_1573 = tpu.vector_load %arg6[%parallel_loop3A_1571, %parallel_loop3A_1572] {strides = array<i32>} : memref<16x2048xf32, #tpu.memory_space<vmem>>, vector<1x16xf32>,
        %parallel_loop3A_1574 = vector.shape_cast %parallel_loop3A_1573 : vector<1x16xf32> to vector<16xf32>
        %parallel_loop3A_1575 = vector.shape_cast %parallel_loop3A_1570 : vector<16xf32> to vector<1x16xf32>
        tpu.vector_store %arg6[%parallel_loop3A_1571, %parallel_loop3A_1572], %parallel_loop3A_1575 {strides = array<i32>} : memref<16x2048xf32, #tpu.memory_space<vmem>>, vector<1x16xf32>,
        %parallel_loop3A_1576 = arith.index_cast %parallel_loop3A_75 : i32 to index
        %parallel_loop3A_1577 = arith.constant 2000 : index
        %parallel_loop3A_1578 = tpu.vector_load %arg6[%parallel_loop3A_1576, %parallel_loop3A_1577] {strides = array<i32>} : memref<16x2048xf32, #tpu.memory_space<vmem>>, vector<1x16xf32>,
        %parallel_loop3A_1579 = vector.shape_cast %parallel_loop3A_1578 : vector<1x16xf32> to vector<16xf32>
        %parallel_loop3A_1580 = arith.constant 45.2548332 : f32
        %parallel_loop3A_1581 = vector.broadcast %parallel_loop3A_1580 : f32 to vector<16xf32>
        %parallel_loop3A_1582 = arith.mulf %parallel_loop3A_1579, %parallel_loop3A_1581 : vector<16xf32>
        %parallel_loop3A_1583 = arith.index_cast %parallel_loop3A_75 : i32 to index
        %parallel_loop3A_1584 = arith.constant 2000 : index
        %parallel_loop3A_1585 = tpu.vector_load %arg6[%parallel_loop3A_1583, %parallel_loop3A_1584] {strides = array<i32>} : memref<16x2048xf32, #tpu.memory_space<vmem>>, vector<1x16xf32>,
        %parallel_loop3A_1586 = vector.shape_cast %parallel_loop3A_1585 : vector<1x16xf32> to vector<16xf32>
        %parallel_loop3A_1587 = vector.shape_cast %parallel_loop3A_1582 : vector<16xf32> to vector<1x16xf32>
        tpu.vector_store %arg6[%parallel_loop3A_1583, %parallel_loop3A_1584], %parallel_loop3A_1587 {strides = array<i32>} : memref<16x2048xf32, #tpu.memory_space<vmem>>, vector<1x16xf32>,
        %parallel_loop3A_1588 = arith.index_cast %parallel_loop3A_75 : i32 to index
        %parallel_loop3A_1589 = arith.constant 2016 : index
        %parallel_loop3A_1590 = tpu.vector_load %arg6[%parallel_loop3A_1588, %parallel_loop3A_1589] {strides = array<i32>} : memref<16x2048xf32, #tpu.memory_space<vmem>>, vector<1x16xf32>,
        %parallel_loop3A_1591 = vector.shape_cast %parallel_loop3A_1590 : vector<1x16xf32> to vector<16xf32>
        %parallel_loop3A_1592 = arith.constant 45.2548332 : f32
        %parallel_loop3A_1593 = vector.broadcast %parallel_loop3A_1592 : f32 to vector<16xf32>
        %parallel_loop3A_1594 = arith.mulf %parallel_loop3A_1591, %parallel_loop3A_1593 : vector<16xf32>
        %parallel_loop3A_1595 = arith.index_cast %parallel_loop3A_75 : i32 to index
        %parallel_loop3A_1596 = arith.constant 2016 : index
        %parallel_loop3A_1597 = tpu.vector_load %arg6[%parallel_loop3A_1595, %parallel_loop3A_1596] {strides = array<i32>} : memref<16x2048xf32, #tpu.memory_space<vmem>>, vector<1x16xf32>,
        %parallel_loop3A_1598 = vector.shape_cast %parallel_loop3A_1597 : vector<1x16xf32> to vector<16xf32>
        %parallel_loop3A_1599 = vector.shape_cast %parallel_loop3A_1594 : vector<16xf32> to vector<1x16xf32>
        tpu.vector_store %arg6[%parallel_loop3A_1595, %parallel_loop3A_1596], %parallel_loop3A_1599 {strides = array<i32>} : memref<16x2048xf32, #tpu.memory_space<vmem>>, vector<1x16xf32>,
        %parallel_loop3A_1600 = arith.index_cast %parallel_loop3A_75 : i32 to index
        %parallel_loop3A_1601 = arith.constant 2032 : index
        %parallel_loop3A_1602 = tpu.vector_load %arg6[%parallel_loop3A_1600, %parallel_loop3A_1601] {strides = array<i32>} : memref<16x2048xf32, #tpu.memory_space<vmem>>, vector<1x16xf32>,
        %parallel_loop3A_1603 = vector.shape_cast %parallel_loop3A_1602 : vector<1x16xf32> to vector<16xf32>
        %parallel_loop3A_1604 = arith.constant 45.2548332 : f32
        %parallel_loop3A_1605 = vector.broadcast %parallel_loop3A_1604 : f32 to vector<16xf32>
        %parallel_loop3A_1606 = arith.mulf %parallel_loop3A_1603, %parallel_loop3A_1605 : vector<16xf32>
        %parallel_loop3A_1607 = arith.index_cast %parallel_loop3A_75 : i32 to index
        %parallel_loop3A_1608 = arith.constant 2032 : index
        %parallel_loop3A_1609 = tpu.vector_load %arg6[%parallel_loop3A_1607, %parallel_loop3A_1608] {strides = array<i32>} : memref<16x2048xf32, #tpu.memory_space<vmem>>, vector<1x16xf32>,
        %parallel_loop3A_1610 = vector.shape_cast %parallel_loop3A_1609 : vector<1x16xf32> to vector<16xf32>
        %parallel_loop3A_1611 = vector.shape_cast %parallel_loop3A_1606 : vector<16xf32> to vector<1x16xf32>
        tpu.vector_store %arg6[%parallel_loop3A_1607, %parallel_loop3A_1608], %parallel_loop3A_1611 {strides = array<i32>} : memref<16x2048xf32, #tpu.memory_space<vmem>>, vector<1x16xf32>,
      } {sc.loop_unroll_factor = 1 : i64, sc.parallel_access}
      %mul3A_38 = arith.constant 16 : i32
      %mul3A_39 = arith.muli %add3A_21, %mul3A_38 : i32
      %add3A_40 = arith.addi %mul3A_2, %mul3A_39 : i32
      %dma_start3A_41 = arith.constant 0 : i32
      %dma_start3A_42 = tpu.memref_slice %arg4[%add3A_40, %dma_start3A_41] : memref<32768x2048xf32, #tpu.memory_space<hbm>> -> memref<16x2048xf32, #tpu.memory_space<hbm>>
      %dma_start3A_43 = arith.constant 0 : i32
      %dma_start3A_44 = tpu.memref_slice %arg4[%add3A_40, %dma_start3A_43] : memref<32768x2048xf32, #tpu.memory_space<hbm>> -> memref<16x2048xf32, #tpu.memory_space<hbm>>
      tpu.enqueue_dma source(%arg6 : memref<16x2048xf32, #tpu.memory_space<vmem>>) target(%dma_start3A_44 : memref<16x2048xf32, #tpu.memory_space<hbm>>) target_semaphore(%arg10 : memref<!tpu.dma_semaphore, #tpu.memory_space<semaphore_mem>>)
      %add3A_45 = arith.constant 1 : i32
      %add3A_46 = arith.addi %mul3A_19, %add3A_45 : i32
      %ge3A_47 = arith.constant 1 : i32
      %ge3A_48 = arith.cmpi sge, %add3A_46, %ge3A_47 : i32
      %convert_element_type3A_49 = arith.extui %ge3A_48 : i1 to i32
      %cond3A_50 = arith.constant 0 : i32
      %cond3A_51 = arith.cmpi ne, %convert_element_type3A_49, %cond3A_50 : i32
      scf.if %cond3A_51 {
        %sub3A = arith.constant 1 : i32
        %sub3A_75 = arith.subi %add3A_46, %sub3A : i32
        %sub3A_76 = arith.constant 0 : i32
        %sub3A_77 = arith.subi %sub3A_75, %sub3A_76 : i32
        %mul3A_78 = arith.constant 16 : i32
        %mul3A_79 = arith.muli %sub3A_77, %mul3A_78 : i32
        %add3A_80 = arith.addi %mul3A_2, %mul3A_79 : i32
        %dma_wait3A_81 = arith.constant 0 : i32
        %dma_wait3A_82 = tpu.memref_slice %arg4[%add3A_80, %dma_wait3A_81] : memref<32768x2048xf32, #tpu.memory_space<hbm>> -> memref<16x2048xf32, #tpu.memory_space<hbm>>
        %dma_wait3A_83 = arith.constant 0 : i32
        %dma_wait3A_84 = tpu.memref_slice %arg4[%add3A_80, %dma_wait3A_83] : memref<32768x2048xf32, #tpu.memory_space<hbm>> -> memref<16x2048xf32, #tpu.memory_space<hbm>>
        tpu.wait_dma2 semaphore(%arg10 : memref<!tpu.dma_semaphore, #tpu.memory_space<semaphore_mem>>) src(%arg6 : memref<16x2048xf32, #tpu.memory_space<vmem>>) dst(%dma_wait3A_84 : memref<16x2048xf32, #tpu.memory_space<hbm>>)
      } else {
      }
      %add3A_52 = arith.constant 1 : i32
      %add3A_53 = arith.addi %add3A_46, %add3A_52 : i32
      %lt3A_54 = arith.constant 64 : i32
      %lt3A_55 = arith.cmpi slt, %add3A_53, %lt3A_54 : i32
      %convert_element_type3A_56 = arith.extui %lt3A_55 : i1 to i32
      %cond3A_57 = arith.constant 0 : i32
      %cond3A_58 = arith.cmpi ne, %convert_element_type3A_56, %cond3A_57 : i32
      scf.if %cond3A_58 {
        %add3A_75 = arith.constant 1 : i32
        %add3A_76 = arith.addi %add3A_46, %add3A_75 : i32
        %mul3A_77 = arith.constant 16 : i32
        %mul3A_78 = arith.muli %add3A_76, %mul3A_77 : i32
        %dma_start3A_79 = tpu.memref_slice %arg5[%mul3A_78] : memref<1024xi32, #tpu.memory_space<vmem>> -> memref<16xi32, #tpu.memory_space<vmem>>
        %dma_start3A_80 = arith.constant 0 : i32
        %dma_start3A_81 = arith.constant 0 : i32
        %dma_start3A_82 = tpu.memref_slice %arg3[%dma_start3A_80, %dma_start3A_81] : memref<100000x2048xf32, #tpu.memory_space<hbm>> -> memref<100000x2048xf32, #tpu.memory_space<hbm>>
        tpu.enqueue_indirect_dma source(%dma_start3A_82 : memref<100000x2048xf32, #tpu.memory_space<hbm>>) target(%arg6 : memref<16x2048xf32, #tpu.memory_space<vmem>>) offsets(%dma_start3A_79 : memref<16xi32, #tpu.memory_space<vmem>>) semaphore(%arg8 : memref<!tpu.dma_semaphore, #tpu.memory_space<semaphore_mem>>)
      } else {
      }
      %mul3A_59 = arith.constant 16 : i32
      %mul3A_60 = arith.muli %add3A_46, %mul3A_59 : i32
      %dma_wait3A_61 = tpu.memref_slice %arg5[%mul3A_60] : memref<1024xi32, #tpu.memory_space<vmem>> -> memref<16xi32, #tpu.memory_space<vmem>>
      %dma_wait3A_62 = arith.constant 0 : i32
      %dma_wait3A_63 = arith.constant 0 : i32
      %dma_wait3A_64 = tpu.memref_slice %arg3[%dma_wait3A_62, %dma_wait3A_63] : memref<100000x2048xf32, #tpu.memory_space<hbm>> -> memref<100000x2048xf32, #tpu.memory_space<hbm>>
      tpu.wait_indirect_dma semaphore(%arg9 : memref<!tpu.dma_semaphore, #tpu.memory_space<semaphore_mem>>) src(%dma_wait3A_64 : memref<100000x2048xf32, #tpu.memory_space<hbm>>) dst(%arg7 : memref<16x2048xf32, #tpu.memory_space<vmem>>)
      %parallel_loop3A_65 = arith.constant 0 : i32
      %parallel_loop3A_66 = arith.constant 16 : i32
      %parallel_loop3A_67 = arith.constant 1 : i32
      scf.for %parallel_loop3A_75 = %parallel_loop3A_65 to %parallel_loop3A_66 step %parallel_loop3A_67  : i32 {
        %parallel_loop3A_76 = arith.index_cast %parallel_loop3A_75 : i32 to index
        %parallel_loop3A_77 = arith.constant 0 : index
        %parallel_loop3A_78 = tpu.vector_load %arg7[%parallel_loop3A_76, %parallel_loop3A_77] {strides = array<i32>} : memref<16x2048xf32, #tpu.memory_space<vmem>>, vector<1x16xf32>,
        %parallel_loop3A_79 = vector.shape_cast %parallel_loop3A_78 : vector<1x16xf32> to vector<16xf32>
        %parallel_loop3A_80 = arith.constant 45.2548332 : f32
        %parallel_loop3A_81 = vector.broadcast %parallel_loop3A_80 : f32 to vector<16xf32>
        %parallel_loop3A_82 = arith.mulf %parallel_loop3A_79, %parallel_loop3A_81 : vector<16xf32>
        %parallel_loop3A_83 = arith.index_cast %parallel_loop3A_75 : i32 to index
        %parallel_loop3A_84 = arith.constant 0 : index
        %parallel_loop3A_85 = tpu.vector_load %arg7[%parallel_loop3A_83, %parallel_loop3A_84] {strides = array<i32>} : memref<16x2048xf32, #tpu.memory_space<vmem>>, vector<1x16xf32>,
        %parallel_loop3A_86 = vector.shape_cast %parallel_loop3A_85 : vector<1x16xf32> to vector<16xf32>
        %parallel_loop3A_87 = vector.shape_cast %parallel_loop3A_82 : vector<16xf32> to vector<1x16xf32>
        tpu.vector_store %arg7[%parallel_loop3A_83, %parallel_loop3A_84], %parallel_loop3A_87 {strides = array<i32>} : memref<16x2048xf32, #tpu.memory_space<vmem>>, vector<1x16xf32>,
        %parallel_loop3A_88 = arith.index_cast %parallel_loop3A_75 : i32 to index
        %parallel_loop3A_89 = arith.constant 16 : index
        %parallel_loop3A_90 = tpu.vector_load %arg7[%parallel_loop3A_88, %parallel_loop3A_89] {strides = array<i32>} : memref<16x2048xf32, #tpu.memory_space<vmem>>, vector<1x16xf32>,
        %parallel_loop3A_91 = vector.shape_cast %parallel_loop3A_90 : vector<1x16xf32> to vector<16xf32>
        %parallel_loop3A_92 = arith.constant 45.2548332 : f32
        %parallel_loop3A_93 = vector.broadcast %parallel_loop3A_92 : f32 to vector<16xf32>
        %parallel_loop3A_94 = arith.mulf %parallel_loop3A_91, %parallel_loop3A_93 : vector<16xf32>
        %parallel_loop3A_95 = arith.index_cast %parallel_loop3A_75 : i32 to index
        %parallel_loop3A_96 = arith.constant 16 : index
        %parallel_loop3A_97 = tpu.vector_load %arg7[%parallel_loop3A_95, %parallel_loop3A_96] {strides = array<i32>} : memref<16x2048xf32, #tpu.memory_space<vmem>>, vector<1x16xf32>,
        %parallel_loop3A_98 = vector.shape_cast %parallel_loop3A_97 : vector<1x16xf32> to vector<16xf32>
        %parallel_loop3A_99 = vector.shape_cast %parallel_loop3A_94 : vector<16xf32> to vector<1x16xf32>
        tpu.vector_store %arg7[%parallel_loop3A_95, %parallel_loop3A_96], %parallel_loop3A_99 {strides = array<i32>} : memref<16x2048xf32, #tpu.memory_space<vmem>>, vector<1x16xf32>,
        %parallel_loop3A_100 = arith.index_cast %parallel_loop3A_75 : i32 to index
        %parallel_loop3A_101 = arith.constant 32 : index
        %parallel_loop3A_102 = tpu.vector_load %arg7[%parallel_loop3A_100, %parallel_loop3A_101] {strides = array<i32>} : memref<16x2048xf32, #tpu.memory_space<vmem>>, vector<1x16xf32>,
        %parallel_loop3A_103 = vector.shape_cast %parallel_loop3A_102 : vector<1x16xf32> to vector<16xf32>
        %parallel_loop3A_104 = arith.constant 45.2548332 : f32
        %parallel_loop3A_105 = vector.broadcast %parallel_loop3A_104 : f32 to vector<16xf32>
        %parallel_loop3A_106 = arith.mulf %parallel_loop3A_103, %parallel_loop3A_105 : vector<16xf32>
        %parallel_loop3A_107 = arith.index_cast %parallel_loop3A_75 : i32 to index
        %parallel_loop3A_108 = arith.constant 32 : index
        %parallel_loop3A_109 = tpu.vector_load %arg7[%parallel_loop3A_107, %parallel_loop3A_108] {strides = array<i32>} : memref<16x2048xf32, #tpu.memory_space<vmem>>, vector<1x16xf32>,
        %parallel_loop3A_110 = vector.shape_cast %parallel_loop3A_109 : vector<1x16xf32> to vector<16xf32>
        %parallel_loop3A_111 = vector.shape_cast %parallel_loop3A_106 : vector<16xf32> to vector<1x16xf32>
        tpu.vector_store %arg7[%parallel_loop3A_107, %parallel_loop3A_108], %parallel_loop3A_111 {strides = array<i32>} : memref<16x2048xf32, #tpu.memory_space<vmem>>, vector<1x16xf32>,
        %parallel_loop3A_112 = arith.index_cast %parallel_loop3A_75 : i32 to index
        %parallel_loop3A_113 = arith.constant 48 : index
        %parallel_loop3A_114 = tpu.vector_load %arg7[%parallel_loop3A_112, %parallel_loop3A_113] {strides = array<i32>} : memref<16x2048xf32, #tpu.memory_space<vmem>>, vector<1x16xf32>,
        %parallel_loop3A_115 = vector.shape_cast %parallel_loop3A_114 : vector<1x16xf32> to vector<16xf32>
        %parallel_loop3A_116 = arith.constant 45.2548332 : f32
        %parallel_loop3A_117 = vector.broadcast %parallel_loop3A_116 : f32 to vector<16xf32>
        %parallel_loop3A_118 = arith.mulf %parallel_loop3A_115, %parallel_loop3A_117 : vector<16xf32>
        %parallel_loop3A_119 = arith.index_cast %parallel_loop3A_75 : i32 to index
        %parallel_loop3A_120 = arith.constant 48 : index
        %parallel_loop3A_121 = tpu.vector_load %arg7[%parallel_loop3A_119, %parallel_loop3A_120] {strides = array<i32>} : memref<16x2048xf32, #tpu.memory_space<vmem>>, vector<1x16xf32>,
        %parallel_loop3A_122 = vector.shape_cast %parallel_loop3A_121 : vector<1x16xf32> to vector<16xf32>
        %parallel_loop3A_123 = vector.shape_cast %parallel_loop3A_118 : vector<16xf32> to vector<1x16xf32>
        tpu.vector_store %arg7[%parallel_loop3A_119, %parallel_loop3A_120], %parallel_loop3A_123 {strides = array<i32>} : memref<16x2048xf32, #tpu.memory_space<vmem>>, vector<1x16xf32>,
        %parallel_loop3A_124 = arith.index_cast %parallel_loop3A_75 : i32 to index
        %parallel_loop3A_125 = arith.constant 64 : index
        %parallel_loop3A_126 = tpu.vector_load %arg7[%parallel_loop3A_124, %parallel_loop3A_125] {strides = array<i32>} : memref<16x2048xf32, #tpu.memory_space<vmem>>, vector<1x16xf32>,
        %parallel_loop3A_127 = vector.shape_cast %parallel_loop3A_126 : vector<1x16xf32> to vector<16xf32>
        %parallel_loop3A_128 = arith.constant 45.2548332 : f32
        %parallel_loop3A_129 = vector.broadcast %parallel_loop3A_128 : f32 to vector<16xf32>
        %parallel_loop3A_130 = arith.mulf %parallel_loop3A_127, %parallel_loop3A_129 : vector<16xf32>
        %parallel_loop3A_131 = arith.index_cast %parallel_loop3A_75 : i32 to index
        %parallel_loop3A_132 = arith.constant 64 : index
        %parallel_loop3A_133 = tpu.vector_load %arg7[%parallel_loop3A_131, %parallel_loop3A_132] {strides = array<i32>} : memref<16x2048xf32, #tpu.memory_space<vmem>>, vector<1x16xf32>,
        %parallel_loop3A_134 = vector.shape_cast %parallel_loop3A_133 : vector<1x16xf32> to vector<16xf32>
        %parallel_loop3A_135 = vector.shape_cast %parallel_loop3A_130 : vector<16xf32> to vector<1x16xf32>
        tpu.vector_store %arg7[%parallel_loop3A_131, %parallel_loop3A_132], %parallel_loop3A_135 {strides = array<i32>} : memref<16x2048xf32, #tpu.memory_space<vmem>>, vector<1x16xf32>,
        %parallel_loop3A_136 = arith.index_cast %parallel_loop3A_75 : i32 to index
        %parallel_loop3A_137 = arith.constant 80 : index
        %parallel_loop3A_138 = tpu.vector_load %arg7[%parallel_loop3A_136, %parallel_loop3A_137] {strides = array<i32>} : memref<16x2048xf32, #tpu.memory_space<vmem>>, vector<1x16xf32>,
        %parallel_loop3A_139 = vector.shape_cast %parallel_loop3A_138 : vector<1x16xf32> to vector<16xf32>
        %parallel_loop3A_140 = arith.constant 45.2548332 : f32
        %parallel_loop3A_141 = vector.broadcast %parallel_loop3A_140 : f32 to vector<16xf32>
        %parallel_loop3A_142 = arith.mulf %parallel_loop3A_139, %parallel_loop3A_141 : vector<16xf32>
        %parallel_loop3A_143 = arith.index_cast %parallel_loop3A_75 : i32 to index
        %parallel_loop3A_144 = arith.constant 80 : index
        %parallel_loop3A_145 = tpu.vector_load %arg7[%parallel_loop3A_143, %parallel_loop3A_144] {strides = array<i32>} : memref<16x2048xf32, #tpu.memory_space<vmem>>, vector<1x16xf32>,
        %parallel_loop3A_146 = vector.shape_cast %parallel_loop3A_145 : vector<1x16xf32> to vector<16xf32>
        %parallel_loop3A_147 = vector.shape_cast %parallel_loop3A_142 : vector<16xf32> to vector<1x16xf32>
        tpu.vector_store %arg7[%parallel_loop3A_143, %parallel_loop3A_144], %parallel_loop3A_147 {strides = array<i32>} : memref<16x2048xf32, #tpu.memory_space<vmem>>, vector<1x16xf32>,
        %parallel_loop3A_148 = arith.index_cast %parallel_loop3A_75 : i32 to index
        %parallel_loop3A_149 = arith.constant 96 : index
        %parallel_loop3A_150 = tpu.vector_load %arg7[%parallel_loop3A_148, %parallel_loop3A_149] {strides = array<i32>} : memref<16x2048xf32, #tpu.memory_space<vmem>>, vector<1x16xf32>,
        %parallel_loop3A_151 = vector.shape_cast %parallel_loop3A_150 : vector<1x16xf32> to vector<16xf32>
        %parallel_loop3A_152 = arith.constant 45.2548332 : f32
        %parallel_loop3A_153 = vector.broadcast %parallel_loop3A_152 : f32 to vector<16xf32>
        %parallel_loop3A_154 = arith.mulf %parallel_loop3A_151, %parallel_loop3A_153 : vector<16xf32>
        %parallel_loop3A_155 = arith.index_cast %parallel_loop3A_75 : i32 to index
        %parallel_loop3A_156 = arith.constant 96 : index
        %parallel_loop3A_157 = tpu.vector_load %arg7[%parallel_loop3A_155, %parallel_loop3A_156] {strides = array<i32>} : memref<16x2048xf32, #tpu.memory_space<vmem>>, vector<1x16xf32>,
        %parallel_loop3A_158 = vector.shape_cast %parallel_loop3A_157 : vector<1x16xf32> to vector<16xf32>
        %parallel_loop3A_159 = vector.shape_cast %parallel_loop3A_154 : vector<16xf32> to vector<1x16xf32>
        tpu.vector_store %arg7[%parallel_loop3A_155, %parallel_loop3A_156], %parallel_loop3A_159 {strides = array<i32>} : memref<16x2048xf32, #tpu.memory_space<vmem>>, vector<1x16xf32>,
        %parallel_loop3A_160 = arith.index_cast %parallel_loop3A_75 : i32 to index
        %parallel_loop3A_161 = arith.constant 112 : index
        %parallel_loop3A_162 = tpu.vector_load %arg7[%parallel_loop3A_160, %parallel_loop3A_161] {strides = array<i32>} : memref<16x2048xf32, #tpu.memory_space<vmem>>, vector<1x16xf32>,
        %parallel_loop3A_163 = vector.shape_cast %parallel_loop3A_162 : vector<1x16xf32> to vector<16xf32>
        %parallel_loop3A_164 = arith.constant 45.2548332 : f32
        %parallel_loop3A_165 = vector.broadcast %parallel_loop3A_164 : f32 to vector<16xf32>
        %parallel_loop3A_166 = arith.mulf %parallel_loop3A_163, %parallel_loop3A_165 : vector<16xf32>
        %parallel_loop3A_167 = arith.index_cast %parallel_loop3A_75 : i32 to index
        %parallel_loop3A_168 = arith.constant 112 : index
        %parallel_loop3A_169 = tpu.vector_load %arg7[%parallel_loop3A_167, %parallel_loop3A_168] {strides = array<i32>} : memref<16x2048xf32, #tpu.memory_space<vmem>>, vector<1x16xf32>,
        %parallel_loop3A_170 = vector.shape_cast %parallel_loop3A_169 : vector<1x16xf32> to vector<16xf32>
        %parallel_loop3A_171 = vector.shape_cast %parallel_loop3A_166 : vector<16xf32> to vector<1x16xf32>
        tpu.vector_store %arg7[%parallel_loop3A_167, %parallel_loop3A_168], %parallel_loop3A_171 {strides = array<i32>} : memref<16x2048xf32, #tpu.memory_space<vmem>>, vector<1x16xf32>,
        %parallel_loop3A_172 = arith.index_cast %parallel_loop3A_75 : i32 to index
        %parallel_loop3A_173 = arith.constant 128 : index
        %parallel_loop3A_174 = tpu.vector_load %arg7[%parallel_loop3A_172, %parallel_loop3A_173] {strides = array<i32>} : memref<16x2048xf32, #tpu.memory_space<vmem>>, vector<1x16xf32>,
        %parallel_loop3A_175 = vector.shape_cast %parallel_loop3A_174 : vector<1x16xf32> to vector<16xf32>
        %parallel_loop3A_176 = arith.constant 45.2548332 : f32
        %parallel_loop3A_177 = vector.broadcast %parallel_loop3A_176 : f32 to vector<16xf32>
        %parallel_loop3A_178 = arith.mulf %parallel_loop3A_175, %parallel_loop3A_177 : vector<16xf32>
        %parallel_loop3A_179 = arith.index_cast %parallel_loop3A_75 : i32 to index
        %parallel_loop3A_180 = arith.constant 128 : index
        %parallel_loop3A_181 = tpu.vector_load %arg7[%parallel_loop3A_179, %parallel_loop3A_180] {strides = array<i32>} : memref<16x2048xf32, #tpu.memory_space<vmem>>, vector<1x16xf32>,
        %parallel_loop3A_182 = vector.shape_cast %parallel_loop3A_181 : vector<1x16xf32> to vector<16xf32>
        %parallel_loop3A_183 = vector.shape_cast %parallel_loop3A_178 : vector<16xf32> to vector<1x16xf32>
        tpu.vector_store %arg7[%parallel_loop3A_179, %parallel_loop3A_180], %parallel_loop3A_183 {strides = array<i32>} : memref<16x2048xf32, #tpu.memory_space<vmem>>, vector<1x16xf32>,
        %parallel_loop3A_184 = arith.index_cast %parallel_loop3A_75 : i32 to index
        %parallel_loop3A_185 = arith.constant 144 : index
        %parallel_loop3A_186 = tpu.vector_load %arg7[%parallel_loop3A_184, %parallel_loop3A_185] {strides = array<i32>} : memref<16x2048xf32, #tpu.memory_space<vmem>>, vector<1x16xf32>,
        %parallel_loop3A_187 = vector.shape_cast %parallel_loop3A_186 : vector<1x16xf32> to vector<16xf32>
        %parallel_loop3A_188 = arith.constant 45.2548332 : f32
        %parallel_loop3A_189 = vector.broadcast %parallel_loop3A_188 : f32 to vector<16xf32>
        %parallel_loop3A_190 = arith.mulf %parallel_loop3A_187, %parallel_loop3A_189 : vector<16xf32>
        %parallel_loop3A_191 = arith.index_cast %parallel_loop3A_75 : i32 to index
        %parallel_loop3A_192 = arith.constant 144 : index
        %parallel_loop3A_193 = tpu.vector_load %arg7[%parallel_loop3A_191, %parallel_loop3A_192] {strides = array<i32>} : memref<16x2048xf32, #tpu.memory_space<vmem>>, vector<1x16xf32>,
        %parallel_loop3A_194 = vector.shape_cast %parallel_loop3A_193 : vector<1x16xf32> to vector<16xf32>
        %parallel_loop3A_195 = vector.shape_cast %parallel_loop3A_190 : vector<16xf32> to vector<1x16xf32>
        tpu.vector_store %arg7[%parallel_loop3A_191, %parallel_loop3A_192], %parallel_loop3A_195 {strides = array<i32>} : memref<16x2048xf32, #tpu.memory_space<vmem>>, vector<1x16xf32>,
        %parallel_loop3A_196 = arith.index_cast %parallel_loop3A_75 : i32 to index
        %parallel_loop3A_197 = arith.constant 160 : index
        %parallel_loop3A_198 = tpu.vector_load %arg7[%parallel_loop3A_196, %parallel_loop3A_197] {strides = array<i32>} : memref<16x2048xf32, #tpu.memory_space<vmem>>, vector<1x16xf32>,
        %parallel_loop3A_199 = vector.shape_cast %parallel_loop3A_198 : vector<1x16xf32> to vector<16xf32>
        %parallel_loop3A_200 = arith.constant 45.2548332 : f32
        %parallel_loop3A_201 = vector.broadcast %parallel_loop3A_200 : f32 to vector<16xf32>
        %parallel_loop3A_202 = arith.mulf %parallel_loop3A_199, %parallel_loop3A_201 : vector<16xf32>
        %parallel_loop3A_203 = arith.index_cast %parallel_loop3A_75 : i32 to index
        %parallel_loop3A_204 = arith.constant 160 : index
        %parallel_loop3A_205 = tpu.vector_load %arg7[%parallel_loop3A_203, %parallel_loop3A_204] {strides = array<i32>} : memref<16x2048xf32, #tpu.memory_space<vmem>>, vector<1x16xf32>,
        %parallel_loop3A_206 = vector.shape_cast %parallel_loop3A_205 : vector<1x16xf32> to vector<16xf32>
        %parallel_loop3A_207 = vector.shape_cast %parallel_loop3A_202 : vector<16xf32> to vector<1x16xf32>
        tpu.vector_store %arg7[%parallel_loop3A_203, %parallel_loop3A_204], %parallel_loop3A_207 {strides = array<i32>} : memref<16x2048xf32, #tpu.memory_space<vmem>>, vector<1x16xf32>,
        %parallel_loop3A_208 = arith.index_cast %parallel_loop3A_75 : i32 to index
        %parallel_loop3A_209 = arith.constant 176 : index
        %parallel_loop3A_210 = tpu.vector_load %arg7[%parallel_loop3A_208, %parallel_loop3A_209] {strides = array<i32>} : memref<16x2048xf32, #tpu.memory_space<vmem>>, vector<1x16xf32>,
        %parallel_loop3A_211 = vector.shape_cast %parallel_loop3A_210 : vector<1x16xf32> to vector<16xf32>
        %parallel_loop3A_212 = arith.constant 45.2548332 : f32
        %parallel_loop3A_213 = vector.broadcast %parallel_loop3A_212 : f32 to vector<16xf32>
        %parallel_loop3A_214 = arith.mulf %parallel_loop3A_211, %parallel_loop3A_213 : vector<16xf32>
        %parallel_loop3A_215 = arith.index_cast %parallel_loop3A_75 : i32 to index
        %parallel_loop3A_216 = arith.constant 176 : index
        %parallel_loop3A_217 = tpu.vector_load %arg7[%parallel_loop3A_215, %parallel_loop3A_216] {strides = array<i32>} : memref<16x2048xf32, #tpu.memory_space<vmem>>, vector<1x16xf32>,
        %parallel_loop3A_218 = vector.shape_cast %parallel_loop3A_217 : vector<1x16xf32> to vector<16xf32>
        %parallel_loop3A_219 = vector.shape_cast %parallel_loop3A_214 : vector<16xf32> to vector<1x16xf32>
        tpu.vector_store %arg7[%parallel_loop3A_215, %parallel_loop3A_216], %parallel_loop3A_219 {strides = array<i32>} : memref<16x2048xf32, #tpu.memory_space<vmem>>, vector<1x16xf32>,
        %parallel_loop3A_220 = arith.index_cast %parallel_loop3A_75 : i32 to index
        %parallel_loop3A_221 = arith.constant 192 : index
        %parallel_loop3A_222 = tpu.vector_load %arg7[%parallel_loop3A_220, %parallel_loop3A_221] {strides = array<i32>} : memref<16x2048xf32, #tpu.memory_space<vmem>>, vector<1x16xf32>,
        %parallel_loop3A_223 = vector.shape_cast %parallel_loop3A_222 : vector<1x16xf32> to vector<16xf32>
        %parallel_loop3A_224 = arith.constant 45.2548332 : f32
        %parallel_loop3A_225 = vector.broadcast %parallel_loop3A_224 : f32 to vector<16xf32>
        %parallel_loop3A_226 = arith.mulf %parallel_loop3A_223, %parallel_loop3A_225 : vector<16xf32>
        %parallel_loop3A_227 = arith.index_cast %parallel_loop3A_75 : i32 to index
        %parallel_loop3A_228 = arith.constant 192 : index
        %parallel_loop3A_229 = tpu.vector_load %arg7[%parallel_loop3A_227, %parallel_loop3A_228] {strides = array<i32>} : memref<16x2048xf32, #tpu.memory_space<vmem>>, vector<1x16xf32>,
        %parallel_loop3A_230 = vector.shape_cast %parallel_loop3A_229 : vector<1x16xf32> to vector<16xf32>
        %parallel_loop3A_231 = vector.shape_cast %parallel_loop3A_226 : vector<16xf32> to vector<1x16xf32>
        tpu.vector_store %arg7[%parallel_loop3A_227, %parallel_loop3A_228], %parallel_loop3A_231 {strides = array<i32>} : memref<16x2048xf32, #tpu.memory_space<vmem>>, vector<1x16xf32>,
        %parallel_loop3A_232 = arith.index_cast %parallel_loop3A_75 : i32 to index
        %parallel_loop3A_233 = arith.constant 208 : index
        %parallel_loop3A_234 = tpu.vector_load %arg7[%parallel_loop3A_232, %parallel_loop3A_233] {strides = array<i32>} : memref<16x2048xf32, #tpu.memory_space<vmem>>, vector<1x16xf32>,
        %parallel_loop3A_235 = vector.shape_cast %parallel_loop3A_234 : vector<1x16xf32> to vector<16xf32>
        %parallel_loop3A_236 = arith.constant 45.2548332 : f32
        %parallel_loop3A_237 = vector.broadcast %parallel_loop3A_236 : f32 to vector<16xf32>
        %parallel_loop3A_238 = arith.mulf %parallel_loop3A_235, %parallel_loop3A_237 : vector<16xf32>
        %parallel_loop3A_239 = arith.index_cast %parallel_loop3A_75 : i32 to index
        %parallel_loop3A_240 = arith.constant 208 : index
        %parallel_loop3A_241 = tpu.vector_load %arg7[%parallel_loop3A_239, %parallel_loop3A_240] {strides = array<i32>} : memref<16x2048xf32, #tpu.memory_space<vmem>>, vector<1x16xf32>,
        %parallel_loop3A_242 = vector.shape_cast %parallel_loop3A_241 : vector<1x16xf32> to vector<16xf32>
        %parallel_loop3A_243 = vector.shape_cast %parallel_loop3A_238 : vector<16xf32> to vector<1x16xf32>
        tpu.vector_store %arg7[%parallel_loop3A_239, %parallel_loop3A_240], %parallel_loop3A_243 {strides = array<i32>} : memref<16x2048xf32, #tpu.memory_space<vmem>>, vector<1x16xf32>,
        %parallel_loop3A_244 = arith.index_cast %parallel_loop3A_75 : i32 to index
        %parallel_loop3A_245 = arith.constant 224 : index
        %parallel_loop3A_246 = tpu.vector_load %arg7[%parallel_loop3A_244, %parallel_loop3A_245] {strides = array<i32>} : memref<16x2048xf32, #tpu.memory_space<vmem>>, vector<1x16xf32>,
        %parallel_loop3A_247 = vector.shape_cast %parallel_loop3A_246 : vector<1x16xf32> to vector<16xf32>
        %parallel_loop3A_248 = arith.constant 45.2548332 : f32
        %parallel_loop3A_249 = vector.broadcast %parallel_loop3A_248 : f32 to vector<16xf32>
        %parallel_loop3A_250 = arith.mulf %parallel_loop3A_247, %parallel_loop3A_249 : vector<16xf32>
        %parallel_loop3A_251 = arith.index_cast %parallel_loop3A_75 : i32 to index
        %parallel_loop3A_252 = arith.constant 224 : index
        %parallel_loop3A_253 = tpu.vector_load %arg7[%parallel_loop3A_251, %parallel_loop3A_252] {strides = array<i32>} : memref<16x2048xf32, #tpu.memory_space<vmem>>, vector<1x16xf32>,
        %parallel_loop3A_254 = vector.shape_cast %parallel_loop3A_253 : vector<1x16xf32> to vector<16xf32>
        %parallel_loop3A_255 = vector.shape_cast %parallel_loop3A_250 : vector<16xf32> to vector<1x16xf32>
        tpu.vector_store %arg7[%parallel_loop3A_251, %parallel_loop3A_252], %parallel_loop3A_255 {strides = array<i32>} : memref<16x2048xf32, #tpu.memory_space<vmem>>, vector<1x16xf32>,
        %parallel_loop3A_256 = arith.index_cast %parallel_loop3A_75 : i32 to index
        %parallel_loop3A_257 = arith.constant 240 : index
        %parallel_loop3A_258 = tpu.vector_load %arg7[%parallel_loop3A_256, %parallel_loop3A_257] {strides = array<i32>} : memref<16x2048xf32, #tpu.memory_space<vmem>>, vector<1x16xf32>,
        %parallel_loop3A_259 = vector.shape_cast %parallel_loop3A_258 : vector<1x16xf32> to vector<16xf32>
        %parallel_loop3A_260 = arith.constant 45.2548332 : f32
        %parallel_loop3A_261 = vector.broadcast %parallel_loop3A_260 : f32 to vector<16xf32>
        %parallel_loop3A_262 = arith.mulf %parallel_loop3A_259, %parallel_loop3A_261 : vector<16xf32>
        %parallel_loop3A_263 = arith.index_cast %parallel_loop3A_75 : i32 to index
        %parallel_loop3A_264 = arith.constant 240 : index
        %parallel_loop3A_265 = tpu.vector_load %arg7[%parallel_loop3A_263, %parallel_loop3A_264] {strides = array<i32>} : memref<16x2048xf32, #tpu.memory_space<vmem>>, vector<1x16xf32>,
        %parallel_loop3A_266 = vector.shape_cast %parallel_loop3A_265 : vector<1x16xf32> to vector<16xf32>
        %parallel_loop3A_267 = vector.shape_cast %parallel_loop3A_262 : vector<16xf32> to vector<1x16xf32>
        tpu.vector_store %arg7[%parallel_loop3A_263, %parallel_loop3A_264], %parallel_loop3A_267 {strides = array<i32>} : memref<16x2048xf32, #tpu.memory_space<vmem>>, vector<1x16xf32>,
        %parallel_loop3A_268 = arith.index_cast %parallel_loop3A_75 : i32 to index
        %parallel_loop3A_269 = arith.constant 256 : index
        %parallel_loop3A_270 = tpu.vector_load %arg7[%parallel_loop3A_268, %parallel_loop3A_269] {strides = array<i32>} : memref<16x2048xf32, #tpu.memory_space<vmem>>, vector<1x16xf32>,
        %parallel_loop3A_271 = vector.shape_cast %parallel_loop3A_270 : vector<1x16xf32> to vector<16xf32>
        %parallel_loop3A_272 = arith.constant 45.2548332 : f32
        %parallel_loop3A_273 = vector.broadcast %parallel_loop3A_272 : f32 to vector<16xf32>
        %parallel_loop3A_274 = arith.mulf %parallel_loop3A_271, %parallel_loop3A_273 : vector<16xf32>
        %parallel_loop3A_275 = arith.index_cast %parallel_loop3A_75 : i32 to index
        %parallel_loop3A_276 = arith.constant 256 : index
        %parallel_loop3A_277 = tpu.vector_load %arg7[%parallel_loop3A_275, %parallel_loop3A_276] {strides = array<i32>} : memref<16x2048xf32, #tpu.memory_space<vmem>>, vector<1x16xf32>,
        %parallel_loop3A_278 = vector.shape_cast %parallel_loop3A_277 : vector<1x16xf32> to vector<16xf32>
        %parallel_loop3A_279 = vector.shape_cast %parallel_loop3A_274 : vector<16xf32> to vector<1x16xf32>
        tpu.vector_store %arg7[%parallel_loop3A_275, %parallel_loop3A_276], %parallel_loop3A_279 {strides = array<i32>} : memref<16x2048xf32, #tpu.memory_space<vmem>>, vector<1x16xf32>,
        %parallel_loop3A_280 = arith.index_cast %parallel_loop3A_75 : i32 to index
        %parallel_loop3A_281 = arith.constant 272 : index
        %parallel_loop3A_282 = tpu.vector_load %arg7[%parallel_loop3A_280, %parallel_loop3A_281] {strides = array<i32>} : memref<16x2048xf32, #tpu.memory_space<vmem>>, vector<1x16xf32>,
        %parallel_loop3A_283 = vector.shape_cast %parallel_loop3A_282 : vector<1x16xf32> to vector<16xf32>
        %parallel_loop3A_284 = arith.constant 45.2548332 : f32
        %parallel_loop3A_285 = vector.broadcast %parallel_loop3A_284 : f32 to vector<16xf32>
        %parallel_loop3A_286 = arith.mulf %parallel_loop3A_283, %parallel_loop3A_285 : vector<16xf32>
        %parallel_loop3A_287 = arith.index_cast %parallel_loop3A_75 : i32 to index
        %parallel_loop3A_288 = arith.constant 272 : index
        %parallel_loop3A_289 = tpu.vector_load %arg7[%parallel_loop3A_287, %parallel_loop3A_288] {strides = array<i32>} : memref<16x2048xf32, #tpu.memory_space<vmem>>, vector<1x16xf32>,
        %parallel_loop3A_290 = vector.shape_cast %parallel_loop3A_289 : vector<1x16xf32> to vector<16xf32>
        %parallel_loop3A_291 = vector.shape_cast %parallel_loop3A_286 : vector<16xf32> to vector<1x16xf32>
        tpu.vector_store %arg7[%parallel_loop3A_287, %parallel_loop3A_288], %parallel_loop3A_291 {strides = array<i32>} : memref<16x2048xf32, #tpu.memory_space<vmem>>, vector<1x16xf32>,
        %parallel_loop3A_292 = arith.index_cast %parallel_loop3A_75 : i32 to index
        %parallel_loop3A_293 = arith.constant 288 : index
        %parallel_loop3A_294 = tpu.vector_load %arg7[%parallel_loop3A_292, %parallel_loop3A_293] {strides = array<i32>} : memref<16x2048xf32, #tpu.memory_space<vmem>>, vector<1x16xf32>,
        %parallel_loop3A_295 = vector.shape_cast %parallel_loop3A_294 : vector<1x16xf32> to vector<16xf32>
        %parallel_loop3A_296 = arith.constant 45.2548332 : f32
        %parallel_loop3A_297 = vector.broadcast %parallel_loop3A_296 : f32 to vector<16xf32>
        %parallel_loop3A_298 = arith.mulf %parallel_loop3A_295, %parallel_loop3A_297 : vector<16xf32>
        %parallel_loop3A_299 = arith.index_cast %parallel_loop3A_75 : i32 to index
        %parallel_loop3A_300 = arith.constant 288 : index
        %parallel_loop3A_301 = tpu.vector_load %arg7[%parallel_loop3A_299, %parallel_loop3A_300] {strides = array<i32>} : memref<16x2048xf32, #tpu.memory_space<vmem>>, vector<1x16xf32>,
        %parallel_loop3A_302 = vector.shape_cast %parallel_loop3A_301 : vector<1x16xf32> to vector<16xf32>
        %parallel_loop3A_303 = vector.shape_cast %parallel_loop3A_298 : vector<16xf32> to vector<1x16xf32>
        tpu.vector_store %arg7[%parallel_loop3A_299, %parallel_loop3A_300], %parallel_loop3A_303 {strides = array<i32>} : memref<16x2048xf32, #tpu.memory_space<vmem>>, vector<1x16xf32>,
        %parallel_loop3A_304 = arith.index_cast %parallel_loop3A_75 : i32 to index
        %parallel_loop3A_305 = arith.constant 304 : index
        %parallel_loop3A_306 = tpu.vector_load %arg7[%parallel_loop3A_304, %parallel_loop3A_305] {strides = array<i32>} : memref<16x2048xf32, #tpu.memory_space<vmem>>, vector<1x16xf32>,
        %parallel_loop3A_307 = vector.shape_cast %parallel_loop3A_306 : vector<1x16xf32> to vector<16xf32>
        %parallel_loop3A_308 = arith.constant 45.2548332 : f32
        %parallel_loop3A_309 = vector.broadcast %parallel_loop3A_308 : f32 to vector<16xf32>
        %parallel_loop3A_310 = arith.mulf %parallel_loop3A_307, %parallel_loop3A_309 : vector<16xf32>
        %parallel_loop3A_311 = arith.index_cast %parallel_loop3A_75 : i32 to index
        %parallel_loop3A_312 = arith.constant 304 : index
        %parallel_loop3A_313 = tpu.vector_load %arg7[%parallel_loop3A_311, %parallel_loop3A_312] {strides = array<i32>} : memref<16x2048xf32, #tpu.memory_space<vmem>>, vector<1x16xf32>,
        %parallel_loop3A_314 = vector.shape_cast %parallel_loop3A_313 : vector<1x16xf32> to vector<16xf32>
        %parallel_loop3A_315 = vector.shape_cast %parallel_loop3A_310 : vector<16xf32> to vector<1x16xf32>
        tpu.vector_store %arg7[%parallel_loop3A_311, %parallel_loop3A_312], %parallel_loop3A_315 {strides = array<i32>} : memref<16x2048xf32, #tpu.memory_space<vmem>>, vector<1x16xf32>,
        %parallel_loop3A_316 = arith.index_cast %parallel_loop3A_75 : i32 to index
        %parallel_loop3A_317 = arith.constant 320 : index
        %parallel_loop3A_318 = tpu.vector_load %arg7[%parallel_loop3A_316, %parallel_loop3A_317] {strides = array<i32>} : memref<16x2048xf32, #tpu.memory_space<vmem>>, vector<1x16xf32>,
        %parallel_loop3A_319 = vector.shape_cast %parallel_loop3A_318 : vector<1x16xf32> to vector<16xf32>
        %parallel_loop3A_320 = arith.constant 45.2548332 : f32
        %parallel_loop3A_321 = vector.broadcast %parallel_loop3A_320 : f32 to vector<16xf32>
        %parallel_loop3A_322 = arith.mulf %parallel_loop3A_319, %parallel_loop3A_321 : vector<16xf32>
        %parallel_loop3A_323 = arith.index_cast %parallel_loop3A_75 : i32 to index
        %parallel_loop3A_324 = arith.constant 320 : index
        %parallel_loop3A_325 = tpu.vector_load %arg7[%parallel_loop3A_323, %parallel_loop3A_324] {strides = array<i32>} : memref<16x2048xf32, #tpu.memory_space<vmem>>, vector<1x16xf32>,
        %parallel_loop3A_326 = vector.shape_cast %parallel_loop3A_325 : vector<1x16xf32> to vector<16xf32>
        %parallel_loop3A_327 = vector.shape_cast %parallel_loop3A_322 : vector<16xf32> to vector<1x16xf32>
        tpu.vector_store %arg7[%parallel_loop3A_323, %parallel_loop3A_324], %parallel_loop3A_327 {strides = array<i32>} : memref<16x2048xf32, #tpu.memory_space<vmem>>, vector<1x16xf32>,
        %parallel_loop3A_328 = arith.index_cast %parallel_loop3A_75 : i32 to index
        %parallel_loop3A_329 = arith.constant 336 : index
        %parallel_loop3A_330 = tpu.vector_load %arg7[%parallel_loop3A_328, %parallel_loop3A_329] {strides = array<i32>} : memref<16x2048xf32, #tpu.memory_space<vmem>>, vector<1x16xf32>,
        %parallel_loop3A_331 = vector.shape_cast %parallel_loop3A_330 : vector<1x16xf32> to vector<16xf32>
        %parallel_loop3A_332 = arith.constant 45.2548332 : f32
        %parallel_loop3A_333 = vector.broadcast %parallel_loop3A_332 : f32 to vector<16xf32>
        %parallel_loop3A_334 = arith.mulf %parallel_loop3A_331, %parallel_loop3A_333 : vector<16xf32>
        %parallel_loop3A_335 = arith.index_cast %parallel_loop3A_75 : i32 to index
        %parallel_loop3A_336 = arith.constant 336 : index
        %parallel_loop3A_337 = tpu.vector_load %arg7[%parallel_loop3A_335, %parallel_loop3A_336] {strides = array<i32>} : memref<16x2048xf32, #tpu.memory_space<vmem>>, vector<1x16xf32>,
        %parallel_loop3A_338 = vector.shape_cast %parallel_loop3A_337 : vector<1x16xf32> to vector<16xf32>
        %parallel_loop3A_339 = vector.shape_cast %parallel_loop3A_334 : vector<16xf32> to vector<1x16xf32>
        tpu.vector_store %arg7[%parallel_loop3A_335, %parallel_loop3A_336], %parallel_loop3A_339 {strides = array<i32>} : memref<16x2048xf32, #tpu.memory_space<vmem>>, vector<1x16xf32>,
        %parallel_loop3A_340 = arith.index_cast %parallel_loop3A_75 : i32 to index
        %parallel_loop3A_341 = arith.constant 352 : index
        %parallel_loop3A_342 = tpu.vector_load %arg7[%parallel_loop3A_340, %parallel_loop3A_341] {strides = array<i32>} : memref<16x2048xf32, #tpu.memory_space<vmem>>, vector<1x16xf32>,
        %parallel_loop3A_343 = vector.shape_cast %parallel_loop3A_342 : vector<1x16xf32> to vector<16xf32>
        %parallel_loop3A_344 = arith.constant 45.2548332 : f32
        %parallel_loop3A_345 = vector.broadcast %parallel_loop3A_344 : f32 to vector<16xf32>
        %parallel_loop3A_346 = arith.mulf %parallel_loop3A_343, %parallel_loop3A_345 : vector<16xf32>
        %parallel_loop3A_347 = arith.index_cast %parallel_loop3A_75 : i32 to index
        %parallel_loop3A_348 = arith.constant 352 : index
        %parallel_loop3A_349 = tpu.vector_load %arg7[%parallel_loop3A_347, %parallel_loop3A_348] {strides = array<i32>} : memref<16x2048xf32, #tpu.memory_space<vmem>>, vector<1x16xf32>,
        %parallel_loop3A_350 = vector.shape_cast %parallel_loop3A_349 : vector<1x16xf32> to vector<16xf32>
        %parallel_loop3A_351 = vector.shape_cast %parallel_loop3A_346 : vector<16xf32> to vector<1x16xf32>
        tpu.vector_store %arg7[%parallel_loop3A_347, %parallel_loop3A_348], %parallel_loop3A_351 {strides = array<i32>} : memref<16x2048xf32, #tpu.memory_space<vmem>>, vector<1x16xf32>,
        %parallel_loop3A_352 = arith.index_cast %parallel_loop3A_75 : i32 to index
        %parallel_loop3A_353 = arith.constant 368 : index
        %parallel_loop3A_354 = tpu.vector_load %arg7[%parallel_loop3A_352, %parallel_loop3A_353] {strides = array<i32>} : memref<16x2048xf32, #tpu.memory_space<vmem>>, vector<1x16xf32>,
        %parallel_loop3A_355 = vector.shape_cast %parallel_loop3A_354 : vector<1x16xf32> to vector<16xf32>
        %parallel_loop3A_356 = arith.constant 45.2548332 : f32
        %parallel_loop3A_357 = vector.broadcast %parallel_loop3A_356 : f32 to vector<16xf32>
        %parallel_loop3A_358 = arith.mulf %parallel_loop3A_355, %parallel_loop3A_357 : vector<16xf32>
        %parallel_loop3A_359 = arith.index_cast %parallel_loop3A_75 : i32 to index
        %parallel_loop3A_360 = arith.constant 368 : index
        %parallel_loop3A_361 = tpu.vector_load %arg7[%parallel_loop3A_359, %parallel_loop3A_360] {strides = array<i32>} : memref<16x2048xf32, #tpu.memory_space<vmem>>, vector<1x16xf32>,
        %parallel_loop3A_362 = vector.shape_cast %parallel_loop3A_361 : vector<1x16xf32> to vector<16xf32>
        %parallel_loop3A_363 = vector.shape_cast %parallel_loop3A_358 : vector<16xf32> to vector<1x16xf32>
        tpu.vector_store %arg7[%parallel_loop3A_359, %parallel_loop3A_360], %parallel_loop3A_363 {strides = array<i32>} : memref<16x2048xf32, #tpu.memory_space<vmem>>, vector<1x16xf32>,
        %parallel_loop3A_364 = arith.index_cast %parallel_loop3A_75 : i32 to index
        %parallel_loop3A_365 = arith.constant 384 : index
        %parallel_loop3A_366 = tpu.vector_load %arg7[%parallel_loop3A_364, %parallel_loop3A_365] {strides = array<i32>} : memref<16x2048xf32, #tpu.memory_space<vmem>>, vector<1x16xf32>,
        %parallel_loop3A_367 = vector.shape_cast %parallel_loop3A_366 : vector<1x16xf32> to vector<16xf32>
        %parallel_loop3A_368 = arith.constant 45.2548332 : f32
        %parallel_loop3A_369 = vector.broadcast %parallel_loop3A_368 : f32 to vector<16xf32>
        %parallel_loop3A_370 = arith.mulf %parallel_loop3A_367, %parallel_loop3A_369 : vector<16xf32>
        %parallel_loop3A_371 = arith.index_cast %parallel_loop3A_75 : i32 to index
        %parallel_loop3A_372 = arith.constant 384 : index
        %parallel_loop3A_373 = tpu.vector_load %arg7[%parallel_loop3A_371, %parallel_loop3A_372] {strides = array<i32>} : memref<16x2048xf32, #tpu.memory_space<vmem>>, vector<1x16xf32>,
        %parallel_loop3A_374 = vector.shape_cast %parallel_loop3A_373 : vector<1x16xf32> to vector<16xf32>
        %parallel_loop3A_375 = vector.shape_cast %parallel_loop3A_370 : vector<16xf32> to vector<1x16xf32>
        tpu.vector_store %arg7[%parallel_loop3A_371, %parallel_loop3A_372], %parallel_loop3A_375 {strides = array<i32>} : memref<16x2048xf32, #tpu.memory_space<vmem>>, vector<1x16xf32>,
        %parallel_loop3A_376 = arith.index_cast %parallel_loop3A_75 : i32 to index
        %parallel_loop3A_377 = arith.constant 400 : index
        %parallel_loop3A_378 = tpu.vector_load %arg7[%parallel_loop3A_376, %parallel_loop3A_377] {strides = array<i32>} : memref<16x2048xf32, #tpu.memory_space<vmem>>, vector<1x16xf32>,
        %parallel_loop3A_379 = vector.shape_cast %parallel_loop3A_378 : vector<1x16xf32> to vector<16xf32>
        %parallel_loop3A_380 = arith.constant 45.2548332 : f32
        %parallel_loop3A_381 = vector.broadcast %parallel_loop3A_380 : f32 to vector<16xf32>
        %parallel_loop3A_382 = arith.mulf %parallel_loop3A_379, %parallel_loop3A_381 : vector<16xf32>
        %parallel_loop3A_383 = arith.index_cast %parallel_loop3A_75 : i32 to index
        %parallel_loop3A_384 = arith.constant 400 : index
        %parallel_loop3A_385 = tpu.vector_load %arg7[%parallel_loop3A_383, %parallel_loop3A_384] {strides = array<i32>} : memref<16x2048xf32, #tpu.memory_space<vmem>>, vector<1x16xf32>,
        %parallel_loop3A_386 = vector.shape_cast %parallel_loop3A_385 : vector<1x16xf32> to vector<16xf32>
        %parallel_loop3A_387 = vector.shape_cast %parallel_loop3A_382 : vector<16xf32> to vector<1x16xf32>
        tpu.vector_store %arg7[%parallel_loop3A_383, %parallel_loop3A_384], %parallel_loop3A_387 {strides = array<i32>} : memref<16x2048xf32, #tpu.memory_space<vmem>>, vector<1x16xf32>,
        %parallel_loop3A_388 = arith.index_cast %parallel_loop3A_75 : i32 to index
        %parallel_loop3A_389 = arith.constant 416 : index
        %parallel_loop3A_390 = tpu.vector_load %arg7[%parallel_loop3A_388, %parallel_loop3A_389] {strides = array<i32>} : memref<16x2048xf32, #tpu.memory_space<vmem>>, vector<1x16xf32>,
        %parallel_loop3A_391 = vector.shape_cast %parallel_loop3A_390 : vector<1x16xf32> to vector<16xf32>
        %parallel_loop3A_392 = arith.constant 45.2548332 : f32
        %parallel_loop3A_393 = vector.broadcast %parallel_loop3A_392 : f32 to vector<16xf32>
        %parallel_loop3A_394 = arith.mulf %parallel_loop3A_391, %parallel_loop3A_393 : vector<16xf32>
        %parallel_loop3A_395 = arith.index_cast %parallel_loop3A_75 : i32 to index
        %parallel_loop3A_396 = arith.constant 416 : index
        %parallel_loop3A_397 = tpu.vector_load %arg7[%parallel_loop3A_395, %parallel_loop3A_396] {strides = array<i32>} : memref<16x2048xf32, #tpu.memory_space<vmem>>, vector<1x16xf32>,
        %parallel_loop3A_398 = vector.shape_cast %parallel_loop3A_397 : vector<1x16xf32> to vector<16xf32>
        %parallel_loop3A_399 = vector.shape_cast %parallel_loop3A_394 : vector<16xf32> to vector<1x16xf32>
        tpu.vector_store %arg7[%parallel_loop3A_395, %parallel_loop3A_396], %parallel_loop3A_399 {strides = array<i32>} : memref<16x2048xf32, #tpu.memory_space<vmem>>, vector<1x16xf32>,
        %parallel_loop3A_400 = arith.index_cast %parallel_loop3A_75 : i32 to index
        %parallel_loop3A_401 = arith.constant 432 : index
        %parallel_loop3A_402 = tpu.vector_load %arg7[%parallel_loop3A_400, %parallel_loop3A_401] {strides = array<i32>} : memref<16x2048xf32, #tpu.memory_space<vmem>>, vector<1x16xf32>,
        %parallel_loop3A_403 = vector.shape_cast %parallel_loop3A_402 : vector<1x16xf32> to vector<16xf32>
        %parallel_loop3A_404 = arith.constant 45.2548332 : f32
        %parallel_loop3A_405 = vector.broadcast %parallel_loop3A_404 : f32 to vector<16xf32>
        %parallel_loop3A_406 = arith.mulf %parallel_loop3A_403, %parallel_loop3A_405 : vector<16xf32>
        %parallel_loop3A_407 = arith.index_cast %parallel_loop3A_75 : i32 to index
        %parallel_loop3A_408 = arith.constant 432 : index
        %parallel_loop3A_409 = tpu.vector_load %arg7[%parallel_loop3A_407, %parallel_loop3A_408] {strides = array<i32>} : memref<16x2048xf32, #tpu.memory_space<vmem>>, vector<1x16xf32>,
        %parallel_loop3A_410 = vector.shape_cast %parallel_loop3A_409 : vector<1x16xf32> to vector<16xf32>
        %parallel_loop3A_411 = vector.shape_cast %parallel_loop3A_406 : vector<16xf32> to vector<1x16xf32>
        tpu.vector_store %arg7[%parallel_loop3A_407, %parallel_loop3A_408], %parallel_loop3A_411 {strides = array<i32>} : memref<16x2048xf32, #tpu.memory_space<vmem>>, vector<1x16xf32>,
        %parallel_loop3A_412 = arith.index_cast %parallel_loop3A_75 : i32 to index
        %parallel_loop3A_413 = arith.constant 448 : index
        %parallel_loop3A_414 = tpu.vector_load %arg7[%parallel_loop3A_412, %parallel_loop3A_413] {strides = array<i32>} : memref<16x2048xf32, #tpu.memory_space<vmem>>, vector<1x16xf32>,
        %parallel_loop3A_415 = vector.shape_cast %parallel_loop3A_414 : vector<1x16xf32> to vector<16xf32>
        %parallel_loop3A_416 = arith.constant 45.2548332 : f32
        %parallel_loop3A_417 = vector.broadcast %parallel_loop3A_416 : f32 to vector<16xf32>
        %parallel_loop3A_418 = arith.mulf %parallel_loop3A_415, %parallel_loop3A_417 : vector<16xf32>
        %parallel_loop3A_419 = arith.index_cast %parallel_loop3A_75 : i32 to index
        %parallel_loop3A_420 = arith.constant 448 : index
        %parallel_loop3A_421 = tpu.vector_load %arg7[%parallel_loop3A_419, %parallel_loop3A_420] {strides = array<i32>} : memref<16x2048xf32, #tpu.memory_space<vmem>>, vector<1x16xf32>,
        %parallel_loop3A_422 = vector.shape_cast %parallel_loop3A_421 : vector<1x16xf32> to vector<16xf32>
        %parallel_loop3A_423 = vector.shape_cast %parallel_loop3A_418 : vector<16xf32> to vector<1x16xf32>
        tpu.vector_store %arg7[%parallel_loop3A_419, %parallel_loop3A_420], %parallel_loop3A_423 {strides = array<i32>} : memref<16x2048xf32, #tpu.memory_space<vmem>>, vector<1x16xf32>,
        %parallel_loop3A_424 = arith.index_cast %parallel_loop3A_75 : i32 to index
        %parallel_loop3A_425 = arith.constant 464 : index
        %parallel_loop3A_426 = tpu.vector_load %arg7[%parallel_loop3A_424, %parallel_loop3A_425] {strides = array<i32>} : memref<16x2048xf32, #tpu.memory_space<vmem>>, vector<1x16xf32>,
        %parallel_loop3A_427 = vector.shape_cast %parallel_loop3A_426 : vector<1x16xf32> to vector<16xf32>
        %parallel_loop3A_428 = arith.constant 45.2548332 : f32
        %parallel_loop3A_429 = vector.broadcast %parallel_loop3A_428 : f32 to vector<16xf32>
        %parallel_loop3A_430 = arith.mulf %parallel_loop3A_427, %parallel_loop3A_429 : vector<16xf32>
        %parallel_loop3A_431 = arith.index_cast %parallel_loop3A_75 : i32 to index
        %parallel_loop3A_432 = arith.constant 464 : index
        %parallel_loop3A_433 = tpu.vector_load %arg7[%parallel_loop3A_431, %parallel_loop3A_432] {strides = array<i32>} : memref<16x2048xf32, #tpu.memory_space<vmem>>, vector<1x16xf32>,
        %parallel_loop3A_434 = vector.shape_cast %parallel_loop3A_433 : vector<1x16xf32> to vector<16xf32>
        %parallel_loop3A_435 = vector.shape_cast %parallel_loop3A_430 : vector<16xf32> to vector<1x16xf32>
        tpu.vector_store %arg7[%parallel_loop3A_431, %parallel_loop3A_432], %parallel_loop3A_435 {strides = array<i32>} : memref<16x2048xf32, #tpu.memory_space<vmem>>, vector<1x16xf32>,
        %parallel_loop3A_436 = arith.index_cast %parallel_loop3A_75 : i32 to index
        %parallel_loop3A_437 = arith.constant 480 : index
        %parallel_loop3A_438 = tpu.vector_load %arg7[%parallel_loop3A_436, %parallel_loop3A_437] {strides = array<i32>} : memref<16x2048xf32, #tpu.memory_space<vmem>>, vector<1x16xf32>,
        %parallel_loop3A_439 = vector.shape_cast %parallel_loop3A_438 : vector<1x16xf32> to vector<16xf32>
        %parallel_loop3A_440 = arith.constant 45.2548332 : f32
        %parallel_loop3A_441 = vector.broadcast %parallel_loop3A_440 : f32 to vector<16xf32>
        %parallel_loop3A_442 = arith.mulf %parallel_loop3A_439, %parallel_loop3A_441 : vector<16xf32>
        %parallel_loop3A_443 = arith.index_cast %parallel_loop3A_75 : i32 to index
        %parallel_loop3A_444 = arith.constant 480 : index
        %parallel_loop3A_445 = tpu.vector_load %arg7[%parallel_loop3A_443, %parallel_loop3A_444] {strides = array<i32>} : memref<16x2048xf32, #tpu.memory_space<vmem>>, vector<1x16xf32>,
        %parallel_loop3A_446 = vector.shape_cast %parallel_loop3A_445 : vector<1x16xf32> to vector<16xf32>
        %parallel_loop3A_447 = vector.shape_cast %parallel_loop3A_442 : vector<16xf32> to vector<1x16xf32>
        tpu.vector_store %arg7[%parallel_loop3A_443, %parallel_loop3A_444], %parallel_loop3A_447 {strides = array<i32>} : memref<16x2048xf32, #tpu.memory_space<vmem>>, vector<1x16xf32>,
        %parallel_loop3A_448 = arith.index_cast %parallel_loop3A_75 : i32 to index
        %parallel_loop3A_449 = arith.constant 496 : index
        %parallel_loop3A_450 = tpu.vector_load %arg7[%parallel_loop3A_448, %parallel_loop3A_449] {strides = array<i32>} : memref<16x2048xf32, #tpu.memory_space<vmem>>, vector<1x16xf32>,
        %parallel_loop3A_451 = vector.shape_cast %parallel_loop3A_450 : vector<1x16xf32> to vector<16xf32>
        %parallel_loop3A_452 = arith.constant 45.2548332 : f32
        %parallel_loop3A_453 = vector.broadcast %parallel_loop3A_452 : f32 to vector<16xf32>
        %parallel_loop3A_454 = arith.mulf %parallel_loop3A_451, %parallel_loop3A_453 : vector<16xf32>
        %parallel_loop3A_455 = arith.index_cast %parallel_loop3A_75 : i32 to index
        %parallel_loop3A_456 = arith.constant 496 : index
        %parallel_loop3A_457 = tpu.vector_load %arg7[%parallel_loop3A_455, %parallel_loop3A_456] {strides = array<i32>} : memref<16x2048xf32, #tpu.memory_space<vmem>>, vector<1x16xf32>,
        %parallel_loop3A_458 = vector.shape_cast %parallel_loop3A_457 : vector<1x16xf32> to vector<16xf32>
        %parallel_loop3A_459 = vector.shape_cast %parallel_loop3A_454 : vector<16xf32> to vector<1x16xf32>
        tpu.vector_store %arg7[%parallel_loop3A_455, %parallel_loop3A_456], %parallel_loop3A_459 {strides = array<i32>} : memref<16x2048xf32, #tpu.memory_space<vmem>>, vector<1x16xf32>,
        %parallel_loop3A_460 = arith.index_cast %parallel_loop3A_75 : i32 to index
        %parallel_loop3A_461 = arith.constant 512 : index
        %parallel_loop3A_462 = tpu.vector_load %arg7[%parallel_loop3A_460, %parallel_loop3A_461] {strides = array<i32>} : memref<16x2048xf32, #tpu.memory_space<vmem>>, vector<1x16xf32>,
        %parallel_loop3A_463 = vector.shape_cast %parallel_loop3A_462 : vector<1x16xf32> to vector<16xf32>
        %parallel_loop3A_464 = arith.constant 45.2548332 : f32
        %parallel_loop3A_465 = vector.broadcast %parallel_loop3A_464 : f32 to vector<16xf32>
        %parallel_loop3A_466 = arith.mulf %parallel_loop3A_463, %parallel_loop3A_465 : vector<16xf32>
        %parallel_loop3A_467 = arith.index_cast %parallel_loop3A_75 : i32 to index
        %parallel_loop3A_468 = arith.constant 512 : index
        %parallel_loop3A_469 = tpu.vector_load %arg7[%parallel_loop3A_467, %parallel_loop3A_468] {strides = array<i32>} : memref<16x2048xf32, #tpu.memory_space<vmem>>, vector<1x16xf32>,
        %parallel_loop3A_470 = vector.shape_cast %parallel_loop3A_469 : vector<1x16xf32> to vector<16xf32>
        %parallel_loop3A_471 = vector.shape_cast %parallel_loop3A_466 : vector<16xf32> to vector<1x16xf32>
        tpu.vector_store %arg7[%parallel_loop3A_467, %parallel_loop3A_468], %parallel_loop3A_471 {strides = array<i32>} : memref<16x2048xf32, #tpu.memory_space<vmem>>, vector<1x16xf32>,
        %parallel_loop3A_472 = arith.index_cast %parallel_loop3A_75 : i32 to index
        %parallel_loop3A_473 = arith.constant 528 : index
        %parallel_loop3A_474 = tpu.vector_load %arg7[%parallel_loop3A_472, %parallel_loop3A_473] {strides = array<i32>} : memref<16x2048xf32, #tpu.memory_space<vmem>>, vector<1x16xf32>,
        %parallel_loop3A_475 = vector.shape_cast %parallel_loop3A_474 : vector<1x16xf32> to vector<16xf32>
        %parallel_loop3A_476 = arith.constant 45.2548332 : f32
        %parallel_loop3A_477 = vector.broadcast %parallel_loop3A_476 : f32 to vector<16xf32>
        %parallel_loop3A_478 = arith.mulf %parallel_loop3A_475, %parallel_loop3A_477 : vector<16xf32>
        %parallel_loop3A_479 = arith.index_cast %parallel_loop3A_75 : i32 to index
        %parallel_loop3A_480 = arith.constant 528 : index
        %parallel_loop3A_481 = tpu.vector_load %arg7[%parallel_loop3A_479, %parallel_loop3A_480] {strides = array<i32>} : memref<16x2048xf32, #tpu.memory_space<vmem>>, vector<1x16xf32>,
        %parallel_loop3A_482 = vector.shape_cast %parallel_loop3A_481 : vector<1x16xf32> to vector<16xf32>
        %parallel_loop3A_483 = vector.shape_cast %parallel_loop3A_478 : vector<16xf32> to vector<1x16xf32>
        tpu.vector_store %arg7[%parallel_loop3A_479, %parallel_loop3A_480], %parallel_loop3A_483 {strides = array<i32>} : memref<16x2048xf32, #tpu.memory_space<vmem>>, vector<1x16xf32>,
        %parallel_loop3A_484 = arith.index_cast %parallel_loop3A_75 : i32 to index
        %parallel_loop3A_485 = arith.constant 544 : index
        %parallel_loop3A_486 = tpu.vector_load %arg7[%parallel_loop3A_484, %parallel_loop3A_485] {strides = array<i32>} : memref<16x2048xf32, #tpu.memory_space<vmem>>, vector<1x16xf32>,
        %parallel_loop3A_487 = vector.shape_cast %parallel_loop3A_486 : vector<1x16xf32> to vector<16xf32>
        %parallel_loop3A_488 = arith.constant 45.2548332 : f32
        %parallel_loop3A_489 = vector.broadcast %parallel_loop3A_488 : f32 to vector<16xf32>
        %parallel_loop3A_490 = arith.mulf %parallel_loop3A_487, %parallel_loop3A_489 : vector<16xf32>
        %parallel_loop3A_491 = arith.index_cast %parallel_loop3A_75 : i32 to index
        %parallel_loop3A_492 = arith.constant 544 : index
        %parallel_loop3A_493 = tpu.vector_load %arg7[%parallel_loop3A_491, %parallel_loop3A_492] {strides = array<i32>} : memref<16x2048xf32, #tpu.memory_space<vmem>>, vector<1x16xf32>,
        %parallel_loop3A_494 = vector.shape_cast %parallel_loop3A_493 : vector<1x16xf32> to vector<16xf32>
        %parallel_loop3A_495 = vector.shape_cast %parallel_loop3A_490 : vector<16xf32> to vector<1x16xf32>
        tpu.vector_store %arg7[%parallel_loop3A_491, %parallel_loop3A_492], %parallel_loop3A_495 {strides = array<i32>} : memref<16x2048xf32, #tpu.memory_space<vmem>>, vector<1x16xf32>,
        %parallel_loop3A_496 = arith.index_cast %parallel_loop3A_75 : i32 to index
        %parallel_loop3A_497 = arith.constant 560 : index
        %parallel_loop3A_498 = tpu.vector_load %arg7[%parallel_loop3A_496, %parallel_loop3A_497] {strides = array<i32>} : memref<16x2048xf32, #tpu.memory_space<vmem>>, vector<1x16xf32>,
        %parallel_loop3A_499 = vector.shape_cast %parallel_loop3A_498 : vector<1x16xf32> to vector<16xf32>
        %parallel_loop3A_500 = arith.constant 45.2548332 : f32
        %parallel_loop3A_501 = vector.broadcast %parallel_loop3A_500 : f32 to vector<16xf32>
        %parallel_loop3A_502 = arith.mulf %parallel_loop3A_499, %parallel_loop3A_501 : vector<16xf32>
        %parallel_loop3A_503 = arith.index_cast %parallel_loop3A_75 : i32 to index
        %parallel_loop3A_504 = arith.constant 560 : index
        %parallel_loop3A_505 = tpu.vector_load %arg7[%parallel_loop3A_503, %parallel_loop3A_504] {strides = array<i32>} : memref<16x2048xf32, #tpu.memory_space<vmem>>, vector<1x16xf32>,
        %parallel_loop3A_506 = vector.shape_cast %parallel_loop3A_505 : vector<1x16xf32> to vector<16xf32>
        %parallel_loop3A_507 = vector.shape_cast %parallel_loop3A_502 : vector<16xf32> to vector<1x16xf32>
        tpu.vector_store %arg7[%parallel_loop3A_503, %parallel_loop3A_504], %parallel_loop3A_507 {strides = array<i32>} : memref<16x2048xf32, #tpu.memory_space<vmem>>, vector<1x16xf32>,
        %parallel_loop3A_508 = arith.index_cast %parallel_loop3A_75 : i32 to index
        %parallel_loop3A_509 = arith.constant 576 : index
        %parallel_loop3A_510 = tpu.vector_load %arg7[%parallel_loop3A_508, %parallel_loop3A_509] {strides = array<i32>} : memref<16x2048xf32, #tpu.memory_space<vmem>>, vector<1x16xf32>,
        %parallel_loop3A_511 = vector.shape_cast %parallel_loop3A_510 : vector<1x16xf32> to vector<16xf32>
        %parallel_loop3A_512 = arith.constant 45.2548332 : f32
        %parallel_loop3A_513 = vector.broadcast %parallel_loop3A_512 : f32 to vector<16xf32>
        %parallel_loop3A_514 = arith.mulf %parallel_loop3A_511, %parallel_loop3A_513 : vector<16xf32>
        %parallel_loop3A_515 = arith.index_cast %parallel_loop3A_75 : i32 to index
        %parallel_loop3A_516 = arith.constant 576 : index
        %parallel_loop3A_517 = tpu.vector_load %arg7[%parallel_loop3A_515, %parallel_loop3A_516] {strides = array<i32>} : memref<16x2048xf32, #tpu.memory_space<vmem>>, vector<1x16xf32>,
        %parallel_loop3A_518 = vector.shape_cast %parallel_loop3A_517 : vector<1x16xf32> to vector<16xf32>
        %parallel_loop3A_519 = vector.shape_cast %parallel_loop3A_514 : vector<16xf32> to vector<1x16xf32>
        tpu.vector_store %arg7[%parallel_loop3A_515, %parallel_loop3A_516], %parallel_loop3A_519 {strides = array<i32>} : memref<16x2048xf32, #tpu.memory_space<vmem>>, vector<1x16xf32>,
        %parallel_loop3A_520 = arith.index_cast %parallel_loop3A_75 : i32 to index
        %parallel_loop3A_521 = arith.constant 592 : index
        %parallel_loop3A_522 = tpu.vector_load %arg7[%parallel_loop3A_520, %parallel_loop3A_521] {strides = array<i32>} : memref<16x2048xf32, #tpu.memory_space<vmem>>, vector<1x16xf32>,
        %parallel_loop3A_523 = vector.shape_cast %parallel_loop3A_522 : vector<1x16xf32> to vector<16xf32>
        %parallel_loop3A_524 = arith.constant 45.2548332 : f32
        %parallel_loop3A_525 = vector.broadcast %parallel_loop3A_524 : f32 to vector<16xf32>
        %parallel_loop3A_526 = arith.mulf %parallel_loop3A_523, %parallel_loop3A_525 : vector<16xf32>
        %parallel_loop3A_527 = arith.index_cast %parallel_loop3A_75 : i32 to index
        %parallel_loop3A_528 = arith.constant 592 : index
        %parallel_loop3A_529 = tpu.vector_load %arg7[%parallel_loop3A_527, %parallel_loop3A_528] {strides = array<i32>} : memref<16x2048xf32, #tpu.memory_space<vmem>>, vector<1x16xf32>,
        %parallel_loop3A_530 = vector.shape_cast %parallel_loop3A_529 : vector<1x16xf32> to vector<16xf32>
        %parallel_loop3A_531 = vector.shape_cast %parallel_loop3A_526 : vector<16xf32> to vector<1x16xf32>
        tpu.vector_store %arg7[%parallel_loop3A_527, %parallel_loop3A_528], %parallel_loop3A_531 {strides = array<i32>} : memref<16x2048xf32, #tpu.memory_space<vmem>>, vector<1x16xf32>,
        %parallel_loop3A_532 = arith.index_cast %parallel_loop3A_75 : i32 to index
        %parallel_loop3A_533 = arith.constant 608 : index
        %parallel_loop3A_534 = tpu.vector_load %arg7[%parallel_loop3A_532, %parallel_loop3A_533] {strides = array<i32>} : memref<16x2048xf32, #tpu.memory_space<vmem>>, vector<1x16xf32>,
        %parallel_loop3A_535 = vector.shape_cast %parallel_loop3A_534 : vector<1x16xf32> to vector<16xf32>
        %parallel_loop3A_536 = arith.constant 45.2548332 : f32
        %parallel_loop3A_537 = vector.broadcast %parallel_loop3A_536 : f32 to vector<16xf32>
        %parallel_loop3A_538 = arith.mulf %parallel_loop3A_535, %parallel_loop3A_537 : vector<16xf32>
        %parallel_loop3A_539 = arith.index_cast %parallel_loop3A_75 : i32 to index
        %parallel_loop3A_540 = arith.constant 608 : index
        %parallel_loop3A_541 = tpu.vector_load %arg7[%parallel_loop3A_539, %parallel_loop3A_540] {strides = array<i32>} : memref<16x2048xf32, #tpu.memory_space<vmem>>, vector<1x16xf32>,
        %parallel_loop3A_542 = vector.shape_cast %parallel_loop3A_541 : vector<1x16xf32> to vector<16xf32>
        %parallel_loop3A_543 = vector.shape_cast %parallel_loop3A_538 : vector<16xf32> to vector<1x16xf32>
        tpu.vector_store %arg7[%parallel_loop3A_539, %parallel_loop3A_540], %parallel_loop3A_543 {strides = array<i32>} : memref<16x2048xf32, #tpu.memory_space<vmem>>, vector<1x16xf32>,
        %parallel_loop3A_544 = arith.index_cast %parallel_loop3A_75 : i32 to index
        %parallel_loop3A_545 = arith.constant 624 : index
        %parallel_loop3A_546 = tpu.vector_load %arg7[%parallel_loop3A_544, %parallel_loop3A_545] {strides = array<i32>} : memref<16x2048xf32, #tpu.memory_space<vmem>>, vector<1x16xf32>,
        %parallel_loop3A_547 = vector.shape_cast %parallel_loop3A_546 : vector<1x16xf32> to vector<16xf32>
        %parallel_loop3A_548 = arith.constant 45.2548332 : f32
        %parallel_loop3A_549 = vector.broadcast %parallel_loop3A_548 : f32 to vector<16xf32>
        %parallel_loop3A_550 = arith.mulf %parallel_loop3A_547, %parallel_loop3A_549 : vector<16xf32>
        %parallel_loop3A_551 = arith.index_cast %parallel_loop3A_75 : i32 to index
        %parallel_loop3A_552 = arith.constant 624 : index
        %parallel_loop3A_553 = tpu.vector_load %arg7[%parallel_loop3A_551, %parallel_loop3A_552] {strides = array<i32>} : memref<16x2048xf32, #tpu.memory_space<vmem>>, vector<1x16xf32>,
        %parallel_loop3A_554 = vector.shape_cast %parallel_loop3A_553 : vector<1x16xf32> to vector<16xf32>
        %parallel_loop3A_555 = vector.shape_cast %parallel_loop3A_550 : vector<16xf32> to vector<1x16xf32>
        tpu.vector_store %arg7[%parallel_loop3A_551, %parallel_loop3A_552], %parallel_loop3A_555 {strides = array<i32>} : memref<16x2048xf32, #tpu.memory_space<vmem>>, vector<1x16xf32>,
        %parallel_loop3A_556 = arith.index_cast %parallel_loop3A_75 : i32 to index
        %parallel_loop3A_557 = arith.constant 640 : index
        %parallel_loop3A_558 = tpu.vector_load %arg7[%parallel_loop3A_556, %parallel_loop3A_557] {strides = array<i32>} : memref<16x2048xf32, #tpu.memory_space<vmem>>, vector<1x16xf32>,
        %parallel_loop3A_559 = vector.shape_cast %parallel_loop3A_558 : vector<1x16xf32> to vector<16xf32>
        %parallel_loop3A_560 = arith.constant 45.2548332 : f32
        %parallel_loop3A_561 = vector.broadcast %parallel_loop3A_560 : f32 to vector<16xf32>
        %parallel_loop3A_562 = arith.mulf %parallel_loop3A_559, %parallel_loop3A_561 : vector<16xf32>
        %parallel_loop3A_563 = arith.index_cast %parallel_loop3A_75 : i32 to index
        %parallel_loop3A_564 = arith.constant 640 : index
        %parallel_loop3A_565 = tpu.vector_load %arg7[%parallel_loop3A_563, %parallel_loop3A_564] {strides = array<i32>} : memref<16x2048xf32, #tpu.memory_space<vmem>>, vector<1x16xf32>,
        %parallel_loop3A_566 = vector.shape_cast %parallel_loop3A_565 : vector<1x16xf32> to vector<16xf32>
        %parallel_loop3A_567 = vector.shape_cast %parallel_loop3A_562 : vector<16xf32> to vector<1x16xf32>
        tpu.vector_store %arg7[%parallel_loop3A_563, %parallel_loop3A_564], %parallel_loop3A_567 {strides = array<i32>} : memref<16x2048xf32, #tpu.memory_space<vmem>>, vector<1x16xf32>,
        %parallel_loop3A_568 = arith.index_cast %parallel_loop3A_75 : i32 to index
        %parallel_loop3A_569 = arith.constant 656 : index
        %parallel_loop3A_570 = tpu.vector_load %arg7[%parallel_loop3A_568, %parallel_loop3A_569] {strides = array<i32>} : memref<16x2048xf32, #tpu.memory_space<vmem>>, vector<1x16xf32>,
        %parallel_loop3A_571 = vector.shape_cast %parallel_loop3A_570 : vector<1x16xf32> to vector<16xf32>
        %parallel_loop3A_572 = arith.constant 45.2548332 : f32
        %parallel_loop3A_573 = vector.broadcast %parallel_loop3A_572 : f32 to vector<16xf32>
        %parallel_loop3A_574 = arith.mulf %parallel_loop3A_571, %parallel_loop3A_573 : vector<16xf32>
        %parallel_loop3A_575 = arith.index_cast %parallel_loop3A_75 : i32 to index
        %parallel_loop3A_576 = arith.constant 656 : index
        %parallel_loop3A_577 = tpu.vector_load %arg7[%parallel_loop3A_575, %parallel_loop3A_576] {strides = array<i32>} : memref<16x2048xf32, #tpu.memory_space<vmem>>, vector<1x16xf32>,
        %parallel_loop3A_578 = vector.shape_cast %parallel_loop3A_577 : vector<1x16xf32> to vector<16xf32>
        %parallel_loop3A_579 = vector.shape_cast %parallel_loop3A_574 : vector<16xf32> to vector<1x16xf32>
        tpu.vector_store %arg7[%parallel_loop3A_575, %parallel_loop3A_576], %parallel_loop3A_579 {strides = array<i32>} : memref<16x2048xf32, #tpu.memory_space<vmem>>, vector<1x16xf32>,
        %parallel_loop3A_580 = arith.index_cast %parallel_loop3A_75 : i32 to index
        %parallel_loop3A_581 = arith.constant 672 : index
        %parallel_loop3A_582 = tpu.vector_load %arg7[%parallel_loop3A_580, %parallel_loop3A_581] {strides = array<i32>} : memref<16x2048xf32, #tpu.memory_space<vmem>>, vector<1x16xf32>,
        %parallel_loop3A_583 = vector.shape_cast %parallel_loop3A_582 : vector<1x16xf32> to vector<16xf32>
        %parallel_loop3A_584 = arith.constant 45.2548332 : f32
        %parallel_loop3A_585 = vector.broadcast %parallel_loop3A_584 : f32 to vector<16xf32>
        %parallel_loop3A_586 = arith.mulf %parallel_loop3A_583, %parallel_loop3A_585 : vector<16xf32>
        %parallel_loop3A_587 = arith.index_cast %parallel_loop3A_75 : i32 to index
        %parallel_loop3A_588 = arith.constant 672 : index
        %parallel_loop3A_589 = tpu.vector_load %arg7[%parallel_loop3A_587, %parallel_loop3A_588] {strides = array<i32>} : memref<16x2048xf32, #tpu.memory_space<vmem>>, vector<1x16xf32>,
        %parallel_loop3A_590 = vector.shape_cast %parallel_loop3A_589 : vector<1x16xf32> to vector<16xf32>
        %parallel_loop3A_591 = vector.shape_cast %parallel_loop3A_586 : vector<16xf32> to vector<1x16xf32>
        tpu.vector_store %arg7[%parallel_loop3A_587, %parallel_loop3A_588], %parallel_loop3A_591 {strides = array<i32>} : memref<16x2048xf32, #tpu.memory_space<vmem>>, vector<1x16xf32>,
        %parallel_loop3A_592 = arith.index_cast %parallel_loop3A_75 : i32 to index
        %parallel_loop3A_593 = arith.constant 688 : index
        %parallel_loop3A_594 = tpu.vector_load %arg7[%parallel_loop3A_592, %parallel_loop3A_593] {strides = array<i32>} : memref<16x2048xf32, #tpu.memory_space<vmem>>, vector<1x16xf32>,
        %parallel_loop3A_595 = vector.shape_cast %parallel_loop3A_594 : vector<1x16xf32> to vector<16xf32>
        %parallel_loop3A_596 = arith.constant 45.2548332 : f32
        %parallel_loop3A_597 = vector.broadcast %parallel_loop3A_596 : f32 to vector<16xf32>
        %parallel_loop3A_598 = arith.mulf %parallel_loop3A_595, %parallel_loop3A_597 : vector<16xf32>
        %parallel_loop3A_599 = arith.index_cast %parallel_loop3A_75 : i32 to index
        %parallel_loop3A_600 = arith.constant 688 : index
        %parallel_loop3A_601 = tpu.vector_load %arg7[%parallel_loop3A_599, %parallel_loop3A_600] {strides = array<i32>} : memref<16x2048xf32, #tpu.memory_space<vmem>>, vector<1x16xf32>,
        %parallel_loop3A_602 = vector.shape_cast %parallel_loop3A_601 : vector<1x16xf32> to vector<16xf32>
        %parallel_loop3A_603 = vector.shape_cast %parallel_loop3A_598 : vector<16xf32> to vector<1x16xf32>
        tpu.vector_store %arg7[%parallel_loop3A_599, %parallel_loop3A_600], %parallel_loop3A_603 {strides = array<i32>} : memref<16x2048xf32, #tpu.memory_space<vmem>>, vector<1x16xf32>,
        %parallel_loop3A_604 = arith.index_cast %parallel_loop3A_75 : i32 to index
        %parallel_loop3A_605 = arith.constant 704 : index
        %parallel_loop3A_606 = tpu.vector_load %arg7[%parallel_loop3A_604, %parallel_loop3A_605] {strides = array<i32>} : memref<16x2048xf32, #tpu.memory_space<vmem>>, vector<1x16xf32>,
        %parallel_loop3A_607 = vector.shape_cast %parallel_loop3A_606 : vector<1x16xf32> to vector<16xf32>
        %parallel_loop3A_608 = arith.constant 45.2548332 : f32
        %parallel_loop3A_609 = vector.broadcast %parallel_loop3A_608 : f32 to vector<16xf32>
        %parallel_loop3A_610 = arith.mulf %parallel_loop3A_607, %parallel_loop3A_609 : vector<16xf32>
        %parallel_loop3A_611 = arith.index_cast %parallel_loop3A_75 : i32 to index
        %parallel_loop3A_612 = arith.constant 704 : index
        %parallel_loop3A_613 = tpu.vector_load %arg7[%parallel_loop3A_611, %parallel_loop3A_612] {strides = array<i32>} : memref<16x2048xf32, #tpu.memory_space<vmem>>, vector<1x16xf32>,
        %parallel_loop3A_614 = vector.shape_cast %parallel_loop3A_613 : vector<1x16xf32> to vector<16xf32>
        %parallel_loop3A_615 = vector.shape_cast %parallel_loop3A_610 : vector<16xf32> to vector<1x16xf32>
        tpu.vector_store %arg7[%parallel_loop3A_611, %parallel_loop3A_612], %parallel_loop3A_615 {strides = array<i32>} : memref<16x2048xf32, #tpu.memory_space<vmem>>, vector<1x16xf32>,
        %parallel_loop3A_616 = arith.index_cast %parallel_loop3A_75 : i32 to index
        %parallel_loop3A_617 = arith.constant 720 : index
        %parallel_loop3A_618 = tpu.vector_load %arg7[%parallel_loop3A_616, %parallel_loop3A_617] {strides = array<i32>} : memref<16x2048xf32, #tpu.memory_space<vmem>>, vector<1x16xf32>,
        %parallel_loop3A_619 = vector.shape_cast %parallel_loop3A_618 : vector<1x16xf32> to vector<16xf32>
        %parallel_loop3A_620 = arith.constant 45.2548332 : f32
        %parallel_loop3A_621 = vector.broadcast %parallel_loop3A_620 : f32 to vector<16xf32>
        %parallel_loop3A_622 = arith.mulf %parallel_loop3A_619, %parallel_loop3A_621 : vector<16xf32>
        %parallel_loop3A_623 = arith.index_cast %parallel_loop3A_75 : i32 to index
        %parallel_loop3A_624 = arith.constant 720 : index
        %parallel_loop3A_625 = tpu.vector_load %arg7[%parallel_loop3A_623, %parallel_loop3A_624] {strides = array<i32>} : memref<16x2048xf32, #tpu.memory_space<vmem>>, vector<1x16xf32>,
        %parallel_loop3A_626 = vector.shape_cast %parallel_loop3A_625 : vector<1x16xf32> to vector<16xf32>
        %parallel_loop3A_627 = vector.shape_cast %parallel_loop3A_622 : vector<16xf32> to vector<1x16xf32>
        tpu.vector_store %arg7[%parallel_loop3A_623, %parallel_loop3A_624], %parallel_loop3A_627 {strides = array<i32>} : memref<16x2048xf32, #tpu.memory_space<vmem>>, vector<1x16xf32>,
        %parallel_loop3A_628 = arith.index_cast %parallel_loop3A_75 : i32 to index
        %parallel_loop3A_629 = arith.constant 736 : index
        %parallel_loop3A_630 = tpu.vector_load %arg7[%parallel_loop3A_628, %parallel_loop3A_629] {strides = array<i32>} : memref<16x2048xf32, #tpu.memory_space<vmem>>, vector<1x16xf32>,
        %parallel_loop3A_631 = vector.shape_cast %parallel_loop3A_630 : vector<1x16xf32> to vector<16xf32>
        %parallel_loop3A_632 = arith.constant 45.2548332 : f32
        %parallel_loop3A_633 = vector.broadcast %parallel_loop3A_632 : f32 to vector<16xf32>
        %parallel_loop3A_634 = arith.mulf %parallel_loop3A_631, %parallel_loop3A_633 : vector<16xf32>
        %parallel_loop3A_635 = arith.index_cast %parallel_loop3A_75 : i32 to index
        %parallel_loop3A_636 = arith.constant 736 : index
        %parallel_loop3A_637 = tpu.vector_load %arg7[%parallel_loop3A_635, %parallel_loop3A_636] {strides = array<i32>} : memref<16x2048xf32, #tpu.memory_space<vmem>>, vector<1x16xf32>,
        %parallel_loop3A_638 = vector.shape_cast %parallel_loop3A_637 : vector<1x16xf32> to vector<16xf32>
        %parallel_loop3A_639 = vector.shape_cast %parallel_loop3A_634 : vector<16xf32> to vector<1x16xf32>
        tpu.vector_store %arg7[%parallel_loop3A_635, %parallel_loop3A_636], %parallel_loop3A_639 {strides = array<i32>} : memref<16x2048xf32, #tpu.memory_space<vmem>>, vector<1x16xf32>,
        %parallel_loop3A_640 = arith.index_cast %parallel_loop3A_75 : i32 to index
        %parallel_loop3A_641 = arith.constant 752 : index
        %parallel_loop3A_642 = tpu.vector_load %arg7[%parallel_loop3A_640, %parallel_loop3A_641] {strides = array<i32>} : memref<16x2048xf32, #tpu.memory_space<vmem>>, vector<1x16xf32>,
        %parallel_loop3A_643 = vector.shape_cast %parallel_loop3A_642 : vector<1x16xf32> to vector<16xf32>
        %parallel_loop3A_644 = arith.constant 45.2548332 : f32
        %parallel_loop3A_645 = vector.broadcast %parallel_loop3A_644 : f32 to vector<16xf32>
        %parallel_loop3A_646 = arith.mulf %parallel_loop3A_643, %parallel_loop3A_645 : vector<16xf32>
        %parallel_loop3A_647 = arith.index_cast %parallel_loop3A_75 : i32 to index
        %parallel_loop3A_648 = arith.constant 752 : index
        %parallel_loop3A_649 = tpu.vector_load %arg7[%parallel_loop3A_647, %parallel_loop3A_648] {strides = array<i32>} : memref<16x2048xf32, #tpu.memory_space<vmem>>, vector<1x16xf32>,
        %parallel_loop3A_650 = vector.shape_cast %parallel_loop3A_649 : vector<1x16xf32> to vector<16xf32>
        %parallel_loop3A_651 = vector.shape_cast %parallel_loop3A_646 : vector<16xf32> to vector<1x16xf32>
        tpu.vector_store %arg7[%parallel_loop3A_647, %parallel_loop3A_648], %parallel_loop3A_651 {strides = array<i32>} : memref<16x2048xf32, #tpu.memory_space<vmem>>, vector<1x16xf32>,
        %parallel_loop3A_652 = arith.index_cast %parallel_loop3A_75 : i32 to index
        %parallel_loop3A_653 = arith.constant 768 : index
        %parallel_loop3A_654 = tpu.vector_load %arg7[%parallel_loop3A_652, %parallel_loop3A_653] {strides = array<i32>} : memref<16x2048xf32, #tpu.memory_space<vmem>>, vector<1x16xf32>,
        %parallel_loop3A_655 = vector.shape_cast %parallel_loop3A_654 : vector<1x16xf32> to vector<16xf32>
        %parallel_loop3A_656 = arith.constant 45.2548332 : f32
        %parallel_loop3A_657 = vector.broadcast %parallel_loop3A_656 : f32 to vector<16xf32>
        %parallel_loop3A_658 = arith.mulf %parallel_loop3A_655, %parallel_loop3A_657 : vector<16xf32>
        %parallel_loop3A_659 = arith.index_cast %parallel_loop3A_75 : i32 to index
        %parallel_loop3A_660 = arith.constant 768 : index
        %parallel_loop3A_661 = tpu.vector_load %arg7[%parallel_loop3A_659, %parallel_loop3A_660] {strides = array<i32>} : memref<16x2048xf32, #tpu.memory_space<vmem>>, vector<1x16xf32>,
        %parallel_loop3A_662 = vector.shape_cast %parallel_loop3A_661 : vector<1x16xf32> to vector<16xf32>
        %parallel_loop3A_663 = vector.shape_cast %parallel_loop3A_658 : vector<16xf32> to vector<1x16xf32>
        tpu.vector_store %arg7[%parallel_loop3A_659, %parallel_loop3A_660], %parallel_loop3A_663 {strides = array<i32>} : memref<16x2048xf32, #tpu.memory_space<vmem>>, vector<1x16xf32>,
        %parallel_loop3A_664 = arith.index_cast %parallel_loop3A_75 : i32 to index
        %parallel_loop3A_665 = arith.constant 784 : index
        %parallel_loop3A_666 = tpu.vector_load %arg7[%parallel_loop3A_664, %parallel_loop3A_665] {strides = array<i32>} : memref<16x2048xf32, #tpu.memory_space<vmem>>, vector<1x16xf32>,
        %parallel_loop3A_667 = vector.shape_cast %parallel_loop3A_666 : vector<1x16xf32> to vector<16xf32>
        %parallel_loop3A_668 = arith.constant 45.2548332 : f32
        %parallel_loop3A_669 = vector.broadcast %parallel_loop3A_668 : f32 to vector<16xf32>
        %parallel_loop3A_670 = arith.mulf %parallel_loop3A_667, %parallel_loop3A_669 : vector<16xf32>
        %parallel_loop3A_671 = arith.index_cast %parallel_loop3A_75 : i32 to index
        %parallel_loop3A_672 = arith.constant 784 : index
        %parallel_loop3A_673 = tpu.vector_load %arg7[%parallel_loop3A_671, %parallel_loop3A_672] {strides = array<i32>} : memref<16x2048xf32, #tpu.memory_space<vmem>>, vector<1x16xf32>,
        %parallel_loop3A_674 = vector.shape_cast %parallel_loop3A_673 : vector<1x16xf32> to vector<16xf32>
        %parallel_loop3A_675 = vector.shape_cast %parallel_loop3A_670 : vector<16xf32> to vector<1x16xf32>
        tpu.vector_store %arg7[%parallel_loop3A_671, %parallel_loop3A_672], %parallel_loop3A_675 {strides = array<i32>} : memref<16x2048xf32, #tpu.memory_space<vmem>>, vector<1x16xf32>,
        %parallel_loop3A_676 = arith.index_cast %parallel_loop3A_75 : i32 to index
        %parallel_loop3A_677 = arith.constant 800 : index
        %parallel_loop3A_678 = tpu.vector_load %arg7[%parallel_loop3A_676, %parallel_loop3A_677] {strides = array<i32>} : memref<16x2048xf32, #tpu.memory_space<vmem>>, vector<1x16xf32>,
        %parallel_loop3A_679 = vector.shape_cast %parallel_loop3A_678 : vector<1x16xf32> to vector<16xf32>
        %parallel_loop3A_680 = arith.constant 45.2548332 : f32
        %parallel_loop3A_681 = vector.broadcast %parallel_loop3A_680 : f32 to vector<16xf32>
        %parallel_loop3A_682 = arith.mulf %parallel_loop3A_679, %parallel_loop3A_681 : vector<16xf32>
        %parallel_loop3A_683 = arith.index_cast %parallel_loop3A_75 : i32 to index
        %parallel_loop3A_684 = arith.constant 800 : index
        %parallel_loop3A_685 = tpu.vector_load %arg7[%parallel_loop3A_683, %parallel_loop3A_684] {strides = array<i32>} : memref<16x2048xf32, #tpu.memory_space<vmem>>, vector<1x16xf32>,
        %parallel_loop3A_686 = vector.shape_cast %parallel_loop3A_685 : vector<1x16xf32> to vector<16xf32>
        %parallel_loop3A_687 = vector.shape_cast %parallel_loop3A_682 : vector<16xf32> to vector<1x16xf32>
        tpu.vector_store %arg7[%parallel_loop3A_683, %parallel_loop3A_684], %parallel_loop3A_687 {strides = array<i32>} : memref<16x2048xf32, #tpu.memory_space<vmem>>, vector<1x16xf32>,
        %parallel_loop3A_688 = arith.index_cast %parallel_loop3A_75 : i32 to index
        %parallel_loop3A_689 = arith.constant 816 : index
        %parallel_loop3A_690 = tpu.vector_load %arg7[%parallel_loop3A_688, %parallel_loop3A_689] {strides = array<i32>} : memref<16x2048xf32, #tpu.memory_space<vmem>>, vector<1x16xf32>,
        %parallel_loop3A_691 = vector.shape_cast %parallel_loop3A_690 : vector<1x16xf32> to vector<16xf32>
        %parallel_loop3A_692 = arith.constant 45.2548332 : f32
        %parallel_loop3A_693 = vector.broadcast %parallel_loop3A_692 : f32 to vector<16xf32>
        %parallel_loop3A_694 = arith.mulf %parallel_loop3A_691, %parallel_loop3A_693 : vector<16xf32>
        %parallel_loop3A_695 = arith.index_cast %parallel_loop3A_75 : i32 to index
        %parallel_loop3A_696 = arith.constant 816 : index
        %parallel_loop3A_697 = tpu.vector_load %arg7[%parallel_loop3A_695, %parallel_loop3A_696] {strides = array<i32>} : memref<16x2048xf32, #tpu.memory_space<vmem>>, vector<1x16xf32>,
        %parallel_loop3A_698 = vector.shape_cast %parallel_loop3A_697 : vector<1x16xf32> to vector<16xf32>
        %parallel_loop3A_699 = vector.shape_cast %parallel_loop3A_694 : vector<16xf32> to vector<1x16xf32>
        tpu.vector_store %arg7[%parallel_loop3A_695, %parallel_loop3A_696], %parallel_loop3A_699 {strides = array<i32>} : memref<16x2048xf32, #tpu.memory_space<vmem>>, vector<1x16xf32>,
        %parallel_loop3A_700 = arith.index_cast %parallel_loop3A_75 : i32 to index
        %parallel_loop3A_701 = arith.constant 832 : index
        %parallel_loop3A_702 = tpu.vector_load %arg7[%parallel_loop3A_700, %parallel_loop3A_701] {strides = array<i32>} : memref<16x2048xf32, #tpu.memory_space<vmem>>, vector<1x16xf32>,
        %parallel_loop3A_703 = vector.shape_cast %parallel_loop3A_702 : vector<1x16xf32> to vector<16xf32>
        %parallel_loop3A_704 = arith.constant 45.2548332 : f32
        %parallel_loop3A_705 = vector.broadcast %parallel_loop3A_704 : f32 to vector<16xf32>
        %parallel_loop3A_706 = arith.mulf %parallel_loop3A_703, %parallel_loop3A_705 : vector<16xf32>
        %parallel_loop3A_707 = arith.index_cast %parallel_loop3A_75 : i32 to index
        %parallel_loop3A_708 = arith.constant 832 : index
        %parallel_loop3A_709 = tpu.vector_load %arg7[%parallel_loop3A_707, %parallel_loop3A_708] {strides = array<i32>} : memref<16x2048xf32, #tpu.memory_space<vmem>>, vector<1x16xf32>,
        %parallel_loop3A_710 = vector.shape_cast %parallel_loop3A_709 : vector<1x16xf32> to vector<16xf32>
        %parallel_loop3A_711 = vector.shape_cast %parallel_loop3A_706 : vector<16xf32> to vector<1x16xf32>
        tpu.vector_store %arg7[%parallel_loop3A_707, %parallel_loop3A_708], %parallel_loop3A_711 {strides = array<i32>} : memref<16x2048xf32, #tpu.memory_space<vmem>>, vector<1x16xf32>,
        %parallel_loop3A_712 = arith.index_cast %parallel_loop3A_75 : i32 to index
        %parallel_loop3A_713 = arith.constant 848 : index
        %parallel_loop3A_714 = tpu.vector_load %arg7[%parallel_loop3A_712, %parallel_loop3A_713] {strides = array<i32>} : memref<16x2048xf32, #tpu.memory_space<vmem>>, vector<1x16xf32>,
        %parallel_loop3A_715 = vector.shape_cast %parallel_loop3A_714 : vector<1x16xf32> to vector<16xf32>
        %parallel_loop3A_716 = arith.constant 45.2548332 : f32
        %parallel_loop3A_717 = vector.broadcast %parallel_loop3A_716 : f32 to vector<16xf32>
        %parallel_loop3A_718 = arith.mulf %parallel_loop3A_715, %parallel_loop3A_717 : vector<16xf32>
        %parallel_loop3A_719 = arith.index_cast %parallel_loop3A_75 : i32 to index
        %parallel_loop3A_720 = arith.constant 848 : index
        %parallel_loop3A_721 = tpu.vector_load %arg7[%parallel_loop3A_719, %parallel_loop3A_720] {strides = array<i32>} : memref<16x2048xf32, #tpu.memory_space<vmem>>, vector<1x16xf32>,
        %parallel_loop3A_722 = vector.shape_cast %parallel_loop3A_721 : vector<1x16xf32> to vector<16xf32>
        %parallel_loop3A_723 = vector.shape_cast %parallel_loop3A_718 : vector<16xf32> to vector<1x16xf32>
        tpu.vector_store %arg7[%parallel_loop3A_719, %parallel_loop3A_720], %parallel_loop3A_723 {strides = array<i32>} : memref<16x2048xf32, #tpu.memory_space<vmem>>, vector<1x16xf32>,
        %parallel_loop3A_724 = arith.index_cast %parallel_loop3A_75 : i32 to index
        %parallel_loop3A_725 = arith.constant 864 : index
        %parallel_loop3A_726 = tpu.vector_load %arg7[%parallel_loop3A_724, %parallel_loop3A_725] {strides = array<i32>} : memref<16x2048xf32, #tpu.memory_space<vmem>>, vector<1x16xf32>,
        %parallel_loop3A_727 = vector.shape_cast %parallel_loop3A_726 : vector<1x16xf32> to vector<16xf32>
        %parallel_loop3A_728 = arith.constant 45.2548332 : f32
        %parallel_loop3A_729 = vector.broadcast %parallel_loop3A_728 : f32 to vector<16xf32>
        %parallel_loop3A_730 = arith.mulf %parallel_loop3A_727, %parallel_loop3A_729 : vector<16xf32>
        %parallel_loop3A_731 = arith.index_cast %parallel_loop3A_75 : i32 to index
        %parallel_loop3A_732 = arith.constant 864 : index
        %parallel_loop3A_733 = tpu.vector_load %arg7[%parallel_loop3A_731, %parallel_loop3A_732] {strides = array<i32>} : memref<16x2048xf32, #tpu.memory_space<vmem>>, vector<1x16xf32>,
        %parallel_loop3A_734 = vector.shape_cast %parallel_loop3A_733 : vector<1x16xf32> to vector<16xf32>
        %parallel_loop3A_735 = vector.shape_cast %parallel_loop3A_730 : vector<16xf32> to vector<1x16xf32>
        tpu.vector_store %arg7[%parallel_loop3A_731, %parallel_loop3A_732], %parallel_loop3A_735 {strides = array<i32>} : memref<16x2048xf32, #tpu.memory_space<vmem>>, vector<1x16xf32>,
        %parallel_loop3A_736 = arith.index_cast %parallel_loop3A_75 : i32 to index
        %parallel_loop3A_737 = arith.constant 880 : index
        %parallel_loop3A_738 = tpu.vector_load %arg7[%parallel_loop3A_736, %parallel_loop3A_737] {strides = array<i32>} : memref<16x2048xf32, #tpu.memory_space<vmem>>, vector<1x16xf32>,
        %parallel_loop3A_739 = vector.shape_cast %parallel_loop3A_738 : vector<1x16xf32> to vector<16xf32>
        %parallel_loop3A_740 = arith.constant 45.2548332 : f32
        %parallel_loop3A_741 = vector.broadcast %parallel_loop3A_740 : f32 to vector<16xf32>
        %parallel_loop3A_742 = arith.mulf %parallel_loop3A_739, %parallel_loop3A_741 : vector<16xf32>
        %parallel_loop3A_743 = arith.index_cast %parallel_loop3A_75 : i32 to index
        %parallel_loop3A_744 = arith.constant 880 : index
        %parallel_loop3A_745 = tpu.vector_load %arg7[%parallel_loop3A_743, %parallel_loop3A_744] {strides = array<i32>} : memref<16x2048xf32, #tpu.memory_space<vmem>>, vector<1x16xf32>,
        %parallel_loop3A_746 = vector.shape_cast %parallel_loop3A_745 : vector<1x16xf32> to vector<16xf32>
        %parallel_loop3A_747 = vector.shape_cast %parallel_loop3A_742 : vector<16xf32> to vector<1x16xf32>
        tpu.vector_store %arg7[%parallel_loop3A_743, %parallel_loop3A_744], %parallel_loop3A_747 {strides = array<i32>} : memref<16x2048xf32, #tpu.memory_space<vmem>>, vector<1x16xf32>,
        %parallel_loop3A_748 = arith.index_cast %parallel_loop3A_75 : i32 to index
        %parallel_loop3A_749 = arith.constant 896 : index
        %parallel_loop3A_750 = tpu.vector_load %arg7[%parallel_loop3A_748, %parallel_loop3A_749] {strides = array<i32>} : memref<16x2048xf32, #tpu.memory_space<vmem>>, vector<1x16xf32>,
        %parallel_loop3A_751 = vector.shape_cast %parallel_loop3A_750 : vector<1x16xf32> to vector<16xf32>
        %parallel_loop3A_752 = arith.constant 45.2548332 : f32
        %parallel_loop3A_753 = vector.broadcast %parallel_loop3A_752 : f32 to vector<16xf32>
        %parallel_loop3A_754 = arith.mulf %parallel_loop3A_751, %parallel_loop3A_753 : vector<16xf32>
        %parallel_loop3A_755 = arith.index_cast %parallel_loop3A_75 : i32 to index
        %parallel_loop3A_756 = arith.constant 896 : index
        %parallel_loop3A_757 = tpu.vector_load %arg7[%parallel_loop3A_755, %parallel_loop3A_756] {strides = array<i32>} : memref<16x2048xf32, #tpu.memory_space<vmem>>, vector<1x16xf32>,
        %parallel_loop3A_758 = vector.shape_cast %parallel_loop3A_757 : vector<1x16xf32> to vector<16xf32>
        %parallel_loop3A_759 = vector.shape_cast %parallel_loop3A_754 : vector<16xf32> to vector<1x16xf32>
        tpu.vector_store %arg7[%parallel_loop3A_755, %parallel_loop3A_756], %parallel_loop3A_759 {strides = array<i32>} : memref<16x2048xf32, #tpu.memory_space<vmem>>, vector<1x16xf32>,
        %parallel_loop3A_760 = arith.index_cast %parallel_loop3A_75 : i32 to index
        %parallel_loop3A_761 = arith.constant 912 : index
        %parallel_loop3A_762 = tpu.vector_load %arg7[%parallel_loop3A_760, %parallel_loop3A_761] {strides = array<i32>} : memref<16x2048xf32, #tpu.memory_space<vmem>>, vector<1x16xf32>,
        %parallel_loop3A_763 = vector.shape_cast %parallel_loop3A_762 : vector<1x16xf32> to vector<16xf32>
        %parallel_loop3A_764 = arith.constant 45.2548332 : f32
        %parallel_loop3A_765 = vector.broadcast %parallel_loop3A_764 : f32 to vector<16xf32>
        %parallel_loop3A_766 = arith.mulf %parallel_loop3A_763, %parallel_loop3A_765 : vector<16xf32>
        %parallel_loop3A_767 = arith.index_cast %parallel_loop3A_75 : i32 to index
        %parallel_loop3A_768 = arith.constant 912 : index
        %parallel_loop3A_769 = tpu.vector_load %arg7[%parallel_loop3A_767, %parallel_loop3A_768] {strides = array<i32>} : memref<16x2048xf32, #tpu.memory_space<vmem>>, vector<1x16xf32>,
        %parallel_loop3A_770 = vector.shape_cast %parallel_loop3A_769 : vector<1x16xf32> to vector<16xf32>
        %parallel_loop3A_771 = vector.shape_cast %parallel_loop3A_766 : vector<16xf32> to vector<1x16xf32>
        tpu.vector_store %arg7[%parallel_loop3A_767, %parallel_loop3A_768], %parallel_loop3A_771 {strides = array<i32>} : memref<16x2048xf32, #tpu.memory_space<vmem>>, vector<1x16xf32>,
        %parallel_loop3A_772 = arith.index_cast %parallel_loop3A_75 : i32 to index
        %parallel_loop3A_773 = arith.constant 928 : index
        %parallel_loop3A_774 = tpu.vector_load %arg7[%parallel_loop3A_772, %parallel_loop3A_773] {strides = array<i32>} : memref<16x2048xf32, #tpu.memory_space<vmem>>, vector<1x16xf32>,
        %parallel_loop3A_775 = vector.shape_cast %parallel_loop3A_774 : vector<1x16xf32> to vector<16xf32>
        %parallel_loop3A_776 = arith.constant 45.2548332 : f32
        %parallel_loop3A_777 = vector.broadcast %parallel_loop3A_776 : f32 to vector<16xf32>
        %parallel_loop3A_778 = arith.mulf %parallel_loop3A_775, %parallel_loop3A_777 : vector<16xf32>
        %parallel_loop3A_779 = arith.index_cast %parallel_loop3A_75 : i32 to index
        %parallel_loop3A_780 = arith.constant 928 : index
        %parallel_loop3A_781 = tpu.vector_load %arg7[%parallel_loop3A_779, %parallel_loop3A_780] {strides = array<i32>} : memref<16x2048xf32, #tpu.memory_space<vmem>>, vector<1x16xf32>,
        %parallel_loop3A_782 = vector.shape_cast %parallel_loop3A_781 : vector<1x16xf32> to vector<16xf32>
        %parallel_loop3A_783 = vector.shape_cast %parallel_loop3A_778 : vector<16xf32> to vector<1x16xf32>
        tpu.vector_store %arg7[%parallel_loop3A_779, %parallel_loop3A_780], %parallel_loop3A_783 {strides = array<i32>} : memref<16x2048xf32, #tpu.memory_space<vmem>>, vector<1x16xf32>,
        %parallel_loop3A_784 = arith.index_cast %parallel_loop3A_75 : i32 to index
        %parallel_loop3A_785 = arith.constant 944 : index
        %parallel_loop3A_786 = tpu.vector_load %arg7[%parallel_loop3A_784, %parallel_loop3A_785] {strides = array<i32>} : memref<16x2048xf32, #tpu.memory_space<vmem>>, vector<1x16xf32>,
        %parallel_loop3A_787 = vector.shape_cast %parallel_loop3A_786 : vector<1x16xf32> to vector<16xf32>
        %parallel_loop3A_788 = arith.constant 45.2548332 : f32
        %parallel_loop3A_789 = vector.broadcast %parallel_loop3A_788 : f32 to vector<16xf32>
        %parallel_loop3A_790 = arith.mulf %parallel_loop3A_787, %parallel_loop3A_789 : vector<16xf32>
        %parallel_loop3A_791 = arith.index_cast %parallel_loop3A_75 : i32 to index
        %parallel_loop3A_792 = arith.constant 944 : index
        %parallel_loop3A_793 = tpu.vector_load %arg7[%parallel_loop3A_791, %parallel_loop3A_792] {strides = array<i32>} : memref<16x2048xf32, #tpu.memory_space<vmem>>, vector<1x16xf32>,
        %parallel_loop3A_794 = vector.shape_cast %parallel_loop3A_793 : vector<1x16xf32> to vector<16xf32>
        %parallel_loop3A_795 = vector.shape_cast %parallel_loop3A_790 : vector<16xf32> to vector<1x16xf32>
        tpu.vector_store %arg7[%parallel_loop3A_791, %parallel_loop3A_792], %parallel_loop3A_795 {strides = array<i32>} : memref<16x2048xf32, #tpu.memory_space<vmem>>, vector<1x16xf32>,
        %parallel_loop3A_796 = arith.index_cast %parallel_loop3A_75 : i32 to index
        %parallel_loop3A_797 = arith.constant 960 : index
        %parallel_loop3A_798 = tpu.vector_load %arg7[%parallel_loop3A_796, %parallel_loop3A_797] {strides = array<i32>} : memref<16x2048xf32, #tpu.memory_space<vmem>>, vector<1x16xf32>,
        %parallel_loop3A_799 = vector.shape_cast %parallel_loop3A_798 : vector<1x16xf32> to vector<16xf32>
        %parallel_loop3A_800 = arith.constant 45.2548332 : f32
        %parallel_loop3A_801 = vector.broadcast %parallel_loop3A_800 : f32 to vector<16xf32>
        %parallel_loop3A_802 = arith.mulf %parallel_loop3A_799, %parallel_loop3A_801 : vector<16xf32>
        %parallel_loop3A_803 = arith.index_cast %parallel_loop3A_75 : i32 to index
        %parallel_loop3A_804 = arith.constant 960 : index
        %parallel_loop3A_805 = tpu.vector_load %arg7[%parallel_loop3A_803, %parallel_loop3A_804] {strides = array<i32>} : memref<16x2048xf32, #tpu.memory_space<vmem>>, vector<1x16xf32>,
        %parallel_loop3A_806 = vector.shape_cast %parallel_loop3A_805 : vector<1x16xf32> to vector<16xf32>
        %parallel_loop3A_807 = vector.shape_cast %parallel_loop3A_802 : vector<16xf32> to vector<1x16xf32>
        tpu.vector_store %arg7[%parallel_loop3A_803, %parallel_loop3A_804], %parallel_loop3A_807 {strides = array<i32>} : memref<16x2048xf32, #tpu.memory_space<vmem>>, vector<1x16xf32>,
        %parallel_loop3A_808 = arith.index_cast %parallel_loop3A_75 : i32 to index
        %parallel_loop3A_809 = arith.constant 976 : index
        %parallel_loop3A_810 = tpu.vector_load %arg7[%parallel_loop3A_808, %parallel_loop3A_809] {strides = array<i32>} : memref<16x2048xf32, #tpu.memory_space<vmem>>, vector<1x16xf32>,
        %parallel_loop3A_811 = vector.shape_cast %parallel_loop3A_810 : vector<1x16xf32> to vector<16xf32>
        %parallel_loop3A_812 = arith.constant 45.2548332 : f32
        %parallel_loop3A_813 = vector.broadcast %parallel_loop3A_812 : f32 to vector<16xf32>
        %parallel_loop3A_814 = arith.mulf %parallel_loop3A_811, %parallel_loop3A_813 : vector<16xf32>
        %parallel_loop3A_815 = arith.index_cast %parallel_loop3A_75 : i32 to index
        %parallel_loop3A_816 = arith.constant 976 : index
        %parallel_loop3A_817 = tpu.vector_load %arg7[%parallel_loop3A_815, %parallel_loop3A_816] {strides = array<i32>} : memref<16x2048xf32, #tpu.memory_space<vmem>>, vector<1x16xf32>,
        %parallel_loop3A_818 = vector.shape_cast %parallel_loop3A_817 : vector<1x16xf32> to vector<16xf32>
        %parallel_loop3A_819 = vector.shape_cast %parallel_loop3A_814 : vector<16xf32> to vector<1x16xf32>
        tpu.vector_store %arg7[%parallel_loop3A_815, %parallel_loop3A_816], %parallel_loop3A_819 {strides = array<i32>} : memref<16x2048xf32, #tpu.memory_space<vmem>>, vector<1x16xf32>,
        %parallel_loop3A_820 = arith.index_cast %parallel_loop3A_75 : i32 to index
        %parallel_loop3A_821 = arith.constant 992 : index
        %parallel_loop3A_822 = tpu.vector_load %arg7[%parallel_loop3A_820, %parallel_loop3A_821] {strides = array<i32>} : memref<16x2048xf32, #tpu.memory_space<vmem>>, vector<1x16xf32>,
        %parallel_loop3A_823 = vector.shape_cast %parallel_loop3A_822 : vector<1x16xf32> to vector<16xf32>
        %parallel_loop3A_824 = arith.constant 45.2548332 : f32
        %parallel_loop3A_825 = vector.broadcast %parallel_loop3A_824 : f32 to vector<16xf32>
        %parallel_loop3A_826 = arith.mulf %parallel_loop3A_823, %parallel_loop3A_825 : vector<16xf32>
        %parallel_loop3A_827 = arith.index_cast %parallel_loop3A_75 : i32 to index
        %parallel_loop3A_828 = arith.constant 992 : index
        %parallel_loop3A_829 = tpu.vector_load %arg7[%parallel_loop3A_827, %parallel_loop3A_828] {strides = array<i32>} : memref<16x2048xf32, #tpu.memory_space<vmem>>, vector<1x16xf32>,
        %parallel_loop3A_830 = vector.shape_cast %parallel_loop3A_829 : vector<1x16xf32> to vector<16xf32>
        %parallel_loop3A_831 = vector.shape_cast %parallel_loop3A_826 : vector<16xf32> to vector<1x16xf32>
        tpu.vector_store %arg7[%parallel_loop3A_827, %parallel_loop3A_828], %parallel_loop3A_831 {strides = array<i32>} : memref<16x2048xf32, #tpu.memory_space<vmem>>, vector<1x16xf32>,
        %parallel_loop3A_832 = arith.index_cast %parallel_loop3A_75 : i32 to index
        %parallel_loop3A_833 = arith.constant 1008 : index
        %parallel_loop3A_834 = tpu.vector_load %arg7[%parallel_loop3A_832, %parallel_loop3A_833] {strides = array<i32>} : memref<16x2048xf32, #tpu.memory_space<vmem>>, vector<1x16xf32>,
        %parallel_loop3A_835 = vector.shape_cast %parallel_loop3A_834 : vector<1x16xf32> to vector<16xf32>
        %parallel_loop3A_836 = arith.constant 45.2548332 : f32
        %parallel_loop3A_837 = vector.broadcast %parallel_loop3A_836 : f32 to vector<16xf32>
        %parallel_loop3A_838 = arith.mulf %parallel_loop3A_835, %parallel_loop3A_837 : vector<16xf32>
        %parallel_loop3A_839 = arith.index_cast %parallel_loop3A_75 : i32 to index
        %parallel_loop3A_840 = arith.constant 1008 : index
        %parallel_loop3A_841 = tpu.vector_load %arg7[%parallel_loop3A_839, %parallel_loop3A_840] {strides = array<i32>} : memref<16x2048xf32, #tpu.memory_space<vmem>>, vector<1x16xf32>,
        %parallel_loop3A_842 = vector.shape_cast %parallel_loop3A_841 : vector<1x16xf32> to vector<16xf32>
        %parallel_loop3A_843 = vector.shape_cast %parallel_loop3A_838 : vector<16xf32> to vector<1x16xf32>
        tpu.vector_store %arg7[%parallel_loop3A_839, %parallel_loop3A_840], %parallel_loop3A_843 {strides = array<i32>} : memref<16x2048xf32, #tpu.memory_space<vmem>>, vector<1x16xf32>,
        %parallel_loop3A_844 = arith.index_cast %parallel_loop3A_75 : i32 to index
        %parallel_loop3A_845 = arith.constant 1024 : index
        %parallel_loop3A_846 = tpu.vector_load %arg7[%parallel_loop3A_844, %parallel_loop3A_845] {strides = array<i32>} : memref<16x2048xf32, #tpu.memory_space<vmem>>, vector<1x16xf32>,
        %parallel_loop3A_847 = vector.shape_cast %parallel_loop3A_846 : vector<1x16xf32> to vector<16xf32>
        %parallel_loop3A_848 = arith.constant 45.2548332 : f32
        %parallel_loop3A_849 = vector.broadcast %parallel_loop3A_848 : f32 to vector<16xf32>
        %parallel_loop3A_850 = arith.mulf %parallel_loop3A_847, %parallel_loop3A_849 : vector<16xf32>
        %parallel_loop3A_851 = arith.index_cast %parallel_loop3A_75 : i32 to index
        %parallel_loop3A_852 = arith.constant 1024 : index
        %parallel_loop3A_853 = tpu.vector_load %arg7[%parallel_loop3A_851, %parallel_loop3A_852] {strides = array<i32>} : memref<16x2048xf32, #tpu.memory_space<vmem>>, vector<1x16xf32>,
        %parallel_loop3A_854 = vector.shape_cast %parallel_loop3A_853 : vector<1x16xf32> to vector<16xf32>
        %parallel_loop3A_855 = vector.shape_cast %parallel_loop3A_850 : vector<16xf32> to vector<1x16xf32>
        tpu.vector_store %arg7[%parallel_loop3A_851, %parallel_loop3A_852], %parallel_loop3A_855 {strides = array<i32>} : memref<16x2048xf32, #tpu.memory_space<vmem>>, vector<1x16xf32>,
        %parallel_loop3A_856 = arith.index_cast %parallel_loop3A_75 : i32 to index
        %parallel_loop3A_857 = arith.constant 1040 : index
        %parallel_loop3A_858 = tpu.vector_load %arg7[%parallel_loop3A_856, %parallel_loop3A_857] {strides = array<i32>} : memref<16x2048xf32, #tpu.memory_space<vmem>>, vector<1x16xf32>,
        %parallel_loop3A_859 = vector.shape_cast %parallel_loop3A_858 : vector<1x16xf32> to vector<16xf32>
        %parallel_loop3A_860 = arith.constant 45.2548332 : f32
        %parallel_loop3A_861 = vector.broadcast %parallel_loop3A_860 : f32 to vector<16xf32>
        %parallel_loop3A_862 = arith.mulf %parallel_loop3A_859, %parallel_loop3A_861 : vector<16xf32>
        %parallel_loop3A_863 = arith.index_cast %parallel_loop3A_75 : i32 to index
        %parallel_loop3A_864 = arith.constant 1040 : index
        %parallel_loop3A_865 = tpu.vector_load %arg7[%parallel_loop3A_863, %parallel_loop3A_864] {strides = array<i32>} : memref<16x2048xf32, #tpu.memory_space<vmem>>, vector<1x16xf32>,
        %parallel_loop3A_866 = vector.shape_cast %parallel_loop3A_865 : vector<1x16xf32> to vector<16xf32>
        %parallel_loop3A_867 = vector.shape_cast %parallel_loop3A_862 : vector<16xf32> to vector<1x16xf32>
        tpu.vector_store %arg7[%parallel_loop3A_863, %parallel_loop3A_864], %parallel_loop3A_867 {strides = array<i32>} : memref<16x2048xf32, #tpu.memory_space<vmem>>, vector<1x16xf32>,
        %parallel_loop3A_868 = arith.index_cast %parallel_loop3A_75 : i32 to index
        %parallel_loop3A_869 = arith.constant 1056 : index
        %parallel_loop3A_870 = tpu.vector_load %arg7[%parallel_loop3A_868, %parallel_loop3A_869] {strides = array<i32>} : memref<16x2048xf32, #tpu.memory_space<vmem>>, vector<1x16xf32>,
        %parallel_loop3A_871 = vector.shape_cast %parallel_loop3A_870 : vector<1x16xf32> to vector<16xf32>
        %parallel_loop3A_872 = arith.constant 45.2548332 : f32
        %parallel_loop3A_873 = vector.broadcast %parallel_loop3A_872 : f32 to vector<16xf32>
        %parallel_loop3A_874 = arith.mulf %parallel_loop3A_871, %parallel_loop3A_873 : vector<16xf32>
        %parallel_loop3A_875 = arith.index_cast %parallel_loop3A_75 : i32 to index
        %parallel_loop3A_876 = arith.constant 1056 : index
        %parallel_loop3A_877 = tpu.vector_load %arg7[%parallel_loop3A_875, %parallel_loop3A_876] {strides = array<i32>} : memref<16x2048xf32, #tpu.memory_space<vmem>>, vector<1x16xf32>,
        %parallel_loop3A_878 = vector.shape_cast %parallel_loop3A_877 : vector<1x16xf32> to vector<16xf32>
        %parallel_loop3A_879 = vector.shape_cast %parallel_loop3A_874 : vector<16xf32> to vector<1x16xf32>
        tpu.vector_store %arg7[%parallel_loop3A_875, %parallel_loop3A_876], %parallel_loop3A_879 {strides = array<i32>} : memref<16x2048xf32, #tpu.memory_space<vmem>>, vector<1x16xf32>,
        %parallel_loop3A_880 = arith.index_cast %parallel_loop3A_75 : i32 to index
        %parallel_loop3A_881 = arith.constant 1072 : index
        %parallel_loop3A_882 = tpu.vector_load %arg7[%parallel_loop3A_880, %parallel_loop3A_881] {strides = array<i32>} : memref<16x2048xf32, #tpu.memory_space<vmem>>, vector<1x16xf32>,
        %parallel_loop3A_883 = vector.shape_cast %parallel_loop3A_882 : vector<1x16xf32> to vector<16xf32>
        %parallel_loop3A_884 = arith.constant 45.2548332 : f32
        %parallel_loop3A_885 = vector.broadcast %parallel_loop3A_884 : f32 to vector<16xf32>
        %parallel_loop3A_886 = arith.mulf %parallel_loop3A_883, %parallel_loop3A_885 : vector<16xf32>
        %parallel_loop3A_887 = arith.index_cast %parallel_loop3A_75 : i32 to index
        %parallel_loop3A_888 = arith.constant 1072 : index
        %parallel_loop3A_889 = tpu.vector_load %arg7[%parallel_loop3A_887, %parallel_loop3A_888] {strides = array<i32>} : memref<16x2048xf32, #tpu.memory_space<vmem>>, vector<1x16xf32>,
        %parallel_loop3A_890 = vector.shape_cast %parallel_loop3A_889 : vector<1x16xf32> to vector<16xf32>
        %parallel_loop3A_891 = vector.shape_cast %parallel_loop3A_886 : vector<16xf32> to vector<1x16xf32>
        tpu.vector_store %arg7[%parallel_loop3A_887, %parallel_loop3A_888], %parallel_loop3A_891 {strides = array<i32>} : memref<16x2048xf32, #tpu.memory_space<vmem>>, vector<1x16xf32>,
        %parallel_loop3A_892 = arith.index_cast %parallel_loop3A_75 : i32 to index
        %parallel_loop3A_893 = arith.constant 1088 : index
        %parallel_loop3A_894 = tpu.vector_load %arg7[%parallel_loop3A_892, %parallel_loop3A_893] {strides = array<i32>} : memref<16x2048xf32, #tpu.memory_space<vmem>>, vector<1x16xf32>,
        %parallel_loop3A_895 = vector.shape_cast %parallel_loop3A_894 : vector<1x16xf32> to vector<16xf32>
        %parallel_loop3A_896 = arith.constant 45.2548332 : f32
        %parallel_loop3A_897 = vector.broadcast %parallel_loop3A_896 : f32 to vector<16xf32>
        %parallel_loop3A_898 = arith.mulf %parallel_loop3A_895, %parallel_loop3A_897 : vector<16xf32>
        %parallel_loop3A_899 = arith.index_cast %parallel_loop3A_75 : i32 to index
        %parallel_loop3A_900 = arith.constant 1088 : index
        %parallel_loop3A_901 = tpu.vector_load %arg7[%parallel_loop3A_899, %parallel_loop3A_900] {strides = array<i32>} : memref<16x2048xf32, #tpu.memory_space<vmem>>, vector<1x16xf32>,
        %parallel_loop3A_902 = vector.shape_cast %parallel_loop3A_901 : vector<1x16xf32> to vector<16xf32>
        %parallel_loop3A_903 = vector.shape_cast %parallel_loop3A_898 : vector<16xf32> to vector<1x16xf32>
        tpu.vector_store %arg7[%parallel_loop3A_899, %parallel_loop3A_900], %parallel_loop3A_903 {strides = array<i32>} : memref<16x2048xf32, #tpu.memory_space<vmem>>, vector<1x16xf32>,
        %parallel_loop3A_904 = arith.index_cast %parallel_loop3A_75 : i32 to index
        %parallel_loop3A_905 = arith.constant 1104 : index
        %parallel_loop3A_906 = tpu.vector_load %arg7[%parallel_loop3A_904, %parallel_loop3A_905] {strides = array<i32>} : memref<16x2048xf32, #tpu.memory_space<vmem>>, vector<1x16xf32>,
        %parallel_loop3A_907 = vector.shape_cast %parallel_loop3A_906 : vector<1x16xf32> to vector<16xf32>
        %parallel_loop3A_908 = arith.constant 45.2548332 : f32
        %parallel_loop3A_909 = vector.broadcast %parallel_loop3A_908 : f32 to vector<16xf32>
        %parallel_loop3A_910 = arith.mulf %parallel_loop3A_907, %parallel_loop3A_909 : vector<16xf32>
        %parallel_loop3A_911 = arith.index_cast %parallel_loop3A_75 : i32 to index
        %parallel_loop3A_912 = arith.constant 1104 : index
        %parallel_loop3A_913 = tpu.vector_load %arg7[%parallel_loop3A_911, %parallel_loop3A_912] {strides = array<i32>} : memref<16x2048xf32, #tpu.memory_space<vmem>>, vector<1x16xf32>,
        %parallel_loop3A_914 = vector.shape_cast %parallel_loop3A_913 : vector<1x16xf32> to vector<16xf32>
        %parallel_loop3A_915 = vector.shape_cast %parallel_loop3A_910 : vector<16xf32> to vector<1x16xf32>
        tpu.vector_store %arg7[%parallel_loop3A_911, %parallel_loop3A_912], %parallel_loop3A_915 {strides = array<i32>} : memref<16x2048xf32, #tpu.memory_space<vmem>>, vector<1x16xf32>,
        %parallel_loop3A_916 = arith.index_cast %parallel_loop3A_75 : i32 to index
        %parallel_loop3A_917 = arith.constant 1120 : index
        %parallel_loop3A_918 = tpu.vector_load %arg7[%parallel_loop3A_916, %parallel_loop3A_917] {strides = array<i32>} : memref<16x2048xf32, #tpu.memory_space<vmem>>, vector<1x16xf32>,
        %parallel_loop3A_919 = vector.shape_cast %parallel_loop3A_918 : vector<1x16xf32> to vector<16xf32>
        %parallel_loop3A_920 = arith.constant 45.2548332 : f32
        %parallel_loop3A_921 = vector.broadcast %parallel_loop3A_920 : f32 to vector<16xf32>
        %parallel_loop3A_922 = arith.mulf %parallel_loop3A_919, %parallel_loop3A_921 : vector<16xf32>
        %parallel_loop3A_923 = arith.index_cast %parallel_loop3A_75 : i32 to index
        %parallel_loop3A_924 = arith.constant 1120 : index
        %parallel_loop3A_925 = tpu.vector_load %arg7[%parallel_loop3A_923, %parallel_loop3A_924] {strides = array<i32>} : memref<16x2048xf32, #tpu.memory_space<vmem>>, vector<1x16xf32>,
        %parallel_loop3A_926 = vector.shape_cast %parallel_loop3A_925 : vector<1x16xf32> to vector<16xf32>
        %parallel_loop3A_927 = vector.shape_cast %parallel_loop3A_922 : vector<16xf32> to vector<1x16xf32>
        tpu.vector_store %arg7[%parallel_loop3A_923, %parallel_loop3A_924], %parallel_loop3A_927 {strides = array<i32>} : memref<16x2048xf32, #tpu.memory_space<vmem>>, vector<1x16xf32>,
        %parallel_loop3A_928 = arith.index_cast %parallel_loop3A_75 : i32 to index
        %parallel_loop3A_929 = arith.constant 1136 : index
        %parallel_loop3A_930 = tpu.vector_load %arg7[%parallel_loop3A_928, %parallel_loop3A_929] {strides = array<i32>} : memref<16x2048xf32, #tpu.memory_space<vmem>>, vector<1x16xf32>,
        %parallel_loop3A_931 = vector.shape_cast %parallel_loop3A_930 : vector<1x16xf32> to vector<16xf32>
        %parallel_loop3A_932 = arith.constant 45.2548332 : f32
        %parallel_loop3A_933 = vector.broadcast %parallel_loop3A_932 : f32 to vector<16xf32>
        %parallel_loop3A_934 = arith.mulf %parallel_loop3A_931, %parallel_loop3A_933 : vector<16xf32>
        %parallel_loop3A_935 = arith.index_cast %parallel_loop3A_75 : i32 to index
        %parallel_loop3A_936 = arith.constant 1136 : index
        %parallel_loop3A_937 = tpu.vector_load %arg7[%parallel_loop3A_935, %parallel_loop3A_936] {strides = array<i32>} : memref<16x2048xf32, #tpu.memory_space<vmem>>, vector<1x16xf32>,
        %parallel_loop3A_938 = vector.shape_cast %parallel_loop3A_937 : vector<1x16xf32> to vector<16xf32>
        %parallel_loop3A_939 = vector.shape_cast %parallel_loop3A_934 : vector<16xf32> to vector<1x16xf32>
        tpu.vector_store %arg7[%parallel_loop3A_935, %parallel_loop3A_936], %parallel_loop3A_939 {strides = array<i32>} : memref<16x2048xf32, #tpu.memory_space<vmem>>, vector<1x16xf32>,
        %parallel_loop3A_940 = arith.index_cast %parallel_loop3A_75 : i32 to index
        %parallel_loop3A_941 = arith.constant 1152 : index
        %parallel_loop3A_942 = tpu.vector_load %arg7[%parallel_loop3A_940, %parallel_loop3A_941] {strides = array<i32>} : memref<16x2048xf32, #tpu.memory_space<vmem>>, vector<1x16xf32>,
        %parallel_loop3A_943 = vector.shape_cast %parallel_loop3A_942 : vector<1x16xf32> to vector<16xf32>
        %parallel_loop3A_944 = arith.constant 45.2548332 : f32
        %parallel_loop3A_945 = vector.broadcast %parallel_loop3A_944 : f32 to vector<16xf32>
        %parallel_loop3A_946 = arith.mulf %parallel_loop3A_943, %parallel_loop3A_945 : vector<16xf32>
        %parallel_loop3A_947 = arith.index_cast %parallel_loop3A_75 : i32 to index
        %parallel_loop3A_948 = arith.constant 1152 : index
        %parallel_loop3A_949 = tpu.vector_load %arg7[%parallel_loop3A_947, %parallel_loop3A_948] {strides = array<i32>} : memref<16x2048xf32, #tpu.memory_space<vmem>>, vector<1x16xf32>,
        %parallel_loop3A_950 = vector.shape_cast %parallel_loop3A_949 : vector<1x16xf32> to vector<16xf32>
        %parallel_loop3A_951 = vector.shape_cast %parallel_loop3A_946 : vector<16xf32> to vector<1x16xf32>
        tpu.vector_store %arg7[%parallel_loop3A_947, %parallel_loop3A_948], %parallel_loop3A_951 {strides = array<i32>} : memref<16x2048xf32, #tpu.memory_space<vmem>>, vector<1x16xf32>,
        %parallel_loop3A_952 = arith.index_cast %parallel_loop3A_75 : i32 to index
        %parallel_loop3A_953 = arith.constant 1168 : index
        %parallel_loop3A_954 = tpu.vector_load %arg7[%parallel_loop3A_952, %parallel_loop3A_953] {strides = array<i32>} : memref<16x2048xf32, #tpu.memory_space<vmem>>, vector<1x16xf32>,
        %parallel_loop3A_955 = vector.shape_cast %parallel_loop3A_954 : vector<1x16xf32> to vector<16xf32>
        %parallel_loop3A_956 = arith.constant 45.2548332 : f32
        %parallel_loop3A_957 = vector.broadcast %parallel_loop3A_956 : f32 to vector<16xf32>
        %parallel_loop3A_958 = arith.mulf %parallel_loop3A_955, %parallel_loop3A_957 : vector<16xf32>
        %parallel_loop3A_959 = arith.index_cast %parallel_loop3A_75 : i32 to index
        %parallel_loop3A_960 = arith.constant 1168 : index
        %parallel_loop3A_961 = tpu.vector_load %arg7[%parallel_loop3A_959, %parallel_loop3A_960] {strides = array<i32>} : memref<16x2048xf32, #tpu.memory_space<vmem>>, vector<1x16xf32>,
        %parallel_loop3A_962 = vector.shape_cast %parallel_loop3A_961 : vector<1x16xf32> to vector<16xf32>
        %parallel_loop3A_963 = vector.shape_cast %parallel_loop3A_958 : vector<16xf32> to vector<1x16xf32>
        tpu.vector_store %arg7[%parallel_loop3A_959, %parallel_loop3A_960], %parallel_loop3A_963 {strides = array<i32>} : memref<16x2048xf32, #tpu.memory_space<vmem>>, vector<1x16xf32>,
        %parallel_loop3A_964 = arith.index_cast %parallel_loop3A_75 : i32 to index
        %parallel_loop3A_965 = arith.constant 1184 : index
        %parallel_loop3A_966 = tpu.vector_load %arg7[%parallel_loop3A_964, %parallel_loop3A_965] {strides = array<i32>} : memref<16x2048xf32, #tpu.memory_space<vmem>>, vector<1x16xf32>,
        %parallel_loop3A_967 = vector.shape_cast %parallel_loop3A_966 : vector<1x16xf32> to vector<16xf32>
        %parallel_loop3A_968 = arith.constant 45.2548332 : f32
        %parallel_loop3A_969 = vector.broadcast %parallel_loop3A_968 : f32 to vector<16xf32>
        %parallel_loop3A_970 = arith.mulf %parallel_loop3A_967, %parallel_loop3A_969 : vector<16xf32>
        %parallel_loop3A_971 = arith.index_cast %parallel_loop3A_75 : i32 to index
        %parallel_loop3A_972 = arith.constant 1184 : index
        %parallel_loop3A_973 = tpu.vector_load %arg7[%parallel_loop3A_971, %parallel_loop3A_972] {strides = array<i32>} : memref<16x2048xf32, #tpu.memory_space<vmem>>, vector<1x16xf32>,
        %parallel_loop3A_974 = vector.shape_cast %parallel_loop3A_973 : vector<1x16xf32> to vector<16xf32>
        %parallel_loop3A_975 = vector.shape_cast %parallel_loop3A_970 : vector<16xf32> to vector<1x16xf32>
        tpu.vector_store %arg7[%parallel_loop3A_971, %parallel_loop3A_972], %parallel_loop3A_975 {strides = array<i32>} : memref<16x2048xf32, #tpu.memory_space<vmem>>, vector<1x16xf32>,
        %parallel_loop3A_976 = arith.index_cast %parallel_loop3A_75 : i32 to index
        %parallel_loop3A_977 = arith.constant 1200 : index
        %parallel_loop3A_978 = tpu.vector_load %arg7[%parallel_loop3A_976, %parallel_loop3A_977] {strides = array<i32>} : memref<16x2048xf32, #tpu.memory_space<vmem>>, vector<1x16xf32>,
        %parallel_loop3A_979 = vector.shape_cast %parallel_loop3A_978 : vector<1x16xf32> to vector<16xf32>
        %parallel_loop3A_980 = arith.constant 45.2548332 : f32
        %parallel_loop3A_981 = vector.broadcast %parallel_loop3A_980 : f32 to vector<16xf32>
        %parallel_loop3A_982 = arith.mulf %parallel_loop3A_979, %parallel_loop3A_981 : vector<16xf32>
        %parallel_loop3A_983 = arith.index_cast %parallel_loop3A_75 : i32 to index
        %parallel_loop3A_984 = arith.constant 1200 : index
        %parallel_loop3A_985 = tpu.vector_load %arg7[%parallel_loop3A_983, %parallel_loop3A_984] {strides = array<i32>} : memref<16x2048xf32, #tpu.memory_space<vmem>>, vector<1x16xf32>,
        %parallel_loop3A_986 = vector.shape_cast %parallel_loop3A_985 : vector<1x16xf32> to vector<16xf32>
        %parallel_loop3A_987 = vector.shape_cast %parallel_loop3A_982 : vector<16xf32> to vector<1x16xf32>
        tpu.vector_store %arg7[%parallel_loop3A_983, %parallel_loop3A_984], %parallel_loop3A_987 {strides = array<i32>} : memref<16x2048xf32, #tpu.memory_space<vmem>>, vector<1x16xf32>,
        %parallel_loop3A_988 = arith.index_cast %parallel_loop3A_75 : i32 to index
        %parallel_loop3A_989 = arith.constant 1216 : index
        %parallel_loop3A_990 = tpu.vector_load %arg7[%parallel_loop3A_988, %parallel_loop3A_989] {strides = array<i32>} : memref<16x2048xf32, #tpu.memory_space<vmem>>, vector<1x16xf32>,
        %parallel_loop3A_991 = vector.shape_cast %parallel_loop3A_990 : vector<1x16xf32> to vector<16xf32>
        %parallel_loop3A_992 = arith.constant 45.2548332 : f32
        %parallel_loop3A_993 = vector.broadcast %parallel_loop3A_992 : f32 to vector<16xf32>
        %parallel_loop3A_994 = arith.mulf %parallel_loop3A_991, %parallel_loop3A_993 : vector<16xf32>
        %parallel_loop3A_995 = arith.index_cast %parallel_loop3A_75 : i32 to index
        %parallel_loop3A_996 = arith.constant 1216 : index
        %parallel_loop3A_997 = tpu.vector_load %arg7[%parallel_loop3A_995, %parallel_loop3A_996] {strides = array<i32>} : memref<16x2048xf32, #tpu.memory_space<vmem>>, vector<1x16xf32>,
        %parallel_loop3A_998 = vector.shape_cast %parallel_loop3A_997 : vector<1x16xf32> to vector<16xf32>
        %parallel_loop3A_999 = vector.shape_cast %parallel_loop3A_994 : vector<16xf32> to vector<1x16xf32>
        tpu.vector_store %arg7[%parallel_loop3A_995, %parallel_loop3A_996], %parallel_loop3A_999 {strides = array<i32>} : memref<16x2048xf32, #tpu.memory_space<vmem>>, vector<1x16xf32>,
        %parallel_loop3A_1000 = arith.index_cast %parallel_loop3A_75 : i32 to index
        %parallel_loop3A_1001 = arith.constant 1232 : index
        %parallel_loop3A_1002 = tpu.vector_load %arg7[%parallel_loop3A_1000, %parallel_loop3A_1001] {strides = array<i32>} : memref<16x2048xf32, #tpu.memory_space<vmem>>, vector<1x16xf32>,
        %parallel_loop3A_1003 = vector.shape_cast %parallel_loop3A_1002 : vector<1x16xf32> to vector<16xf32>
        %parallel_loop3A_1004 = arith.constant 45.2548332 : f32
        %parallel_loop3A_1005 = vector.broadcast %parallel_loop3A_1004 : f32 to vector<16xf32>
        %parallel_loop3A_1006 = arith.mulf %parallel_loop3A_1003, %parallel_loop3A_1005 : vector<16xf32>
        %parallel_loop3A_1007 = arith.index_cast %parallel_loop3A_75 : i32 to index
        %parallel_loop3A_1008 = arith.constant 1232 : index
        %parallel_loop3A_1009 = tpu.vector_load %arg7[%parallel_loop3A_1007, %parallel_loop3A_1008] {strides = array<i32>} : memref<16x2048xf32, #tpu.memory_space<vmem>>, vector<1x16xf32>,
        %parallel_loop3A_1010 = vector.shape_cast %parallel_loop3A_1009 : vector<1x16xf32> to vector<16xf32>
        %parallel_loop3A_1011 = vector.shape_cast %parallel_loop3A_1006 : vector<16xf32> to vector<1x16xf32>
        tpu.vector_store %arg7[%parallel_loop3A_1007, %parallel_loop3A_1008], %parallel_loop3A_1011 {strides = array<i32>} : memref<16x2048xf32, #tpu.memory_space<vmem>>, vector<1x16xf32>,
        %parallel_loop3A_1012 = arith.index_cast %parallel_loop3A_75 : i32 to index
        %parallel_loop3A_1013 = arith.constant 1248 : index
        %parallel_loop3A_1014 = tpu.vector_load %arg7[%parallel_loop3A_1012, %parallel_loop3A_1013] {strides = array<i32>} : memref<16x2048xf32, #tpu.memory_space<vmem>>, vector<1x16xf32>,
        %parallel_loop3A_1015 = vector.shape_cast %parallel_loop3A_1014 : vector<1x16xf32> to vector<16xf32>
        %parallel_loop3A_1016 = arith.constant 45.2548332 : f32
        %parallel_loop3A_1017 = vector.broadcast %parallel_loop3A_1016 : f32 to vector<16xf32>
        %parallel_loop3A_1018 = arith.mulf %parallel_loop3A_1015, %parallel_loop3A_1017 : vector<16xf32>
        %parallel_loop3A_1019 = arith.index_cast %parallel_loop3A_75 : i32 to index
        %parallel_loop3A_1020 = arith.constant 1248 : index
        %parallel_loop3A_1021 = tpu.vector_load %arg7[%parallel_loop3A_1019, %parallel_loop3A_1020] {strides = array<i32>} : memref<16x2048xf32, #tpu.memory_space<vmem>>, vector<1x16xf32>,
        %parallel_loop3A_1022 = vector.shape_cast %parallel_loop3A_1021 : vector<1x16xf32> to vector<16xf32>
        %parallel_loop3A_1023 = vector.shape_cast %parallel_loop3A_1018 : vector<16xf32> to vector<1x16xf32>
        tpu.vector_store %arg7[%parallel_loop3A_1019, %parallel_loop3A_1020], %parallel_loop3A_1023 {strides = array<i32>} : memref<16x2048xf32, #tpu.memory_space<vmem>>, vector<1x16xf32>,
        %parallel_loop3A_1024 = arith.index_cast %parallel_loop3A_75 : i32 to index
        %parallel_loop3A_1025 = arith.constant 1264 : index
        %parallel_loop3A_1026 = tpu.vector_load %arg7[%parallel_loop3A_1024, %parallel_loop3A_1025] {strides = array<i32>} : memref<16x2048xf32, #tpu.memory_space<vmem>>, vector<1x16xf32>,
        %parallel_loop3A_1027 = vector.shape_cast %parallel_loop3A_1026 : vector<1x16xf32> to vector<16xf32>
        %parallel_loop3A_1028 = arith.constant 45.2548332 : f32
        %parallel_loop3A_1029 = vector.broadcast %parallel_loop3A_1028 : f32 to vector<16xf32>
        %parallel_loop3A_1030 = arith.mulf %parallel_loop3A_1027, %parallel_loop3A_1029 : vector<16xf32>
        %parallel_loop3A_1031 = arith.index_cast %parallel_loop3A_75 : i32 to index
        %parallel_loop3A_1032 = arith.constant 1264 : index
        %parallel_loop3A_1033 = tpu.vector_load %arg7[%parallel_loop3A_1031, %parallel_loop3A_1032] {strides = array<i32>} : memref<16x2048xf32, #tpu.memory_space<vmem>>, vector<1x16xf32>,
        %parallel_loop3A_1034 = vector.shape_cast %parallel_loop3A_1033 : vector<1x16xf32> to vector<16xf32>
        %parallel_loop3A_1035 = vector.shape_cast %parallel_loop3A_1030 : vector<16xf32> to vector<1x16xf32>
        tpu.vector_store %arg7[%parallel_loop3A_1031, %parallel_loop3A_1032], %parallel_loop3A_1035 {strides = array<i32>} : memref<16x2048xf32, #tpu.memory_space<vmem>>, vector<1x16xf32>,
        %parallel_loop3A_1036 = arith.index_cast %parallel_loop3A_75 : i32 to index
        %parallel_loop3A_1037 = arith.constant 1280 : index
        %parallel_loop3A_1038 = tpu.vector_load %arg7[%parallel_loop3A_1036, %parallel_loop3A_1037] {strides = array<i32>} : memref<16x2048xf32, #tpu.memory_space<vmem>>, vector<1x16xf32>,
        %parallel_loop3A_1039 = vector.shape_cast %parallel_loop3A_1038 : vector<1x16xf32> to vector<16xf32>
        %parallel_loop3A_1040 = arith.constant 45.2548332 : f32
        %parallel_loop3A_1041 = vector.broadcast %parallel_loop3A_1040 : f32 to vector<16xf32>
        %parallel_loop3A_1042 = arith.mulf %parallel_loop3A_1039, %parallel_loop3A_1041 : vector<16xf32>
        %parallel_loop3A_1043 = arith.index_cast %parallel_loop3A_75 : i32 to index
        %parallel_loop3A_1044 = arith.constant 1280 : index
        %parallel_loop3A_1045 = tpu.vector_load %arg7[%parallel_loop3A_1043, %parallel_loop3A_1044] {strides = array<i32>} : memref<16x2048xf32, #tpu.memory_space<vmem>>, vector<1x16xf32>,
        %parallel_loop3A_1046 = vector.shape_cast %parallel_loop3A_1045 : vector<1x16xf32> to vector<16xf32>
        %parallel_loop3A_1047 = vector.shape_cast %parallel_loop3A_1042 : vector<16xf32> to vector<1x16xf32>
        tpu.vector_store %arg7[%parallel_loop3A_1043, %parallel_loop3A_1044], %parallel_loop3A_1047 {strides = array<i32>} : memref<16x2048xf32, #tpu.memory_space<vmem>>, vector<1x16xf32>,
        %parallel_loop3A_1048 = arith.index_cast %parallel_loop3A_75 : i32 to index
        %parallel_loop3A_1049 = arith.constant 1296 : index
        %parallel_loop3A_1050 = tpu.vector_load %arg7[%parallel_loop3A_1048, %parallel_loop3A_1049] {strides = array<i32>} : memref<16x2048xf32, #tpu.memory_space<vmem>>, vector<1x16xf32>,
        %parallel_loop3A_1051 = vector.shape_cast %parallel_loop3A_1050 : vector<1x16xf32> to vector<16xf32>
        %parallel_loop3A_1052 = arith.constant 45.2548332 : f32
        %parallel_loop3A_1053 = vector.broadcast %parallel_loop3A_1052 : f32 to vector<16xf32>
        %parallel_loop3A_1054 = arith.mulf %parallel_loop3A_1051, %parallel_loop3A_1053 : vector<16xf32>
        %parallel_loop3A_1055 = arith.index_cast %parallel_loop3A_75 : i32 to index
        %parallel_loop3A_1056 = arith.constant 1296 : index
        %parallel_loop3A_1057 = tpu.vector_load %arg7[%parallel_loop3A_1055, %parallel_loop3A_1056] {strides = array<i32>} : memref<16x2048xf32, #tpu.memory_space<vmem>>, vector<1x16xf32>,
        %parallel_loop3A_1058 = vector.shape_cast %parallel_loop3A_1057 : vector<1x16xf32> to vector<16xf32>
        %parallel_loop3A_1059 = vector.shape_cast %parallel_loop3A_1054 : vector<16xf32> to vector<1x16xf32>
        tpu.vector_store %arg7[%parallel_loop3A_1055, %parallel_loop3A_1056], %parallel_loop3A_1059 {strides = array<i32>} : memref<16x2048xf32, #tpu.memory_space<vmem>>, vector<1x16xf32>,
        %parallel_loop3A_1060 = arith.index_cast %parallel_loop3A_75 : i32 to index
        %parallel_loop3A_1061 = arith.constant 1312 : index
        %parallel_loop3A_1062 = tpu.vector_load %arg7[%parallel_loop3A_1060, %parallel_loop3A_1061] {strides = array<i32>} : memref<16x2048xf32, #tpu.memory_space<vmem>>, vector<1x16xf32>,
        %parallel_loop3A_1063 = vector.shape_cast %parallel_loop3A_1062 : vector<1x16xf32> to vector<16xf32>
        %parallel_loop3A_1064 = arith.constant 45.2548332 : f32
        %parallel_loop3A_1065 = vector.broadcast %parallel_loop3A_1064 : f32 to vector<16xf32>
        %parallel_loop3A_1066 = arith.mulf %parallel_loop3A_1063, %parallel_loop3A_1065 : vector<16xf32>
        %parallel_loop3A_1067 = arith.index_cast %parallel_loop3A_75 : i32 to index
        %parallel_loop3A_1068 = arith.constant 1312 : index
        %parallel_loop3A_1069 = tpu.vector_load %arg7[%parallel_loop3A_1067, %parallel_loop3A_1068] {strides = array<i32>} : memref<16x2048xf32, #tpu.memory_space<vmem>>, vector<1x16xf32>,
        %parallel_loop3A_1070 = vector.shape_cast %parallel_loop3A_1069 : vector<1x16xf32> to vector<16xf32>
        %parallel_loop3A_1071 = vector.shape_cast %parallel_loop3A_1066 : vector<16xf32> to vector<1x16xf32>
        tpu.vector_store %arg7[%parallel_loop3A_1067, %parallel_loop3A_1068], %parallel_loop3A_1071 {strides = array<i32>} : memref<16x2048xf32, #tpu.memory_space<vmem>>, vector<1x16xf32>,
        %parallel_loop3A_1072 = arith.index_cast %parallel_loop3A_75 : i32 to index
        %parallel_loop3A_1073 = arith.constant 1328 : index
        %parallel_loop3A_1074 = tpu.vector_load %arg7[%parallel_loop3A_1072, %parallel_loop3A_1073] {strides = array<i32>} : memref<16x2048xf32, #tpu.memory_space<vmem>>, vector<1x16xf32>,
        %parallel_loop3A_1075 = vector.shape_cast %parallel_loop3A_1074 : vector<1x16xf32> to vector<16xf32>
        %parallel_loop3A_1076 = arith.constant 45.2548332 : f32
        %parallel_loop3A_1077 = vector.broadcast %parallel_loop3A_1076 : f32 to vector<16xf32>
        %parallel_loop3A_1078 = arith.mulf %parallel_loop3A_1075, %parallel_loop3A_1077 : vector<16xf32>
        %parallel_loop3A_1079 = arith.index_cast %parallel_loop3A_75 : i32 to index
        %parallel_loop3A_1080 = arith.constant 1328 : index
        %parallel_loop3A_1081 = tpu.vector_load %arg7[%parallel_loop3A_1079, %parallel_loop3A_1080] {strides = array<i32>} : memref<16x2048xf32, #tpu.memory_space<vmem>>, vector<1x16xf32>,
        %parallel_loop3A_1082 = vector.shape_cast %parallel_loop3A_1081 : vector<1x16xf32> to vector<16xf32>
        %parallel_loop3A_1083 = vector.shape_cast %parallel_loop3A_1078 : vector<16xf32> to vector<1x16xf32>
        tpu.vector_store %arg7[%parallel_loop3A_1079, %parallel_loop3A_1080], %parallel_loop3A_1083 {strides = array<i32>} : memref<16x2048xf32, #tpu.memory_space<vmem>>, vector<1x16xf32>,
        %parallel_loop3A_1084 = arith.index_cast %parallel_loop3A_75 : i32 to index
        %parallel_loop3A_1085 = arith.constant 1344 : index
        %parallel_loop3A_1086 = tpu.vector_load %arg7[%parallel_loop3A_1084, %parallel_loop3A_1085] {strides = array<i32>} : memref<16x2048xf32, #tpu.memory_space<vmem>>, vector<1x16xf32>,
        %parallel_loop3A_1087 = vector.shape_cast %parallel_loop3A_1086 : vector<1x16xf32> to vector<16xf32>
        %parallel_loop3A_1088 = arith.constant 45.2548332 : f32
        %parallel_loop3A_1089 = vector.broadcast %parallel_loop3A_1088 : f32 to vector<16xf32>
        %parallel_loop3A_1090 = arith.mulf %parallel_loop3A_1087, %parallel_loop3A_1089 : vector<16xf32>
        %parallel_loop3A_1091 = arith.index_cast %parallel_loop3A_75 : i32 to index
        %parallel_loop3A_1092 = arith.constant 1344 : index
        %parallel_loop3A_1093 = tpu.vector_load %arg7[%parallel_loop3A_1091, %parallel_loop3A_1092] {strides = array<i32>} : memref<16x2048xf32, #tpu.memory_space<vmem>>, vector<1x16xf32>,
        %parallel_loop3A_1094 = vector.shape_cast %parallel_loop3A_1093 : vector<1x16xf32> to vector<16xf32>
        %parallel_loop3A_1095 = vector.shape_cast %parallel_loop3A_1090 : vector<16xf32> to vector<1x16xf32>
        tpu.vector_store %arg7[%parallel_loop3A_1091, %parallel_loop3A_1092], %parallel_loop3A_1095 {strides = array<i32>} : memref<16x2048xf32, #tpu.memory_space<vmem>>, vector<1x16xf32>,
        %parallel_loop3A_1096 = arith.index_cast %parallel_loop3A_75 : i32 to index
        %parallel_loop3A_1097 = arith.constant 1360 : index
        %parallel_loop3A_1098 = tpu.vector_load %arg7[%parallel_loop3A_1096, %parallel_loop3A_1097] {strides = array<i32>} : memref<16x2048xf32, #tpu.memory_space<vmem>>, vector<1x16xf32>,
        %parallel_loop3A_1099 = vector.shape_cast %parallel_loop3A_1098 : vector<1x16xf32> to vector<16xf32>
        %parallel_loop3A_1100 = arith.constant 45.2548332 : f32
        %parallel_loop3A_1101 = vector.broadcast %parallel_loop3A_1100 : f32 to vector<16xf32>
        %parallel_loop3A_1102 = arith.mulf %parallel_loop3A_1099, %parallel_loop3A_1101 : vector<16xf32>
        %parallel_loop3A_1103 = arith.index_cast %parallel_loop3A_75 : i32 to index
        %parallel_loop3A_1104 = arith.constant 1360 : index
        %parallel_loop3A_1105 = tpu.vector_load %arg7[%parallel_loop3A_1103, %parallel_loop3A_1104] {strides = array<i32>} : memref<16x2048xf32, #tpu.memory_space<vmem>>, vector<1x16xf32>,
        %parallel_loop3A_1106 = vector.shape_cast %parallel_loop3A_1105 : vector<1x16xf32> to vector<16xf32>
        %parallel_loop3A_1107 = vector.shape_cast %parallel_loop3A_1102 : vector<16xf32> to vector<1x16xf32>
        tpu.vector_store %arg7[%parallel_loop3A_1103, %parallel_loop3A_1104], %parallel_loop3A_1107 {strides = array<i32>} : memref<16x2048xf32, #tpu.memory_space<vmem>>, vector<1x16xf32>,
        %parallel_loop3A_1108 = arith.index_cast %parallel_loop3A_75 : i32 to index
        %parallel_loop3A_1109 = arith.constant 1376 : index
        %parallel_loop3A_1110 = tpu.vector_load %arg7[%parallel_loop3A_1108, %parallel_loop3A_1109] {strides = array<i32>} : memref<16x2048xf32, #tpu.memory_space<vmem>>, vector<1x16xf32>,
        %parallel_loop3A_1111 = vector.shape_cast %parallel_loop3A_1110 : vector<1x16xf32> to vector<16xf32>
        %parallel_loop3A_1112 = arith.constant 45.2548332 : f32
        %parallel_loop3A_1113 = vector.broadcast %parallel_loop3A_1112 : f32 to vector<16xf32>
        %parallel_loop3A_1114 = arith.mulf %parallel_loop3A_1111, %parallel_loop3A_1113 : vector<16xf32>
        %parallel_loop3A_1115 = arith.index_cast %parallel_loop3A_75 : i32 to index
        %parallel_loop3A_1116 = arith.constant 1376 : index
        %parallel_loop3A_1117 = tpu.vector_load %arg7[%parallel_loop3A_1115, %parallel_loop3A_1116] {strides = array<i32>} : memref<16x2048xf32, #tpu.memory_space<vmem>>, vector<1x16xf32>,
        %parallel_loop3A_1118 = vector.shape_cast %parallel_loop3A_1117 : vector<1x16xf32> to vector<16xf32>
        %parallel_loop3A_1119 = vector.shape_cast %parallel_loop3A_1114 : vector<16xf32> to vector<1x16xf32>
        tpu.vector_store %arg7[%parallel_loop3A_1115, %parallel_loop3A_1116], %parallel_loop3A_1119 {strides = array<i32>} : memref<16x2048xf32, #tpu.memory_space<vmem>>, vector<1x16xf32>,
        %parallel_loop3A_1120 = arith.index_cast %parallel_loop3A_75 : i32 to index
        %parallel_loop3A_1121 = arith.constant 1392 : index
        %parallel_loop3A_1122 = tpu.vector_load %arg7[%parallel_loop3A_1120, %parallel_loop3A_1121] {strides = array<i32>} : memref<16x2048xf32, #tpu.memory_space<vmem>>, vector<1x16xf32>,
        %parallel_loop3A_1123 = vector.shape_cast %parallel_loop3A_1122 : vector<1x16xf32> to vector<16xf32>
        %parallel_loop3A_1124 = arith.constant 45.2548332 : f32
        %parallel_loop3A_1125 = vector.broadcast %parallel_loop3A_1124 : f32 to vector<16xf32>
        %parallel_loop3A_1126 = arith.mulf %parallel_loop3A_1123, %parallel_loop3A_1125 : vector<16xf32>
        %parallel_loop3A_1127 = arith.index_cast %parallel_loop3A_75 : i32 to index
        %parallel_loop3A_1128 = arith.constant 1392 : index
        %parallel_loop3A_1129 = tpu.vector_load %arg7[%parallel_loop3A_1127, %parallel_loop3A_1128] {strides = array<i32>} : memref<16x2048xf32, #tpu.memory_space<vmem>>, vector<1x16xf32>,
        %parallel_loop3A_1130 = vector.shape_cast %parallel_loop3A_1129 : vector<1x16xf32> to vector<16xf32>
        %parallel_loop3A_1131 = vector.shape_cast %parallel_loop3A_1126 : vector<16xf32> to vector<1x16xf32>
        tpu.vector_store %arg7[%parallel_loop3A_1127, %parallel_loop3A_1128], %parallel_loop3A_1131 {strides = array<i32>} : memref<16x2048xf32, #tpu.memory_space<vmem>>, vector<1x16xf32>,
        %parallel_loop3A_1132 = arith.index_cast %parallel_loop3A_75 : i32 to index
        %parallel_loop3A_1133 = arith.constant 1408 : index
        %parallel_loop3A_1134 = tpu.vector_load %arg7[%parallel_loop3A_1132, %parallel_loop3A_1133] {strides = array<i32>} : memref<16x2048xf32, #tpu.memory_space<vmem>>, vector<1x16xf32>,
        %parallel_loop3A_1135 = vector.shape_cast %parallel_loop3A_1134 : vector<1x16xf32> to vector<16xf32>
        %parallel_loop3A_1136 = arith.constant 45.2548332 : f32
        %parallel_loop3A_1137 = vector.broadcast %parallel_loop3A_1136 : f32 to vector<16xf32>
        %parallel_loop3A_1138 = arith.mulf %parallel_loop3A_1135, %parallel_loop3A_1137 : vector<16xf32>
        %parallel_loop3A_1139 = arith.index_cast %parallel_loop3A_75 : i32 to index
        %parallel_loop3A_1140 = arith.constant 1408 : index
        %parallel_loop3A_1141 = tpu.vector_load %arg7[%parallel_loop3A_1139, %parallel_loop3A_1140] {strides = array<i32>} : memref<16x2048xf32, #tpu.memory_space<vmem>>, vector<1x16xf32>,
        %parallel_loop3A_1142 = vector.shape_cast %parallel_loop3A_1141 : vector<1x16xf32> to vector<16xf32>
        %parallel_loop3A_1143 = vector.shape_cast %parallel_loop3A_1138 : vector<16xf32> to vector<1x16xf32>
        tpu.vector_store %arg7[%parallel_loop3A_1139, %parallel_loop3A_1140], %parallel_loop3A_1143 {strides = array<i32>} : memref<16x2048xf32, #tpu.memory_space<vmem>>, vector<1x16xf32>,
        %parallel_loop3A_1144 = arith.index_cast %parallel_loop3A_75 : i32 to index
        %parallel_loop3A_1145 = arith.constant 1424 : index
        %parallel_loop3A_1146 = tpu.vector_load %arg7[%parallel_loop3A_1144, %parallel_loop3A_1145] {strides = array<i32>} : memref<16x2048xf32, #tpu.memory_space<vmem>>, vector<1x16xf32>,
        %parallel_loop3A_1147 = vector.shape_cast %parallel_loop3A_1146 : vector<1x16xf32> to vector<16xf32>
        %parallel_loop3A_1148 = arith.constant 45.2548332 : f32
        %parallel_loop3A_1149 = vector.broadcast %parallel_loop3A_1148 : f32 to vector<16xf32>
        %parallel_loop3A_1150 = arith.mulf %parallel_loop3A_1147, %parallel_loop3A_1149 : vector<16xf32>
        %parallel_loop3A_1151 = arith.index_cast %parallel_loop3A_75 : i32 to index
        %parallel_loop3A_1152 = arith.constant 1424 : index
        %parallel_loop3A_1153 = tpu.vector_load %arg7[%parallel_loop3A_1151, %parallel_loop3A_1152] {strides = array<i32>} : memref<16x2048xf32, #tpu.memory_space<vmem>>, vector<1x16xf32>,
        %parallel_loop3A_1154 = vector.shape_cast %parallel_loop3A_1153 : vector<1x16xf32> to vector<16xf32>
        %parallel_loop3A_1155 = vector.shape_cast %parallel_loop3A_1150 : vector<16xf32> to vector<1x16xf32>
        tpu.vector_store %arg7[%parallel_loop3A_1151, %parallel_loop3A_1152], %parallel_loop3A_1155 {strides = array<i32>} : memref<16x2048xf32, #tpu.memory_space<vmem>>, vector<1x16xf32>,
        %parallel_loop3A_1156 = arith.index_cast %parallel_loop3A_75 : i32 to index
        %parallel_loop3A_1157 = arith.constant 1440 : index
        %parallel_loop3A_1158 = tpu.vector_load %arg7[%parallel_loop3A_1156, %parallel_loop3A_1157] {strides = array<i32>} : memref<16x2048xf32, #tpu.memory_space<vmem>>, vector<1x16xf32>,
        %parallel_loop3A_1159 = vector.shape_cast %parallel_loop3A_1158 : vector<1x16xf32> to vector<16xf32>
        %parallel_loop3A_1160 = arith.constant 45.2548332 : f32
        %parallel_loop3A_1161 = vector.broadcast %parallel_loop3A_1160 : f32 to vector<16xf32>
        %parallel_loop3A_1162 = arith.mulf %parallel_loop3A_1159, %parallel_loop3A_1161 : vector<16xf32>
        %parallel_loop3A_1163 = arith.index_cast %parallel_loop3A_75 : i32 to index
        %parallel_loop3A_1164 = arith.constant 1440 : index
        %parallel_loop3A_1165 = tpu.vector_load %arg7[%parallel_loop3A_1163, %parallel_loop3A_1164] {strides = array<i32>} : memref<16x2048xf32, #tpu.memory_space<vmem>>, vector<1x16xf32>,
        %parallel_loop3A_1166 = vector.shape_cast %parallel_loop3A_1165 : vector<1x16xf32> to vector<16xf32>
        %parallel_loop3A_1167 = vector.shape_cast %parallel_loop3A_1162 : vector<16xf32> to vector<1x16xf32>
        tpu.vector_store %arg7[%parallel_loop3A_1163, %parallel_loop3A_1164], %parallel_loop3A_1167 {strides = array<i32>} : memref<16x2048xf32, #tpu.memory_space<vmem>>, vector<1x16xf32>,
        %parallel_loop3A_1168 = arith.index_cast %parallel_loop3A_75 : i32 to index
        %parallel_loop3A_1169 = arith.constant 1456 : index
        %parallel_loop3A_1170 = tpu.vector_load %arg7[%parallel_loop3A_1168, %parallel_loop3A_1169] {strides = array<i32>} : memref<16x2048xf32, #tpu.memory_space<vmem>>, vector<1x16xf32>,
        %parallel_loop3A_1171 = vector.shape_cast %parallel_loop3A_1170 : vector<1x16xf32> to vector<16xf32>
        %parallel_loop3A_1172 = arith.constant 45.2548332 : f32
        %parallel_loop3A_1173 = vector.broadcast %parallel_loop3A_1172 : f32 to vector<16xf32>
        %parallel_loop3A_1174 = arith.mulf %parallel_loop3A_1171, %parallel_loop3A_1173 : vector<16xf32>
        %parallel_loop3A_1175 = arith.index_cast %parallel_loop3A_75 : i32 to index
        %parallel_loop3A_1176 = arith.constant 1456 : index
        %parallel_loop3A_1177 = tpu.vector_load %arg7[%parallel_loop3A_1175, %parallel_loop3A_1176] {strides = array<i32>} : memref<16x2048xf32, #tpu.memory_space<vmem>>, vector<1x16xf32>,
        %parallel_loop3A_1178 = vector.shape_cast %parallel_loop3A_1177 : vector<1x16xf32> to vector<16xf32>
        %parallel_loop3A_1179 = vector.shape_cast %parallel_loop3A_1174 : vector<16xf32> to vector<1x16xf32>
        tpu.vector_store %arg7[%parallel_loop3A_1175, %parallel_loop3A_1176], %parallel_loop3A_1179 {strides = array<i32>} : memref<16x2048xf32, #tpu.memory_space<vmem>>, vector<1x16xf32>,
        %parallel_loop3A_1180 = arith.index_cast %parallel_loop3A_75 : i32 to index
        %parallel_loop3A_1181 = arith.constant 1472 : index
        %parallel_loop3A_1182 = tpu.vector_load %arg7[%parallel_loop3A_1180, %parallel_loop3A_1181] {strides = array<i32>} : memref<16x2048xf32, #tpu.memory_space<vmem>>, vector<1x16xf32>,
        %parallel_loop3A_1183 = vector.shape_cast %parallel_loop3A_1182 : vector<1x16xf32> to vector<16xf32>
        %parallel_loop3A_1184 = arith.constant 45.2548332 : f32
        %parallel_loop3A_1185 = vector.broadcast %parallel_loop3A_1184 : f32 to vector<16xf32>
        %parallel_loop3A_1186 = arith.mulf %parallel_loop3A_1183, %parallel_loop3A_1185 : vector<16xf32>
        %parallel_loop3A_1187 = arith.index_cast %parallel_loop3A_75 : i32 to index
        %parallel_loop3A_1188 = arith.constant 1472 : index
        %parallel_loop3A_1189 = tpu.vector_load %arg7[%parallel_loop3A_1187, %parallel_loop3A_1188] {strides = array<i32>} : memref<16x2048xf32, #tpu.memory_space<vmem>>, vector<1x16xf32>,
        %parallel_loop3A_1190 = vector.shape_cast %parallel_loop3A_1189 : vector<1x16xf32> to vector<16xf32>
        %parallel_loop3A_1191 = vector.shape_cast %parallel_loop3A_1186 : vector<16xf32> to vector<1x16xf32>
        tpu.vector_store %arg7[%parallel_loop3A_1187, %parallel_loop3A_1188], %parallel_loop3A_1191 {strides = array<i32>} : memref<16x2048xf32, #tpu.memory_space<vmem>>, vector<1x16xf32>,
        %parallel_loop3A_1192 = arith.index_cast %parallel_loop3A_75 : i32 to index
        %parallel_loop3A_1193 = arith.constant 1488 : index
        %parallel_loop3A_1194 = tpu.vector_load %arg7[%parallel_loop3A_1192, %parallel_loop3A_1193] {strides = array<i32>} : memref<16x2048xf32, #tpu.memory_space<vmem>>, vector<1x16xf32>,
        %parallel_loop3A_1195 = vector.shape_cast %parallel_loop3A_1194 : vector<1x16xf32> to vector<16xf32>
        %parallel_loop3A_1196 = arith.constant 45.2548332 : f32
        %parallel_loop3A_1197 = vector.broadcast %parallel_loop3A_1196 : f32 to vector<16xf32>
        %parallel_loop3A_1198 = arith.mulf %parallel_loop3A_1195, %parallel_loop3A_1197 : vector<16xf32>
        %parallel_loop3A_1199 = arith.index_cast %parallel_loop3A_75 : i32 to index
        %parallel_loop3A_1200 = arith.constant 1488 : index
        %parallel_loop3A_1201 = tpu.vector_load %arg7[%parallel_loop3A_1199, %parallel_loop3A_1200] {strides = array<i32>} : memref<16x2048xf32, #tpu.memory_space<vmem>>, vector<1x16xf32>,
        %parallel_loop3A_1202 = vector.shape_cast %parallel_loop3A_1201 : vector<1x16xf32> to vector<16xf32>
        %parallel_loop3A_1203 = vector.shape_cast %parallel_loop3A_1198 : vector<16xf32> to vector<1x16xf32>
        tpu.vector_store %arg7[%parallel_loop3A_1199, %parallel_loop3A_1200], %parallel_loop3A_1203 {strides = array<i32>} : memref<16x2048xf32, #tpu.memory_space<vmem>>, vector<1x16xf32>,
        %parallel_loop3A_1204 = arith.index_cast %parallel_loop3A_75 : i32 to index
        %parallel_loop3A_1205 = arith.constant 1504 : index
        %parallel_loop3A_1206 = tpu.vector_load %arg7[%parallel_loop3A_1204, %parallel_loop3A_1205] {strides = array<i32>} : memref<16x2048xf32, #tpu.memory_space<vmem>>, vector<1x16xf32>,
        %parallel_loop3A_1207 = vector.shape_cast %parallel_loop3A_1206 : vector<1x16xf32> to vector<16xf32>
        %parallel_loop3A_1208 = arith.constant 45.2548332 : f32
        %parallel_loop3A_1209 = vector.broadcast %parallel_loop3A_1208 : f32 to vector<16xf32>
        %parallel_loop3A_1210 = arith.mulf %parallel_loop3A_1207, %parallel_loop3A_1209 : vector<16xf32>
        %parallel_loop3A_1211 = arith.index_cast %parallel_loop3A_75 : i32 to index
        %parallel_loop3A_1212 = arith.constant 1504 : index
        %parallel_loop3A_1213 = tpu.vector_load %arg7[%parallel_loop3A_1211, %parallel_loop3A_1212] {strides = array<i32>} : memref<16x2048xf32, #tpu.memory_space<vmem>>, vector<1x16xf32>,
        %parallel_loop3A_1214 = vector.shape_cast %parallel_loop3A_1213 : vector<1x16xf32> to vector<16xf32>
        %parallel_loop3A_1215 = vector.shape_cast %parallel_loop3A_1210 : vector<16xf32> to vector<1x16xf32>
        tpu.vector_store %arg7[%parallel_loop3A_1211, %parallel_loop3A_1212], %parallel_loop3A_1215 {strides = array<i32>} : memref<16x2048xf32, #tpu.memory_space<vmem>>, vector<1x16xf32>,
        %parallel_loop3A_1216 = arith.index_cast %parallel_loop3A_75 : i32 to index
        %parallel_loop3A_1217 = arith.constant 1520 : index
        %parallel_loop3A_1218 = tpu.vector_load %arg7[%parallel_loop3A_1216, %parallel_loop3A_1217] {strides = array<i32>} : memref<16x2048xf32, #tpu.memory_space<vmem>>, vector<1x16xf32>,
        %parallel_loop3A_1219 = vector.shape_cast %parallel_loop3A_1218 : vector<1x16xf32> to vector<16xf32>
        %parallel_loop3A_1220 = arith.constant 45.2548332 : f32
        %parallel_loop3A_1221 = vector.broadcast %parallel_loop3A_1220 : f32 to vector<16xf32>
        %parallel_loop3A_1222 = arith.mulf %parallel_loop3A_1219, %parallel_loop3A_1221 : vector<16xf32>
        %parallel_loop3A_1223 = arith.index_cast %parallel_loop3A_75 : i32 to index
        %parallel_loop3A_1224 = arith.constant 1520 : index
        %parallel_loop3A_1225 = tpu.vector_load %arg7[%parallel_loop3A_1223, %parallel_loop3A_1224] {strides = array<i32>} : memref<16x2048xf32, #tpu.memory_space<vmem>>, vector<1x16xf32>,
        %parallel_loop3A_1226 = vector.shape_cast %parallel_loop3A_1225 : vector<1x16xf32> to vector<16xf32>
        %parallel_loop3A_1227 = vector.shape_cast %parallel_loop3A_1222 : vector<16xf32> to vector<1x16xf32>
        tpu.vector_store %arg7[%parallel_loop3A_1223, %parallel_loop3A_1224], %parallel_loop3A_1227 {strides = array<i32>} : memref<16x2048xf32, #tpu.memory_space<vmem>>, vector<1x16xf32>,
        %parallel_loop3A_1228 = arith.index_cast %parallel_loop3A_75 : i32 to index
        %parallel_loop3A_1229 = arith.constant 1536 : index
        %parallel_loop3A_1230 = tpu.vector_load %arg7[%parallel_loop3A_1228, %parallel_loop3A_1229] {strides = array<i32>} : memref<16x2048xf32, #tpu.memory_space<vmem>>, vector<1x16xf32>,
        %parallel_loop3A_1231 = vector.shape_cast %parallel_loop3A_1230 : vector<1x16xf32> to vector<16xf32>
        %parallel_loop3A_1232 = arith.constant 45.2548332 : f32
        %parallel_loop3A_1233 = vector.broadcast %parallel_loop3A_1232 : f32 to vector<16xf32>
        %parallel_loop3A_1234 = arith.mulf %parallel_loop3A_1231, %parallel_loop3A_1233 : vector<16xf32>
        %parallel_loop3A_1235 = arith.index_cast %parallel_loop3A_75 : i32 to index
        %parallel_loop3A_1236 = arith.constant 1536 : index
        %parallel_loop3A_1237 = tpu.vector_load %arg7[%parallel_loop3A_1235, %parallel_loop3A_1236] {strides = array<i32>} : memref<16x2048xf32, #tpu.memory_space<vmem>>, vector<1x16xf32>,
        %parallel_loop3A_1238 = vector.shape_cast %parallel_loop3A_1237 : vector<1x16xf32> to vector<16xf32>
        %parallel_loop3A_1239 = vector.shape_cast %parallel_loop3A_1234 : vector<16xf32> to vector<1x16xf32>
        tpu.vector_store %arg7[%parallel_loop3A_1235, %parallel_loop3A_1236], %parallel_loop3A_1239 {strides = array<i32>} : memref<16x2048xf32, #tpu.memory_space<vmem>>, vector<1x16xf32>,
        %parallel_loop3A_1240 = arith.index_cast %parallel_loop3A_75 : i32 to index
        %parallel_loop3A_1241 = arith.constant 1552 : index
        %parallel_loop3A_1242 = tpu.vector_load %arg7[%parallel_loop3A_1240, %parallel_loop3A_1241] {strides = array<i32>} : memref<16x2048xf32, #tpu.memory_space<vmem>>, vector<1x16xf32>,
        %parallel_loop3A_1243 = vector.shape_cast %parallel_loop3A_1242 : vector<1x16xf32> to vector<16xf32>
        %parallel_loop3A_1244 = arith.constant 45.2548332 : f32
        %parallel_loop3A_1245 = vector.broadcast %parallel_loop3A_1244 : f32 to vector<16xf32>
        %parallel_loop3A_1246 = arith.mulf %parallel_loop3A_1243, %parallel_loop3A_1245 : vector<16xf32>
        %parallel_loop3A_1247 = arith.index_cast %parallel_loop3A_75 : i32 to index
        %parallel_loop3A_1248 = arith.constant 1552 : index
        %parallel_loop3A_1249 = tpu.vector_load %arg7[%parallel_loop3A_1247, %parallel_loop3A_1248] {strides = array<i32>} : memref<16x2048xf32, #tpu.memory_space<vmem>>, vector<1x16xf32>,
        %parallel_loop3A_1250 = vector.shape_cast %parallel_loop3A_1249 : vector<1x16xf32> to vector<16xf32>
        %parallel_loop3A_1251 = vector.shape_cast %parallel_loop3A_1246 : vector<16xf32> to vector<1x16xf32>
        tpu.vector_store %arg7[%parallel_loop3A_1247, %parallel_loop3A_1248], %parallel_loop3A_1251 {strides = array<i32>} : memref<16x2048xf32, #tpu.memory_space<vmem>>, vector<1x16xf32>,
        %parallel_loop3A_1252 = arith.index_cast %parallel_loop3A_75 : i32 to index
        %parallel_loop3A_1253 = arith.constant 1568 : index
        %parallel_loop3A_1254 = tpu.vector_load %arg7[%parallel_loop3A_1252, %parallel_loop3A_1253] {strides = array<i32>} : memref<16x2048xf32, #tpu.memory_space<vmem>>, vector<1x16xf32>,
        %parallel_loop3A_1255 = vector.shape_cast %parallel_loop3A_1254 : vector<1x16xf32> to vector<16xf32>
        %parallel_loop3A_1256 = arith.constant 45.2548332 : f32
        %parallel_loop3A_1257 = vector.broadcast %parallel_loop3A_1256 : f32 to vector<16xf32>
        %parallel_loop3A_1258 = arith.mulf %parallel_loop3A_1255, %parallel_loop3A_1257 : vector<16xf32>
        %parallel_loop3A_1259 = arith.index_cast %parallel_loop3A_75 : i32 to index
        %parallel_loop3A_1260 = arith.constant 1568 : index
        %parallel_loop3A_1261 = tpu.vector_load %arg7[%parallel_loop3A_1259, %parallel_loop3A_1260] {strides = array<i32>} : memref<16x2048xf32, #tpu.memory_space<vmem>>, vector<1x16xf32>,
        %parallel_loop3A_1262 = vector.shape_cast %parallel_loop3A_1261 : vector<1x16xf32> to vector<16xf32>
        %parallel_loop3A_1263 = vector.shape_cast %parallel_loop3A_1258 : vector<16xf32> to vector<1x16xf32>
        tpu.vector_store %arg7[%parallel_loop3A_1259, %parallel_loop3A_1260], %parallel_loop3A_1263 {strides = array<i32>} : memref<16x2048xf32, #tpu.memory_space<vmem>>, vector<1x16xf32>,
        %parallel_loop3A_1264 = arith.index_cast %parallel_loop3A_75 : i32 to index
        %parallel_loop3A_1265 = arith.constant 1584 : index
        %parallel_loop3A_1266 = tpu.vector_load %arg7[%parallel_loop3A_1264, %parallel_loop3A_1265] {strides = array<i32>} : memref<16x2048xf32, #tpu.memory_space<vmem>>, vector<1x16xf32>,
        %parallel_loop3A_1267 = vector.shape_cast %parallel_loop3A_1266 : vector<1x16xf32> to vector<16xf32>
        %parallel_loop3A_1268 = arith.constant 45.2548332 : f32
        %parallel_loop3A_1269 = vector.broadcast %parallel_loop3A_1268 : f32 to vector<16xf32>
        %parallel_loop3A_1270 = arith.mulf %parallel_loop3A_1267, %parallel_loop3A_1269 : vector<16xf32>
        %parallel_loop3A_1271 = arith.index_cast %parallel_loop3A_75 : i32 to index
        %parallel_loop3A_1272 = arith.constant 1584 : index
        %parallel_loop3A_1273 = tpu.vector_load %arg7[%parallel_loop3A_1271, %parallel_loop3A_1272] {strides = array<i32>} : memref<16x2048xf32, #tpu.memory_space<vmem>>, vector<1x16xf32>,
        %parallel_loop3A_1274 = vector.shape_cast %parallel_loop3A_1273 : vector<1x16xf32> to vector<16xf32>
        %parallel_loop3A_1275 = vector.shape_cast %parallel_loop3A_1270 : vector<16xf32> to vector<1x16xf32>
        tpu.vector_store %arg7[%parallel_loop3A_1271, %parallel_loop3A_1272], %parallel_loop3A_1275 {strides = array<i32>} : memref<16x2048xf32, #tpu.memory_space<vmem>>, vector<1x16xf32>,
        %parallel_loop3A_1276 = arith.index_cast %parallel_loop3A_75 : i32 to index
        %parallel_loop3A_1277 = arith.constant 1600 : index
        %parallel_loop3A_1278 = tpu.vector_load %arg7[%parallel_loop3A_1276, %parallel_loop3A_1277] {strides = array<i32>} : memref<16x2048xf32, #tpu.memory_space<vmem>>, vector<1x16xf32>,
        %parallel_loop3A_1279 = vector.shape_cast %parallel_loop3A_1278 : vector<1x16xf32> to vector<16xf32>
        %parallel_loop3A_1280 = arith.constant 45.2548332 : f32
        %parallel_loop3A_1281 = vector.broadcast %parallel_loop3A_1280 : f32 to vector<16xf32>
        %parallel_loop3A_1282 = arith.mulf %parallel_loop3A_1279, %parallel_loop3A_1281 : vector<16xf32>
        %parallel_loop3A_1283 = arith.index_cast %parallel_loop3A_75 : i32 to index
        %parallel_loop3A_1284 = arith.constant 1600 : index
        %parallel_loop3A_1285 = tpu.vector_load %arg7[%parallel_loop3A_1283, %parallel_loop3A_1284] {strides = array<i32>} : memref<16x2048xf32, #tpu.memory_space<vmem>>, vector<1x16xf32>,
        %parallel_loop3A_1286 = vector.shape_cast %parallel_loop3A_1285 : vector<1x16xf32> to vector<16xf32>
        %parallel_loop3A_1287 = vector.shape_cast %parallel_loop3A_1282 : vector<16xf32> to vector<1x16xf32>
        tpu.vector_store %arg7[%parallel_loop3A_1283, %parallel_loop3A_1284], %parallel_loop3A_1287 {strides = array<i32>} : memref<16x2048xf32, #tpu.memory_space<vmem>>, vector<1x16xf32>,
        %parallel_loop3A_1288 = arith.index_cast %parallel_loop3A_75 : i32 to index
        %parallel_loop3A_1289 = arith.constant 1616 : index
        %parallel_loop3A_1290 = tpu.vector_load %arg7[%parallel_loop3A_1288, %parallel_loop3A_1289] {strides = array<i32>} : memref<16x2048xf32, #tpu.memory_space<vmem>>, vector<1x16xf32>,
        %parallel_loop3A_1291 = vector.shape_cast %parallel_loop3A_1290 : vector<1x16xf32> to vector<16xf32>
        %parallel_loop3A_1292 = arith.constant 45.2548332 : f32
        %parallel_loop3A_1293 = vector.broadcast %parallel_loop3A_1292 : f32 to vector<16xf32>
        %parallel_loop3A_1294 = arith.mulf %parallel_loop3A_1291, %parallel_loop3A_1293 : vector<16xf32>
        %parallel_loop3A_1295 = arith.index_cast %parallel_loop3A_75 : i32 to index
        %parallel_loop3A_1296 = arith.constant 1616 : index
        %parallel_loop3A_1297 = tpu.vector_load %arg7[%parallel_loop3A_1295, %parallel_loop3A_1296] {strides = array<i32>} : memref<16x2048xf32, #tpu.memory_space<vmem>>, vector<1x16xf32>,
        %parallel_loop3A_1298 = vector.shape_cast %parallel_loop3A_1297 : vector<1x16xf32> to vector<16xf32>
        %parallel_loop3A_1299 = vector.shape_cast %parallel_loop3A_1294 : vector<16xf32> to vector<1x16xf32>
        tpu.vector_store %arg7[%parallel_loop3A_1295, %parallel_loop3A_1296], %parallel_loop3A_1299 {strides = array<i32>} : memref<16x2048xf32, #tpu.memory_space<vmem>>, vector<1x16xf32>,
        %parallel_loop3A_1300 = arith.index_cast %parallel_loop3A_75 : i32 to index
        %parallel_loop3A_1301 = arith.constant 1632 : index
        %parallel_loop3A_1302 = tpu.vector_load %arg7[%parallel_loop3A_1300, %parallel_loop3A_1301] {strides = array<i32>} : memref<16x2048xf32, #tpu.memory_space<vmem>>, vector<1x16xf32>,
        %parallel_loop3A_1303 = vector.shape_cast %parallel_loop3A_1302 : vector<1x16xf32> to vector<16xf32>
        %parallel_loop3A_1304 = arith.constant 45.2548332 : f32
        %parallel_loop3A_1305 = vector.broadcast %parallel_loop3A_1304 : f32 to vector<16xf32>
        %parallel_loop3A_1306 = arith.mulf %parallel_loop3A_1303, %parallel_loop3A_1305 : vector<16xf32>
        %parallel_loop3A_1307 = arith.index_cast %parallel_loop3A_75 : i32 to index
        %parallel_loop3A_1308 = arith.constant 1632 : index
        %parallel_loop3A_1309 = tpu.vector_load %arg7[%parallel_loop3A_1307, %parallel_loop3A_1308] {strides = array<i32>} : memref<16x2048xf32, #tpu.memory_space<vmem>>, vector<1x16xf32>,
        %parallel_loop3A_1310 = vector.shape_cast %parallel_loop3A_1309 : vector<1x16xf32> to vector<16xf32>
        %parallel_loop3A_1311 = vector.shape_cast %parallel_loop3A_1306 : vector<16xf32> to vector<1x16xf32>
        tpu.vector_store %arg7[%parallel_loop3A_1307, %parallel_loop3A_1308], %parallel_loop3A_1311 {strides = array<i32>} : memref<16x2048xf32, #tpu.memory_space<vmem>>, vector<1x16xf32>,
        %parallel_loop3A_1312 = arith.index_cast %parallel_loop3A_75 : i32 to index
        %parallel_loop3A_1313 = arith.constant 1648 : index
        %parallel_loop3A_1314 = tpu.vector_load %arg7[%parallel_loop3A_1312, %parallel_loop3A_1313] {strides = array<i32>} : memref<16x2048xf32, #tpu.memory_space<vmem>>, vector<1x16xf32>,
        %parallel_loop3A_1315 = vector.shape_cast %parallel_loop3A_1314 : vector<1x16xf32> to vector<16xf32>
        %parallel_loop3A_1316 = arith.constant 45.2548332 : f32
        %parallel_loop3A_1317 = vector.broadcast %parallel_loop3A_1316 : f32 to vector<16xf32>
        %parallel_loop3A_1318 = arith.mulf %parallel_loop3A_1315, %parallel_loop3A_1317 : vector<16xf32>
        %parallel_loop3A_1319 = arith.index_cast %parallel_loop3A_75 : i32 to index
        %parallel_loop3A_1320 = arith.constant 1648 : index
        %parallel_loop3A_1321 = tpu.vector_load %arg7[%parallel_loop3A_1319, %parallel_loop3A_1320] {strides = array<i32>} : memref<16x2048xf32, #tpu.memory_space<vmem>>, vector<1x16xf32>,
        %parallel_loop3A_1322 = vector.shape_cast %parallel_loop3A_1321 : vector<1x16xf32> to vector<16xf32>
        %parallel_loop3A_1323 = vector.shape_cast %parallel_loop3A_1318 : vector<16xf32> to vector<1x16xf32>
        tpu.vector_store %arg7[%parallel_loop3A_1319, %parallel_loop3A_1320], %parallel_loop3A_1323 {strides = array<i32>} : memref<16x2048xf32, #tpu.memory_space<vmem>>, vector<1x16xf32>,
        %parallel_loop3A_1324 = arith.index_cast %parallel_loop3A_75 : i32 to index
        %parallel_loop3A_1325 = arith.constant 1664 : index
        %parallel_loop3A_1326 = tpu.vector_load %arg7[%parallel_loop3A_1324, %parallel_loop3A_1325] {strides = array<i32>} : memref<16x2048xf32, #tpu.memory_space<vmem>>, vector<1x16xf32>,
        %parallel_loop3A_1327 = vector.shape_cast %parallel_loop3A_1326 : vector<1x16xf32> to vector<16xf32>
        %parallel_loop3A_1328 = arith.constant 45.2548332 : f32
        %parallel_loop3A_1329 = vector.broadcast %parallel_loop3A_1328 : f32 to vector<16xf32>
        %parallel_loop3A_1330 = arith.mulf %parallel_loop3A_1327, %parallel_loop3A_1329 : vector<16xf32>
        %parallel_loop3A_1331 = arith.index_cast %parallel_loop3A_75 : i32 to index
        %parallel_loop3A_1332 = arith.constant 1664 : index
        %parallel_loop3A_1333 = tpu.vector_load %arg7[%parallel_loop3A_1331, %parallel_loop3A_1332] {strides = array<i32>} : memref<16x2048xf32, #tpu.memory_space<vmem>>, vector<1x16xf32>,
        %parallel_loop3A_1334 = vector.shape_cast %parallel_loop3A_1333 : vector<1x16xf32> to vector<16xf32>
        %parallel_loop3A_1335 = vector.shape_cast %parallel_loop3A_1330 : vector<16xf32> to vector<1x16xf32>
        tpu.vector_store %arg7[%parallel_loop3A_1331, %parallel_loop3A_1332], %parallel_loop3A_1335 {strides = array<i32>} : memref<16x2048xf32, #tpu.memory_space<vmem>>, vector<1x16xf32>,
        %parallel_loop3A_1336 = arith.index_cast %parallel_loop3A_75 : i32 to index
        %parallel_loop3A_1337 = arith.constant 1680 : index
        %parallel_loop3A_1338 = tpu.vector_load %arg7[%parallel_loop3A_1336, %parallel_loop3A_1337] {strides = array<i32>} : memref<16x2048xf32, #tpu.memory_space<vmem>>, vector<1x16xf32>,
        %parallel_loop3A_1339 = vector.shape_cast %parallel_loop3A_1338 : vector<1x16xf32> to vector<16xf32>
        %parallel_loop3A_1340 = arith.constant 45.2548332 : f32
        %parallel_loop3A_1341 = vector.broadcast %parallel_loop3A_1340 : f32 to vector<16xf32>
        %parallel_loop3A_1342 = arith.mulf %parallel_loop3A_1339, %parallel_loop3A_1341 : vector<16xf32>
        %parallel_loop3A_1343 = arith.index_cast %parallel_loop3A_75 : i32 to index
        %parallel_loop3A_1344 = arith.constant 1680 : index
        %parallel_loop3A_1345 = tpu.vector_load %arg7[%parallel_loop3A_1343, %parallel_loop3A_1344] {strides = array<i32>} : memref<16x2048xf32, #tpu.memory_space<vmem>>, vector<1x16xf32>,
        %parallel_loop3A_1346 = vector.shape_cast %parallel_loop3A_1345 : vector<1x16xf32> to vector<16xf32>
        %parallel_loop3A_1347 = vector.shape_cast %parallel_loop3A_1342 : vector<16xf32> to vector<1x16xf32>
        tpu.vector_store %arg7[%parallel_loop3A_1343, %parallel_loop3A_1344], %parallel_loop3A_1347 {strides = array<i32>} : memref<16x2048xf32, #tpu.memory_space<vmem>>, vector<1x16xf32>,
        %parallel_loop3A_1348 = arith.index_cast %parallel_loop3A_75 : i32 to index
        %parallel_loop3A_1349 = arith.constant 1696 : index
        %parallel_loop3A_1350 = tpu.vector_load %arg7[%parallel_loop3A_1348, %parallel_loop3A_1349] {strides = array<i32>} : memref<16x2048xf32, #tpu.memory_space<vmem>>, vector<1x16xf32>,
        %parallel_loop3A_1351 = vector.shape_cast %parallel_loop3A_1350 : vector<1x16xf32> to vector<16xf32>
        %parallel_loop3A_1352 = arith.constant 45.2548332 : f32
        %parallel_loop3A_1353 = vector.broadcast %parallel_loop3A_1352 : f32 to vector<16xf32>
        %parallel_loop3A_1354 = arith.mulf %parallel_loop3A_1351, %parallel_loop3A_1353 : vector<16xf32>
        %parallel_loop3A_1355 = arith.index_cast %parallel_loop3A_75 : i32 to index
        %parallel_loop3A_1356 = arith.constant 1696 : index
        %parallel_loop3A_1357 = tpu.vector_load %arg7[%parallel_loop3A_1355, %parallel_loop3A_1356] {strides = array<i32>} : memref<16x2048xf32, #tpu.memory_space<vmem>>, vector<1x16xf32>,
        %parallel_loop3A_1358 = vector.shape_cast %parallel_loop3A_1357 : vector<1x16xf32> to vector<16xf32>
        %parallel_loop3A_1359 = vector.shape_cast %parallel_loop3A_1354 : vector<16xf32> to vector<1x16xf32>
        tpu.vector_store %arg7[%parallel_loop3A_1355, %parallel_loop3A_1356], %parallel_loop3A_1359 {strides = array<i32>} : memref<16x2048xf32, #tpu.memory_space<vmem>>, vector<1x16xf32>,
        %parallel_loop3A_1360 = arith.index_cast %parallel_loop3A_75 : i32 to index
        %parallel_loop3A_1361 = arith.constant 1712 : index
        %parallel_loop3A_1362 = tpu.vector_load %arg7[%parallel_loop3A_1360, %parallel_loop3A_1361] {strides = array<i32>} : memref<16x2048xf32, #tpu.memory_space<vmem>>, vector<1x16xf32>,
        %parallel_loop3A_1363 = vector.shape_cast %parallel_loop3A_1362 : vector<1x16xf32> to vector<16xf32>
        %parallel_loop3A_1364 = arith.constant 45.2548332 : f32
        %parallel_loop3A_1365 = vector.broadcast %parallel_loop3A_1364 : f32 to vector<16xf32>
        %parallel_loop3A_1366 = arith.mulf %parallel_loop3A_1363, %parallel_loop3A_1365 : vector<16xf32>
        %parallel_loop3A_1367 = arith.index_cast %parallel_loop3A_75 : i32 to index
        %parallel_loop3A_1368 = arith.constant 1712 : index
        %parallel_loop3A_1369 = tpu.vector_load %arg7[%parallel_loop3A_1367, %parallel_loop3A_1368] {strides = array<i32>} : memref<16x2048xf32, #tpu.memory_space<vmem>>, vector<1x16xf32>,
        %parallel_loop3A_1370 = vector.shape_cast %parallel_loop3A_1369 : vector<1x16xf32> to vector<16xf32>
        %parallel_loop3A_1371 = vector.shape_cast %parallel_loop3A_1366 : vector<16xf32> to vector<1x16xf32>
        tpu.vector_store %arg7[%parallel_loop3A_1367, %parallel_loop3A_1368], %parallel_loop3A_1371 {strides = array<i32>} : memref<16x2048xf32, #tpu.memory_space<vmem>>, vector<1x16xf32>,
        %parallel_loop3A_1372 = arith.index_cast %parallel_loop3A_75 : i32 to index
        %parallel_loop3A_1373 = arith.constant 1728 : index
        %parallel_loop3A_1374 = tpu.vector_load %arg7[%parallel_loop3A_1372, %parallel_loop3A_1373] {strides = array<i32>} : memref<16x2048xf32, #tpu.memory_space<vmem>>, vector<1x16xf32>,
        %parallel_loop3A_1375 = vector.shape_cast %parallel_loop3A_1374 : vector<1x16xf32> to vector<16xf32>
        %parallel_loop3A_1376 = arith.constant 45.2548332 : f32
        %parallel_loop3A_1377 = vector.broadcast %parallel_loop3A_1376 : f32 to vector<16xf32>
        %parallel_loop3A_1378 = arith.mulf %parallel_loop3A_1375, %parallel_loop3A_1377 : vector<16xf32>
        %parallel_loop3A_1379 = arith.index_cast %parallel_loop3A_75 : i32 to index
        %parallel_loop3A_1380 = arith.constant 1728 : index
        %parallel_loop3A_1381 = tpu.vector_load %arg7[%parallel_loop3A_1379, %parallel_loop3A_1380] {strides = array<i32>} : memref<16x2048xf32, #tpu.memory_space<vmem>>, vector<1x16xf32>,
        %parallel_loop3A_1382 = vector.shape_cast %parallel_loop3A_1381 : vector<1x16xf32> to vector<16xf32>
        %parallel_loop3A_1383 = vector.shape_cast %parallel_loop3A_1378 : vector<16xf32> to vector<1x16xf32>
        tpu.vector_store %arg7[%parallel_loop3A_1379, %parallel_loop3A_1380], %parallel_loop3A_1383 {strides = array<i32>} : memref<16x2048xf32, #tpu.memory_space<vmem>>, vector<1x16xf32>,
        %parallel_loop3A_1384 = arith.index_cast %parallel_loop3A_75 : i32 to index
        %parallel_loop3A_1385 = arith.constant 1744 : index
        %parallel_loop3A_1386 = tpu.vector_load %arg7[%parallel_loop3A_1384, %parallel_loop3A_1385] {strides = array<i32>} : memref<16x2048xf32, #tpu.memory_space<vmem>>, vector<1x16xf32>,
        %parallel_loop3A_1387 = vector.shape_cast %parallel_loop3A_1386 : vector<1x16xf32> to vector<16xf32>
        %parallel_loop3A_1388 = arith.constant 45.2548332 : f32
        %parallel_loop3A_1389 = vector.broadcast %parallel_loop3A_1388 : f32 to vector<16xf32>
        %parallel_loop3A_1390 = arith.mulf %parallel_loop3A_1387, %parallel_loop3A_1389 : vector<16xf32>
        %parallel_loop3A_1391 = arith.index_cast %parallel_loop3A_75 : i32 to index
        %parallel_loop3A_1392 = arith.constant 1744 : index
        %parallel_loop3A_1393 = tpu.vector_load %arg7[%parallel_loop3A_1391, %parallel_loop3A_1392] {strides = array<i32>} : memref<16x2048xf32, #tpu.memory_space<vmem>>, vector<1x16xf32>,
        %parallel_loop3A_1394 = vector.shape_cast %parallel_loop3A_1393 : vector<1x16xf32> to vector<16xf32>
        %parallel_loop3A_1395 = vector.shape_cast %parallel_loop3A_1390 : vector<16xf32> to vector<1x16xf32>
        tpu.vector_store %arg7[%parallel_loop3A_1391, %parallel_loop3A_1392], %parallel_loop3A_1395 {strides = array<i32>} : memref<16x2048xf32, #tpu.memory_space<vmem>>, vector<1x16xf32>,
        %parallel_loop3A_1396 = arith.index_cast %parallel_loop3A_75 : i32 to index
        %parallel_loop3A_1397 = arith.constant 1760 : index
        %parallel_loop3A_1398 = tpu.vector_load %arg7[%parallel_loop3A_1396, %parallel_loop3A_1397] {strides = array<i32>} : memref<16x2048xf32, #tpu.memory_space<vmem>>, vector<1x16xf32>,
        %parallel_loop3A_1399 = vector.shape_cast %parallel_loop3A_1398 : vector<1x16xf32> to vector<16xf32>
        %parallel_loop3A_1400 = arith.constant 45.2548332 : f32
        %parallel_loop3A_1401 = vector.broadcast %parallel_loop3A_1400 : f32 to vector<16xf32>
        %parallel_loop3A_1402 = arith.mulf %parallel_loop3A_1399, %parallel_loop3A_1401 : vector<16xf32>
        %parallel_loop3A_1403 = arith.index_cast %parallel_loop3A_75 : i32 to index
        %parallel_loop3A_1404 = arith.constant 1760 : index
        %parallel_loop3A_1405 = tpu.vector_load %arg7[%parallel_loop3A_1403, %parallel_loop3A_1404] {strides = array<i32>} : memref<16x2048xf32, #tpu.memory_space<vmem>>, vector<1x16xf32>,
        %parallel_loop3A_1406 = vector.shape_cast %parallel_loop3A_1405 : vector<1x16xf32> to vector<16xf32>
        %parallel_loop3A_1407 = vector.shape_cast %parallel_loop3A_1402 : vector<16xf32> to vector<1x16xf32>
        tpu.vector_store %arg7[%parallel_loop3A_1403, %parallel_loop3A_1404], %parallel_loop3A_1407 {strides = array<i32>} : memref<16x2048xf32, #tpu.memory_space<vmem>>, vector<1x16xf32>,
        %parallel_loop3A_1408 = arith.index_cast %parallel_loop3A_75 : i32 to index
        %parallel_loop3A_1409 = arith.constant 1776 : index
        %parallel_loop3A_1410 = tpu.vector_load %arg7[%parallel_loop3A_1408, %parallel_loop3A_1409] {strides = array<i32>} : memref<16x2048xf32, #tpu.memory_space<vmem>>, vector<1x16xf32>,
        %parallel_loop3A_1411 = vector.shape_cast %parallel_loop3A_1410 : vector<1x16xf32> to vector<16xf32>
        %parallel_loop3A_1412 = arith.constant 45.2548332 : f32
        %parallel_loop3A_1413 = vector.broadcast %parallel_loop3A_1412 : f32 to vector<16xf32>
        %parallel_loop3A_1414 = arith.mulf %parallel_loop3A_1411, %parallel_loop3A_1413 : vector<16xf32>
        %parallel_loop3A_1415 = arith.index_cast %parallel_loop3A_75 : i32 to index
        %parallel_loop3A_1416 = arith.constant 1776 : index
        %parallel_loop3A_1417 = tpu.vector_load %arg7[%parallel_loop3A_1415, %parallel_loop3A_1416] {strides = array<i32>} : memref<16x2048xf32, #tpu.memory_space<vmem>>, vector<1x16xf32>,
        %parallel_loop3A_1418 = vector.shape_cast %parallel_loop3A_1417 : vector<1x16xf32> to vector<16xf32>
        %parallel_loop3A_1419 = vector.shape_cast %parallel_loop3A_1414 : vector<16xf32> to vector<1x16xf32>
        tpu.vector_store %arg7[%parallel_loop3A_1415, %parallel_loop3A_1416], %parallel_loop3A_1419 {strides = array<i32>} : memref<16x2048xf32, #tpu.memory_space<vmem>>, vector<1x16xf32>,
        %parallel_loop3A_1420 = arith.index_cast %parallel_loop3A_75 : i32 to index
        %parallel_loop3A_1421 = arith.constant 1792 : index
        %parallel_loop3A_1422 = tpu.vector_load %arg7[%parallel_loop3A_1420, %parallel_loop3A_1421] {strides = array<i32>} : memref<16x2048xf32, #tpu.memory_space<vmem>>, vector<1x16xf32>,
        %parallel_loop3A_1423 = vector.shape_cast %parallel_loop3A_1422 : vector<1x16xf32> to vector<16xf32>
        %parallel_loop3A_1424 = arith.constant 45.2548332 : f32
        %parallel_loop3A_1425 = vector.broadcast %parallel_loop3A_1424 : f32 to vector<16xf32>
        %parallel_loop3A_1426 = arith.mulf %parallel_loop3A_1423, %parallel_loop3A_1425 : vector<16xf32>
        %parallel_loop3A_1427 = arith.index_cast %parallel_loop3A_75 : i32 to index
        %parallel_loop3A_1428 = arith.constant 1792 : index
        %parallel_loop3A_1429 = tpu.vector_load %arg7[%parallel_loop3A_1427, %parallel_loop3A_1428] {strides = array<i32>} : memref<16x2048xf32, #tpu.memory_space<vmem>>, vector<1x16xf32>,
        %parallel_loop3A_1430 = vector.shape_cast %parallel_loop3A_1429 : vector<1x16xf32> to vector<16xf32>
        %parallel_loop3A_1431 = vector.shape_cast %parallel_loop3A_1426 : vector<16xf32> to vector<1x16xf32>
        tpu.vector_store %arg7[%parallel_loop3A_1427, %parallel_loop3A_1428], %parallel_loop3A_1431 {strides = array<i32>} : memref<16x2048xf32, #tpu.memory_space<vmem>>, vector<1x16xf32>,
        %parallel_loop3A_1432 = arith.index_cast %parallel_loop3A_75 : i32 to index
        %parallel_loop3A_1433 = arith.constant 1808 : index
        %parallel_loop3A_1434 = tpu.vector_load %arg7[%parallel_loop3A_1432, %parallel_loop3A_1433] {strides = array<i32>} : memref<16x2048xf32, #tpu.memory_space<vmem>>, vector<1x16xf32>,
        %parallel_loop3A_1435 = vector.shape_cast %parallel_loop3A_1434 : vector<1x16xf32> to vector<16xf32>
        %parallel_loop3A_1436 = arith.constant 45.2548332 : f32
        %parallel_loop3A_1437 = vector.broadcast %parallel_loop3A_1436 : f32 to vector<16xf32>
        %parallel_loop3A_1438 = arith.mulf %parallel_loop3A_1435, %parallel_loop3A_1437 : vector<16xf32>
        %parallel_loop3A_1439 = arith.index_cast %parallel_loop3A_75 : i32 to index
        %parallel_loop3A_1440 = arith.constant 1808 : index
        %parallel_loop3A_1441 = tpu.vector_load %arg7[%parallel_loop3A_1439, %parallel_loop3A_1440] {strides = array<i32>} : memref<16x2048xf32, #tpu.memory_space<vmem>>, vector<1x16xf32>,
        %parallel_loop3A_1442 = vector.shape_cast %parallel_loop3A_1441 : vector<1x16xf32> to vector<16xf32>
        %parallel_loop3A_1443 = vector.shape_cast %parallel_loop3A_1438 : vector<16xf32> to vector<1x16xf32>
        tpu.vector_store %arg7[%parallel_loop3A_1439, %parallel_loop3A_1440], %parallel_loop3A_1443 {strides = array<i32>} : memref<16x2048xf32, #tpu.memory_space<vmem>>, vector<1x16xf32>,
        %parallel_loop3A_1444 = arith.index_cast %parallel_loop3A_75 : i32 to index
        %parallel_loop3A_1445 = arith.constant 1824 : index
        %parallel_loop3A_1446 = tpu.vector_load %arg7[%parallel_loop3A_1444, %parallel_loop3A_1445] {strides = array<i32>} : memref<16x2048xf32, #tpu.memory_space<vmem>>, vector<1x16xf32>,
        %parallel_loop3A_1447 = vector.shape_cast %parallel_loop3A_1446 : vector<1x16xf32> to vector<16xf32>
        %parallel_loop3A_1448 = arith.constant 45.2548332 : f32
        %parallel_loop3A_1449 = vector.broadcast %parallel_loop3A_1448 : f32 to vector<16xf32>
        %parallel_loop3A_1450 = arith.mulf %parallel_loop3A_1447, %parallel_loop3A_1449 : vector<16xf32>
        %parallel_loop3A_1451 = arith.index_cast %parallel_loop3A_75 : i32 to index
        %parallel_loop3A_1452 = arith.constant 1824 : index
        %parallel_loop3A_1453 = tpu.vector_load %arg7[%parallel_loop3A_1451, %parallel_loop3A_1452] {strides = array<i32>} : memref<16x2048xf32, #tpu.memory_space<vmem>>, vector<1x16xf32>,
        %parallel_loop3A_1454 = vector.shape_cast %parallel_loop3A_1453 : vector<1x16xf32> to vector<16xf32>
        %parallel_loop3A_1455 = vector.shape_cast %parallel_loop3A_1450 : vector<16xf32> to vector<1x16xf32>
        tpu.vector_store %arg7[%parallel_loop3A_1451, %parallel_loop3A_1452], %parallel_loop3A_1455 {strides = array<i32>} : memref<16x2048xf32, #tpu.memory_space<vmem>>, vector<1x16xf32>,
        %parallel_loop3A_1456 = arith.index_cast %parallel_loop3A_75 : i32 to index
        %parallel_loop3A_1457 = arith.constant 1840 : index
        %parallel_loop3A_1458 = tpu.vector_load %arg7[%parallel_loop3A_1456, %parallel_loop3A_1457] {strides = array<i32>} : memref<16x2048xf32, #tpu.memory_space<vmem>>, vector<1x16xf32>,
        %parallel_loop3A_1459 = vector.shape_cast %parallel_loop3A_1458 : vector<1x16xf32> to vector<16xf32>
        %parallel_loop3A_1460 = arith.constant 45.2548332 : f32
        %parallel_loop3A_1461 = vector.broadcast %parallel_loop3A_1460 : f32 to vector<16xf32>
        %parallel_loop3A_1462 = arith.mulf %parallel_loop3A_1459, %parallel_loop3A_1461 : vector<16xf32>
        %parallel_loop3A_1463 = arith.index_cast %parallel_loop3A_75 : i32 to index
        %parallel_loop3A_1464 = arith.constant 1840 : index
        %parallel_loop3A_1465 = tpu.vector_load %arg7[%parallel_loop3A_1463, %parallel_loop3A_1464] {strides = array<i32>} : memref<16x2048xf32, #tpu.memory_space<vmem>>, vector<1x16xf32>,
        %parallel_loop3A_1466 = vector.shape_cast %parallel_loop3A_1465 : vector<1x16xf32> to vector<16xf32>
        %parallel_loop3A_1467 = vector.shape_cast %parallel_loop3A_1462 : vector<16xf32> to vector<1x16xf32>
        tpu.vector_store %arg7[%parallel_loop3A_1463, %parallel_loop3A_1464], %parallel_loop3A_1467 {strides = array<i32>} : memref<16x2048xf32, #tpu.memory_space<vmem>>, vector<1x16xf32>,
        %parallel_loop3A_1468 = arith.index_cast %parallel_loop3A_75 : i32 to index
        %parallel_loop3A_1469 = arith.constant 1856 : index
        %parallel_loop3A_1470 = tpu.vector_load %arg7[%parallel_loop3A_1468, %parallel_loop3A_1469] {strides = array<i32>} : memref<16x2048xf32, #tpu.memory_space<vmem>>, vector<1x16xf32>,
        %parallel_loop3A_1471 = vector.shape_cast %parallel_loop3A_1470 : vector<1x16xf32> to vector<16xf32>
        %parallel_loop3A_1472 = arith.constant 45.2548332 : f32
        %parallel_loop3A_1473 = vector.broadcast %parallel_loop3A_1472 : f32 to vector<16xf32>
        %parallel_loop3A_1474 = arith.mulf %parallel_loop3A_1471, %parallel_loop3A_1473 : vector<16xf32>
        %parallel_loop3A_1475 = arith.index_cast %parallel_loop3A_75 : i32 to index
        %parallel_loop3A_1476 = arith.constant 1856 : index
        %parallel_loop3A_1477 = tpu.vector_load %arg7[%parallel_loop3A_1475, %parallel_loop3A_1476] {strides = array<i32>} : memref<16x2048xf32, #tpu.memory_space<vmem>>, vector<1x16xf32>,
        %parallel_loop3A_1478 = vector.shape_cast %parallel_loop3A_1477 : vector<1x16xf32> to vector<16xf32>
        %parallel_loop3A_1479 = vector.shape_cast %parallel_loop3A_1474 : vector<16xf32> to vector<1x16xf32>
        tpu.vector_store %arg7[%parallel_loop3A_1475, %parallel_loop3A_1476], %parallel_loop3A_1479 {strides = array<i32>} : memref<16x2048xf32, #tpu.memory_space<vmem>>, vector<1x16xf32>,
        %parallel_loop3A_1480 = arith.index_cast %parallel_loop3A_75 : i32 to index
        %parallel_loop3A_1481 = arith.constant 1872 : index
        %parallel_loop3A_1482 = tpu.vector_load %arg7[%parallel_loop3A_1480, %parallel_loop3A_1481] {strides = array<i32>} : memref<16x2048xf32, #tpu.memory_space<vmem>>, vector<1x16xf32>,
        %parallel_loop3A_1483 = vector.shape_cast %parallel_loop3A_1482 : vector<1x16xf32> to vector<16xf32>
        %parallel_loop3A_1484 = arith.constant 45.2548332 : f32
        %parallel_loop3A_1485 = vector.broadcast %parallel_loop3A_1484 : f32 to vector<16xf32>
        %parallel_loop3A_1486 = arith.mulf %parallel_loop3A_1483, %parallel_loop3A_1485 : vector<16xf32>
        %parallel_loop3A_1487 = arith.index_cast %parallel_loop3A_75 : i32 to index
        %parallel_loop3A_1488 = arith.constant 1872 : index
        %parallel_loop3A_1489 = tpu.vector_load %arg7[%parallel_loop3A_1487, %parallel_loop3A_1488] {strides = array<i32>} : memref<16x2048xf32, #tpu.memory_space<vmem>>, vector<1x16xf32>,
        %parallel_loop3A_1490 = vector.shape_cast %parallel_loop3A_1489 : vector<1x16xf32> to vector<16xf32>
        %parallel_loop3A_1491 = vector.shape_cast %parallel_loop3A_1486 : vector<16xf32> to vector<1x16xf32>
        tpu.vector_store %arg7[%parallel_loop3A_1487, %parallel_loop3A_1488], %parallel_loop3A_1491 {strides = array<i32>} : memref<16x2048xf32, #tpu.memory_space<vmem>>, vector<1x16xf32>,
        %parallel_loop3A_1492 = arith.index_cast %parallel_loop3A_75 : i32 to index
        %parallel_loop3A_1493 = arith.constant 1888 : index
        %parallel_loop3A_1494 = tpu.vector_load %arg7[%parallel_loop3A_1492, %parallel_loop3A_1493] {strides = array<i32>} : memref<16x2048xf32, #tpu.memory_space<vmem>>, vector<1x16xf32>,
        %parallel_loop3A_1495 = vector.shape_cast %parallel_loop3A_1494 : vector<1x16xf32> to vector<16xf32>
        %parallel_loop3A_1496 = arith.constant 45.2548332 : f32
        %parallel_loop3A_1497 = vector.broadcast %parallel_loop3A_1496 : f32 to vector<16xf32>
        %parallel_loop3A_1498 = arith.mulf %parallel_loop3A_1495, %parallel_loop3A_1497 : vector<16xf32>
        %parallel_loop3A_1499 = arith.index_cast %parallel_loop3A_75 : i32 to index
        %parallel_loop3A_1500 = arith.constant 1888 : index
        %parallel_loop3A_1501 = tpu.vector_load %arg7[%parallel_loop3A_1499, %parallel_loop3A_1500] {strides = array<i32>} : memref<16x2048xf32, #tpu.memory_space<vmem>>, vector<1x16xf32>,
        %parallel_loop3A_1502 = vector.shape_cast %parallel_loop3A_1501 : vector<1x16xf32> to vector<16xf32>
        %parallel_loop3A_1503 = vector.shape_cast %parallel_loop3A_1498 : vector<16xf32> to vector<1x16xf32>
        tpu.vector_store %arg7[%parallel_loop3A_1499, %parallel_loop3A_1500], %parallel_loop3A_1503 {strides = array<i32>} : memref<16x2048xf32, #tpu.memory_space<vmem>>, vector<1x16xf32>,
        %parallel_loop3A_1504 = arith.index_cast %parallel_loop3A_75 : i32 to index
        %parallel_loop3A_1505 = arith.constant 1904 : index
        %parallel_loop3A_1506 = tpu.vector_load %arg7[%parallel_loop3A_1504, %parallel_loop3A_1505] {strides = array<i32>} : memref<16x2048xf32, #tpu.memory_space<vmem>>, vector<1x16xf32>,
        %parallel_loop3A_1507 = vector.shape_cast %parallel_loop3A_1506 : vector<1x16xf32> to vector<16xf32>
        %parallel_loop3A_1508 = arith.constant 45.2548332 : f32
        %parallel_loop3A_1509 = vector.broadcast %parallel_loop3A_1508 : f32 to vector<16xf32>
        %parallel_loop3A_1510 = arith.mulf %parallel_loop3A_1507, %parallel_loop3A_1509 : vector<16xf32>
        %parallel_loop3A_1511 = arith.index_cast %parallel_loop3A_75 : i32 to index
        %parallel_loop3A_1512 = arith.constant 1904 : index
        %parallel_loop3A_1513 = tpu.vector_load %arg7[%parallel_loop3A_1511, %parallel_loop3A_1512] {strides = array<i32>} : memref<16x2048xf32, #tpu.memory_space<vmem>>, vector<1x16xf32>,
        %parallel_loop3A_1514 = vector.shape_cast %parallel_loop3A_1513 : vector<1x16xf32> to vector<16xf32>
        %parallel_loop3A_1515 = vector.shape_cast %parallel_loop3A_1510 : vector<16xf32> to vector<1x16xf32>
        tpu.vector_store %arg7[%parallel_loop3A_1511, %parallel_loop3A_1512], %parallel_loop3A_1515 {strides = array<i32>} : memref<16x2048xf32, #tpu.memory_space<vmem>>, vector<1x16xf32>,
        %parallel_loop3A_1516 = arith.index_cast %parallel_loop3A_75 : i32 to index
        %parallel_loop3A_1517 = arith.constant 1920 : index
        %parallel_loop3A_1518 = tpu.vector_load %arg7[%parallel_loop3A_1516, %parallel_loop3A_1517] {strides = array<i32>} : memref<16x2048xf32, #tpu.memory_space<vmem>>, vector<1x16xf32>,
        %parallel_loop3A_1519 = vector.shape_cast %parallel_loop3A_1518 : vector<1x16xf32> to vector<16xf32>
        %parallel_loop3A_1520 = arith.constant 45.2548332 : f32
        %parallel_loop3A_1521 = vector.broadcast %parallel_loop3A_1520 : f32 to vector<16xf32>
        %parallel_loop3A_1522 = arith.mulf %parallel_loop3A_1519, %parallel_loop3A_1521 : vector<16xf32>
        %parallel_loop3A_1523 = arith.index_cast %parallel_loop3A_75 : i32 to index
        %parallel_loop3A_1524 = arith.constant 1920 : index
        %parallel_loop3A_1525 = tpu.vector_load %arg7[%parallel_loop3A_1523, %parallel_loop3A_1524] {strides = array<i32>} : memref<16x2048xf32, #tpu.memory_space<vmem>>, vector<1x16xf32>,
        %parallel_loop3A_1526 = vector.shape_cast %parallel_loop3A_1525 : vector<1x16xf32> to vector<16xf32>
        %parallel_loop3A_1527 = vector.shape_cast %parallel_loop3A_1522 : vector<16xf32> to vector<1x16xf32>
        tpu.vector_store %arg7[%parallel_loop3A_1523, %parallel_loop3A_1524], %parallel_loop3A_1527 {strides = array<i32>} : memref<16x2048xf32, #tpu.memory_space<vmem>>, vector<1x16xf32>,
        %parallel_loop3A_1528 = arith.index_cast %parallel_loop3A_75 : i32 to index
        %parallel_loop3A_1529 = arith.constant 1936 : index
        %parallel_loop3A_1530 = tpu.vector_load %arg7[%parallel_loop3A_1528, %parallel_loop3A_1529] {strides = array<i32>} : memref<16x2048xf32, #tpu.memory_space<vmem>>, vector<1x16xf32>,
        %parallel_loop3A_1531 = vector.shape_cast %parallel_loop3A_1530 : vector<1x16xf32> to vector<16xf32>
        %parallel_loop3A_1532 = arith.constant 45.2548332 : f32
        %parallel_loop3A_1533 = vector.broadcast %parallel_loop3A_1532 : f32 to vector<16xf32>
        %parallel_loop3A_1534 = arith.mulf %parallel_loop3A_1531, %parallel_loop3A_1533 : vector<16xf32>
        %parallel_loop3A_1535 = arith.index_cast %parallel_loop3A_75 : i32 to index
        %parallel_loop3A_1536 = arith.constant 1936 : index
        %parallel_loop3A_1537 = tpu.vector_load %arg7[%parallel_loop3A_1535, %parallel_loop3A_1536] {strides = array<i32>} : memref<16x2048xf32, #tpu.memory_space<vmem>>, vector<1x16xf32>,
        %parallel_loop3A_1538 = vector.shape_cast %parallel_loop3A_1537 : vector<1x16xf32> to vector<16xf32>
        %parallel_loop3A_1539 = vector.shape_cast %parallel_loop3A_1534 : vector<16xf32> to vector<1x16xf32>
        tpu.vector_store %arg7[%parallel_loop3A_1535, %parallel_loop3A_1536], %parallel_loop3A_1539 {strides = array<i32>} : memref<16x2048xf32, #tpu.memory_space<vmem>>, vector<1x16xf32>,
        %parallel_loop3A_1540 = arith.index_cast %parallel_loop3A_75 : i32 to index
        %parallel_loop3A_1541 = arith.constant 1952 : index
        %parallel_loop3A_1542 = tpu.vector_load %arg7[%parallel_loop3A_1540, %parallel_loop3A_1541] {strides = array<i32>} : memref<16x2048xf32, #tpu.memory_space<vmem>>, vector<1x16xf32>,
        %parallel_loop3A_1543 = vector.shape_cast %parallel_loop3A_1542 : vector<1x16xf32> to vector<16xf32>
        %parallel_loop3A_1544 = arith.constant 45.2548332 : f32
        %parallel_loop3A_1545 = vector.broadcast %parallel_loop3A_1544 : f32 to vector<16xf32>
        %parallel_loop3A_1546 = arith.mulf %parallel_loop3A_1543, %parallel_loop3A_1545 : vector<16xf32>
        %parallel_loop3A_1547 = arith.index_cast %parallel_loop3A_75 : i32 to index
        %parallel_loop3A_1548 = arith.constant 1952 : index
        %parallel_loop3A_1549 = tpu.vector_load %arg7[%parallel_loop3A_1547, %parallel_loop3A_1548] {strides = array<i32>} : memref<16x2048xf32, #tpu.memory_space<vmem>>, vector<1x16xf32>,
        %parallel_loop3A_1550 = vector.shape_cast %parallel_loop3A_1549 : vector<1x16xf32> to vector<16xf32>
        %parallel_loop3A_1551 = vector.shape_cast %parallel_loop3A_1546 : vector<16xf32> to vector<1x16xf32>
        tpu.vector_store %arg7[%parallel_loop3A_1547, %parallel_loop3A_1548], %parallel_loop3A_1551 {strides = array<i32>} : memref<16x2048xf32, #tpu.memory_space<vmem>>, vector<1x16xf32>,
        %parallel_loop3A_1552 = arith.index_cast %parallel_loop3A_75 : i32 to index
        %parallel_loop3A_1553 = arith.constant 1968 : index
        %parallel_loop3A_1554 = tpu.vector_load %arg7[%parallel_loop3A_1552, %parallel_loop3A_1553] {strides = array<i32>} : memref<16x2048xf32, #tpu.memory_space<vmem>>, vector<1x16xf32>,
        %parallel_loop3A_1555 = vector.shape_cast %parallel_loop3A_1554 : vector<1x16xf32> to vector<16xf32>
        %parallel_loop3A_1556 = arith.constant 45.2548332 : f32
        %parallel_loop3A_1557 = vector.broadcast %parallel_loop3A_1556 : f32 to vector<16xf32>
        %parallel_loop3A_1558 = arith.mulf %parallel_loop3A_1555, %parallel_loop3A_1557 : vector<16xf32>
        %parallel_loop3A_1559 = arith.index_cast %parallel_loop3A_75 : i32 to index
        %parallel_loop3A_1560 = arith.constant 1968 : index
        %parallel_loop3A_1561 = tpu.vector_load %arg7[%parallel_loop3A_1559, %parallel_loop3A_1560] {strides = array<i32>} : memref<16x2048xf32, #tpu.memory_space<vmem>>, vector<1x16xf32>,
        %parallel_loop3A_1562 = vector.shape_cast %parallel_loop3A_1561 : vector<1x16xf32> to vector<16xf32>
        %parallel_loop3A_1563 = vector.shape_cast %parallel_loop3A_1558 : vector<16xf32> to vector<1x16xf32>
        tpu.vector_store %arg7[%parallel_loop3A_1559, %parallel_loop3A_1560], %parallel_loop3A_1563 {strides = array<i32>} : memref<16x2048xf32, #tpu.memory_space<vmem>>, vector<1x16xf32>,
        %parallel_loop3A_1564 = arith.index_cast %parallel_loop3A_75 : i32 to index
        %parallel_loop3A_1565 = arith.constant 1984 : index
        %parallel_loop3A_1566 = tpu.vector_load %arg7[%parallel_loop3A_1564, %parallel_loop3A_1565] {strides = array<i32>} : memref<16x2048xf32, #tpu.memory_space<vmem>>, vector<1x16xf32>,
        %parallel_loop3A_1567 = vector.shape_cast %parallel_loop3A_1566 : vector<1x16xf32> to vector<16xf32>
        %parallel_loop3A_1568 = arith.constant 45.2548332 : f32
        %parallel_loop3A_1569 = vector.broadcast %parallel_loop3A_1568 : f32 to vector<16xf32>
        %parallel_loop3A_1570 = arith.mulf %parallel_loop3A_1567, %parallel_loop3A_1569 : vector<16xf32>
        %parallel_loop3A_1571 = arith.index_cast %parallel_loop3A_75 : i32 to index
        %parallel_loop3A_1572 = arith.constant 1984 : index
        %parallel_loop3A_1573 = tpu.vector_load %arg7[%parallel_loop3A_1571, %parallel_loop3A_1572] {strides = array<i32>} : memref<16x2048xf32, #tpu.memory_space<vmem>>, vector<1x16xf32>,
        %parallel_loop3A_1574 = vector.shape_cast %parallel_loop3A_1573 : vector<1x16xf32> to vector<16xf32>
        %parallel_loop3A_1575 = vector.shape_cast %parallel_loop3A_1570 : vector<16xf32> to vector<1x16xf32>
        tpu.vector_store %arg7[%parallel_loop3A_1571, %parallel_loop3A_1572], %parallel_loop3A_1575 {strides = array<i32>} : memref<16x2048xf32, #tpu.memory_space<vmem>>, vector<1x16xf32>,
        %parallel_loop3A_1576 = arith.index_cast %parallel_loop3A_75 : i32 to index
        %parallel_loop3A_1577 = arith.constant 2000 : index
        %parallel_loop3A_1578 = tpu.vector_load %arg7[%parallel_loop3A_1576, %parallel_loop3A_1577] {strides = array<i32>} : memref<16x2048xf32, #tpu.memory_space<vmem>>, vector<1x16xf32>,
        %parallel_loop3A_1579 = vector.shape_cast %parallel_loop3A_1578 : vector<1x16xf32> to vector<16xf32>
        %parallel_loop3A_1580 = arith.constant 45.2548332 : f32
        %parallel_loop3A_1581 = vector.broadcast %parallel_loop3A_1580 : f32 to vector<16xf32>
        %parallel_loop3A_1582 = arith.mulf %parallel_loop3A_1579, %parallel_loop3A_1581 : vector<16xf32>
        %parallel_loop3A_1583 = arith.index_cast %parallel_loop3A_75 : i32 to index
        %parallel_loop3A_1584 = arith.constant 2000 : index
        %parallel_loop3A_1585 = tpu.vector_load %arg7[%parallel_loop3A_1583, %parallel_loop3A_1584] {strides = array<i32>} : memref<16x2048xf32, #tpu.memory_space<vmem>>, vector<1x16xf32>,
        %parallel_loop3A_1586 = vector.shape_cast %parallel_loop3A_1585 : vector<1x16xf32> to vector<16xf32>
        %parallel_loop3A_1587 = vector.shape_cast %parallel_loop3A_1582 : vector<16xf32> to vector<1x16xf32>
        tpu.vector_store %arg7[%parallel_loop3A_1583, %parallel_loop3A_1584], %parallel_loop3A_1587 {strides = array<i32>} : memref<16x2048xf32, #tpu.memory_space<vmem>>, vector<1x16xf32>,
        %parallel_loop3A_1588 = arith.index_cast %parallel_loop3A_75 : i32 to index
        %parallel_loop3A_1589 = arith.constant 2016 : index
        %parallel_loop3A_1590 = tpu.vector_load %arg7[%parallel_loop3A_1588, %parallel_loop3A_1589] {strides = array<i32>} : memref<16x2048xf32, #tpu.memory_space<vmem>>, vector<1x16xf32>,
        %parallel_loop3A_1591 = vector.shape_cast %parallel_loop3A_1590 : vector<1x16xf32> to vector<16xf32>
        %parallel_loop3A_1592 = arith.constant 45.2548332 : f32
        %parallel_loop3A_1593 = vector.broadcast %parallel_loop3A_1592 : f32 to vector<16xf32>
        %parallel_loop3A_1594 = arith.mulf %parallel_loop3A_1591, %parallel_loop3A_1593 : vector<16xf32>
        %parallel_loop3A_1595 = arith.index_cast %parallel_loop3A_75 : i32 to index
        %parallel_loop3A_1596 = arith.constant 2016 : index
        %parallel_loop3A_1597 = tpu.vector_load %arg7[%parallel_loop3A_1595, %parallel_loop3A_1596] {strides = array<i32>} : memref<16x2048xf32, #tpu.memory_space<vmem>>, vector<1x16xf32>,
        %parallel_loop3A_1598 = vector.shape_cast %parallel_loop3A_1597 : vector<1x16xf32> to vector<16xf32>
        %parallel_loop3A_1599 = vector.shape_cast %parallel_loop3A_1594 : vector<16xf32> to vector<1x16xf32>
        tpu.vector_store %arg7[%parallel_loop3A_1595, %parallel_loop3A_1596], %parallel_loop3A_1599 {strides = array<i32>} : memref<16x2048xf32, #tpu.memory_space<vmem>>, vector<1x16xf32>,
        %parallel_loop3A_1600 = arith.index_cast %parallel_loop3A_75 : i32 to index
        %parallel_loop3A_1601 = arith.constant 2032 : index
        %parallel_loop3A_1602 = tpu.vector_load %arg7[%parallel_loop3A_1600, %parallel_loop3A_1601] {strides = array<i32>} : memref<16x2048xf32, #tpu.memory_space<vmem>>, vector<1x16xf32>,
        %parallel_loop3A_1603 = vector.shape_cast %parallel_loop3A_1602 : vector<1x16xf32> to vector<16xf32>
        %parallel_loop3A_1604 = arith.constant 45.2548332 : f32
        %parallel_loop3A_1605 = vector.broadcast %parallel_loop3A_1604 : f32 to vector<16xf32>
        %parallel_loop3A_1606 = arith.mulf %parallel_loop3A_1603, %parallel_loop3A_1605 : vector<16xf32>
        %parallel_loop3A_1607 = arith.index_cast %parallel_loop3A_75 : i32 to index
        %parallel_loop3A_1608 = arith.constant 2032 : index
        %parallel_loop3A_1609 = tpu.vector_load %arg7[%parallel_loop3A_1607, %parallel_loop3A_1608] {strides = array<i32>} : memref<16x2048xf32, #tpu.memory_space<vmem>>, vector<1x16xf32>,
        %parallel_loop3A_1610 = vector.shape_cast %parallel_loop3A_1609 : vector<1x16xf32> to vector<16xf32>
        %parallel_loop3A_1611 = vector.shape_cast %parallel_loop3A_1606 : vector<16xf32> to vector<1x16xf32>
        tpu.vector_store %arg7[%parallel_loop3A_1607, %parallel_loop3A_1608], %parallel_loop3A_1611 {strides = array<i32>} : memref<16x2048xf32, #tpu.memory_space<vmem>>, vector<1x16xf32>,
      } {sc.loop_unroll_factor = 1 : i64, sc.parallel_access}
      %mul3A_68 = arith.constant 16 : i32
      %mul3A_69 = arith.muli %add3A_46, %mul3A_68 : i32
      %add3A_70 = arith.addi %mul3A_2, %mul3A_69 : i32
      %dma_start3A_71 = arith.constant 0 : i32
      %dma_start3A_72 = tpu.memref_slice %arg4[%add3A_70, %dma_start3A_71] : memref<32768x2048xf32, #tpu.memory_space<hbm>> -> memref<16x2048xf32, #tpu.memory_space<hbm>>
      %dma_start3A_73 = arith.constant 0 : i32
      %dma_start3A_74 = tpu.memref_slice %arg4[%add3A_70, %dma_start3A_73] : memref<32768x2048xf32, #tpu.memory_space<hbm>> -> memref<16x2048xf32, #tpu.memory_space<hbm>>
      tpu.enqueue_dma source(%arg7 : memref<16x2048xf32, #tpu.memory_space<vmem>>) target(%dma_start3A_74 : memref<16x2048xf32, #tpu.memory_space<hbm>>) target_semaphore(%arg11 : memref<!tpu.dma_semaphore, #tpu.memory_space<semaphore_mem>>)
    }
    %scan3A_11 = arith.constant 32 : i32
    %add3A_12 = arith.constant 1008 : i32
    %add3A_13 = arith.addi %mul3A_2, %add3A_12 : i32
    %dma_wait3A = arith.constant 0 : i32
    %dma_wait3A_14 = tpu.memref_slice %arg4[%add3A_13, %dma_wait3A] : memref<32768x2048xf32, #tpu.memory_space<hbm>> -> memref<16x2048xf32, #tpu.memory_space<hbm>>
    %dma_wait3A_15 = arith.constant 0 : i32
    %dma_wait3A_16 = tpu.memref_slice %arg4[%add3A_13, %dma_wait3A_15] : memref<32768x2048xf32, #tpu.memory_space<hbm>> -> memref<16x2048xf32, #tpu.memory_space<hbm>>
    tpu.wait_dma2 semaphore(%arg11 : memref<!tpu.dma_semaphore, #tpu.memory_space<semaphore_mem>>) src(%arg7 : memref<16x2048xf32, #tpu.memory_space<vmem>>) dst(%dma_wait3A_16 : memref<16x2048xf32, #tpu.memory_space<hbm>>)
    return
  }
}

</mosaic_0001>

<sc_bundles>
// kernel: kernel.3.cloned.1.call-start
scs
__scs_entry_jumppad:
0x0: {  	(pc) =	sbr.rel $0x88, $3  }
0x1: {  	(tag) =	ssettag $0x0;
	lr =	simm.s32 $0x1  }
0x2: {  	[smem:$0x3F9F] =	sst lr;
	_ =	strace $0xD0000000  }
0x3: {  	_ = 	snop  }
0x4: {  	_ = 	snop  }
0x5: {  	_ = 	snop  }
0x6: {  	_ = 	snop  }
0x7: {  	_ = 	snop  }
__scs_overlays_trampoline_lowered:
0x8: {  	[smem:$0x3FAE] =	sst s0  }
0x9: {  	[smem:$0x3FAF] =	sst s1  }
0xa: {  	[smem:$0x3FB0] =	sst s2  }
0xb: {  	[smem:$0x3FB1] =	sst s3  }
0xc: {  	[smem:$0x3FB2] =	sst s4  }
0xd: {  	[smem:$0x3FB3] =	sst s5  }
0xe: {  	[smem:$0x3FB4] =	sst s6  }
0xf: {  	[smem:$0x3FB5] =	sst s7  }
0x10: {  	[smem:$0x3FB6] =	sst s8  }
0x11: {  	[smem:$0x3FB7] =	sst s9;
	s0 =	simm.s32 @!p0 $0x0  }
0x12: {  	s1 =	sld [smem:$0x3F9D];
	s0 =	simm.s32 @p0 $0x1  }
0x13: {  	[smem:$0x3FB8] =	sst s0;
	s0 =	simm.s32 @!p1 $0x0  }
0x14: {  	s2 =	sld [smem:$0x3F9C];
	s0 =	simm.s32 @p1 $0x1  }
0x15: {  	[smem:$0x3FB9] =	sst s0;
	s0 =	simm.s32 @!p2 $0x0  }
0x16: {  	s3 =	sld [smem:$0x3FDB];
	s0 =	simm.s32 @p2 $0x1  }
0x17: {  	s4 =	simm.s32 $0x1BF5;
	[smem:$0x3FBB] =	sst s0  }
0x18: {  	s0 =	sld [smem:$0x3F9E];
	_ =	swait.ge [sflag:s4], $0x0  }
0x19: {  	s7 =	sld [smem:$0x3F9F]  }
0x1a: {  	s8 =	sadd.s32 $0xFFFFE003, lr  }
0x1b: {  	s9 =	sadd.s32 $0xFFFFFEF7, lr;
	s5 =	simm.s32 $0xFFFFFFFF;
	p2 =	slt.u32 s8, $0xFFFFF086  }
0x1c: {  	p1 =	slt.u32 s9, $0xF7A;
	s5 =	simm.s32 @!p2 $0x0  }
0x1d: {  	s5 =	simm.s32 @p1 $0x1;
	p0 =	seq.s32 s7, s2  }
0x1e: {  	s7 =	smul.u32 @!p0 $0xF7A, s2;
	p2 =	seq.s32 @!p0 s5, $0x0  }
0x1f: {  	s9 =	smul.u32 $0xF7A, s1;
	s8 =	simm.s32 @!p0 $0x1BF5;
	p2 =	por !p2, p0  }
0x20: {  	[sflag:s8] =	ssyncset.s32 @!p0 $0xFFFFF086;
	s6 =	sadd.s32 @!p0 s3, s7;
	s7 =	simm.s32 @!p0 $0x108  }
0x21: {  	s3 =	sadd.s32 s3, s9;
	s6 =	sadd.s32 @!p0 $0x88, s6;
	s7 =	simm.s32 @p2 $0x1082  }
0x22: {  	[simem:s7], [sflag:s8] =	dma.local @!p0 [hbm:s6], $0xF7A  }
0x23: {  	s9 =	sor.u32 $0xD0000000, s2;
	s6 =	simm.s32 $0x108;
	_ =	swait.ge @!p0 [sflag:s8], $0x0  }
0x24: {  	s3 =	sadd.s32 $0x88, s3;
	s6 =	simm.s32 @!p1 $0x1082;
	[sflag:s4] =	ssyncset.s32 $0xFFFFF086  }
0x25: {  	[simem:s6], [sflag:s4] =	dma.local [hbm:s3], $0xF7A  }
0x26: {  	[smem:$0x3F9F] =	sst s1;
	(tag) =	ssettag s2;
	_ =	strace s9  }
0x27: {  	s1 =	sld [smem:$0x3FAF]  }
0x28: {  	s2 =	sld [smem:$0x3FB0]  }
0x29: {  	s4 =	sld [smem:$0x3FB2]  }
0x2a: {  	p0 =	seq.s32 s5, $0x0;
	s5 =	sld [smem:$0x3FB3]  }
0x2b: {  	s6 =	sld [smem:$0x3FB4]  }
0x2c: {  	s7 =	sld [smem:$0x3FB5]  }
0x2d: {  	s3 =	simm.s32 $0x108;
	s8 =	sld [smem:$0x3FB6]  }
0x2e: {  	s3 =	simm.s32 @!p0 $0x1082;
	s9 =	sld [smem:$0x3FB7]  }
0x2f: {  	lr =	sadd.s32 s0, s3;
	s0 =	sld [smem:$0x3FAE]  }
0x30: {  	s3 =	sld [smem:$0x3FB1]  }
0x31: {  	[smem:$0x3FBA] =	sst s10  }
0x32: {  	s10 =	sld [smem:$0x3FB8];
	_ =	sdelay $0x3  }
0x33: {  	p0 =	seq.s32 s10, $0x1;
	s10 =	sld [smem:$0x3FBA];
	_ =	sdelay $0x3  }
0x34: {  	[smem:$0x3FBA] =	sst s10  }
0x35: {  	s10 =	sld [smem:$0x3FB9];
	_ =	sdelay $0x3  }
0x36: {  	p1 =	seq.s32 s10, $0x1;
	s10 =	sld [smem:$0x3FBA];
	_ =	sdelay $0x3  }
0x37: {  	[smem:$0x3FBA] =	sst s10  }
0x38: {  	s10 =	sld [smem:$0x3FBB]  }
0x39: {  	_ = 	snop;
	(pc) =	sbr.ind lr, $3  }
0x3a: {  	_ = 	snop  }
0x3b: {  	_ = 	snop  }
0x3c: {  	p2 =	seq.s32 s10, $0x1;
	s10 =	sld [smem:$0x3FBA]  }
0x3d: {  	_ =	shalt  }
0x3e: {  	_ =	shalt  }
0x3f: {  	_ =	shalt  }
0x40: {  	_ =	shalt  }
0x41: {  	_ =	shalt  }
0x42: {  	_ =	shalt  }
0x43: {  	_ =	shalt  }
0x44: {  	_ =	shalt  }
0x45: {  	_ =	shalt  }
0x46: {  	_ =	shalt  }
0x47: {  	_ =	shalt  }
0x48: {  	_ =	shalt  }
0x49: {  	_ =	shalt  }
0x4a: {  	_ =	shalt  }
0x4b: {  	_ =	shalt  }
0x4c: {  	_ =	shalt  }
0x4d: {  	_ =	shalt  }
0x4e: {  	_ =	shalt  }
0x4f: {  	_ =	shalt  }
0x50: {  	_ =	shalt  }
0x51: {  	_ =	shalt  }
0x52: {  	_ =	shalt  }
0x53: {  	_ =	shalt  }
0x54: {  	_ =	shalt  }
0x55: {  	_ =	shalt  }
0x56: {  	_ =	shalt  }
0x57: {  	_ =	shalt  }
0x58: {  	_ =	shalt  }
0x59: {  	_ =	shalt  }
0x5a: {  	_ =	shalt  }
0x5b: {  	_ =	shalt  }
0x5c: {  	_ =	shalt  }
0x5d: {  	_ =	shalt  }
0x5e: {  	_ =	shalt  }
0x5f: {  	_ =	shalt  }
0x60: {  	_ =	shalt  }
0x61: {  	_ =	shalt  }
0x62: {  	_ =	shalt  }
0x63: {  	_ =	shalt  }
0x64: {  	_ =	shalt  }
0x65: {  	_ =	shalt  }
0x66: {  	_ =	shalt  }
0x67: {  	_ =	shalt  }
0x68: {  	_ =	shalt  }
0x69: {  	_ =	shalt  }
0x6a: {  	_ =	shalt  }
0x6b: {  	_ =	shalt  }
0x6c: {  	_ =	shalt  }
0x6d: {  	_ =	shalt  }
0x6e: {  	_ =	shalt  }
0x6f: {  	_ =	shalt  }
0x70: {  	_ =	shalt  }
0x71: {  	_ =	shalt  }
0x72: {  	_ =	shalt  }
0x73: {  	_ =	shalt  }
0x74: {  	_ =	shalt  }
0x75: {  	_ =	shalt  }
0x76: {  	_ =	shalt  }
0x77: {  	_ =	shalt  }
0x78: {  	_ =	shalt  }
0x79: {  	_ =	shalt  }
0x7a: {  	_ =	shalt  }
0x7b: {  	_ =	shalt  }
0x7c: {  	_ =	shalt  }
0x7d: {  	_ =	shalt  }
0x7e: {  	_ =	shalt  }
0x7f: {  	_ =	shalt  }
0x80: {  	_ =	shalt  }
0x81: {  	_ =	shalt  }
0x82: {  	_ =	shalt  }
0x83: {  	_ =	shalt  }
0x84: {  	_ =	shalt  }
0x85: {  	_ =	shalt  }
0x86: {  	_ =	shalt  }
0x87: {  	_ =	shalt  }
.Lfunc_end0:
.L_simem_size_0:
called_computation_lowered:
.L_overlay_start_0:
0x88: {  	s2 =	sld [smem:$0x3FD9]  }
0x89: {  	s3 =	sld [smem:$0x3FFE];
	_ =	sdelay $0x1  }
0x8a: {  	s1 =	srdreg.scid  }
0x8b: {  	s0 =	sand.u32 $0x1, s1  }
0x8c: {  	s17 =	sshll.u32 s0, $0xA;
	s2 =	sadd.s32 s3, s2  }
0x8d: {  	s2 =	sadd.s32 s2, s17  }
0x8e: {  	[smem:$0x3FC6] =	sst s2  }
0x8f: {  	_ = 	snop  }
0x90: {  	s2 =	sld [smem:$0x3FC8]  }
0x91: {  	s18 =	sld [smem:$0x3FD0];
	(tm) =	ssettm $0x1  }
0x92: {  	s4 =	sld [smem:$0x3FFB];
	_ =	sdelay $0x3  }
0x93: {  	_ =	strace s4  }
0x94: {  	s4 =	sld [smem:$0x3FFC];
	_ =	sdelay $0x3  }
0x95: {  	_ =	strace s4  }
0x96: {  	s4 =	sld [smem:$0x3FFD];
	_ =	sdelay $0x3  }
0x97: {  	_ =	strace s4  }
0x98: {  	_ =	strace $0x8FFFFFFF  }
0x99: {  	s19 =	sld [smem:$0x3FDB];
	_ =	sdelay $0x1  }
0x9a: {  	s5 =	simm.s32 $_scs_section_size  }
0x9b: {  	s6 =	simm.s32 $_size__tile_overlayer_lowered;
	s7 =	simm.s32 $_tile_overlayer_lowered  }
0x9c: {  	s22 =	simm.s32 $0x1BFF;
	s21 =	sshll.u32 s7, $0x1;
	s4 =	sadd.s32 s5, s19  }
0x9d: {  	s8 =	simm.s32 $0x0;
	s20 =	sshll.u32 s6, $0x1;
	s6 =	sadd.s32 s21, s4  }
0x9e: {  	[timem:s8], [sflag:s22] =	dma.local [hbm:s6], s20  }
0x9f: {  	_ =	swait.ge [sflag:s22], s20  }
0xa0: {  	s5 =	ssub.s32 $0x0, s20;
	[sflag:s22] =	ssyncset.done $0x0  }
0xa1: {  	[sflag:s22] =	ssyncadd.s32 s5;
	_ =	sdelay $0x1  }
0xa2: {  	s23 =	simm.s32 $0x1B8B  }
0xa3: {  	_ =	swait.ge [sflag:s23], $0x1  }
0xa4: {  	[sflag:s23] =	ssyncset.done $0x0  }
0xa5: {  	s25 =	simm.s32 $0x1B8E;
	s24 =	sld [smem:$0x3FFE];
	[sflag:s23] =	ssyncadd.s32 $0xFFFFFFFF  }
0xa6: {  	s26 =	simm.s32 $execute0_lowered;
	[smem:$0x3FD2] =	sst s25  }
0xa7: {  	s6 =	sshll.u32 s26, $0x1;
	_ =	strace $0x80000046;
	[dreg:$0x1] =	wrdreg $0xFFFFFFFF  }
0xa8: {  	s28 =	simm.s32 $_size_execute0_lowered;
	s4 =	sadd.s32 s4, s6;
	[dreg:$0x0] =	wrdreg $0x0  }
0xa9: {  	s6 =	sshll.u32 s28, $0x1;
	[dreg:$0x2] =	wrdreg s4  }
0xaa: {  	[dreg:$0x3] =	wrdreg s6  }
0xab: {  	[dreg:$0x4] =	wrdreg $0xC0  }
0xac: {  	_ =	task [dreg:s8], $0x5FFFF  }
0xad: {  	[dreg:$0x1] =	wrdreg $0xFFFFFFFF  }
0xae: {  	[dreg:$0x0] =	wrdreg $0x60  }
0xaf: {  	[dreg:$0x2] =	wrdreg s24  }
0xb0: {  	[dreg:$0x3] =	wrdreg s2  }
0xb1: {  	[dreg:$0x4] =	wrdreg s18  }
0xb2: {  	[dreg:$0x5] =	wrdreg $0x9  }
0xb3: {  	_ =	task.clear_ibuf [dreg:s8], $0x6FFFF;
	_ =	strace $0x90000046  }
0xb4: {  	s29 =	simm.s32 $0x9;
	_ =	strace $0x80000048  }
0xb5: {  	_ =	swait.ge [sflag:s29], $0x1  }
0xb6: {  	[sflag:s29] =	ssyncadd.s32 $0xFFFFFFFF  }
0xb7: {  	_ =	strace $0x90000048  }
0xb8: {  	_ =	sfence  }
0xb9: {  	s30 =	sld [smem:$0x0];
	_ =	sdelay $0x2  }
0xba: {  	s31 =	sshll.u32 s1, $0xD;
	s1 =	sshrl.u32 s1, $0x2  }
0xbb: {  	s3 =	sand.u32 $0x4000, s31;
	s1 =	sadd.s32 s1, s30  }
0xbc: {  	s0 =	sor.u32 s3, s0;
	s1 =	sshll.u32 s1, $0x11  }
0xbd: {  	s0 =	sor.u32 s1, s0  }
0xbe: {  	s0 =	sadd.s32 $0x8F2B, s0  }
0xbf: {  	[sflag:s0] =	ssyncadd.remote.s32 $0x1  }
0xc0: {  	_ =	sfence.sel $0xFFFF  }
0xc1: {  	[dreg:$0x0] =	wrdreg $0xFFFFFFFF;
	(pc) =	sbr.abs _section_cstart, $3  }
0xc2: {  	[dreg:$0x1] =	wrdreg $0xFFFFFFFF  }
0xc3: {  	_ =	task.clear_ibuf [dreg:s8], $0x2FFFF;
	_ =	strace $0x9FFFFFFF  }
0xc4: {  	(tm) =	ssettm $0x7FFFFFFF  }
0xc5: {  	_ =	shalt  }
tec
execute0_lowered:
.L_overlay_start_1:
0x0: {  	(tag) =	ssettag $0x1  }
0x1: {  	s0 =	rddreg [dreg:$0x0];
	s1 =	srdreg.scid  }
0x2: {  	s2 =	rddreg [dreg:$0x1];
	s3 =	stileid.u32  }
0x3: {  	s4 =	rddreg [dreg:$0x2];
	s15 =	simm.s32 $0x400;
	s28 =	simm.s32 $0xEC00  }
0x4: {  	s29 =	simm.s32 $0xF400;
	s30 =	simm.s32 $0xFC00;
	s31 =	simm.s32 $0x1  }
0x5: {  	s13 =	simm.s32 $0x2;
	s16 =	simm.s32 $0x0;
	s1 =	sand.u32 $0x1, s1  }
0x6: {  	s3 =	sshll.u32 s3, $0xB;
	s6 =	sadd.s32 $0x200, s2;
	s7 =	sadd.s32 $0x300, s2  }
0x7: {  	s8 =	sadd.s32 $0x400, s2;
	s9 =	sadd.s32 $0x500, s2;
	s5 =	sshll.u32 s1, $0xA  }
0x8: {  	s11 =	sadd.s32 $0x700, s2;
	s1 =	ssub.s32 $0x2, s1;
	s10 =	sor.u32 s5, s3  }
0x9: {  	s3 =	simm.s32 $0x0;
	s24 =	sshrl.u32 s1, $0x1;
	s5 =	sshrl.u32 s10, $0x3  }
0xa: {  	[smem:$0x7FF] =	sst s3;
	s1 =	ssub.s32 s1, s24;
	s25 =	sshll.u32 s10, $0x8  }
0xb: {  	s10 =	sadd.s32 $0x600, s2;
	s0 =	sadd.s32 s5, s0;
	_ =	strace $0x80000047  }
0xc: {  	v2 =	vlaneseq.u32;
	s5 =	sadd.s32 $0x100, s2;
	s12 =	sadd.s32 s4, s25;
	s26 =	smax.u32 s1, $0x1  }
0xd: {  	vm0 =	vmmov $0xffff;
	v1 =	vshrl.u32 v2, $0x3;
	s1 =	simm.s32 $0x8400;
	s0 =	sadd.s32 $0x400, s0;
	[dreg:$0x5] =	wrdreg s26  }
0xe: {  	v0 =	vand.u32 $0x7, v2;
	v2 =	vor.u32 $0x8, v2;
	v1 =	vmul.u32 $0x8, v1;
	s4 =	simm.s32 $0x3;
	s26 =	simm.s32 $0xE400;
	[dreg:$0x4] =	wrdreg s0  }
.LBB2_1:
0xf: {  	[dreg:$0x6] =	wrdreg s16  }
0x10: {  	s0 =	rddreg [dreg:$0x4];
	s21 =	simm.s32 $0x5  }
0x11: {  	[tilespmem:s3], [sflag:$0x5] =	stream.linear.gather [hbm4b:s0+s3], $0x400, $0x38;
	[tilespmem:$0x10400] =	vst v63  }
0x12: {  	_ =	swait.ge [sflag:s21], $0x400  }
0x13: {  	[sflag:s21] =	ssyncset.done $0x0  }
0x14: {  	[sflag:s21] =	ssyncadd.s32 $0xFFFFFC00  }
0x15: {  	v3 =	vld [tilespmem:$0x0];
	_ =	sdelay $0x4  }
0x16: {  	v4 =	vshll.u32 v3, $0x4  }
0x17: {  	v3 =	vand.u32 $0x7, v3;
	v4 =	vand.u32 $0xFFFFFF80, v4  }
0x18: {  	v3 =	vor.u32 v3, v4  }
0x19: {  	v4 =	vperm.xlane v3, v0;
	_ =	sdelay $0x1  }
0x1a: {  	v4 =	vadd.s32 v1, v4;
	_ =	sdelay $0x4  }
0x1b: {  	[tilespmem:s15], [sflag:$0x1] =	stream.indirect_vreg.gather [hbm4b:s2+s3], $0x80, v4, vm0, $0xb8;
	[tilespmem:$0x10400] =	vst v63  }
0x1c: {  	s22 =	simm.s32 $0xC00  }
0x1d: {  	[tilespmem:s22], [sflag:$0x1] =	stream.indirect_vreg.gather [hbm4b:s5+s3], $0x80, v4, vm0, $0xb8;
	[tilespmem:$0x10400] =	vst v63  }
0x1e: {  	s23 =	simm.s32 $0x1400  }
0x1f: {  	[tilespmem:s23], [sflag:$0x1] =	stream.indirect_vreg.gather [hbm4b:s6+s3], $0x80, v4, vm0, $0xb8;
	[tilespmem:$0x10400] =	vst v63  }
0x20: {  	s24 =	simm.s32 $0x1C00  }
0x21: {  	[tilespmem:s24], [sflag:$0x1] =	stream.indirect_vreg.gather [hbm4b:s7+s3], $0x80, v4, vm0, $0xb8;
	[tilespmem:$0x10400] =	vst v63  }
0x22: {  	s25 =	simm.s32 $0x2400  }
0x23: {  	[tilespmem:s25], [sflag:$0x1] =	stream.indirect_vreg.gather [hbm4b:s8+s3], $0x80, v4, vm0, $0xb8;
	[tilespmem:$0x10400] =	vst v63  }
0x24: {  	s14 =	simm.s32 $0x2C00;
	v3 =	vperm.xlane v3, v2  }
0x25: {  	[tilespmem:s14], [sflag:$0x1] =	stream.indirect_vreg.gather [hbm4b:s9+s3], $0x80, v4, vm0, $0xb8;
	[tilespmem:$0x10400] =	vst v63  }
0x26: {  	s16 =	simm.s32 $0x3400;
	v3 =	vadd.s32 v1, v3  }
0x27: {  	[tilespmem:s16], [sflag:$0x1] =	stream.indirect_vreg.gather [hbm4b:s10+s3], $0x80, v4, vm0, $0xb8;
	[tilespmem:$0x10400] =	vst v63  }
0x28: {  	s17 =	simm.s32 $0x3C00  }
0x29: {  	[tilespmem:s17], [sflag:$0x1] =	stream.indirect_vreg.gather [hbm4b:s11+s3], $0x80, v4, vm0, $0xb8;
	[tilespmem:$0x10400] =	vst v63  }
0x2a: {  	s18 =	simm.s32 $0x4400  }
0x2b: {  	[tilespmem:s18], [sflag:$0x1] =	stream.indirect_vreg.gather [hbm4b:s2+s3], $0x80, v3, vm0, $0xb8;
	[tilespmem:$0x10400] =	vst v63  }
0x2c: {  	s19 =	simm.s32 $0x4C00  }
0x2d: {  	[tilespmem:s19], [sflag:$0x1] =	stream.indirect_vreg.gather [hbm4b:s5+s3], $0x80, v3, vm0, $0xb8;
	[tilespmem:$0x10400] =	vst v63  }
0x2e: {  	s20 =	simm.s32 $0x5400  }
0x2f: {  	[tilespmem:s20], [sflag:$0x1] =	stream.indirect_vreg.gather [hbm4b:s6+s3], $0x80, v3, vm0, $0xb8;
	[tilespmem:$0x10400] =	vst v63  }
0x30: {  	s21 =	simm.s32 $0x5C00  }
0x31: {  	[tilespmem:s21], [sflag:$0x1] =	stream.indirect_vreg.gather [hbm4b:s7+s3], $0x80, v3, vm0, $0xb8;
	[tilespmem:$0x10400] =	vst v63  }
0x32: {  	s22 =	simm.s32 $0x6400  }
0x33: {  	[tilespmem:s22], [sflag:$0x1] =	stream.indirect_vreg.gather [hbm4b:s8+s3], $0x80, v3, vm0, $0xb8;
	[tilespmem:$0x10400] =	vst v63  }
0x34: {  	s23 =	simm.s32 $0x6C00  }
0x35: {  	[tilespmem:s23], [sflag:$0x1] =	stream.indirect_vreg.gather [hbm4b:s9+s3], $0x80, v3, vm0, $0xb8;
	[tilespmem:$0x10400] =	vst v63  }
0x36: {  	s24 =	simm.s32 $0x7400  }
0x37: {  	[tilespmem:s24], [sflag:$0x1] =	stream.indirect_vreg.gather [hbm4b:s10+s3], $0x80, v3, vm0, $0xb8;
	[tilespmem:$0x10400] =	vst v63  }
0x38: {  	s25 =	simm.s32 $0x7C00;
	s14 =	simm.s32 $0x0  }
0x39: {  	[tilespmem:s25], [sflag:$0x1] =	stream.indirect_vreg.gather [hbm4b:s11+s3], $0x80, v3, vm0, $0xb8;
	[tilespmem:$0x10400] =	vst v63  }
.LBB2_2:
0x3a: {  	p0 =	seq.s32 s14, $0x0  }
0x3b: {  	s0 =	sshll.u32 s14, $0x1;
	s16 =	simm.s32 @!p0 $0x4  }
0x3c: {  	s0 =	sor.u32 $0x1, s0;
	_ =	swait.ge @!p0 [sflag:s16], $0x8000  }
0x3d: {  	s17 =	sshll.u32 s0, $0x4;
	[sflag:s16] =	ssyncset.done @!p0 $0x0  }
0x3e: {  	s17 =	sand.u32 $0x3FFFFFF0, s17;
	[sflag:s16] =	ssyncadd.s32 @!p0 $0xFFFF8000  }
0x3f: {  	v3 =	vld [tilespmem:s17+$0x0];
	_ =	sdelay $0x4  }
0x40: {  	v4 =	vshll.u32 v3, $0x4  }
0x41: {  	v3 =	vand.u32 $0x7, v3;
	v4 =	vand.u32 $0xFFFFFF80, v4  }
0x42: {  	v3 =	vor.u32 v3, v4  }
0x43: {  	v4 =	vperm.xlane v3, v0;
	_ =	sdelay $0x1  }
0x44: {  	v4 =	vadd.s32 v1, v4;
	_ =	sdelay $0x3  }
0x45: {  	s16 =	simm.s32 $0x0  }
0x46: {  	[tilespmem:s1], [sflag:$0x2] =	stream.indirect_vreg.gather [hbm4b:s2+s16], $0x80, v4, vm0, $0xb8;
	[tilespmem:$0x10400] =	vst v63  }
0x47: {  	s18 =	simm.s32 $0x8C00  }
0x48: {  	[tilespmem:s18], [sflag:$0x2] =	stream.indirect_vreg.gather [hbm4b:s5+s16], $0x80, v4, vm0, $0xb8;
	[tilespmem:$0x10400] =	vst v63  }
0x49: {  	s19 =	simm.s32 $0x9400  }
0x4a: {  	[tilespmem:s19], [sflag:$0x2] =	stream.indirect_vreg.gather [hbm4b:s6+s16], $0x80, v4, vm0, $0xb8;
	[tilespmem:$0x10400] =	vst v63  }
0x4b: {  	s20 =	simm.s32 $0x9C00  }
0x4c: {  	[tilespmem:s20], [sflag:$0x2] =	stream.indirect_vreg.gather [hbm4b:s7+s16], $0x80, v4, vm0, $0xb8;
	[tilespmem:$0x10400] =	vst v63  }
0x4d: {  	s21 =	simm.s32 $0xA400  }
0x4e: {  	[tilespmem:s21], [sflag:$0x2] =	stream.indirect_vreg.gather [hbm4b:s8+s16], $0x80, v4, vm0, $0xb8;
	[tilespmem:$0x10400] =	vst v63  }
0x4f: {  	s22 =	simm.s32 $0xAC00;
	v3 =	vperm.xlane v3, v2  }
0x50: {  	[tilespmem:s22], [sflag:$0x2] =	stream.indirect_vreg.gather [hbm4b:s9+s16], $0x80, v4, vm0, $0xb8;
	[tilespmem:$0x10400] =	vst v63  }
0x51: {  	s23 =	simm.s32 $0xB400;
	v3 =	vadd.s32 v1, v3  }
0x52: {  	[tilespmem:s23], [sflag:$0x2] =	stream.indirect_vreg.gather [hbm4b:s10+s16], $0x80, v4, vm0, $0xb8;
	[tilespmem:$0x10400] =	vst v63  }
0x53: {  	s24 =	simm.s32 $0xBC00  }
0x54: {  	[tilespmem:s24], [sflag:$0x2] =	stream.indirect_vreg.gather [hbm4b:s11+s16], $0x80, v4, vm0, $0xb8;
	[tilespmem:$0x10400] =	vst v63  }
0x55: {  	s25 =	simm.s32 $0xC400  }
0x56: {  	[tilespmem:s25], [sflag:$0x2] =	stream.indirect_vreg.gather [hbm4b:s2+s16], $0x80, v3, vm0, $0xb8;
	[tilespmem:$0x10400] =	vst v63  }
0x57: {  	s18 =	simm.s32 $0xCC00  }
0x58: {  	[tilespmem:s18], [sflag:$0x2] =	stream.indirect_vreg.gather [hbm4b:s5+s16], $0x80, v3, vm0, $0xb8;
	[tilespmem:$0x10400] =	vst v63  }
0x59: {  	s19 =	simm.s32 $0xD400  }
0x5a: {  	[tilespmem:s19], [sflag:$0x2] =	stream.indirect_vreg.gather [hbm4b:s6+s16], $0x80, v3, vm0, $0xb8;
	[tilespmem:$0x10400] =	vst v63  }
0x5b: {  	s20 =	simm.s32 $0xDC00  }
0x5c: {  	[tilespmem:s20], [sflag:$0x2] =	stream.indirect_vreg.gather [hbm4b:s7+s16], $0x80, v3, vm0, $0xb8;
	[tilespmem:$0x10400] =	vst v63  }
0x5d: {  	_ = 	snop  }
0x5e: {  	[tilespmem:s26], [sflag:$0x2] =	stream.indirect_vreg.gather [hbm4b:s8+s16], $0x80, v3, vm0, $0xb8;
	[tilespmem:$0x10400] =	vst v63  }
0x5f: {  	_ = 	snop  }
0x60: {  	[tilespmem:s28], [sflag:$0x2] =	stream.indirect_vreg.gather [hbm4b:s9+s16], $0x80, v3, vm0, $0xb8;
	[tilespmem:$0x10400] =	vst v63  }
0x61: {  	_ = 	snop  }
0x62: {  	[tilespmem:s29], [sflag:$0x2] =	stream.indirect_vreg.gather [hbm4b:s10+s16], $0x80, v3, vm0, $0xb8;
	[tilespmem:$0x10400] =	vst v63  }
0x63: {  	_ = 	snop  }
0x64: {  	[tilespmem:s30], [sflag:$0x2] =	stream.indirect_vreg.gather [hbm4b:s11+s16], $0x80, v3, vm0, $0xb8;
	[tilespmem:$0x10400] =	vst v63  }
0x65: {  	s21 =	simm.s32 $0x0;
	_ =	swait.ge [sflag:s31], $0x8000  }
0x66: {  	s17 =	sand.u32 $0x4000, s21;
	s18 =	sand.u32 $0x380, s16;
	[sflag:s31] =	ssyncset.done $0x0  }
0x67: {  	s19 =	sor.u32 s18, s17;
	[sflag:s31] =	ssyncadd.s32 $0xFFFF8000  }
0x68: {  	v3 =	vld [tilespmem:s19+$0x440]  }
0x69: {  	v4 =	vld [tilespmem:s19+$0x840]  }
0x6a: {  	v5 =	vld [tilespmem:s19+$0xC40]  }
0x6b: {  	v6 =	vld [tilespmem:s19+$0x1040]  }
0x6c: {  	v7 =	vld [tilespmem:s19+$0x1440]  }
0x6d: {  	v8 =	vld [tilespmem:s19+$0x1840]  }
0x6e: {  	v9 =	vld [tilespmem:s19+$0x1C40]  }
0x6f: {  	v10 =	vld [tilespmem:s19+$0x400]  }
0x70: {  	v11 =	vld [tilespmem:s19+$0x410];
	v3 =	vmul.f32 $4.525483320e+01, v3  }
0x71: {  	v12 =	vld [tilespmem:s19+$0x420];
	v4 =	vmul.f32 $4.525483320e+01, v4  }
0x72: {  	s22 =	simm.s32 $0x80;
	s23 =	simm.s32 $0x800;
	v13 =	vld [tilespmem:s19+$0x430];
	[tilespmem:s19+$0x440] =	vst v3;
	v3 =	vmul.f32 $4.525483320e+01, v5  }
0x73: {  	s17 =	sand.u32 $0x380, s22;
	s18 =	sand.u32 $0x4000, s23;
	v34 =	vld [tilespmem:s19+$0x850];
	[tilespmem:s19+$0x840] =	vst v4;
	v4 =	vmul.f32 $4.525483320e+01, v6  }
0x74: {  	s17 =	sor.u32 s17, s18;
	v35 =	vld [tilespmem:s19+$0x860];
	[tilespmem:s19+$0xC40] =	vst v3;
	v3 =	vmul.f32 $4.525483320e+01, v7  }
0x75: {  	v48 =	vld [tilespmem:s17+$0x1040];
	[tilespmem:s19+$0x1040] =	vst v4;
	v4 =	vmul.f32 $4.525483320e+01, v8  }
0x76: {  	v49 =	vld [tilespmem:s17+$0x1440];
	[tilespmem:s19+$0x1440] =	vst v3;
	v3 =	vmul.f32 $4.525483320e+01, v9  }
0x77: {  	v5 =	vld [tilespmem:s19+$0x450];
	[tilespmem:s19+$0x1840] =	vst v4;
	v4 =	vmul.f32 $4.525483320e+01, v10  }
0x78: {  	v50 =	vld [tilespmem:s19+$0x2C50];
	[tilespmem:s19+$0x1C40] =	vst v3;
	v3 =	vmul.f32 $4.525483320e+01, v11  }
0x79: {  	v51 =	vld [tilespmem:s19+$0x2C60];
	[tilespmem:s19+$0x400] =	vst v4;
	v4 =	vmul.f32 $4.525483320e+01, v12  }
0x7a: {  	v6 =	vld [tilespmem:s19+$0x460];
	v12 =	vmul.f32 $4.525483320e+01, v48;
	[tilespmem:s19+$0x410] =	vst v3  }
0x7b: {  	v7 =	vld [tilespmem:s19+$0x470];
	v3 =	vmul.f32 $4.525483320e+01, v13;
	[tilespmem:s19+$0x420] =	vst v4  }
0x7c: {  	v54 =	vld [tilespmem:s17+$0x860];
	v4 =	vmul.f32 $4.525483320e+01, v5;
	[tilespmem:s17+$0x1040] =	vst v12  }
0x7d: {  	v55 =	vld [tilespmem:s17+$0x870];
	v13 =	vmul.f32 $4.525483320e+01, v49;
	[tilespmem:s19+$0x430] =	vst v3  }
0x7e: {  	v8 =	vld [tilespmem:s19+$0x800];
	v12 =	vmul.f32 $4.525483320e+01, v50;
	[tilespmem:s19+$0x450] =	vst v4  }
0x7f: {  	v9 =	vld [tilespmem:s19+$0x810];
	v3 =	vmul.f32 $4.525483320e+01, v6;
	[tilespmem:s17+$0x1440] =	vst v13  }
0x80: {  	v10 =	vld [tilespmem:s19+$0x820];
	v4 =	vmul.f32 $4.525483320e+01, v7;
	[tilespmem:s19+$0x2C50] =	vst v12  }
0x81: {  	v36 =	vld [tilespmem:s19+$0xC70];
	v13 =	vmul.f32 $4.525483320e+01, v51;
	[tilespmem:s19+$0x460] =	vst v3  }
0x82: {  	v11 =	vld [tilespmem:s19+$0x830];
	v12 =	vmul.f32 $4.525483320e+01, v54;
	[tilespmem:s19+$0x470] =	vst v4  }
0x83: {  	v59 =	vld [tilespmem:s17+$0x1020];
	v3 =	vmul.f32 $4.525483320e+01, v8;
	[tilespmem:s19+$0x2C60] =	vst v13  }
0x84: {  	v37 =	vld [tilespmem:s19+$0x1000];
	v4 =	vmul.f32 $4.525483320e+01, v9;
	[tilespmem:s17+$0x860] =	vst v12  }
0x85: {  	v38 =	vld [tilespmem:s19+$0x1410];
	v13 =	vmul.f32 $4.525483320e+01, v55;
	[tilespmem:s19+$0x800] =	vst v3  }
0x86: {  	v5 =	vld [tilespmem:s19+$0x870];
	v3 =	vmul.f32 $4.525483320e+01, v10;
	[tilespmem:s19+$0x810] =	vst v4  }
0x87: {  	v6 =	vld [tilespmem:s19+$0xC00];
	v4 =	vmul.f32 $4.525483320e+01, v11;
	[tilespmem:s17+$0x870] =	vst v13  }
0x88: {  	v7 =	vld [tilespmem:s19+$0xC10];
	v13 =	vmul.f32 $4.525483320e+01, v59;
	[tilespmem:s19+$0x820] =	vst v3  }
0x89: {  	v8 =	vld [tilespmem:s19+$0xC20];
	v3 =	vmul.f32 $4.525483320e+01, v34;
	[tilespmem:s19+$0x830] =	vst v4  }
0x8a: {  	v9 =	vld [tilespmem:s19+$0xC30];
	v4 =	vmul.f32 $4.525483320e+01, v35;
	[tilespmem:s17+$0x1020] =	vst v13  }
0x8b: {  	v10 =	vld [tilespmem:s19+$0xC50];
	[tilespmem:s19+$0x850] =	vst v3;
	v3 =	vmul.f32 $4.525483320e+01, v5  }
0x8c: {  	v11 =	vld [tilespmem:s19+$0xC60];
	[tilespmem:s19+$0x860] =	vst v4;
	v4 =	vmul.f32 $4.525483320e+01, v6  }
0x8d: {  	v39 =	vld [tilespmem:s19+$0x1420];
	[tilespmem:s19+$0x870] =	vst v3;
	v3 =	vmul.f32 $4.525483320e+01, v7  }
0x8e: {  	v40 =	vld [tilespmem:s19+$0x1830];
	[tilespmem:s19+$0xC00] =	vst v4;
	v4 =	vmul.f32 $4.525483320e+01, v8  }
0x8f: {  	v5 =	vld [tilespmem:s19+$0x1010];
	[tilespmem:s19+$0xC10] =	vst v3;
	v3 =	vmul.f32 $4.525483320e+01, v9  }
0x90: {  	v6 =	vld [tilespmem:s19+$0x1020];
	[tilespmem:s19+$0xC20] =	vst v4;
	v4 =	vmul.f32 $4.525483320e+01, v10  }
0x91: {  	v7 =	vld [tilespmem:s19+$0x1030];
	[tilespmem:s19+$0xC30] =	vst v3;
	v3 =	vmul.f32 $4.525483320e+01, v11  }
0x92: {  	v8 =	vld [tilespmem:s19+$0x1050];
	[tilespmem:s19+$0xC50] =	vst v4;
	v4 =	vmul.f32 $4.525483320e+01, v36  }
0x93: {  	v9 =	vld [tilespmem:s19+$0x1060];
	[tilespmem:s19+$0xC60] =	vst v3;
	v3 =	vmul.f32 $4.525483320e+01, v37  }
0x94: {  	v10 =	vld [tilespmem:s19+$0x1070];
	[tilespmem:s19+$0xC70] =	vst v4;
	v4 =	vmul.f32 $4.525483320e+01, v5  }
0x95: {  	v11 =	vld [tilespmem:s19+$0x1400];
	[tilespmem:s19+$0x1000] =	vst v3;
	v3 =	vmul.f32 $4.525483320e+01, v6  }
0x96: {  	v41 =	vld [tilespmem:s19+$0x1850];
	[tilespmem:s19+$0x1010] =	vst v4;
	v4 =	vmul.f32 $4.525483320e+01, v7  }
0x97: {  	v5 =	vld [tilespmem:s19+$0x1430];
	[tilespmem:s19+$0x1020] =	vst v3;
	v3 =	vmul.f32 $4.525483320e+01, v8  }
0x98: {  	v56 =	vld [tilespmem:s19+$0x3470];
	[tilespmem:s19+$0x1030] =	vst v4;
	v4 =	vmul.f32 $4.525483320e+01, v9  }
0x99: {  	v6 =	vld [tilespmem:s19+$0x1450];
	[tilespmem:s19+$0x1050] =	vst v3;
	v3 =	vmul.f32 $4.525483320e+01, v10  }
0x9a: {  	v7 =	vld [tilespmem:s19+$0x1460];
	[tilespmem:s19+$0x1060] =	vst v4;
	v4 =	vmul.f32 $4.525483320e+01, v11  }
0x9b: {  	v57 =	vld [tilespmem:s19+$0x3800];
	[tilespmem:s19+$0x1070] =	vst v3;
	v3 =	vmul.f32 $4.525483320e+01, v38  }
0x9c: {  	v8 =	vld [tilespmem:s19+$0x1470];
	[tilespmem:s19+$0x1400] =	vst v4;
	v4 =	vmul.f32 $4.525483320e+01, v39  }
0x9d: {  	v9 =	vld [tilespmem:s19+$0x1800];
	[tilespmem:s19+$0x1410] =	vst v3;
	v3 =	vmul.f32 $4.525483320e+01, v5  }
0x9e: {  	v10 =	vld [tilespmem:s19+$0x1810];
	[tilespmem:s19+$0x1420] =	vst v4;
	v4 =	vmul.f32 $4.525483320e+01, v6  }
0x9f: {  	v11 =	vld [tilespmem:s19+$0x1820];
	v12 =	vmul.f32 $4.525483320e+01, v56;
	[tilespmem:s19+$0x1430] =	vst v3  }
0xa0: {  	v5 =	vld [tilespmem:s19+$0x1860];
	v3 =	vmul.f32 $4.525483320e+01, v7;
	[tilespmem:s19+$0x1450] =	vst v4  }
0xa1: {  	v6 =	vld [tilespmem:s19+$0x1870];
	v4 =	vmul.f32 $4.525483320e+01, v8;
	[tilespmem:s19+$0x3470] =	vst v12  }
0xa2: {  	v58 =	vmul.f32 $4.525483320e+01, v57;
	[tilespmem:s19+$0x1460] =	vst v3  }
0xa3: {  	v7 =	vld [tilespmem:s19+$0x1C00];
	v3 =	vmul.f32 $4.525483320e+01, v9;
	[tilespmem:s19+$0x1470] =	vst v4  }
0xa4: {  	v8 =	vld [tilespmem:s19+$0x1C10];
	v4 =	vmul.f32 $4.525483320e+01, v10;
	[tilespmem:s19+$0x3800] =	vst v58  }
0xa5: {  	[tilespmem:s19+$0x1800] =	vst v3;
	v3 =	vmul.f32 $4.525483320e+01, v11  }
0xa6: {  	v42 =	vld [tilespmem:s19+$0x1C60];
	[tilespmem:s19+$0x1810] =	vst v4;
	v4 =	vmul.f32 $4.525483320e+01, v40  }
0xa7: {  	v9 =	vld [tilespmem:s19+$0x1C20];
	[tilespmem:s19+$0x1820] =	vst v3;
	v3 =	vmul.f32 $4.525483320e+01, v41  }
0xa8: {  	v10 =	vld [tilespmem:s19+$0x1C30];
	[tilespmem:s19+$0x1830] =	vst v4;
	v4 =	vmul.f32 $4.525483320e+01, v5  }
0xa9: {  	v11 =	vld [tilespmem:s19+$0x1C50];
	[tilespmem:s19+$0x1850] =	vst v3;
	v3 =	vmul.f32 $4.525483320e+01, v6  }
0xaa: {  	v43 =	vld [tilespmem:s19+$0x1C70];
	[tilespmem:s19+$0x1860] =	vst v4;
	v4 =	vmul.f32 $4.525483320e+01, v7  }
0xab: {  	v44 =	vld [tilespmem:s19+$0x2400];
	[tilespmem:s19+$0x1870] =	vst v3;
	v3 =	vmul.f32 $4.525483320e+01, v8  }
0xac: {  	v5 =	vld [tilespmem:s19+$0x2000];
	[tilespmem:s19+$0x1C00] =	vst v4;
	v4 =	vmul.f32 $4.525483320e+01, v9  }
0xad: {  	v6 =	vld [tilespmem:s19+$0x2010];
	[tilespmem:s19+$0x1C10] =	vst v3;
	v3 =	vmul.f32 $4.525483320e+01, v10  }
0xae: {  	v7 =	vld [tilespmem:s19+$0x2020];
	[tilespmem:s19+$0x1C20] =	vst v4;
	v4 =	vmul.f32 $4.525483320e+01, v11  }
0xaf: {  	v8 =	vld [tilespmem:s19+$0x2030];
	[tilespmem:s19+$0x1C30] =	vst v3;
	v3 =	vmul.f32 $4.525483320e+01, v42  }
0xb0: {  	v9 =	vld [tilespmem:s19+$0x2050];
	[tilespmem:s19+$0x1C50] =	vst v4;
	v4 =	vmul.f32 $4.525483320e+01, v43  }
0xb1: {  	v10 =	vld [tilespmem:s19+$0x2060];
	[tilespmem:s19+$0x1C60] =	vst v3;
	v3 =	vmul.f32 $4.525483320e+01, v5  }
0xb2: {  	v11 =	vld [tilespmem:s19+$0x2070];
	[tilespmem:s19+$0x1C70] =	vst v4;
	v4 =	vmul.f32 $4.525483320e+01, v6  }
0xb3: {  	v45 =	vld [tilespmem:s19+$0x2410];
	[tilespmem:s19+$0x2000] =	vst v3;
	v3 =	vmul.f32 $4.525483320e+01, v7  }
0xb4: {  	v46 =	vld [tilespmem:s19+$0x2820];
	[tilespmem:s19+$0x2010] =	vst v4;
	v4 =	vmul.f32 $4.525483320e+01, v8  }
0xb5: {  	v5 =	vld [tilespmem:s19+$0x2420];
	[tilespmem:s19+$0x2020] =	vst v3;
	v3 =	vmul.f32 $4.525483320e+01, v9  }
0xb6: {  	v6 =	vld [tilespmem:s19+$0x2430];
	[tilespmem:s19+$0x2030] =	vst v4;
	v4 =	vmul.f32 $4.525483320e+01, v10  }
0xb7: {  	v7 =	vld [tilespmem:s19+$0x2450];
	[tilespmem:s19+$0x2050] =	vst v3;
	v3 =	vmul.f32 $4.525483320e+01, v11  }
0xb8: {  	v8 =	vld [tilespmem:s19+$0x2460];
	[tilespmem:s19+$0x2060] =	vst v4;
	v4 =	vmul.f32 $4.525483320e+01, v44  }
0xb9: {  	v9 =	vld [tilespmem:s19+$0x2470];
	[tilespmem:s19+$0x2070] =	vst v3;
	v3 =	vmul.f32 $4.525483320e+01, v45  }
0xba: {  	[tilespmem:s19+$0x2400] =	vst v4;
	v4 =	vmul.f32 $4.525483320e+01, v5;
	v5 =	vld [tilespmem:s19+$0x2850]  }
0xbb: {  	v10 =	vld [tilespmem:s19+$0x2800];
	[tilespmem:s19+$0x2410] =	vst v3;
	v3 =	vmul.f32 $4.525483320e+01, v6  }
0xbc: {  	v11 =	vld [tilespmem:s19+$0x2810];
	[tilespmem:s19+$0x2420] =	vst v4;
	v4 =	vmul.f32 $4.525483320e+01, v7  }
0xbd: {  	v6 =	vld [tilespmem:s19+$0x2860];
	[tilespmem:s19+$0x2430] =	vst v3;
	v3 =	vmul.f32 $4.525483320e+01, v8  }
0xbe: {  	v7 =	vld [tilespmem:s19+$0x2870];
	[tilespmem:s19+$0x2450] =	vst v4;
	v4 =	vmul.f32 $4.525483320e+01, v9  }
0xbf: {  	v47 =	vld [tilespmem:s19+$0x2830];
	v5 =	vmul.f32 $4.525483320e+01, v5;
	[tilespmem:s19+$0x2460] =	vst v3  }
0xc0: {  	v52 =	vld [tilespmem:s17+$0x800];
	v3 =	vmul.f32 $4.525483320e+01, v10;
	[tilespmem:s19+$0x2470] =	vst v4  }
0xc1: {  	v8 =	vld [tilespmem:s19+$0x2C00];
	v4 =	vmul.f32 $4.525483320e+01, v11;
	[tilespmem:s19+$0x2850] =	vst v5  }
0xc2: {  	v9 =	vld [tilespmem:s17+$0x440];
	v6 =	vmul.f32 $4.525483320e+01, v6;
	[tilespmem:s19+$0x2800] =	vst v3  }
0xc3: {  	v10 =	vld [tilespmem:s17+$0x840];
	v7 =	vmul.f32 $4.525483320e+01, v7;
	[tilespmem:s19+$0x2810] =	vst v4  }
0xc4: {  	v11 =	vld [tilespmem:s17+$0xC40];
	v3 =	vmul.f32 $4.525483320e+01, v46;
	[tilespmem:s19+$0x2860] =	vst v6  }
0xc5: {  	v5 =	vld [tilespmem:s17+$0x400];
	v4 =	vmul.f32 $4.525483320e+01, v47;
	[tilespmem:s19+$0x2870] =	vst v7  }
0xc6: {  	v6 =	vld [tilespmem:s17+$0x410];
	v7 =	vmul.f32 $4.525483320e+01, v8;
	[tilespmem:s19+$0x2820] =	vst v3  }
0xc7: {  	v8 =	vld [tilespmem:s17+$0x420];
	v3 =	vmul.f32 $4.525483320e+01, v9;
	[tilespmem:s19+$0x2830] =	vst v4  }
0xc8: {  	v9 =	vld [tilespmem:s17+$0x1840];
	v10 =	vmul.f32 $4.525483320e+01, v10;
	[tilespmem:s19+$0x2C00] =	vst v7  }
0xc9: {  	v4 =	vld [tilespmem:s17+$0x1C40];
	v11 =	vmul.f32 $4.525483320e+01, v11;
	[tilespmem:s17+$0x440] =	vst v3  }
0xca: {  	v7 =	vld [tilespmem:s17+$0x430];
	v5 =	vmul.f32 $4.525483320e+01, v5;
	[tilespmem:s17+$0x840] =	vst v10  }
0xcb: {  	v3 =	vld [tilespmem:s19+$0x2C10];
	[tilespmem:s17+$0xC40] =	vst v11;
	v6 =	vmul.f32 $4.525483320e+01, v6  }
0xcc: {  	v10 =	vld [tilespmem:s19+$0x2C20];
	[tilespmem:s17+$0x400] =	vst v5;
	v8 =	vmul.f32 $4.525483320e+01, v8  }
0xcd: {  	v11 =	vld [tilespmem:s19+$0x2C30];
	v9 =	vmul.f32 $4.525483320e+01, v9;
	[tilespmem:s17+$0x410] =	vst v6  }
0xce: {  	v5 =	vld [tilespmem:s19+$0x3010];
	v4 =	vmul.f32 $4.525483320e+01, v4;
	[tilespmem:s17+$0x420] =	vst v8  }
0xcf: {  	v6 =	vld [tilespmem:s19+$0x3020];
	v7 =	vmul.f32 $4.525483320e+01, v7;
	[tilespmem:s17+$0x1840] =	vst v9  }
0xd0: {  	v8 =	vld [tilespmem:s19+$0x3030];
	v3 =	vmul.f32 $4.525483320e+01, v3;
	[tilespmem:s17+$0x1C40] =	vst v4  }
0xd1: {  	v9 =	vld [tilespmem:s19+$0x2C70];
	v10 =	vmul.f32 $4.525483320e+01, v10;
	[tilespmem:s17+$0x430] =	vst v7  }
0xd2: {  	v4 =	vld [tilespmem:s19+$0x3000];
	v11 =	vmul.f32 $4.525483320e+01, v11;
	[tilespmem:s19+$0x2C10] =	vst v3  }
0xd3: {  	v53 =	vld [tilespmem:s17+$0x810];
	v5 =	vmul.f32 $4.525483320e+01, v5;
	[tilespmem:s19+$0x2C20] =	vst v10  }
0xd4: {  	v7 =	vld [tilespmem:s19+$0x3050];
	[tilespmem:s19+$0x2C30] =	vst v11;
	v6 =	vmul.f32 $4.525483320e+01, v6  }
0xd5: {  	v3 =	vld [tilespmem:s17+$0x450];
	[tilespmem:s19+$0x3010] =	vst v5;
	v8 =	vmul.f32 $4.525483320e+01, v8  }
0xd6: {  	v10 =	vld [tilespmem:s17+$0x460];
	v9 =	vmul.f32 $4.525483320e+01, v9;
	[tilespmem:s19+$0x3020] =	vst v6  }
0xd7: {  	v11 =	vld [tilespmem:s17+$0x470];
	v4 =	vmul.f32 $4.525483320e+01, v4;
	[tilespmem:s19+$0x3030] =	vst v8  }
0xd8: {  	v5 =	vld [tilespmem:s17+$0x850];
	v6 =	vmul.f32 $4.525483320e+01, v52;
	[tilespmem:s19+$0x2C70] =	vst v9  }
0xd9: {  	v8 =	vmul.f32 $4.525483320e+01, v53;
	v9 =	vld [tilespmem:s17+$0x820];
	[tilespmem:s19+$0x3000] =	vst v4  }
0xda: {  	v7 =	vmul.f32 $4.525483320e+01, v7;
	v4 =	vld [tilespmem:s17+$0x830];
	[tilespmem:s17+$0x800] =	vst v6  }
0xdb: {  	v3 =	vmul.f32 $4.525483320e+01, v3;
	v6 =	vld [tilespmem:s19+$0x3410];
	[tilespmem:s17+$0x810] =	vst v8  }
0xdc: {  	v10 =	vmul.f32 $4.525483320e+01, v10;
	v8 =	vld [tilespmem:s19+$0x3420];
	[tilespmem:s19+$0x3050] =	vst v7  }
0xdd: {  	v11 =	vmul.f32 $4.525483320e+01, v11;
	v7 =	vld [tilespmem:s17+$0xC00];
	[tilespmem:s17+$0x450] =	vst v3  }
0xde: {  	v3 =	vld [tilespmem:s19+$0x3060];
	v5 =	vmul.f32 $4.525483320e+01, v5;
	[tilespmem:s17+$0x460] =	vst v10  }
0xdf: {  	v10 =	vld [tilespmem:s19+$0x3070];
	[tilespmem:s17+$0x470] =	vst v11;
	v9 =	vmul.f32 $4.525483320e+01, v9  }
0xe0: {  	v11 =	vld [tilespmem:s19+$0x3400];
	[tilespmem:s17+$0x850] =	vst v5;
	v4 =	vmul.f32 $4.525483320e+01, v4  }
0xe1: {  	v5 =	vld [tilespmem:s19+$0x3460];
	v6 =	vmul.f32 $4.525483320e+01, v6;
	[tilespmem:s17+$0x820] =	vst v9  }
0xe2: {  	v8 =	vmul.f32 $4.525483320e+01, v8;
	v9 =	vld [tilespmem:s19+$0x3430];
	[tilespmem:s17+$0x830] =	vst v4  }
0xe3: {  	v7 =	vmul.f32 $4.525483320e+01, v7;
	v4 =	vld [tilespmem:s19+$0x3450];
	[tilespmem:s19+$0x3410] =	vst v6  }
0xe4: {  	v3 =	vmul.f32 $4.525483320e+01, v3;
	v6 =	vld [tilespmem:s17+$0xC50];
	[tilespmem:s19+$0x3420] =	vst v8  }
0xe5: {  	v10 =	vmul.f32 $4.525483320e+01, v10;
	v8 =	vld [tilespmem:s17+$0xC60];
	[tilespmem:s17+$0xC00] =	vst v7  }
0xe6: {  	v7 =	vld [tilespmem:s19+$0x3810];
	[tilespmem:s19+$0x3060] =	vst v3;
	v5 =	vmul.f32 $4.525483320e+01, v5  }
0xe7: {  	v3 =	vld [tilespmem:s17+$0xC10];
	[tilespmem:s19+$0x3070] =	vst v10;
	v10 =	vmul.f32 $4.525483320e+01, v11  }
0xe8: {  	v11 =	vld [tilespmem:s17+$0xC20];
	[tilespmem:s19+$0x3460] =	vst v5;
	v9 =	vmul.f32 $4.525483320e+01, v9  }
0xe9: {  	v5 =	vld [tilespmem:s17+$0x1010];
	[tilespmem:s19+$0x3400] =	vst v10;
	v4 =	vmul.f32 $4.525483320e+01, v4  }
0xea: {  	v10 =	vld [tilespmem:s17+$0xC30];
	v6 =	vmul.f32 $4.525483320e+01, v6;
	[tilespmem:s19+$0x3430] =	vst v9  }
0xeb: {  	v8 =	vmul.f32 $4.525483320e+01, v8;
	v9 =	vld [tilespmem:s17+$0xC70];
	[tilespmem:s19+$0x3450] =	vst v4  }
0xec: {  	v7 =	vmul.f32 $4.525483320e+01, v7;
	v4 =	vld [tilespmem:s17+$0x1000];
	[tilespmem:s17+$0xC50] =	vst v6  }
0xed: {  	v3 =	vmul.f32 $4.525483320e+01, v3;
	v6 =	vld [tilespmem:s19+$0x3860];
	[tilespmem:s17+$0xC60] =	vst v8  }
0xee: {  	v11 =	vmul.f32 $4.525483320e+01, v11;
	v8 =	vld [tilespmem:s19+$0x3870];
	[tilespmem:s19+$0x3810] =	vst v7  }
0xef: {  	[tilespmem:s17+$0xC10] =	vst v3;
	v3 =	vld [tilespmem:s19+$0x3820];
	v5 =	vmul.f32 $4.525483320e+01, v5  }
0xf0: {  	[tilespmem:s17+$0xC20] =	vst v11;
	v11 =	vld [tilespmem:s19+$0x3830];
	v10 =	vmul.f32 $4.525483320e+01, v10  }
0xf1: {  	v7 =	vld [tilespmem:s17+$0x1050];
	[tilespmem:s17+$0x1010] =	vst v5;
	v9 =	vmul.f32 $4.525483320e+01, v9  }
0xf2: {  	v61 =	vld [tilespmem:s19+$0x2C40];
	[tilespmem:s17+$0xC30] =	vst v10;
	v6 =	vmul.f32 $4.525483320e+01, v6  }
0xf3: {  	v10 =	vld [tilespmem:s19+$0x3850];
	v8 =	vmul.f32 $4.525483320e+01, v8;
	[tilespmem:s17+$0xC70] =	vst v9  }
0xf4: {  	v3 =	vmul.f32 $4.525483320e+01, v3;
	v9 =	vld [tilespmem:s19+$0x2040];
	[tilespmem:s19+$0x3860] =	vst v6  }
0xf5: {  	v11 =	vmul.f32 $4.525483320e+01, v11;
	v6 =	vld [tilespmem:s17+$0x1410];
	[tilespmem:s19+$0x3870] =	vst v8  }
0xf6: {  	v7 =	vmul.f32 $4.525483320e+01, v7;
	[tilespmem:s19+$0x3820] =	vst v3;
	v3 =	vmul.f32 $4.525483320e+01, v4;
	v4 =	vld [tilespmem:s17+$0x1060]  }
0xf7: {  	[tilespmem:s19+$0x3830] =	vst v11;
	v11 =	vld [tilespmem:s17+$0x1070]  }
0xf8: {  	v5 =	vld [tilespmem:s19+$0x2840];
	[tilespmem:s17+$0x1050] =	vst v7;
	v10 =	vmul.f32 $4.525483320e+01, v10  }
0xf9: {  	v62 =	vld [tilespmem:s19+$0x3040];
	[tilespmem:s17+$0x1000] =	vst v3;
	v9 =	vmul.f32 $4.525483320e+01, v9  }
0xfa: {  	v7 =	vld [tilespmem:s19+$0x3440];
	[tilespmem:s19+$0x3850] =	vst v10;
	v6 =	vmul.f32 $4.525483320e+01, v6  }
0xfb: {  	s24 =	sand.u32 $0x7, s16;
	v10 =	vld [tilespmem:s17+$0x1400];
	v4 =	vmul.f32 $4.525483320e+01, v4;
	[tilespmem:s19+$0x2040] =	vst v9  }
0xfc: {  	s18 =	sshll.u32 s24, $0x7;
	v3 =	vld [tilespmem:s19+$0x2440];
	v11 =	vmul.f32 $4.525483320e+01, v11;
	[tilespmem:s17+$0x1410] =	vst v6  }
0xfd: {  	s18 =	sadd.s32 $0x0, s18;
	v8 =	vld [tilespmem:s17+$0x1420];
	v5 =	vmul.f32 $4.525483320e+01, v5;
	[tilespmem:s17+$0x1060] =	vst v4  }
0xfe: {  	s20 =	sor.u32 $0x3800, s18;
	v13 =	vmul.f32 $4.525483320e+01, v61;
	[tilespmem:s17+$0x1070] =	vst v11;
	v11 =	vld [tilespmem:s19+$0x3840]  }
0xff: {  	v7 =	vmul.f32 $4.525483320e+01, v7;
	v4 =	vld [tilespmem:s20+$0x400];
	[tilespmem:s19+$0x2840] =	vst v5  }
0x100: {  	[tilespmem:s19+$0x2C40] =	vst v13;
	v5 =	vmul.f32 $4.525483320e+01, v10  }
0x101: {  	v3 =	vmul.f32 $4.525483320e+01, v3;
	[tilespmem:s19+$0x3440] =	vst v7  }
0x102: {  	[tilespmem:s17+$0x1400] =	vst v5;
	v5 =	vmul.f32 $4.525483320e+01, v62  }
0x103: {  	v9 =	vld [tilespmem:s17+$0x1430];
	v6 =	vmul.f32 $4.525483320e+01, v8;
	[tilespmem:s19+$0x2440] =	vst v3;
	v8 =	vmul.f32 $4.525483320e+01, v11  }
0x104: {  	[tilespmem:s19+$0x3040] =	vst v5;
	v4 =	vmul.f32 $4.525483320e+01, v4  }
0x105: {  	[tilespmem:s19+$0x3840] =	vst v8  }
0x106: {  	s25 =	sor.u32 $0x3810, s18;
	v63 =	vld [tilespmem:s17+$0x1470];
	[tilespmem:s20+$0x400] =	vst v4  }
0x107: {  	v4 =	vld [tilespmem:s25+$0x400]  }
0x108: {  	[tilespmem:s17+$0x1420] =	vst v6;
	v6 =	vmul.f32 $4.525483320e+01, v9;
	v5 =	vld [tilespmem:s17+$0x1800]  }
0x109: {  	v10 =	vld [tilespmem:s17+$0x1460]  }
0x10a: {  	[tilespmem:s17+$0x1430] =	vst v6;
	v6 =	vld [tilespmem:s17+$0x1820]  }
0x10b: {  	v9 =	vmul.f32 $4.525483320e+01, v63  }
0x10c: {  	v4 =	vmul.f32 $4.525483320e+01, v4  }
0x10d: {  	v7 =	vld [tilespmem:s17+$0x1810];
	[tilespmem:s17+$0x1470] =	vst v9;
	v5 =	vmul.f32 $4.525483320e+01, v5  }
0x10e: {  	v9 =	vld [tilespmem:s17+$0x1860];
	v8 =	vmul.f32 $4.525483320e+01, v10;
	s20 =	sor.u32 $0x3820, s18;
	[tilespmem:s25+$0x400] =	vst v4  }
0x10f: {  	[tilespmem:s17+$0x1800] =	vst v5;
	v5 =	vmul.f32 $4.525483320e+01, v6;
	v6 =	vld [tilespmem:s20+$0x400]  }
0x110: {  	[tilespmem:s17+$0x1460] =	vst v8;
	v8 =	vld [tilespmem:s17+$0x1850];
	_ =	sdelay $0x2  }
0x111: {  	v7 =	vmul.f32 $4.525483320e+01, v7  }
0x112: {  	v6 =	vmul.f32 $4.525483320e+01, v6  }
0x113: {  	[tilespmem:s17+$0x1810] =	vst v7;
	v7 =	vmul.f32 $4.525483320e+01, v8;
	v8 =	vmul.f32 $4.525483320e+01, v9;
	v4 =	vld [tilespmem:s17+$0x1C00]  }
0x114: {  	s21 =	sor.u32 $0x3830, s18;
	v3 =	vld [tilespmem:s17+$0x1450];
	[tilespmem:s20+$0x400] =	vst v6  }
0x115: {  	[tilespmem:s17+$0x1860] =	vst v8;
	v8 =	vld [tilespmem:s21+$0x400];
	_ =	sdelay $0x1  }
0x116: {  	[tilespmem:s17+$0x1820] =	vst v5;
	v5 =	vld [tilespmem:s17+$0x1C10]  }
0x117: {  	v10 =	vld [tilespmem:s17+$0x1870];
	v4 =	vmul.f32 $4.525483320e+01, v4  }
0x118: {  	v3 =	vmul.f32 $4.525483320e+01, v3  }
0x119: {  	[tilespmem:s17+$0x1C00] =	vst v4;
	v4 =	vmul.f32 $4.525483320e+01, v8  }
0x11a: {  	[tilespmem:s17+$0x1450] =	vst v3  }
0x11b: {  	s22 =	sor.u32 $0x3840, s18;
	v3 =	vld [tilespmem:s17+$0x1830];
	v5 =	vmul.f32 $4.525483320e+01, v5;
	[tilespmem:s21+$0x400] =	vst v4  }
0x11c: {  	v9 =	vmul.f32 $4.525483320e+01, v10;
	v4 =	vld [tilespmem:s22+$0x400]  }
0x11d: {  	[tilespmem:s17+$0x1C10] =	vst v5;
	v5 =	vld [tilespmem:s17+$0x2000]  }
0x11e: {  	[tilespmem:s17+$0x1870] =	vst v9;
	v9 =	vld [tilespmem:s17+$0x1C60]  }
0x11f: {  	[tilespmem:s17+$0x1850] =	vst v7;
	v7 =	vld [tilespmem:s17+$0x1C30]  }
0x120: {  	v3 =	vmul.f32 $4.525483320e+01, v3  }
0x121: {  	v4 =	vmul.f32 $4.525483320e+01, v4  }
0x122: {  	[tilespmem:s17+$0x1830] =	vst v3;
	v3 =	vld [tilespmem:s17+$0x1C20];
	v5 =	vmul.f32 $4.525483320e+01, v5  }
0x123: {  	s23 =	sor.u32 $0x3850, s18;
	v6 =	vld [tilespmem:s17+$0x1C50];
	v8 =	vmul.f32 $4.525483320e+01, v9;
	[tilespmem:s22+$0x400] =	vst v4  }
0x124: {  	v7 =	vmul.f32 $4.525483320e+01, v7;
	[tilespmem:s17+$0x2000] =	vst v5;
	v5 =	vld [tilespmem:s23+$0x400]  }
0x125: {  	[tilespmem:s17+$0x1C60] =	vst v8;
	v8 =	vld [tilespmem:s17+$0x2050]  }
0x126: {  	[tilespmem:s17+$0x1C30] =	vst v7;
	v7 =	vld [tilespmem:s17+$0x2020]  }
0x127: {  	v3 =	vmul.f32 $4.525483320e+01, v3  }
0x128: {  	v6 =	vmul.f32 $4.525483320e+01, v6  }
0x129: {  	[tilespmem:s17+$0x1C20] =	vst v3;
	v3 =	vld [tilespmem:s17+$0x2010];
	v5 =	vmul.f32 $4.525483320e+01, v5  }
0x12a: {  	[tilespmem:s17+$0x1C50] =	vst v6;
	v8 =	vmul.f32 $4.525483320e+01, v8  }
0x12b: {  	s24 =	sor.u32 $0x3860, s18;
	v7 =	vmul.f32 $4.525483320e+01, v7;
	v6 =	vld [tilespmem:s17+$0x2030];
	[tilespmem:s23+$0x400] =	vst v5  }
0x12c: {  	[tilespmem:s17+$0x2050] =	vst v8;
	v8 =	vld [tilespmem:s24+$0x400]  }
0x12d: {  	[tilespmem:s17+$0x2020] =	vst v7;
	v7 =	vld [tilespmem:s17+$0x2410]  }
0x12e: {  	v3 =	vmul.f32 $4.525483320e+01, v3  }
0x12f: {  	v10 =	vld [tilespmem:s17+$0x1C70]  }
0x130: {  	[tilespmem:s17+$0x2010] =	vst v3;
	v3 =	vld [tilespmem:s17+$0x2400];
	v6 =	vmul.f32 $4.525483320e+01, v6  }
0x131: {  	v8 =	vmul.f32 $4.525483320e+01, v8  }
0x132: {  	v7 =	vmul.f32 $4.525483320e+01, v7;
	[tilespmem:s17+$0x2030] =	vst v6;
	v6 =	vld [tilespmem:s17+$0x2420]  }
0x133: {  	s25 =	sor.u32 $0x3870, s18;
	v4 =	vld [tilespmem:s17+$0x2070];
	[tilespmem:s24+$0x400] =	vst v8  }
0x134: {  	v9 =	vmul.f32 $4.525483320e+01, v10;
	[tilespmem:s17+$0x2410] =	vst v7;
	v7 =	vld [tilespmem:s25+$0x400]  }
0x135: {  	v3 =	vmul.f32 $4.525483320e+01, v3  }
0x136: {  	[tilespmem:s17+$0x1C70] =	vst v9;
	v5 =	vld [tilespmem:s17+$0x2430]  }
0x137: {  	v9 =	vld [tilespmem:s17+$0x2060];
	[tilespmem:s17+$0x2400] =	vst v3;
	v3 =	vmul.f32 $4.525483320e+01, v6  }
0x138: {  	v4 =	vmul.f32 $4.525483320e+01, v4  }
0x139: {  	v6 =	vld [tilespmem:s17+$0x2800];
	[tilespmem:s17+$0x2420] =	vst v3;
	v7 =	vmul.f32 $4.525483320e+01, v7  }
0x13a: {  	v3 =	vld [tilespmem:s17+$0x2810];
	[tilespmem:s17+$0x2070] =	vst v4  }
0x13b: {  	s20 =	sor.u32 $0x3C00, s18;
	v4 =	vld [tilespmem:s17+$0x2460];
	v5 =	vmul.f32 $4.525483320e+01, v5;
	[tilespmem:s25+$0x400] =	vst v7  }
0x13c: {  	v9 =	vmul.f32 $4.525483320e+01, v9;
	v7 =	vld [tilespmem:s20+$0x400]  }
0x13d: {  	[tilespmem:s17+$0x2430] =	vst v5;
	v5 =	vld [tilespmem:s17+$0x2820]  }
0x13e: {  	[tilespmem:s17+$0x2060] =	vst v9;
	v9 =	vld [tilespmem:s17+$0x2450];
	v6 =	vmul.f32 $4.525483320e+01, v6  }
0x13f: {  	v10 =	vld [tilespmem:s17+$0x2470];
	v3 =	vmul.f32 $4.525483320e+01, v3  }
0x140: {  	[tilespmem:s17+$0x2800] =	vst v6;
	v4 =	vmul.f32 $4.525483320e+01, v4  }
0x141: {  	[tilespmem:s17+$0x2810] =	vst v3;
	v3 =	vmul.f32 $4.525483320e+01, v7  }
0x142: {  	v6 =	vld [tilespmem:s17+$0x2C00];
	[tilespmem:s17+$0x2460] =	vst v4;
	v5 =	vmul.f32 $4.525483320e+01, v5  }
0x143: {  	s21 =	sor.u32 $0x3C10, s18;
	v4 =	vld [tilespmem:s17+$0x2850];
	v8 =	vmul.f32 $4.525483320e+01, v9;
	[tilespmem:s20+$0x400] =	vst v3  }
0x144: {  	v9 =	vmul.f32 $4.525483320e+01, v10;
	[tilespmem:s17+$0x2820] =	vst v5;
	v5 =	vld [tilespmem:s21+$0x400]  }
0x145: {  	[tilespmem:s17+$0x2450] =	vst v8;
	v8 =	vld [tilespmem:s17+$0x2830]  }
0x146: {  	[tilespmem:s17+$0x2470] =	vst v9;
	v9 =	vld [tilespmem:s17+$0x2860];
	_ =	sdelay $0x1  }
0x147: {  	v4 =	vmul.f32 $4.525483320e+01, v4  }
0x148: {  	v5 =	vmul.f32 $4.525483320e+01, v5  }
0x149: {  	v6 =	vmul.f32 $4.525483320e+01, v6;
	[tilespmem:s17+$0x2850] =	vst v4;
	v4 =	vld [tilespmem:s17+$0x2C30]  }
0x14a: {  	s22 =	sor.u32 $0x3C20, s18;
	v7 =	vmul.f32 $4.525483320e+01, v8;
	v8 =	vmul.f32 $4.525483320e+01, v9;
	[tilespmem:s21+$0x400] =	vst v5  }
0x14b: {  	[tilespmem:s17+$0x2C00] =	vst v6;
	v6 =	vld [tilespmem:s22+$0x400]  }
0x14c: {  	[tilespmem:s17+$0x2860] =	vst v8;
	v8 =	vld [tilespmem:s17+$0x2C50]  }
0x14d: {  	[tilespmem:s17+$0x2830] =	vst v7;
	v7 =	vld [tilespmem:s17+$0x2C20]  }
0x14e: {  	v4 =	vmul.f32 $4.525483320e+01, v4;
	_ =	sdelay $0x1  }
0x14f: {  	[tilespmem:s17+$0x2C30] =	vst v4;
	v4 =	vmul.f32 $4.525483320e+01, v6  }
0x150: {  	v3 =	vld [tilespmem:s17+$0x2C10];
	v8 =	vmul.f32 $4.525483320e+01, v8  }
0x151: {  	s23 =	sor.u32 $0x3C30, s18;
	v10 =	vld [tilespmem:s17+$0x2870];
	v7 =	vmul.f32 $4.525483320e+01, v7;
	[tilespmem:s22+$0x400] =	vst v4  }
0x152: {  	[tilespmem:s17+$0x2C50] =	vst v8;
	v8 =	vld [tilespmem:s23+$0x400]  }
0x153: {  	[tilespmem:s17+$0x2C20] =	vst v7;
	v7 =	vld [tilespmem:s17+$0x3010];
	_ =	sdelay $0x1  }
0x154: {  	v60 =	vld [tilespmem:s17+$0x1030];
	v3 =	vmul.f32 $4.525483320e+01, v3  }
0x155: {  	v9 =	vmul.f32 $4.525483320e+01, v10;
	v5 =	vld [tilespmem:s17+$0x2C70]  }
0x156: {  	[tilespmem:s17+$0x2C10] =	vst v3;
	v3 =	vld [tilespmem:s17+$0x3000];
	v8 =	vmul.f32 $4.525483320e+01, v8  }
0x157: {  	[tilespmem:s17+$0x2870] =	vst v9;
	v9 =	vld [tilespmem:s17+$0x2C60];
	v7 =	vmul.f32 $4.525483320e+01, v7  }
0x158: {  	s24 =	sor.u32 $0x3C40, s18;
	v6 =	vld [tilespmem:s17+$0x3020];
	[tilespmem:s23+$0x400] =	vst v8  }
0x159: {  	[tilespmem:s17+$0x3010] =	vst v7;
	v7 =	vld [tilespmem:s24+$0x400]  }
0x15a: {  	v5 =	vmul.f32 $4.525483320e+01, v5  }
0x15b: {  	v3 =	vmul.f32 $4.525483320e+01, v3  }
0x15c: {  	v9 =	vmul.f32 $4.525483320e+01, v9;
	[tilespmem:s17+$0x2C70] =	vst v5;
	v5 =	vld [tilespmem:s17+$0x3060]  }
0x15d: {  	[tilespmem:s17+$0x3000] =	vst v3;
	v4 =	vld [tilespmem:s17+$0x3030];
	v3 =	vmul.f32 $4.525483320e+01, v6  }
0x15e: {  	[tilespmem:s17+$0x2C60] =	vst v9;
	v9 =	vld [tilespmem:s17+$0x3050];
	v7 =	vmul.f32 $4.525483320e+01, v7  }
0x15f: {  	[tilespmem:s17+$0x3020] =	vst v3;
	v3 =	vld [tilespmem:s17+$0x3410]  }
0x160: {  	v12 =	vmul.f32 $4.525483320e+01, v60;
	s25 =	sor.u32 $0x3C50, s18;
	v10 =	vld [tilespmem:s17+$0x3070];
	[tilespmem:s24+$0x400] =	vst v7  }
0x161: {  	v5 =	vmul.f32 $4.525483320e+01, v5;
	v7 =	vld [tilespmem:s25+$0x400]  }
0x162: {  	[tilespmem:s17+$0x1030] =	vst v12;
	v6 =	vld [tilespmem:s17+$0x3400];
	v4 =	vmul.f32 $4.525483320e+01, v4  }
0x163: {  	[tilespmem:s17+$0x3060] =	vst v5;
	v8 =	vmul.f32 $4.525483320e+01, v9  }
0x164: {  	[tilespmem:s17+$0x3030] =	vst v4;
	v4 =	vld [tilespmem:s17+$0x3420];
	v3 =	vmul.f32 $4.525483320e+01, v3  }
0x165: {  	v9 =	vmul.f32 $4.525483320e+01, v10;
	[tilespmem:s17+$0x3050] =	vst v8;
	v8 =	vld [tilespmem:s17+$0x3430]  }
0x166: {  	v5 =	vld [tilespmem:s17+$0x3450];
	[tilespmem:s17+$0x3410] =	vst v3;
	v3 =	vmul.f32 $4.525483320e+01, v7  }
0x167: {  	v6 =	vmul.f32 $4.525483320e+01, v6;
	[tilespmem:s17+$0x3070] =	vst v9;
	v9 =	vld [tilespmem:s17+$0x3460]  }
0x168: {  	s22 =	sor.u32 $0x3C60, s18;
	v10 =	vld [tilespmem:s17+$0x3470];
	[tilespmem:s25+$0x400] =	vst v3  }
0x169: {  	[tilespmem:s17+$0x3400] =	vst v6;
	v6 =	vmul.f32 $4.525483320e+01, v4;
	v3 =	vld [tilespmem:s22+$0x400]  }
0x16a: {  	v4 =	vld [tilespmem:s17+$0x3800];
	v7 =	vmul.f32 $4.525483320e+01, v8  }
0x16b: {  	v5 =	vmul.f32 $4.525483320e+01, v5;
	[tilespmem:s17+$0x3420] =	vst v6;
	v8 =	vld [tilespmem:s17+$0x3810]  }
0x16c: {  	v6 =	vmul.f32 $4.525483320e+01, v9;
	[tilespmem:s17+$0x3430] =	vst v7;
	v7 =	vld [tilespmem:s17+$0x3820]  }
0x16d: {  	[tilespmem:s17+$0x3450] =	vst v5;
	v5 =	vld [tilespmem:s17+$0x3830];
	v9 =	vmul.f32 $4.525483320e+01, v10  }
0x16e: {  	s19 =	simm.s32 $0x0;
	s20 =	simm.s32 $0xFFFF8800;
	s21 =	simm.s32 $0x100;
	[tilespmem:s17+$0x3460] =	vst v6;
	v6 =	vld [tilespmem:s17+$0x3850];
	v3 =	vmul.f32 $4.525483320e+01, v3  }
.LBB2_3:
0x16f: {  	p0 =	sne.s32 s21, $0x780;
	[tilespmem:s17+$0x3470] =	vst v9;
	v4 =	vmul.f32 $4.525483320e+01, v4;
	v9 =	vld [tilespmem:s17+$0x3860]  }
0x170: {  	v8 =	vmul.f32 $4.525483320e+01, v8;
	v10 =	vld [tilespmem:s17+$0x3870];
	[tilespmem:s22+$0x400] =	vst v3;
	s22 =	sor.u32 $0x3C70, s18  }
0x171: {  	[tilespmem:s17+$0x3800] =	vst v4;
	v3 =	vmul.f32 $4.525483320e+01, v7;
	v4 =	vld [tilespmem:s22+$0x400]  }
0x172: {  	v7 =	vld [tilespmem:s17+$0x2040];
	[tilespmem:s17+$0x3810] =	vst v8;
	v5 =	vmul.f32 $4.525483320e+01, v5  }
0x173: {  	v8 =	vld [tilespmem:s17+$0x2440];
	[tilespmem:s17+$0x3820] =	vst v3;
	v3 =	vmul.f32 $4.525483320e+01, v6  }
0x174: {  	s16 =	sadd.s32 $0x1, s16;
	v6 =	vld [tilespmem:s17+$0x2840];
	[tilespmem:s17+$0x3830] =	vst v5;
	v5 =	vmul.f32 $4.525483320e+01, v9  }
0x175: {  	s18 =	sand.u32 $0x7, s16;
	v9 =	vld [tilespmem:s17+$0x2C40];
	[tilespmem:s17+$0x3850] =	vst v3;
	v3 =	vmul.f32 $4.525483320e+01, v10  }
0x176: {  	s20 =	sadd.s32 $0x800, s20;
	s19 =	sadd.s32 $0x800, s19;
	s18 =	sshll.u32 s18, $0x7;
	v10 =	vld [tilespmem:s17+$0x3040];
	[tilespmem:s17+$0x3860] =	vst v5;
	v4 =	vmul.f32 $4.525483320e+01, v4  }
0x177: {  	s24 =	sand.u32 $0x380, s21;
	s23 =	sadd.s32 $0x8000, s20;
	s18 =	sadd.s32 s18, s19;
	v5 =	vmul.f32 $4.525483320e+01, v7;
	v7 =	vld [tilespmem:s17+$0x3440];
	[tilespmem:s17+$0x3870] =	vst v3  }
0x178: {  	s23 =	sand.u32 $0x4000, s23;
	s25 =	sor.u32 $0x3800, s18;
	v3 =	vmul.f32 $4.525483320e+01, v8;
	v8 =	vld [tilespmem:s17+$0x3840];
	[tilespmem:s22+$0x400] =	vst v4  }
0x179: {  	s22 =	sor.u32 s24, s23;
	[tilespmem:s17+$0x2040] =	vst v5;
	v4 =	vmul.f32 $4.525483320e+01, v6;
	v5 =	vld [tilespmem:s25+$0x400]  }
0x17a: {  	v6 =	vld [tilespmem:s22+$0x440];
	[tilespmem:s17+$0x2440] =	vst v3;
	v3 =	vmul.f32 $4.525483320e+01, v9  }
0x17b: {  	v9 =	vld [tilespmem:s22+$0x840];
	[tilespmem:s17+$0x2840] =	vst v4;
	v4 =	vmul.f32 $4.525483320e+01, v10  }
0x17c: {  	v10 =	vld [tilespmem:s22+$0xC40];
	[tilespmem:s17+$0x2C40] =	vst v3;
	v3 =	vmul.f32 $4.525483320e+01, v7  }
0x17d: {  	v7 =	vld [tilespmem:s22+$0x1040];
	[tilespmem:s17+$0x3040] =	vst v4;
	v4 =	vmul.f32 $4.525483320e+01, v8  }
0x17e: {  	v8 =	vld [tilespmem:s22+$0x1440];
	[tilespmem:s17+$0x3440] =	vst v3;
	v3 =	vmul.f32 $4.525483320e+01, v5  }
0x17f: {  	v5 =	vmul.f32 $4.525483320e+01, v6;
	v6 =	vld [tilespmem:s22+$0x1840];
	[tilespmem:s17+$0x3840] =	vst v4;
	s17 =	smov.u32 s22  }
0x180: {  	s22 =	sor.u32 $0x3810, s18;
	v4 =	vmul.f32 $4.525483320e+01, v9;
	v9 =	vld [tilespmem:s17+$0x1C40];
	[tilespmem:s25+$0x400] =	vst v3  }
0x181: {  	[tilespmem:s17+$0x440] =	vst v5;
	v3 =	vmul.f32 $4.525483320e+01, v10;
	v5 =	vld [tilespmem:s22+$0x400]  }
0x182: {  	v10 =	vld [tilespmem:s17+$0x400];
	[tilespmem:s17+$0x840] =	vst v4;
	v4 =	vmul.f32 $4.525483320e+01, v7  }
0x183: {  	v7 =	vld [tilespmem:s17+$0x410];
	[tilespmem:s17+$0xC40] =	vst v3;
	v3 =	vmul.f32 $4.525483320e+01, v8  }
0x184: {  	v8 =	vld [tilespmem:s17+$0x420];
	[tilespmem:s17+$0x1040] =	vst v4;
	v4 =	vmul.f32 $4.525483320e+01, v6  }
0x185: {  	v6 =	vld [tilespmem:s17+$0x430];
	[tilespmem:s17+$0x1440] =	vst v3;
	v3 =	vmul.f32 $4.525483320e+01, v9  }
0x186: {  	v9 =	vld [tilespmem:s17+$0x450];
	[tilespmem:s17+$0x1840] =	vst v4;
	v4 =	vmul.f32 $4.525483320e+01, v5  }
0x187: {  	v5 =	vmul.f32 $4.525483320e+01, v10;
	v10 =	vld [tilespmem:s17+$0x460];
	[tilespmem:s17+$0x1C40] =	vst v3  }
0x188: {  	v3 =	vmul.f32 $4.525483320e+01, v7;
	v7 =	vld [tilespmem:s17+$0x470];
	[tilespmem:s22+$0x400] =	vst v4;
	s22 =	sor.u32 $0x3820, s18  }
0x189: {  	[tilespmem:s17+$0x400] =	vst v5;
	v4 =	vmul.f32 $4.525483320e+01, v8;
	v5 =	vld [tilespmem:s22+$0x400]  }
0x18a: {  	[tilespmem:s17+$0x410] =	vst v3;
	v3 =	vmul.f32 $4.525483320e+01, v6;
	v6 =	vld [tilespmem:s17+$0x800]  }
0x18b: {  	[tilespmem:s17+$0x420] =	vst v4;
	v4 =	vmul.f32 $4.525483320e+01, v9;
	v8 =	vld [tilespmem:s17+$0x810]  }
0x18c: {  	[tilespmem:s17+$0x430] =	vst v3;
	v3 =	vmul.f32 $4.525483320e+01, v10;
	v9 =	vld [tilespmem:s17+$0x820]  }
0x18d: {  	[tilespmem:s17+$0x450] =	vst v4;
	v4 =	vmul.f32 $4.525483320e+01, v7;
	v7 =	vld [tilespmem:s17+$0x830]  }
0x18e: {  	[tilespmem:s17+$0x460] =	vst v3;
	v3 =	vld [tilespmem:s17+$0x850];
	v5 =	vmul.f32 $4.525483320e+01, v5  }
0x18f: {  	[tilespmem:s17+$0x470] =	vst v4;
	v4 =	vmul.f32 $4.525483320e+01, v6;
	v6 =	vld [tilespmem:s17+$0x860]  }
0x190: {  	v8 =	vmul.f32 $4.525483320e+01, v8;
	v10 =	vld [tilespmem:s17+$0x870];
	[tilespmem:s22+$0x400] =	vst v5;
	s22 =	sor.u32 $0x3830, s18  }
0x191: {  	[tilespmem:s17+$0x800] =	vst v4;
	v4 =	vmul.f32 $4.525483320e+01, v9;
	v5 =	vld [tilespmem:s22+$0x400]  }
0x192: {  	[tilespmem:s17+$0x810] =	vst v8;
	v7 =	vmul.f32 $4.525483320e+01, v7;
	v8 =	vld [tilespmem:s17+$0xC00]  }
0x193: {  	[tilespmem:s17+$0x820] =	vst v4;
	v3 =	vmul.f32 $4.525483320e+01, v3;
	v4 =	vld [tilespmem:s17+$0xC10]  }
0x194: {  	[tilespmem:s17+$0x830] =	vst v7;
	v6 =	vmul.f32 $4.525483320e+01, v6;
	v7 =	vld [tilespmem:s17+$0xC20]  }
0x195: {  	[tilespmem:s17+$0x850] =	vst v3;
	v3 =	vmul.f32 $4.525483320e+01, v10;
	v9 =	vld [tilespmem:s17+$0xC30]  }
0x196: {  	[tilespmem:s17+$0x860] =	vst v6;
	v6 =	vld [tilespmem:s17+$0xC50];
	v5 =	vmul.f32 $4.525483320e+01, v5  }
0x197: {  	[tilespmem:s17+$0x870] =	vst v3;
	v3 =	vmul.f32 $4.525483320e+01, v8;
	v8 =	vld [tilespmem:s17+$0xC60]  }
0x198: {  	v4 =	vmul.f32 $4.525483320e+01, v4;
	v10 =	vld [tilespmem:s17+$0xC70];
	[tilespmem:s22+$0x400] =	vst v5;
	s22 =	sor.u32 $0x3840, s18  }
0x199: {  	[tilespmem:s17+$0xC00] =	vst v3;
	v3 =	vmul.f32 $4.525483320e+01, v7;
	v5 =	vld [tilespmem:s22+$0x400]  }
0x19a: {  	[tilespmem:s17+$0xC10] =	vst v4;
	v4 =	vmul.f32 $4.525483320e+01, v9;
	v7 =	vld [tilespmem:s17+$0x1000]  }
0x19b: {  	[tilespmem:s17+$0xC20] =	vst v3;
	v3 =	vmul.f32 $4.525483320e+01, v6;
	v6 =	vld [tilespmem:s17+$0x1010]  }
0x19c: {  	[tilespmem:s17+$0xC30] =	vst v4;
	v4 =	vmul.f32 $4.525483320e+01, v8;
	v8 =	vld [tilespmem:s17+$0x1020]  }
0x19d: {  	[tilespmem:s17+$0xC50] =	vst v3;
	v3 =	vmul.f32 $4.525483320e+01, v10;
	v9 =	vld [tilespmem:s17+$0x1030]  }
0x19e: {  	[tilespmem:s17+$0xC60] =	vst v4;
	v4 =	vld [tilespmem:s17+$0x1050];
	v5 =	vmul.f32 $4.525483320e+01, v5  }
0x19f: {  	[tilespmem:s17+$0xC70] =	vst v3;
	v3 =	vmul.f32 $4.525483320e+01, v7;
	v7 =	vld [tilespmem:s17+$0x1060]  }
0x1a0: {  	v6 =	vmul.f32 $4.525483320e+01, v6;
	v10 =	vld [tilespmem:s17+$0x1070];
	[tilespmem:s22+$0x400] =	vst v5;
	s22 =	sor.u32 $0x3850, s18  }
0x1a1: {  	[tilespmem:s17+$0x1000] =	vst v3;
	v3 =	vmul.f32 $4.525483320e+01, v8;
	v5 =	vld [tilespmem:s22+$0x400]  }
0x1a2: {  	[tilespmem:s17+$0x1010] =	vst v6;
	v6 =	vmul.f32 $4.525483320e+01, v9;
	v8 =	vld [tilespmem:s17+$0x1400]  }
0x1a3: {  	[tilespmem:s17+$0x1020] =	vst v3;
	v3 =	vmul.f32 $4.525483320e+01, v4;
	v4 =	vld [tilespmem:s17+$0x1410]  }
0x1a4: {  	[tilespmem:s17+$0x1030] =	vst v6;
	v6 =	vmul.f32 $4.525483320e+01, v7;
	v7 =	vld [tilespmem:s17+$0x1420]  }
0x1a5: {  	[tilespmem:s17+$0x1050] =	vst v3;
	v3 =	vmul.f32 $4.525483320e+01, v10;
	v9 =	vld [tilespmem:s17+$0x1430]  }
0x1a6: {  	[tilespmem:s17+$0x1060] =	vst v6;
	v6 =	vld [tilespmem:s17+$0x1450];
	v5 =	vmul.f32 $4.525483320e+01, v5  }
0x1a7: {  	[tilespmem:s17+$0x1070] =	vst v3;
	v3 =	vmul.f32 $4.525483320e+01, v8;
	v8 =	vld [tilespmem:s17+$0x1460]  }
0x1a8: {  	v4 =	vmul.f32 $4.525483320e+01, v4;
	v10 =	vld [tilespmem:s17+$0x1470];
	[tilespmem:s22+$0x400] =	vst v5;
	s22 =	sor.u32 $0x3860, s18  }
0x1a9: {  	[tilespmem:s17+$0x1400] =	vst v3;
	v3 =	vmul.f32 $4.525483320e+01, v7;
	v5 =	vld [tilespmem:s22+$0x400]  }
0x1aa: {  	[tilespmem:s17+$0x1410] =	vst v4;
	v4 =	vmul.f32 $4.525483320e+01, v9;
	v7 =	vld [tilespmem:s17+$0x1800]  }
0x1ab: {  	[tilespmem:s17+$0x1420] =	vst v3;
	v3 =	vmul.f32 $4.525483320e+01, v6;
	v6 =	vld [tilespmem:s17+$0x1810]  }
0x1ac: {  	[tilespmem:s17+$0x1430] =	vst v4;
	v4 =	vmul.f32 $4.525483320e+01, v8;
	v8 =	vld [tilespmem:s17+$0x1820]  }
0x1ad: {  	[tilespmem:s17+$0x1450] =	vst v3;
	v3 =	vmul.f32 $4.525483320e+01, v10;
	v9 =	vld [tilespmem:s17+$0x1830]  }
0x1ae: {  	[tilespmem:s17+$0x1460] =	vst v4;
	v4 =	vld [tilespmem:s17+$0x1850];
	v5 =	vmul.f32 $4.525483320e+01, v5  }
0x1af: {  	[tilespmem:s17+$0x1470] =	vst v3;
	v3 =	vmul.f32 $4.525483320e+01, v7;
	v7 =	vld [tilespmem:s17+$0x1860]  }
0x1b0: {  	v6 =	vmul.f32 $4.525483320e+01, v6;
	v10 =	vld [tilespmem:s17+$0x1870];
	[tilespmem:s22+$0x400] =	vst v5;
	s22 =	sor.u32 $0x3870, s18  }
0x1b1: {  	[tilespmem:s17+$0x1800] =	vst v3;
	v3 =	vmul.f32 $4.525483320e+01, v8;
	v5 =	vld [tilespmem:s22+$0x400]  }
0x1b2: {  	[tilespmem:s17+$0x1810] =	vst v6;
	v6 =	vmul.f32 $4.525483320e+01, v9;
	v8 =	vld [tilespmem:s17+$0x1C00]  }
0x1b3: {  	[tilespmem:s17+$0x1820] =	vst v3;
	v3 =	vmul.f32 $4.525483320e+01, v4;
	v4 =	vld [tilespmem:s17+$0x1C10]  }
0x1b4: {  	[tilespmem:s17+$0x1830] =	vst v6;
	v6 =	vmul.f32 $4.525483320e+01, v7;
	v7 =	vld [tilespmem:s17+$0x1C20]  }
0x1b5: {  	[tilespmem:s17+$0x1850] =	vst v3;
	v3 =	vmul.f32 $4.525483320e+01, v10;
	v9 =	vld [tilespmem:s17+$0x1C30]  }
0x1b6: {  	[tilespmem:s17+$0x1860] =	vst v6;
	v6 =	vld [tilespmem:s17+$0x1C50];
	v5 =	vmul.f32 $4.525483320e+01, v5  }
0x1b7: {  	[tilespmem:s17+$0x1870] =	vst v3;
	v3 =	vmul.f32 $4.525483320e+01, v8;
	v8 =	vld [tilespmem:s17+$0x1C60]  }
0x1b8: {  	v4 =	vmul.f32 $4.525483320e+01, v4;
	v10 =	vld [tilespmem:s17+$0x1C70];
	[tilespmem:s22+$0x400] =	vst v5;
	s22 =	sor.u32 $0x3C00, s18  }
0x1b9: {  	[tilespmem:s17+$0x1C00] =	vst v3;
	v3 =	vmul.f32 $4.525483320e+01, v7;
	v5 =	vld [tilespmem:s22+$0x400]  }
0x1ba: {  	[tilespmem:s17+$0x1C10] =	vst v4;
	v4 =	vmul.f32 $4.525483320e+01, v9;
	v7 =	vld [tilespmem:s17+$0x2000]  }
0x1bb: {  	[tilespmem:s17+$0x1C20] =	vst v3;
	v3 =	vmul.f32 $4.525483320e+01, v6;
	v6 =	vld [tilespmem:s17+$0x2010]  }
0x1bc: {  	[tilespmem:s17+$0x1C30] =	vst v4;
	v4 =	vmul.f32 $4.525483320e+01, v8;
	v8 =	vld [tilespmem:s17+$0x2020]  }
0x1bd: {  	[tilespmem:s17+$0x1C50] =	vst v3;
	v3 =	vmul.f32 $4.525483320e+01, v10;
	v9 =	vld [tilespmem:s17+$0x2030]  }
0x1be: {  	[tilespmem:s17+$0x1C60] =	vst v4;
	v4 =	vld [tilespmem:s17+$0x2050];
	v5 =	vmul.f32 $4.525483320e+01, v5  }
0x1bf: {  	[tilespmem:s17+$0x1C70] =	vst v3;
	v3 =	vmul.f32 $4.525483320e+01, v7;
	v7 =	vld [tilespmem:s17+$0x2060]  }
0x1c0: {  	v6 =	vmul.f32 $4.525483320e+01, v6;
	v10 =	vld [tilespmem:s17+$0x2070];
	[tilespmem:s22+$0x400] =	vst v5;
	s22 =	sor.u32 $0x3C10, s18  }
0x1c1: {  	[tilespmem:s17+$0x2000] =	vst v3;
	v3 =	vmul.f32 $4.525483320e+01, v8;
	v5 =	vld [tilespmem:s22+$0x400]  }
0x1c2: {  	[tilespmem:s17+$0x2010] =	vst v6;
	v6 =	vmul.f32 $4.525483320e+01, v9;
	v8 =	vld [tilespmem:s17+$0x2400]  }
0x1c3: {  	[tilespmem:s17+$0x2020] =	vst v3;
	v3 =	vmul.f32 $4.525483320e+01, v4;
	v4 =	vld [tilespmem:s17+$0x2410]  }
0x1c4: {  	[tilespmem:s17+$0x2030] =	vst v6;
	v6 =	vmul.f32 $4.525483320e+01, v7;
	v7 =	vld [tilespmem:s17+$0x2420]  }
0x1c5: {  	[tilespmem:s17+$0x2050] =	vst v3;
	v3 =	vmul.f32 $4.525483320e+01, v10;
	v9 =	vld [tilespmem:s17+$0x2430]  }
0x1c6: {  	[tilespmem:s17+$0x2060] =	vst v6;
	v6 =	vld [tilespmem:s17+$0x2450];
	v5 =	vmul.f32 $4.525483320e+01, v5  }
0x1c7: {  	[tilespmem:s17+$0x2070] =	vst v3;
	v3 =	vmul.f32 $4.525483320e+01, v8;
	v8 =	vld [tilespmem:s17+$0x2460]  }
0x1c8: {  	v4 =	vmul.f32 $4.525483320e+01, v4;
	v10 =	vld [tilespmem:s17+$0x2470];
	[tilespmem:s22+$0x400] =	vst v5;
	s22 =	sor.u32 $0x3C20, s18  }
0x1c9: {  	[tilespmem:s17+$0x2400] =	vst v3;
	v3 =	vmul.f32 $4.525483320e+01, v7;
	v5 =	vld [tilespmem:s22+$0x400]  }
0x1ca: {  	[tilespmem:s17+$0x2410] =	vst v4;
	v4 =	vmul.f32 $4.525483320e+01, v9;
	v7 =	vld [tilespmem:s17+$0x2800]  }
0x1cb: {  	[tilespmem:s17+$0x2420] =	vst v3;
	v3 =	vmul.f32 $4.525483320e+01, v6;
	v6 =	vld [tilespmem:s17+$0x2810]  }
0x1cc: {  	[tilespmem:s17+$0x2430] =	vst v4;
	v4 =	vmul.f32 $4.525483320e+01, v8;
	v8 =	vld [tilespmem:s17+$0x2820]  }
0x1cd: {  	[tilespmem:s17+$0x2450] =	vst v3;
	v3 =	vmul.f32 $4.525483320e+01, v10;
	v9 =	vld [tilespmem:s17+$0x2830]  }
0x1ce: {  	[tilespmem:s17+$0x2460] =	vst v4;
	v4 =	vld [tilespmem:s17+$0x2850];
	v5 =	vmul.f32 $4.525483320e+01, v5  }
0x1cf: {  	[tilespmem:s17+$0x2470] =	vst v3;
	v3 =	vmul.f32 $4.525483320e+01, v7;
	v7 =	vld [tilespmem:s17+$0x2860]  }
0x1d0: {  	v6 =	vmul.f32 $4.525483320e+01, v6;
	v10 =	vld [tilespmem:s17+$0x2870];
	[tilespmem:s22+$0x400] =	vst v5;
	s22 =	sor.u32 $0x3C30, s18  }
0x1d1: {  	[tilespmem:s17+$0x2800] =	vst v3;
	v3 =	vmul.f32 $4.525483320e+01, v8;
	v5 =	vld [tilespmem:s22+$0x400]  }
0x1d2: {  	[tilespmem:s17+$0x2810] =	vst v6;
	v6 =	vmul.f32 $4.525483320e+01, v9;
	v8 =	vld [tilespmem:s17+$0x2C00]  }
0x1d3: {  	[tilespmem:s17+$0x2820] =	vst v3;
	v3 =	vmul.f32 $4.525483320e+01, v4;
	v4 =	vld [tilespmem:s17+$0x2C10]  }
0x1d4: {  	[tilespmem:s17+$0x2830] =	vst v6;
	v6 =	vmul.f32 $4.525483320e+01, v7;
	v7 =	vld [tilespmem:s17+$0x2C20]  }
0x1d5: {  	[tilespmem:s17+$0x2850] =	vst v3;
	v3 =	vmul.f32 $4.525483320e+01, v10;
	v9 =	vld [tilespmem:s17+$0x2C30]  }
0x1d6: {  	[tilespmem:s17+$0x2860] =	vst v6;
	v6 =	vld [tilespmem:s17+$0x2C50];
	v5 =	vmul.f32 $4.525483320e+01, v5  }
0x1d7: {  	[tilespmem:s17+$0x2870] =	vst v3;
	v3 =	vmul.f32 $4.525483320e+01, v8;
	v8 =	vld [tilespmem:s17+$0x2C60]  }
0x1d8: {  	v4 =	vmul.f32 $4.525483320e+01, v4;
	v10 =	vld [tilespmem:s17+$0x2C70];
	[tilespmem:s22+$0x400] =	vst v5;
	s22 =	sor.u32 $0x3C40, s18  }
0x1d9: {  	[tilespmem:s17+$0x2C00] =	vst v3;
	v3 =	vmul.f32 $4.525483320e+01, v7;
	v5 =	vld [tilespmem:s22+$0x400]  }
0x1da: {  	[tilespmem:s17+$0x2C10] =	vst v4;
	v4 =	vmul.f32 $4.525483320e+01, v9;
	v7 =	vld [tilespmem:s17+$0x3000]  }
0x1db: {  	[tilespmem:s17+$0x2C20] =	vst v3;
	v3 =	vmul.f32 $4.525483320e+01, v6;
	v6 =	vld [tilespmem:s17+$0x3010]  }
0x1dc: {  	[tilespmem:s17+$0x2C30] =	vst v4;
	v4 =	vmul.f32 $4.525483320e+01, v8;
	v8 =	vld [tilespmem:s17+$0x3020]  }
0x1dd: {  	[tilespmem:s17+$0x2C50] =	vst v3;
	v3 =	vmul.f32 $4.525483320e+01, v10;
	v9 =	vld [tilespmem:s17+$0x3030]  }
0x1de: {  	[tilespmem:s17+$0x2C60] =	vst v4;
	v4 =	vld [tilespmem:s17+$0x3050];
	v5 =	vmul.f32 $4.525483320e+01, v5  }
0x1df: {  	[tilespmem:s17+$0x2C70] =	vst v3;
	v3 =	vmul.f32 $4.525483320e+01, v7;
	v7 =	vld [tilespmem:s17+$0x3060]  }
0x1e0: {  	v6 =	vmul.f32 $4.525483320e+01, v6;
	v10 =	vld [tilespmem:s17+$0x3070];
	[tilespmem:s22+$0x400] =	vst v5;
	s22 =	sor.u32 $0x3C50, s18  }
0x1e1: {  	[tilespmem:s17+$0x3000] =	vst v3;
	v3 =	vmul.f32 $4.525483320e+01, v8;
	v5 =	vld [tilespmem:s22+$0x400]  }
0x1e2: {  	[tilespmem:s17+$0x3010] =	vst v6;
	v6 =	vmul.f32 $4.525483320e+01, v9;
	v8 =	vld [tilespmem:s17+$0x3400]  }
0x1e3: {  	[tilespmem:s17+$0x3020] =	vst v3;
	v3 =	vmul.f32 $4.525483320e+01, v4;
	v4 =	vld [tilespmem:s17+$0x3410]  }
0x1e4: {  	[tilespmem:s17+$0x3030] =	vst v6;
	v6 =	vmul.f32 $4.525483320e+01, v7;
	v7 =	vld [tilespmem:s17+$0x3420]  }
0x1e5: {  	[tilespmem:s17+$0x3050] =	vst v3;
	v3 =	vmul.f32 $4.525483320e+01, v10;
	v9 =	vld [tilespmem:s17+$0x3430]  }
0x1e6: {  	[tilespmem:s17+$0x3060] =	vst v6;
	v6 =	vld [tilespmem:s17+$0x3450];
	v5 =	vmul.f32 $4.525483320e+01, v5  }
0x1e7: {  	[tilespmem:s17+$0x3070] =	vst v3;
	v3 =	vmul.f32 $4.525483320e+01, v8;
	v10 =	vld [tilespmem:s17+$0x3460]  }
0x1e8: {  	v4 =	vmul.f32 $4.525483320e+01, v4;
	v11 =	vld [tilespmem:s17+$0x3470];
	[tilespmem:s22+$0x400] =	vst v5;
	s22 =	sor.u32 $0x3C60, s18  }
0x1e9: {  	[tilespmem:s17+$0x3400] =	vst v3;
	v3 =	vmul.f32 $4.525483320e+01, v7;
	v12 =	vld [tilespmem:s22+$0x400]  }
.Ltmp0:
0x1ea: {  	[tilespmem:s17+$0x3410] =	vst v4;
	v5 =	vmul.f32 $4.525483320e+01, v9;
	v4 =	vld [tilespmem:s17+$0x3800];
	(pc) =	sbr.rel @p0 .LBB2_3-.Ltmp0, $4  }
0x1eb: {  	[tilespmem:s17+$0x3420] =	vst v3;
	v3 =	vmul.f32 $4.525483320e+01, v6;
	v8 =	vld [tilespmem:s17+$0x3810]  }
0x1ec: {  	[tilespmem:s17+$0x3430] =	vst v5;
	v6 =	vmul.f32 $4.525483320e+01, v10;
	v7 =	vld [tilespmem:s17+$0x3820]  }
0x1ed: {  	[tilespmem:s17+$0x3450] =	vst v3;
	v9 =	vmul.f32 $4.525483320e+01, v11;
	v5 =	vld [tilespmem:s17+$0x3830]  }
0x1ee: {  	s21 =	sadd.s32 $0x80, s21;
	[tilespmem:s17+$0x3460] =	vst v6;
	v6 =	vld [tilespmem:s17+$0x3850];
	v3 =	vmul.f32 $4.525483320e+01, v12  }
0x1ef: {  	[tilespmem:s17+$0x3470] =	vst v9;
	v4 =	vmul.f32 $4.525483320e+01, v4;
	v9 =	vld [tilespmem:s17+$0x3860]  }
0x1f0: {  	v10 =	vld [tilespmem:s17+$0x3870];
	v8 =	vmul.f32 $4.525483320e+01, v8  }
0x1f1: {  	[tilespmem:s17+$0x3800] =	vst v4;
	v4 =	vld [tilespmem:s17+$0x2040];
	v7 =	vmul.f32 $4.525483320e+01, v7  }
0x1f2: {  	[tilespmem:s17+$0x3810] =	vst v8;
	v5 =	vmul.f32 $4.525483320e+01, v5  }
0x1f3: {  	v8 =	vld [tilespmem:s17+$0x2440];
	[tilespmem:s17+$0x3820] =	vst v7;
	v6 =	vmul.f32 $4.525483320e+01, v6  }
0x1f4: {  	s16 =	sadd.s32 $0x1, s16;
	v7 =	vld [tilespmem:s17+$0x2840];
	[tilespmem:s17+$0x3830] =	vst v5;
	v9 =	vmul.f32 $4.525483320e+01, v9  }
0x1f5: {  	s16 =	sand.u32 $0x7, s16;
	v5 =	vld [tilespmem:s17+$0x2C40];
	v10 =	vmul.f32 $4.525483320e+01, v10;
	[tilespmem:s17+$0x3850] =	vst v6  }
0x1f6: {  	s19 =	sadd.s32 $0x800, s19;
	s16 =	sshll.u32 s16, $0x7;
	v6 =	vld [tilespmem:s17+$0x3040];
	[tilespmem:s17+$0x3860] =	vst v9;
	v4 =	vmul.f32 $4.525483320e+01, v4  }
0x1f7: {  	s16 =	sadd.s32 s16, s19;
	v9 =	vld [tilespmem:s17+$0x3440];
	[tilespmem:s17+$0x3870] =	vst v10  }
0x1f8: {  	s19 =	sor.u32 $0x3800, s16;
	v10 =	vld [tilespmem:s17+$0x3840];
	v8 =	vmul.f32 $4.525483320e+01, v8;
	[tilespmem:s17+$0x2040] =	vst v4  }
0x1f9: {  	v4 =	vmul.f32 $4.525483320e+01, v7;
	v7 =	vld [tilespmem:s19+$0x400]  }
0x1fa: {  	[tilespmem:s17+$0x2440] =	vst v8;
	v5 =	vmul.f32 $4.525483320e+01, v5  }
0x1fb: {  	[tilespmem:s17+$0x2840] =	vst v4;
	v4 =	vmul.f32 $4.525483320e+01, v6  }
0x1fc: {  	[tilespmem:s17+$0x2C40] =	vst v5;
	v5 =	vmul.f32 $4.525483320e+01, v9  }
0x1fd: {  	[tilespmem:s17+$0x3040] =	vst v4;
	v4 =	vmul.f32 $4.525483320e+01, v10  }
0x1fe: {  	[tilespmem:s17+$0x3440] =	vst v5;
	v5 =	vmul.f32 $4.525483320e+01, v7  }
0x1ff: {  	[tilespmem:s17+$0x3840] =	vst v4  }
0x200: {  	[tilespmem:s19+$0x400] =	vst v5;
	s19 =	sor.u32 $0x3810, s16  }
0x201: {  	v4 =	vld [tilespmem:s19+$0x400];
	_ =	sdelay $0x4  }
0x202: {  	v4 =	vmul.f32 $4.525483320e+01, v4;
	_ =	sdelay $0x1  }
0x203: {  	s20 =	sor.u32 $0x3820, s16;
	[tilespmem:s19+$0x400] =	vst v4  }
0x204: {  	v4 =	vld [tilespmem:s20+$0x400];
	_ =	sdelay $0x4  }
0x205: {  	v4 =	vmul.f32 $4.525483320e+01, v4  }
0x206: {  	s18 =	sor.u32 $0x3C70, s18;
	[tilespmem:s22+$0x400] =	vst v3  }
0x207: {  	v3 =	vld [tilespmem:s18+$0x400];
	s21 =	sor.u32 $0x3830, s16;
	[tilespmem:s20+$0x400] =	vst v4  }
0x208: {  	v4 =	vld [tilespmem:s21+$0x400];
	_ =	sdelay $0x3  }
0x209: {  	v3 =	vmul.f32 $4.525483320e+01, v3  }
0x20a: {  	v4 =	vmul.f32 $4.525483320e+01, v4  }
0x20b: {  	[tilespmem:s18+$0x400] =	vst v3  }
0x20c: {  	s22 =	sor.u32 $0x3840, s16;
	[tilespmem:s21+$0x400] =	vst v4  }
0x20d: {  	v3 =	vld [tilespmem:s22+$0x400];
	_ =	sdelay $0x4  }
0x20e: {  	v3 =	vmul.f32 $4.525483320e+01, v3;
	_ =	sdelay $0x1  }
0x20f: {  	s23 =	sor.u32 $0x3850, s16;
	[tilespmem:s22+$0x400] =	vst v3  }
0x210: {  	v3 =	vld [tilespmem:s23+$0x400];
	_ =	sdelay $0x4  }
0x211: {  	v3 =	vmul.f32 $4.525483320e+01, v3;
	_ =	sdelay $0x1  }
0x212: {  	s24 =	sor.u32 $0x3860, s16;
	[tilespmem:s23+$0x400] =	vst v3  }
0x213: {  	v3 =	vld [tilespmem:s24+$0x400];
	_ =	sdelay $0x4  }
0x214: {  	v3 =	vmul.f32 $4.525483320e+01, v3;
	_ =	sdelay $0x1  }
0x215: {  	s25 =	sor.u32 $0x3870, s16;
	[tilespmem:s24+$0x400] =	vst v3  }
0x216: {  	v3 =	vld [tilespmem:s25+$0x400];
	_ =	sdelay $0x4  }
0x217: {  	v3 =	vmul.f32 $4.525483320e+01, v3;
	_ =	sdelay $0x1  }
0x218: {  	s18 =	sor.u32 $0x3C00, s16;
	[tilespmem:s25+$0x400] =	vst v3  }
0x219: {  	v3 =	vld [tilespmem:s18+$0x400];
	_ =	sdelay $0x4  }
0x21a: {  	v3 =	vmul.f32 $4.525483320e+01, v3;
	_ =	sdelay $0x1  }
0x21b: {  	s19 =	sor.u32 $0x3C10, s16;
	[tilespmem:s18+$0x400] =	vst v3  }
0x21c: {  	v3 =	vld [tilespmem:s19+$0x400];
	_ =	sdelay $0x4  }
0x21d: {  	v3 =	vmul.f32 $4.525483320e+01, v3;
	_ =	sdelay $0x1  }
0x21e: {  	s20 =	sor.u32 $0x3C20, s16;
	[tilespmem:s19+$0x400] =	vst v3  }
0x21f: {  	v3 =	vld [tilespmem:s20+$0x400];
	_ =	sdelay $0x4  }
0x220: {  	v3 =	vmul.f32 $4.525483320e+01, v3;
	_ =	sdelay $0x1  }
0x221: {  	s21 =	sor.u32 $0x3C30, s16;
	[tilespmem:s20+$0x400] =	vst v3  }
0x222: {  	v3 =	vld [tilespmem:s21+$0x400];
	_ =	sdelay $0x4  }
0x223: {  	v3 =	vmul.f32 $4.525483320e+01, v3;
	_ =	sdelay $0x1  }
0x224: {  	s22 =	sor.u32 $0x3C40, s16;
	[tilespmem:s21+$0x400] =	vst v3  }
0x225: {  	v3 =	vld [tilespmem:s22+$0x400];
	_ =	sdelay $0x4  }
0x226: {  	v3 =	vmul.f32 $4.525483320e+01, v3;
	_ =	sdelay $0x1  }
0x227: {  	s23 =	sor.u32 $0x3C50, s16;
	[tilespmem:s22+$0x400] =	vst v3  }
0x228: {  	v3 =	vld [tilespmem:s23+$0x400];
	_ =	sdelay $0x4  }
0x229: {  	v3 =	vmul.f32 $4.525483320e+01, v3;
	_ =	sdelay $0x1  }
0x22a: {  	s24 =	sor.u32 $0x3C60, s16;
	[tilespmem:s23+$0x400] =	vst v3  }
0x22b: {  	v3 =	vld [tilespmem:s24+$0x400];
	_ =	sdelay $0x4  }
0x22c: {  	v3 =	vmul.f32 $4.525483320e+01, v3;
	_ =	sdelay $0x1  }
0x22d: {  	s16 =	sor.u32 $0x3C70, s16;
	[tilespmem:s24+$0x400] =	vst v3  }
0x22e: {  	v3 =	vld [tilespmem:s16+$0x400];
	_ =	sdelay $0x4  }
0x22f: {  	v3 =	vmul.f32 $4.525483320e+01, v3  }
0x230: {  	s25 =	sshll.u32 s14, $0xD  }
0x231: {  	s18 =	sadd.s32 s25, s12;
	[tilespmem:s16+$0x400] =	vst v3  }
0x232: {  	[hbm4b:s18+s3] =	stream.linear.scatter [tilespmem:s15], [sflag:$0x3], $0x8000, $0x38;
	[tilespmem:$0x10400] =	vst v63  }
0x233: {  	p0 =	seq.s32 s14, $0x1F;
	_ =	swait.ge [sflag:s4], $0x8000  }
0x234: {  	s16 =	sshll.u32 @!p0 s14, $0x5;
	[sflag:s4] =	ssyncset.done $0x0  }
0x235: {  	s16 =	sand.u32 @!p0 $0x3FFFFFE0, s16;
	[sflag:s4] =	ssyncadd.s32 $0xFFFF8000  }
0x236: {  	v3 =	vld @!p0 [tilespmem:s16+$0x20];
	_ =	sdelay $0x4  }
0x237: {  	v4 =	vshll.u32 @!p0 v3, $0x4  }
0x238: {  	v5 =	vlaneseq.u32 @!p0;
	v3 =	vand.u32 @!p0 $0x7, v3;
	v4 =	vand.u32 @!p0 $0xFFFFFF80, v4  }
0x239: {  	v6 =	vshrl.u32 @!p0 v5, $0x3;
	v3 =	vor.u32 @!p0 v3, v4;
	v4 =	vand.u32 @!p0 $0x7, v5  }
0x23a: {  	v6 =	vmul.u32 @!p0 $0x8, v6;
	v4 =	vperm.xlane @!p0 v3, v4;
	_ =	sdelay $0x1  }
0x23b: {  	v4 =	vadd.s32 @!p0 v6, v4;
	_ =	sdelay $0x3  }
0x23c: {  	vm1 =	vmmov @!p0 $0xffff;
	s17 =	simm.s32 @!p0 $0x400;
	s16 =	simm.s32 @!p0 $0x0  }
0x23d: {  	[tilespmem:s17], [sflag:$0x1] =	stream.indirect_vreg.gather @!p0 [hbm4b:s2+s16], $0x80, v4, vm1, $0xb8;
	[tilespmem:$0x10400] =	vst v63  }
0x23e: {  	s17 =	simm.s32 @!p0 $0xC00  }
0x23f: {  	[tilespmem:s17], [sflag:$0x1] =	stream.indirect_vreg.gather @!p0 [hbm4b:s5+s16], $0x80, v4, vm1, $0xb8;
	[tilespmem:$0x10400] =	vst v63  }
0x240: {  	s17 =	simm.s32 @!p0 $0x1400  }
0x241: {  	[tilespmem:s17], [sflag:$0x1] =	stream.indirect_vreg.gather @!p0 [hbm4b:s6+s16], $0x80, v4, vm1, $0xb8;
	[tilespmem:$0x10400] =	vst v63  }
0x242: {  	s17 =	simm.s32 @!p0 $0x1C00  }
0x243: {  	[tilespmem:s17], [sflag:$0x1] =	stream.indirect_vreg.gather @!p0 [hbm4b:s7+s16], $0x80, v4, vm1, $0xb8;
	[tilespmem:$0x10400] =	vst v63  }
0x244: {  	s17 =	simm.s32 @!p0 $0x2400  }
0x245: {  	v5 =	vor.u32 @!p0 $0x8, v5;
	[tilespmem:s17], [sflag:$0x1] =	stream.indirect_vreg.gather @!p0 [hbm4b:s8+s16], $0x80, v4, vm1, $0xb8;
	[tilespmem:$0x10400] =	vst v63  }
0x246: {  	v3 =	vperm.xlane @!p0 v3, v5;
	s17 =	simm.s32 @!p0 $0x2C00  }
0x247: {  	[tilespmem:s17], [sflag:$0x1] =	stream.indirect_vreg.gather @!p0 [hbm4b:s9+s16], $0x80, v4, vm1, $0xb8;
	[tilespmem:$0x10400] =	vst v63  }
0x248: {  	v3 =	vadd.s32 @!p0 v6, v3;
	s17 =	simm.s32 @!p0 $0x3400  }
0x249: {  	[tilespmem:s17], [sflag:$0x1] =	stream.indirect_vreg.gather @!p0 [hbm4b:s10+s16], $0x80, v4, vm1, $0xb8;
	[tilespmem:$0x10400] =	vst v63  }
0x24a: {  	s17 =	simm.s32 @!p0 $0x3C00  }
0x24b: {  	[tilespmem:s17], [sflag:$0x1] =	stream.indirect_vreg.gather @!p0 [hbm4b:s11+s16], $0x80, v4, vm1, $0xb8;
	[tilespmem:$0x10400] =	vst v63  }
0x24c: {  	s17 =	simm.s32 @!p0 $0x4400  }
0x24d: {  	[tilespmem:s17], [sflag:$0x1] =	stream.indirect_vreg.gather @!p0 [hbm4b:s2+s16], $0x80, v3, vm1, $0xb8;
	[tilespmem:$0x10400] =	vst v63  }
0x24e: {  	s17 =	simm.s32 @!p0 $0x4C00  }
0x24f: {  	[tilespmem:s17], [sflag:$0x1] =	stream.indirect_vreg.gather @!p0 [hbm4b:s5+s16], $0x80, v3, vm1, $0xb8;
	[tilespmem:$0x10400] =	vst v63  }
0x250: {  	s17 =	simm.s32 @!p0 $0x5400  }
0x251: {  	[tilespmem:s17], [sflag:$0x1] =	stream.indirect_vreg.gather @!p0 [hbm4b:s6+s16], $0x80, v3, vm1, $0xb8;
	[tilespmem:$0x10400] =	vst v63  }
0x252: {  	s17 =	simm.s32 @!p0 $0x5C00  }
0x253: {  	[tilespmem:s17], [sflag:$0x1] =	stream.indirect_vreg.gather @!p0 [hbm4b:s7+s16], $0x80, v3, vm1, $0xb8;
	[tilespmem:$0x10400] =	vst v63  }
0x254: {  	s17 =	simm.s32 @!p0 $0x6400  }
0x255: {  	[tilespmem:s17], [sflag:$0x1] =	stream.indirect_vreg.gather @!p0 [hbm4b:s8+s16], $0x80, v3, vm1, $0xb8;
	[tilespmem:$0x10400] =	vst v63  }
0x256: {  	s17 =	simm.s32 @!p0 $0x6C00  }
0x257: {  	[tilespmem:s17], [sflag:$0x1] =	stream.indirect_vreg.gather @!p0 [hbm4b:s9+s16], $0x80, v3, vm1, $0xb8;
	[tilespmem:$0x10400] =	vst v63  }
0x258: {  	s17 =	simm.s32 @!p0 $0x7400  }
0x259: {  	[tilespmem:s17], [sflag:$0x1] =	stream.indirect_vreg.gather @!p0 [hbm4b:s10+s16], $0x80, v3, vm1, $0xb8;
	[tilespmem:$0x10400] =	vst v63  }
0x25a: {  	s17 =	simm.s32 @!p0 $0x7C00  }
0x25b: {  	[tilespmem:s17], [sflag:$0x1] =	stream.indirect_vreg.gather @!p0 [hbm4b:s11+s16], $0x80, v3, vm1, $0xb8;
	[tilespmem:$0x10400] =	vst v63  }
0x25c: {  	s19 =	simm.s32 $0x0;
	s16 =	simm.s32 $0x0;
	_ =	swait.ge [sflag:s13], $0x8000  }
0x25d: {  	s17 =	sand.u32 $0x4000, s19;
	s20 =	sand.u32 $0x380, s16;
	[sflag:s13] =	ssyncset.done $0x0  }
0x25e: {  	s21 =	sor.u32 s20, s17;
	[sflag:s13] =	ssyncadd.s32 $0xFFFF8000  }
0x25f: {  	v3 =	vld [tilespmem:s21+$0x8440]  }
0x260: {  	v4 =	vld [tilespmem:s21+$0x8840]  }
0x261: {  	v5 =	vld [tilespmem:s21+$0x8C40]  }
0x262: {  	v6 =	vld [tilespmem:s21+$0x9040]  }
0x263: {  	v7 =	vld [tilespmem:s21+$0x9440]  }
0x264: {  	v8 =	vld [tilespmem:s21+$0x9840]  }
0x265: {  	v9 =	vld [tilespmem:s21+$0x9C40]  }
0x266: {  	v10 =	vld [tilespmem:s21+$0x8400]  }
0x267: {  	v11 =	vld [tilespmem:s21+$0x8410];
	v3 =	vmul.f32 $4.525483320e+01, v3  }
0x268: {  	v12 =	vld [tilespmem:s21+$0x8420];
	v4 =	vmul.f32 $4.525483320e+01, v4  }
0x269: {  	s22 =	simm.s32 $0x80;
	s23 =	simm.s32 $0x800;
	v13 =	vld [tilespmem:s21+$0x8430];
	[tilespmem:s21+$0x8440] =	vst v3;
	v3 =	vmul.f32 $4.525483320e+01, v5  }
0x26a: {  	s18 =	sand.u32 $0x4000, s23;
	s17 =	sand.u32 $0x380, s22;
	v34 =	vld [tilespmem:s21+$0x8850];
	[tilespmem:s21+$0x8840] =	vst v4;
	v4 =	vmul.f32 $4.525483320e+01, v6  }
0x26b: {  	s17 =	sor.u32 s17, s18;
	v35 =	vld [tilespmem:s21+$0x8860];
	[tilespmem:s21+$0x8C40] =	vst v3;
	v3 =	vmul.f32 $4.525483320e+01, v7  }
0x26c: {  	v48 =	vld [tilespmem:s17+$0x9040];
	[tilespmem:s21+$0x9040] =	vst v4;
	v4 =	vmul.f32 $4.525483320e+01, v8  }
0x26d: {  	v49 =	vld [tilespmem:s17+$0x9440];
	[tilespmem:s21+$0x9440] =	vst v3;
	v3 =	vmul.f32 $4.525483320e+01, v9  }
0x26e: {  	v5 =	vld [tilespmem:s21+$0x8450];
	[tilespmem:s21+$0x9840] =	vst v4;
	v4 =	vmul.f32 $4.525483320e+01, v10  }
0x26f: {  	v50 =	vld [tilespmem:s21+$0xAC50];
	[tilespmem:s21+$0x9C40] =	vst v3;
	v3 =	vmul.f32 $4.525483320e+01, v11  }
0x270: {  	v51 =	vld [tilespmem:s21+$0xAC60];
	[tilespmem:s21+$0x8400] =	vst v4;
	v4 =	vmul.f32 $4.525483320e+01, v12  }
0x271: {  	v6 =	vld [tilespmem:s21+$0x8460];
	v12 =	vmul.f32 $4.525483320e+01, v48;
	[tilespmem:s21+$0x8410] =	vst v3  }
0x272: {  	v7 =	vld [tilespmem:s21+$0x8470];
	v3 =	vmul.f32 $4.525483320e+01, v13;
	[tilespmem:s21+$0x8420] =	vst v4  }
0x273: {  	v54 =	vld [tilespmem:s17+$0x8860];
	v4 =	vmul.f32 $4.525483320e+01, v5;
	[tilespmem:s17+$0x9040] =	vst v12  }
0x274: {  	v55 =	vld [tilespmem:s17+$0x8870];
	v13 =	vmul.f32 $4.525483320e+01, v49;
	[tilespmem:s21+$0x8430] =	vst v3  }
0x275: {  	v8 =	vld [tilespmem:s21+$0x8800];
	v12 =	vmul.f32 $4.525483320e+01, v50;
	[tilespmem:s21+$0x8450] =	vst v4  }
0x276: {  	v9 =	vld [tilespmem:s21+$0x8810];
	v3 =	vmul.f32 $4.525483320e+01, v6;
	[tilespmem:s17+$0x9440] =	vst v13  }
0x277: {  	v10 =	vld [tilespmem:s21+$0x8820];
	v4 =	vmul.f32 $4.525483320e+01, v7;
	[tilespmem:s21+$0xAC50] =	vst v12  }
0x278: {  	v36 =	vld [tilespmem:s21+$0x8C70];
	v13 =	vmul.f32 $4.525483320e+01, v51;
	[tilespmem:s21+$0x8460] =	vst v3  }
0x279: {  	v11 =	vld [tilespmem:s21+$0x8830];
	v12 =	vmul.f32 $4.525483320e+01, v54;
	[tilespmem:s21+$0x8470] =	vst v4  }
0x27a: {  	v59 =	vld [tilespmem:s17+$0x9020];
	v3 =	vmul.f32 $4.525483320e+01, v8;
	[tilespmem:s21+$0xAC60] =	vst v13  }
0x27b: {  	v37 =	vld [tilespmem:s21+$0x9000];
	v4 =	vmul.f32 $4.525483320e+01, v9;
	[tilespmem:s17+$0x8860] =	vst v12  }
0x27c: {  	v38 =	vld [tilespmem:s21+$0x9410];
	v13 =	vmul.f32 $4.525483320e+01, v55;
	[tilespmem:s21+$0x8800] =	vst v3  }
0x27d: {  	v5 =	vld [tilespmem:s21+$0x8870];
	v3 =	vmul.f32 $4.525483320e+01, v10;
	[tilespmem:s21+$0x8810] =	vst v4  }
0x27e: {  	v6 =	vld [tilespmem:s21+$0x8C00];
	v4 =	vmul.f32 $4.525483320e+01, v11;
	[tilespmem:s17+$0x8870] =	vst v13  }
0x27f: {  	v7 =	vld [tilespmem:s21+$0x8C10];
	v13 =	vmul.f32 $4.525483320e+01, v59;
	[tilespmem:s21+$0x8820] =	vst v3  }
0x280: {  	v8 =	vld [tilespmem:s21+$0x8C20];
	v3 =	vmul.f32 $4.525483320e+01, v34;
	[tilespmem:s21+$0x8830] =	vst v4  }
0x281: {  	v9 =	vld [tilespmem:s21+$0x8C30];
	v4 =	vmul.f32 $4.525483320e+01, v35;
	[tilespmem:s17+$0x9020] =	vst v13  }
0x282: {  	v10 =	vld [tilespmem:s21+$0x8C50];
	[tilespmem:s21+$0x8850] =	vst v3;
	v3 =	vmul.f32 $4.525483320e+01, v5  }
0x283: {  	v11 =	vld [tilespmem:s21+$0x8C60];
	[tilespmem:s21+$0x8860] =	vst v4;
	v4 =	vmul.f32 $4.525483320e+01, v6  }
0x284: {  	v39 =	vld [tilespmem:s21+$0x9420];
	[tilespmem:s21+$0x8870] =	vst v3;
	v3 =	vmul.f32 $4.525483320e+01, v7  }
0x285: {  	v40 =	vld [tilespmem:s21+$0x9830];
	[tilespmem:s21+$0x8C00] =	vst v4;
	v4 =	vmul.f32 $4.525483320e+01, v8  }
0x286: {  	v5 =	vld [tilespmem:s21+$0x9010];
	[tilespmem:s21+$0x8C10] =	vst v3;
	v3 =	vmul.f32 $4.525483320e+01, v9  }
0x287: {  	v6 =	vld [tilespmem:s21+$0x9020];
	[tilespmem:s21+$0x8C20] =	vst v4;
	v4 =	vmul.f32 $4.525483320e+01, v10  }
0x288: {  	v7 =	vld [tilespmem:s21+$0x9030];
	[tilespmem:s21+$0x8C30] =	vst v3;
	v3 =	vmul.f32 $4.525483320e+01, v11  }
0x289: {  	v8 =	vld [tilespmem:s21+$0x9050];
	[tilespmem:s21+$0x8C50] =	vst v4;
	v4 =	vmul.f32 $4.525483320e+01, v36  }
0x28a: {  	v9 =	vld [tilespmem:s21+$0x9060];
	[tilespmem:s21+$0x8C60] =	vst v3;
	v3 =	vmul.f32 $4.525483320e+01, v37  }
0x28b: {  	v10 =	vld [tilespmem:s21+$0x9070];
	[tilespmem:s21+$0x8C70] =	vst v4;
	v4 =	vmul.f32 $4.525483320e+01, v5  }
0x28c: {  	v11 =	vld [tilespmem:s21+$0x9400];
	[tilespmem:s21+$0x9000] =	vst v3;
	v3 =	vmul.f32 $4.525483320e+01, v6  }
0x28d: {  	v41 =	vld [tilespmem:s21+$0x9850];
	[tilespmem:s21+$0x9010] =	vst v4;
	v4 =	vmul.f32 $4.525483320e+01, v7  }
0x28e: {  	v5 =	vld [tilespmem:s21+$0x9430];
	[tilespmem:s21+$0x9020] =	vst v3;
	v3 =	vmul.f32 $4.525483320e+01, v8  }
0x28f: {  	v56 =	vld [tilespmem:s21+$0xB470];
	[tilespmem:s21+$0x9030] =	vst v4;
	v4 =	vmul.f32 $4.525483320e+01, v9  }
0x290: {  	v6 =	vld [tilespmem:s21+$0x9450];
	[tilespmem:s21+$0x9050] =	vst v3;
	v3 =	vmul.f32 $4.525483320e+01, v10  }
0x291: {  	v7 =	vld [tilespmem:s21+$0x9460];
	[tilespmem:s21+$0x9060] =	vst v4;
	v4 =	vmul.f32 $4.525483320e+01, v11  }
0x292: {  	v57 =	vld [tilespmem:s21+$0xB800];
	[tilespmem:s21+$0x9070] =	vst v3;
	v3 =	vmul.f32 $4.525483320e+01, v38  }
0x293: {  	v8 =	vld [tilespmem:s21+$0x9470];
	[tilespmem:s21+$0x9400] =	vst v4;
	v4 =	vmul.f32 $4.525483320e+01, v39  }
0x294: {  	v9 =	vld [tilespmem:s21+$0x9800];
	[tilespmem:s21+$0x9410] =	vst v3;
	v3 =	vmul.f32 $4.525483320e+01, v5  }
0x295: {  	v10 =	vld [tilespmem:s21+$0x9810];
	[tilespmem:s21+$0x9420] =	vst v4;
	v4 =	vmul.f32 $4.525483320e+01, v6  }
0x296: {  	v11 =	vld [tilespmem:s21+$0x9820];
	v12 =	vmul.f32 $4.525483320e+01, v56;
	[tilespmem:s21+$0x9430] =	vst v3  }
0x297: {  	v5 =	vld [tilespmem:s21+$0x9860];
	v3 =	vmul.f32 $4.525483320e+01, v7;
	[tilespmem:s21+$0x9450] =	vst v4  }
0x298: {  	v6 =	vld [tilespmem:s21+$0x9870];
	v4 =	vmul.f32 $4.525483320e+01, v8;
	[tilespmem:s21+$0xB470] =	vst v12  }
0x299: {  	v58 =	vmul.f32 $4.525483320e+01, v57;
	[tilespmem:s21+$0x9460] =	vst v3  }
0x29a: {  	v7 =	vld [tilespmem:s21+$0x9C00];
	v3 =	vmul.f32 $4.525483320e+01, v9;
	[tilespmem:s21+$0x9470] =	vst v4  }
0x29b: {  	v8 =	vld [tilespmem:s21+$0x9C10];
	v4 =	vmul.f32 $4.525483320e+01, v10;
	[tilespmem:s21+$0xB800] =	vst v58  }
0x29c: {  	[tilespmem:s21+$0x9800] =	vst v3;
	v3 =	vmul.f32 $4.525483320e+01, v11  }
0x29d: {  	v42 =	vld [tilespmem:s21+$0x9C60];
	[tilespmem:s21+$0x9810] =	vst v4;
	v4 =	vmul.f32 $4.525483320e+01, v40  }
0x29e: {  	v9 =	vld [tilespmem:s21+$0x9C20];
	[tilespmem:s21+$0x9820] =	vst v3;
	v3 =	vmul.f32 $4.525483320e+01, v41  }
0x29f: {  	v10 =	vld [tilespmem:s21+$0x9C30];
	[tilespmem:s21+$0x9830] =	vst v4;
	v4 =	vmul.f32 $4.525483320e+01, v5  }
0x2a0: {  	v11 =	vld [tilespmem:s21+$0x9C50];
	[tilespmem:s21+$0x9850] =	vst v3;
	v3 =	vmul.f32 $4.525483320e+01, v6  }
0x2a1: {  	v43 =	vld [tilespmem:s21+$0x9C70];
	[tilespmem:s21+$0x9860] =	vst v4;
	v4 =	vmul.f32 $4.525483320e+01, v7  }
0x2a2: {  	v44 =	vld [tilespmem:s21+$0xA400];
	[tilespmem:s21+$0x9870] =	vst v3;
	v3 =	vmul.f32 $4.525483320e+01, v8  }
0x2a3: {  	v5 =	vld [tilespmem:s21+$0xA000];
	[tilespmem:s21+$0x9C00] =	vst v4;
	v4 =	vmul.f32 $4.525483320e+01, v9  }
0x2a4: {  	v6 =	vld [tilespmem:s21+$0xA010];
	[tilespmem:s21+$0x9C10] =	vst v3;
	v3 =	vmul.f32 $4.525483320e+01, v10  }
0x2a5: {  	v7 =	vld [tilespmem:s21+$0xA020];
	[tilespmem:s21+$0x9C20] =	vst v4;
	v4 =	vmul.f32 $4.525483320e+01, v11  }
0x2a6: {  	v8 =	vld [tilespmem:s21+$0xA030];
	[tilespmem:s21+$0x9C30] =	vst v3;
	v3 =	vmul.f32 $4.525483320e+01, v42  }
0x2a7: {  	v9 =	vld [tilespmem:s21+$0xA050];
	[tilespmem:s21+$0x9C50] =	vst v4;
	v4 =	vmul.f32 $4.525483320e+01, v43  }
0x2a8: {  	v10 =	vld [tilespmem:s21+$0xA060];
	[tilespmem:s21+$0x9C60] =	vst v3;
	v3 =	vmul.f32 $4.525483320e+01, v5  }
0x2a9: {  	v11 =	vld [tilespmem:s21+$0xA070];
	[tilespmem:s21+$0x9C70] =	vst v4;
	v4 =	vmul.f32 $4.525483320e+01, v6  }
0x2aa: {  	v45 =	vld [tilespmem:s21+$0xA410];
	[tilespmem:s21+$0xA000] =	vst v3;
	v3 =	vmul.f32 $4.525483320e+01, v7  }
0x2ab: {  	v46 =	vld [tilespmem:s21+$0xA820];
	[tilespmem:s21+$0xA010] =	vst v4;
	v4 =	vmul.f32 $4.525483320e+01, v8  }
0x2ac: {  	v5 =	vld [tilespmem:s21+$0xA420];
	[tilespmem:s21+$0xA020] =	vst v3;
	v3 =	vmul.f32 $4.525483320e+01, v9  }
0x2ad: {  	v6 =	vld [tilespmem:s21+$0xA430];
	[tilespmem:s21+$0xA030] =	vst v4;
	v4 =	vmul.f32 $4.525483320e+01, v10  }
0x2ae: {  	v7 =	vld [tilespmem:s21+$0xA450];
	[tilespmem:s21+$0xA050] =	vst v3;
	v3 =	vmul.f32 $4.525483320e+01, v11  }
0x2af: {  	v8 =	vld [tilespmem:s21+$0xA460];
	[tilespmem:s21+$0xA060] =	vst v4;
	v4 =	vmul.f32 $4.525483320e+01, v44  }
0x2b0: {  	v9 =	vld [tilespmem:s21+$0xA470];
	[tilespmem:s21+$0xA070] =	vst v3;
	v3 =	vmul.f32 $4.525483320e+01, v45  }
0x2b1: {  	[tilespmem:s21+$0xA400] =	vst v4;
	v4 =	vmul.f32 $4.525483320e+01, v5;
	v5 =	vld [tilespmem:s21+$0xA850]  }
0x2b2: {  	v10 =	vld [tilespmem:s21+$0xA800];
	[tilespmem:s21+$0xA410] =	vst v3;
	v3 =	vmul.f32 $4.525483320e+01, v6  }
0x2b3: {  	v11 =	vld [tilespmem:s21+$0xA810];
	[tilespmem:s21+$0xA420] =	vst v4;
	v4 =	vmul.f32 $4.525483320e+01, v7  }
0x2b4: {  	v6 =	vld [tilespmem:s21+$0xA860];
	[tilespmem:s21+$0xA430] =	vst v3;
	v3 =	vmul.f32 $4.525483320e+01, v8  }
0x2b5: {  	v7 =	vld [tilespmem:s21+$0xA870];
	[tilespmem:s21+$0xA450] =	vst v4;
	v4 =	vmul.f32 $4.525483320e+01, v9  }
0x2b6: {  	v47 =	vld [tilespmem:s21+$0xA830];
	v5 =	vmul.f32 $4.525483320e+01, v5;
	[tilespmem:s21+$0xA460] =	vst v3  }
0x2b7: {  	v52 =	vld [tilespmem:s17+$0x8800];
	v3 =	vmul.f32 $4.525483320e+01, v10;
	[tilespmem:s21+$0xA470] =	vst v4  }
0x2b8: {  	v8 =	vld [tilespmem:s21+$0xAC00];
	v4 =	vmul.f32 $4.525483320e+01, v11;
	[tilespmem:s21+$0xA850] =	vst v5  }
0x2b9: {  	v9 =	vld [tilespmem:s17+$0x8440];
	v6 =	vmul.f32 $4.525483320e+01, v6;
	[tilespmem:s21+$0xA800] =	vst v3  }
0x2ba: {  	v10 =	vld [tilespmem:s17+$0x8840];
	v7 =	vmul.f32 $4.525483320e+01, v7;
	[tilespmem:s21+$0xA810] =	vst v4  }
0x2bb: {  	v11 =	vld [tilespmem:s17+$0x8C40];
	v3 =	vmul.f32 $4.525483320e+01, v46;
	[tilespmem:s21+$0xA860] =	vst v6  }
0x2bc: {  	v5 =	vld [tilespmem:s17+$0x8400];
	v4 =	vmul.f32 $4.525483320e+01, v47;
	[tilespmem:s21+$0xA870] =	vst v7  }
0x2bd: {  	v6 =	vld [tilespmem:s17+$0x8410];
	v7 =	vmul.f32 $4.525483320e+01, v8;
	[tilespmem:s21+$0xA820] =	vst v3  }
0x2be: {  	v8 =	vld [tilespmem:s17+$0x8420];
	v3 =	vmul.f32 $4.525483320e+01, v9;
	[tilespmem:s21+$0xA830] =	vst v4  }
0x2bf: {  	v9 =	vld [tilespmem:s17+$0x9840];
	v10 =	vmul.f32 $4.525483320e+01, v10;
	[tilespmem:s21+$0xAC00] =	vst v7  }
0x2c0: {  	v4 =	vld [tilespmem:s17+$0x9C40];
	v11 =	vmul.f32 $4.525483320e+01, v11;
	[tilespmem:s17+$0x8440] =	vst v3  }
0x2c1: {  	v7 =	vld [tilespmem:s17+$0x8430];
	v5 =	vmul.f32 $4.525483320e+01, v5;
	[tilespmem:s17+$0x8840] =	vst v10  }
0x2c2: {  	v3 =	vld [tilespmem:s21+$0xAC10];
	[tilespmem:s17+$0x8C40] =	vst v11;
	v6 =	vmul.f32 $4.525483320e+01, v6  }
0x2c3: {  	v10 =	vld [tilespmem:s21+$0xAC20];
	[tilespmem:s17+$0x8400] =	vst v5;
	v8 =	vmul.f32 $4.525483320e+01, v8  }
0x2c4: {  	v11 =	vld [tilespmem:s21+$0xAC30];
	v9 =	vmul.f32 $4.525483320e+01, v9;
	[tilespmem:s17+$0x8410] =	vst v6  }
0x2c5: {  	v5 =	vld [tilespmem:s21+$0xB010];
	v4 =	vmul.f32 $4.525483320e+01, v4;
	[tilespmem:s17+$0x8420] =	vst v8  }
0x2c6: {  	v6 =	vld [tilespmem:s21+$0xB020];
	v7 =	vmul.f32 $4.525483320e+01, v7;
	[tilespmem:s17+$0x9840] =	vst v9  }
0x2c7: {  	v8 =	vld [tilespmem:s21+$0xB030];
	v3 =	vmul.f32 $4.525483320e+01, v3;
	[tilespmem:s17+$0x9C40] =	vst v4  }
0x2c8: {  	v9 =	vld [tilespmem:s21+$0xAC70];
	v10 =	vmul.f32 $4.525483320e+01, v10;
	[tilespmem:s17+$0x8430] =	vst v7  }
0x2c9: {  	v4 =	vld [tilespmem:s21+$0xB000];
	v11 =	vmul.f32 $4.525483320e+01, v11;
	[tilespmem:s21+$0xAC10] =	vst v3  }
0x2ca: {  	v53 =	vld [tilespmem:s17+$0x8810];
	v5 =	vmul.f32 $4.525483320e+01, v5;
	[tilespmem:s21+$0xAC20] =	vst v10  }
0x2cb: {  	v7 =	vld [tilespmem:s21+$0xB050];
	[tilespmem:s21+$0xAC30] =	vst v11;
	v6 =	vmul.f32 $4.525483320e+01, v6  }
0x2cc: {  	v3 =	vld [tilespmem:s17+$0x8450];
	[tilespmem:s21+$0xB010] =	vst v5;
	v8 =	vmul.f32 $4.525483320e+01, v8  }
0x2cd: {  	v10 =	vld [tilespmem:s17+$0x8460];
	v9 =	vmul.f32 $4.525483320e+01, v9;
	[tilespmem:s21+$0xB020] =	vst v6  }
0x2ce: {  	v11 =	vld [tilespmem:s17+$0x8470];
	v4 =	vmul.f32 $4.525483320e+01, v4;
	[tilespmem:s21+$0xB030] =	vst v8  }
0x2cf: {  	v5 =	vld [tilespmem:s17+$0x8850];
	v6 =	vmul.f32 $4.525483320e+01, v52;
	[tilespmem:s21+$0xAC70] =	vst v9  }
0x2d0: {  	v8 =	vmul.f32 $4.525483320e+01, v53;
	v9 =	vld [tilespmem:s17+$0x8820];
	[tilespmem:s21+$0xB000] =	vst v4  }
0x2d1: {  	v7 =	vmul.f32 $4.525483320e+01, v7;
	v4 =	vld [tilespmem:s17+$0x8830];
	[tilespmem:s17+$0x8800] =	vst v6  }
0x2d2: {  	v3 =	vmul.f32 $4.525483320e+01, v3;
	v6 =	vld [tilespmem:s21+$0xB410];
	[tilespmem:s17+$0x8810] =	vst v8  }
0x2d3: {  	v10 =	vmul.f32 $4.525483320e+01, v10;
	v8 =	vld [tilespmem:s21+$0xB420];
	[tilespmem:s21+$0xB050] =	vst v7  }
0x2d4: {  	v11 =	vmul.f32 $4.525483320e+01, v11;
	v7 =	vld [tilespmem:s17+$0x8C00];
	[tilespmem:s17+$0x8450] =	vst v3  }
0x2d5: {  	v3 =	vld [tilespmem:s21+$0xB060];
	v5 =	vmul.f32 $4.525483320e+01, v5;
	[tilespmem:s17+$0x8460] =	vst v10  }
0x2d6: {  	v10 =	vld [tilespmem:s21+$0xB070];
	[tilespmem:s17+$0x8470] =	vst v11;
	v9 =	vmul.f32 $4.525483320e+01, v9  }
0x2d7: {  	v11 =	vld [tilespmem:s21+$0xB400];
	[tilespmem:s17+$0x8850] =	vst v5;
	v4 =	vmul.f32 $4.525483320e+01, v4  }
0x2d8: {  	v5 =	vld [tilespmem:s21+$0xB460];
	v6 =	vmul.f32 $4.525483320e+01, v6;
	[tilespmem:s17+$0x8820] =	vst v9  }
0x2d9: {  	v8 =	vmul.f32 $4.525483320e+01, v8;
	v9 =	vld [tilespmem:s21+$0xB430];
	[tilespmem:s17+$0x8830] =	vst v4  }
0x2da: {  	v7 =	vmul.f32 $4.525483320e+01, v7;
	v4 =	vld [tilespmem:s21+$0xB450];
	[tilespmem:s21+$0xB410] =	vst v6  }
0x2db: {  	v3 =	vmul.f32 $4.525483320e+01, v3;
	v6 =	vld [tilespmem:s17+$0x8C50];
	[tilespmem:s21+$0xB420] =	vst v8  }
0x2dc: {  	v10 =	vmul.f32 $4.525483320e+01, v10;
	v8 =	vld [tilespmem:s17+$0x8C60];
	[tilespmem:s17+$0x8C00] =	vst v7  }
0x2dd: {  	v7 =	vld [tilespmem:s21+$0xB810];
	[tilespmem:s21+$0xB060] =	vst v3;
	v5 =	vmul.f32 $4.525483320e+01, v5  }
0x2de: {  	v3 =	vld [tilespmem:s17+$0x8C10];
	[tilespmem:s21+$0xB070] =	vst v10;
	v10 =	vmul.f32 $4.525483320e+01, v11  }
0x2df: {  	v11 =	vld [tilespmem:s17+$0x8C20];
	[tilespmem:s21+$0xB460] =	vst v5;
	v9 =	vmul.f32 $4.525483320e+01, v9  }
0x2e0: {  	v5 =	vld [tilespmem:s17+$0x9010];
	[tilespmem:s21+$0xB400] =	vst v10;
	v4 =	vmul.f32 $4.525483320e+01, v4  }
0x2e1: {  	v10 =	vld [tilespmem:s17+$0x8C30];
	v6 =	vmul.f32 $4.525483320e+01, v6;
	[tilespmem:s21+$0xB430] =	vst v9  }
0x2e2: {  	v8 =	vmul.f32 $4.525483320e+01, v8;
	v9 =	vld [tilespmem:s17+$0x8C70];
	[tilespmem:s21+$0xB450] =	vst v4  }
0x2e3: {  	v7 =	vmul.f32 $4.525483320e+01, v7;
	v4 =	vld [tilespmem:s17+$0x9000];
	[tilespmem:s17+$0x8C50] =	vst v6  }
0x2e4: {  	v3 =	vmul.f32 $4.525483320e+01, v3;
	v6 =	vld [tilespmem:s21+$0xB860];
	[tilespmem:s17+$0x8C60] =	vst v8  }
0x2e5: {  	v11 =	vmul.f32 $4.525483320e+01, v11;
	v8 =	vld [tilespmem:s21+$0xB870];
	[tilespmem:s21+$0xB810] =	vst v7  }
0x2e6: {  	[tilespmem:s17+$0x8C10] =	vst v3;
	v3 =	vld [tilespmem:s21+$0xB820];
	v5 =	vmul.f32 $4.525483320e+01, v5  }
0x2e7: {  	[tilespmem:s17+$0x8C20] =	vst v11;
	v11 =	vld [tilespmem:s21+$0xB830];
	v10 =	vmul.f32 $4.525483320e+01, v10  }
0x2e8: {  	v7 =	vld [tilespmem:s17+$0x9050];
	[tilespmem:s17+$0x9010] =	vst v5;
	v9 =	vmul.f32 $4.525483320e+01, v9  }
0x2e9: {  	v61 =	vld [tilespmem:s21+$0xAC40];
	[tilespmem:s17+$0x8C30] =	vst v10;
	v6 =	vmul.f32 $4.525483320e+01, v6  }
0x2ea: {  	v10 =	vld [tilespmem:s21+$0xB850];
	v8 =	vmul.f32 $4.525483320e+01, v8;
	[tilespmem:s17+$0x8C70] =	vst v9  }
0x2eb: {  	v3 =	vmul.f32 $4.525483320e+01, v3;
	v9 =	vld [tilespmem:s21+$0xA040];
	[tilespmem:s21+$0xB860] =	vst v6  }
0x2ec: {  	v11 =	vmul.f32 $4.525483320e+01, v11;
	v6 =	vld [tilespmem:s17+$0x9410];
	[tilespmem:s21+$0xB870] =	vst v8  }
0x2ed: {  	v7 =	vmul.f32 $4.525483320e+01, v7;
	[tilespmem:s21+$0xB820] =	vst v3;
	v3 =	vmul.f32 $4.525483320e+01, v4;
	v4 =	vld [tilespmem:s17+$0x9060]  }
0x2ee: {  	[tilespmem:s21+$0xB830] =	vst v11;
	v11 =	vld [tilespmem:s17+$0x9070]  }
0x2ef: {  	v5 =	vld [tilespmem:s21+$0xA840];
	[tilespmem:s17+$0x9050] =	vst v7;
	v10 =	vmul.f32 $4.525483320e+01, v10  }
0x2f0: {  	v62 =	vld [tilespmem:s21+$0xB040];
	[tilespmem:s17+$0x9000] =	vst v3;
	v9 =	vmul.f32 $4.525483320e+01, v9  }
0x2f1: {  	v7 =	vld [tilespmem:s21+$0xB440];
	[tilespmem:s21+$0xB850] =	vst v10;
	v6 =	vmul.f32 $4.525483320e+01, v6  }
0x2f2: {  	s24 =	sand.u32 $0x7, s16;
	v10 =	vld [tilespmem:s17+$0x9400];
	v4 =	vmul.f32 $4.525483320e+01, v4;
	[tilespmem:s21+$0xA040] =	vst v9  }
0x2f3: {  	s18 =	sshll.u32 s24, $0x7;
	v3 =	vld [tilespmem:s21+$0xA440];
	v11 =	vmul.f32 $4.525483320e+01, v11;
	[tilespmem:s17+$0x9410] =	vst v6  }
0x2f4: {  	s18 =	sadd.s32 $0x0, s18;
	v8 =	vld [tilespmem:s17+$0x9420];
	v5 =	vmul.f32 $4.525483320e+01, v5;
	[tilespmem:s17+$0x9060] =	vst v4  }
0x2f5: {  	s20 =	sor.u32 $0x3800, s18;
	v13 =	vmul.f32 $4.525483320e+01, v61;
	[tilespmem:s17+$0x9070] =	vst v11;
	v11 =	vld [tilespmem:s21+$0xB840]  }
0x2f6: {  	v7 =	vmul.f32 $4.525483320e+01, v7;
	v4 =	vld [tilespmem:s20+$0x8400];
	[tilespmem:s21+$0xA840] =	vst v5  }
0x2f7: {  	[tilespmem:s21+$0xAC40] =	vst v13;
	v5 =	vmul.f32 $4.525483320e+01, v10  }
0x2f8: {  	v3 =	vmul.f32 $4.525483320e+01, v3;
	[tilespmem:s21+$0xB440] =	vst v7  }
0x2f9: {  	[tilespmem:s17+$0x9400] =	vst v5;
	v5 =	vmul.f32 $4.525483320e+01, v62  }
0x2fa: {  	v9 =	vld [tilespmem:s17+$0x9430];
	v6 =	vmul.f32 $4.525483320e+01, v8;
	[tilespmem:s21+$0xA440] =	vst v3;
	v8 =	vmul.f32 $4.525483320e+01, v11  }
0x2fb: {  	[tilespmem:s21+$0xB040] =	vst v5;
	v4 =	vmul.f32 $4.525483320e+01, v4  }
0x2fc: {  	[tilespmem:s21+$0xB840] =	vst v8  }
0x2fd: {  	v63 =	vld [tilespmem:s17+$0x9470];
	s25 =	sor.u32 $0x3810, s18;
	[tilespmem:s20+$0x8400] =	vst v4  }
0x2fe: {  	v4 =	vld [tilespmem:s25+$0x8400]  }
0x2ff: {  	[tilespmem:s17+$0x9420] =	vst v6;
	v6 =	vmul.f32 $4.525483320e+01, v9;
	v5 =	vld [tilespmem:s17+$0x9800]  }
0x300: {  	v10 =	vld [tilespmem:s17+$0x9460]  }
0x301: {  	[tilespmem:s17+$0x9430] =	vst v6;
	v6 =	vld [tilespmem:s17+$0x9820]  }
0x302: {  	v9 =	vmul.f32 $4.525483320e+01, v63  }
0x303: {  	v4 =	vmul.f32 $4.525483320e+01, v4  }
0x304: {  	v7 =	vld [tilespmem:s17+$0x9810];
	[tilespmem:s17+$0x9470] =	vst v9;
	v5 =	vmul.f32 $4.525483320e+01, v5  }
0x305: {  	v9 =	vld [tilespmem:s17+$0x9860];
	v8 =	vmul.f32 $4.525483320e+01, v10;
	s20 =	sor.u32 $0x3820, s18;
	[tilespmem:s25+$0x8400] =	vst v4  }
0x306: {  	[tilespmem:s17+$0x9800] =	vst v5;
	v5 =	vmul.f32 $4.525483320e+01, v6;
	v6 =	vld [tilespmem:s20+$0x8400]  }
0x307: {  	[tilespmem:s17+$0x9460] =	vst v8;
	v8 =	vld [tilespmem:s17+$0x9850];
	_ =	sdelay $0x2  }
0x308: {  	v7 =	vmul.f32 $4.525483320e+01, v7  }
0x309: {  	v6 =	vmul.f32 $4.525483320e+01, v6  }
0x30a: {  	[tilespmem:s17+$0x9810] =	vst v7;
	v7 =	vmul.f32 $4.525483320e+01, v8;
	v8 =	vmul.f32 $4.525483320e+01, v9;
	v4 =	vld [tilespmem:s17+$0x9C00]  }
0x30b: {  	v3 =	vld [tilespmem:s17+$0x9450];
	s21 =	sor.u32 $0x3830, s18;
	[tilespmem:s20+$0x8400] =	vst v6  }
0x30c: {  	[tilespmem:s17+$0x9860] =	vst v8;
	v8 =	vld [tilespmem:s21+$0x8400];
	_ =	sdelay $0x1  }
0x30d: {  	[tilespmem:s17+$0x9820] =	vst v5;
	v5 =	vld [tilespmem:s17+$0x9C10]  }
0x30e: {  	v10 =	vld [tilespmem:s17+$0x9870];
	v4 =	vmul.f32 $4.525483320e+01, v4  }
0x30f: {  	v3 =	vmul.f32 $4.525483320e+01, v3  }
0x310: {  	[tilespmem:s17+$0x9C00] =	vst v4;
	v4 =	vmul.f32 $4.525483320e+01, v8  }
0x311: {  	[tilespmem:s17+$0x9450] =	vst v3  }
0x312: {  	s22 =	sor.u32 $0x3840, s18;
	v3 =	vld [tilespmem:s17+$0x9830];
	v5 =	vmul.f32 $4.525483320e+01, v5;
	[tilespmem:s21+$0x8400] =	vst v4  }
0x313: {  	v9 =	vmul.f32 $4.525483320e+01, v10;
	v4 =	vld [tilespmem:s22+$0x8400]  }
0x314: {  	[tilespmem:s17+$0x9C10] =	vst v5;
	v5 =	vld [tilespmem:s17+$0xA000]  }
0x315: {  	[tilespmem:s17+$0x9870] =	vst v9;
	v9 =	vld [tilespmem:s17+$0x9C60]  }
0x316: {  	[tilespmem:s17+$0x9850] =	vst v7;
	v7 =	vld [tilespmem:s17+$0x9C30]  }
0x317: {  	v3 =	vmul.f32 $4.525483320e+01, v3  }
0x318: {  	v4 =	vmul.f32 $4.525483320e+01, v4  }
0x319: {  	[tilespmem:s17+$0x9830] =	vst v3;
	v3 =	vld [tilespmem:s17+$0x9C20];
	v5 =	vmul.f32 $4.525483320e+01, v5  }
0x31a: {  	s23 =	sor.u32 $0x3850, s18;
	v6 =	vld [tilespmem:s17+$0x9C50];
	v8 =	vmul.f32 $4.525483320e+01, v9;
	[tilespmem:s22+$0x8400] =	vst v4  }
0x31b: {  	v7 =	vmul.f32 $4.525483320e+01, v7;
	[tilespmem:s17+$0xA000] =	vst v5;
	v5 =	vld [tilespmem:s23+$0x8400]  }
0x31c: {  	[tilespmem:s17+$0x9C60] =	vst v8;
	v8 =	vld [tilespmem:s17+$0xA050]  }
0x31d: {  	[tilespmem:s17+$0x9C30] =	vst v7;
	v7 =	vld [tilespmem:s17+$0xA020]  }
0x31e: {  	v3 =	vmul.f32 $4.525483320e+01, v3  }
0x31f: {  	v6 =	vmul.f32 $4.525483320e+01, v6  }
0x320: {  	[tilespmem:s17+$0x9C20] =	vst v3;
	v3 =	vld [tilespmem:s17+$0xA010];
	v5 =	vmul.f32 $4.525483320e+01, v5  }
0x321: {  	[tilespmem:s17+$0x9C50] =	vst v6;
	v8 =	vmul.f32 $4.525483320e+01, v8  }
0x322: {  	s24 =	sor.u32 $0x3860, s18;
	v7 =	vmul.f32 $4.525483320e+01, v7;
	v6 =	vld [tilespmem:s17+$0xA030];
	[tilespmem:s23+$0x8400] =	vst v5  }
0x323: {  	[tilespmem:s17+$0xA050] =	vst v8;
	v8 =	vld [tilespmem:s24+$0x8400]  }
0x324: {  	[tilespmem:s17+$0xA020] =	vst v7;
	v7 =	vld [tilespmem:s17+$0xA410]  }
0x325: {  	v3 =	vmul.f32 $4.525483320e+01, v3  }
0x326: {  	v10 =	vld [tilespmem:s17+$0x9C70]  }
0x327: {  	[tilespmem:s17+$0xA010] =	vst v3;
	v3 =	vld [tilespmem:s17+$0xA400];
	v6 =	vmul.f32 $4.525483320e+01, v6  }
0x328: {  	v8 =	vmul.f32 $4.525483320e+01, v8  }
0x329: {  	v7 =	vmul.f32 $4.525483320e+01, v7;
	[tilespmem:s17+$0xA030] =	vst v6;
	v6 =	vld [tilespmem:s17+$0xA420]  }
0x32a: {  	s25 =	sor.u32 $0x3870, s18;
	v4 =	vld [tilespmem:s17+$0xA070];
	[tilespmem:s24+$0x8400] =	vst v8  }
0x32b: {  	v9 =	vmul.f32 $4.525483320e+01, v10;
	[tilespmem:s17+$0xA410] =	vst v7;
	v7 =	vld [tilespmem:s25+$0x8400]  }
0x32c: {  	v3 =	vmul.f32 $4.525483320e+01, v3  }
0x32d: {  	[tilespmem:s17+$0x9C70] =	vst v9;
	v5 =	vld [tilespmem:s17+$0xA430]  }
0x32e: {  	v9 =	vld [tilespmem:s17+$0xA060];
	[tilespmem:s17+$0xA400] =	vst v3;
	v3 =	vmul.f32 $4.525483320e+01, v6  }
0x32f: {  	v4 =	vmul.f32 $4.525483320e+01, v4  }
0x330: {  	v6 =	vld [tilespmem:s17+$0xA800];
	[tilespmem:s17+$0xA420] =	vst v3;
	v7 =	vmul.f32 $4.525483320e+01, v7  }
0x331: {  	v3 =	vld [tilespmem:s17+$0xA810];
	[tilespmem:s17+$0xA070] =	vst v4  }
0x332: {  	s20 =	sor.u32 $0x3C00, s18;
	v4 =	vld [tilespmem:s17+$0xA460];
	v5 =	vmul.f32 $4.525483320e+01, v5;
	[tilespmem:s25+$0x8400] =	vst v7  }
0x333: {  	v9 =	vmul.f32 $4.525483320e+01, v9;
	v7 =	vld [tilespmem:s20+$0x8400]  }
0x334: {  	[tilespmem:s17+$0xA430] =	vst v5;
	v5 =	vld [tilespmem:s17+$0xA820]  }
0x335: {  	[tilespmem:s17+$0xA060] =	vst v9;
	v9 =	vld [tilespmem:s17+$0xA450];
	v6 =	vmul.f32 $4.525483320e+01, v6  }
0x336: {  	v10 =	vld [tilespmem:s17+$0xA470];
	v3 =	vmul.f32 $4.525483320e+01, v3  }
0x337: {  	[tilespmem:s17+$0xA800] =	vst v6;
	v4 =	vmul.f32 $4.525483320e+01, v4  }
0x338: {  	[tilespmem:s17+$0xA810] =	vst v3;
	v3 =	vmul.f32 $4.525483320e+01, v7  }
0x339: {  	v6 =	vld [tilespmem:s17+$0xAC00];
	[tilespmem:s17+$0xA460] =	vst v4;
	v5 =	vmul.f32 $4.525483320e+01, v5  }
0x33a: {  	s21 =	sor.u32 $0x3C10, s18;
	v4 =	vld [tilespmem:s17+$0xA850];
	v8 =	vmul.f32 $4.525483320e+01, v9;
	[tilespmem:s20+$0x8400] =	vst v3  }
0x33b: {  	v9 =	vmul.f32 $4.525483320e+01, v10;
	[tilespmem:s17+$0xA820] =	vst v5;
	v5 =	vld [tilespmem:s21+$0x8400]  }
0x33c: {  	[tilespmem:s17+$0xA450] =	vst v8;
	v8 =	vld [tilespmem:s17+$0xA830]  }
0x33d: {  	[tilespmem:s17+$0xA470] =	vst v9;
	v9 =	vld [tilespmem:s17+$0xA860];
	_ =	sdelay $0x1  }
0x33e: {  	v4 =	vmul.f32 $4.525483320e+01, v4  }
0x33f: {  	v5 =	vmul.f32 $4.525483320e+01, v5  }
0x340: {  	v6 =	vmul.f32 $4.525483320e+01, v6;
	[tilespmem:s17+$0xA850] =	vst v4;
	v4 =	vld [tilespmem:s17+$0xAC30]  }
0x341: {  	s22 =	sor.u32 $0x3C20, s18;
	v7 =	vmul.f32 $4.525483320e+01, v8;
	v8 =	vmul.f32 $4.525483320e+01, v9;
	[tilespmem:s21+$0x8400] =	vst v5  }
0x342: {  	[tilespmem:s17+$0xAC00] =	vst v6;
	v6 =	vld [tilespmem:s22+$0x8400]  }
0x343: {  	[tilespmem:s17+$0xA860] =	vst v8;
	v8 =	vld [tilespmem:s17+$0xAC50]  }
0x344: {  	[tilespmem:s17+$0xA830] =	vst v7;
	v7 =	vld [tilespmem:s17+$0xAC20]  }
0x345: {  	v4 =	vmul.f32 $4.525483320e+01, v4;
	_ =	sdelay $0x1  }
0x346: {  	[tilespmem:s17+$0xAC30] =	vst v4;
	v4 =	vmul.f32 $4.525483320e+01, v6  }
0x347: {  	v3 =	vld [tilespmem:s17+$0xAC10];
	v8 =	vmul.f32 $4.525483320e+01, v8  }
0x348: {  	s23 =	sor.u32 $0x3C30, s18;
	v10 =	vld [tilespmem:s17+$0xA870];
	v7 =	vmul.f32 $4.525483320e+01, v7;
	[tilespmem:s22+$0x8400] =	vst v4  }
0x349: {  	[tilespmem:s17+$0xAC50] =	vst v8;
	v8 =	vld [tilespmem:s23+$0x8400]  }
0x34a: {  	[tilespmem:s17+$0xAC20] =	vst v7;
	v7 =	vld [tilespmem:s17+$0xB010];
	_ =	sdelay $0x1  }
0x34b: {  	v60 =	vld [tilespmem:s17+$0x9030];
	v3 =	vmul.f32 $4.525483320e+01, v3  }
0x34c: {  	v9 =	vmul.f32 $4.525483320e+01, v10;
	v5 =	vld [tilespmem:s17+$0xAC70]  }
0x34d: {  	[tilespmem:s17+$0xAC10] =	vst v3;
	v3 =	vld [tilespmem:s17+$0xB000];
	v8 =	vmul.f32 $4.525483320e+01, v8  }
0x34e: {  	[tilespmem:s17+$0xA870] =	vst v9;
	v9 =	vld [tilespmem:s17+$0xAC60];
	v7 =	vmul.f32 $4.525483320e+01, v7  }
0x34f: {  	s24 =	sor.u32 $0x3C40, s18;
	v6 =	vld [tilespmem:s17+$0xB020];
	[tilespmem:s23+$0x8400] =	vst v8  }
0x350: {  	[tilespmem:s17+$0xB010] =	vst v7;
	v7 =	vld [tilespmem:s24+$0x8400]  }
0x351: {  	v5 =	vmul.f32 $4.525483320e+01, v5  }
0x352: {  	v3 =	vmul.f32 $4.525483320e+01, v3  }
0x353: {  	v9 =	vmul.f32 $4.525483320e+01, v9;
	[tilespmem:s17+$0xAC70] =	vst v5;
	v5 =	vld [tilespmem:s17+$0xB060]  }
0x354: {  	[tilespmem:s17+$0xB000] =	vst v3;
	v4 =	vld [tilespmem:s17+$0xB030];
	v3 =	vmul.f32 $4.525483320e+01, v6  }
0x355: {  	[tilespmem:s17+$0xAC60] =	vst v9;
	v9 =	vld [tilespmem:s17+$0xB050];
	v7 =	vmul.f32 $4.525483320e+01, v7  }
0x356: {  	[tilespmem:s17+$0xB020] =	vst v3;
	v3 =	vld [tilespmem:s17+$0xB410]  }
0x357: {  	v12 =	vmul.f32 $4.525483320e+01, v60;
	s25 =	sor.u32 $0x3C50, s18;
	v10 =	vld [tilespmem:s17+$0xB070];
	[tilespmem:s24+$0x8400] =	vst v7  }
0x358: {  	v5 =	vmul.f32 $4.525483320e+01, v5;
	v7 =	vld [tilespmem:s25+$0x8400]  }
0x359: {  	[tilespmem:s17+$0x9030] =	vst v12;
	v6 =	vld [tilespmem:s17+$0xB400];
	v4 =	vmul.f32 $4.525483320e+01, v4  }
0x35a: {  	[tilespmem:s17+$0xB060] =	vst v5;
	v8 =	vmul.f32 $4.525483320e+01, v9  }
0x35b: {  	[tilespmem:s17+$0xB030] =	vst v4;
	v4 =	vld [tilespmem:s17+$0xB420];
	v3 =	vmul.f32 $4.525483320e+01, v3  }
0x35c: {  	v9 =	vmul.f32 $4.525483320e+01, v10;
	[tilespmem:s17+$0xB050] =	vst v8;
	v8 =	vld [tilespmem:s17+$0xB430]  }
0x35d: {  	v5 =	vld [tilespmem:s17+$0xB450];
	[tilespmem:s17+$0xB410] =	vst v3;
	v3 =	vmul.f32 $4.525483320e+01, v7  }
0x35e: {  	v6 =	vmul.f32 $4.525483320e+01, v6;
	[tilespmem:s17+$0xB070] =	vst v9;
	v9 =	vld [tilespmem:s17+$0xB460]  }
0x35f: {  	s22 =	sor.u32 $0x3C60, s18;
	v10 =	vld [tilespmem:s17+$0xB470];
	[tilespmem:s25+$0x8400] =	vst v3  }
0x360: {  	[tilespmem:s17+$0xB400] =	vst v6;
	v6 =	vmul.f32 $4.525483320e+01, v4;
	v3 =	vld [tilespmem:s22+$0x8400]  }
0x361: {  	v4 =	vld [tilespmem:s17+$0xB800];
	v7 =	vmul.f32 $4.525483320e+01, v8  }
0x362: {  	v5 =	vmul.f32 $4.525483320e+01, v5;
	[tilespmem:s17+$0xB420] =	vst v6;
	v8 =	vld [tilespmem:s17+$0xB810]  }
0x363: {  	v6 =	vmul.f32 $4.525483320e+01, v9;
	[tilespmem:s17+$0xB430] =	vst v7;
	v7 =	vld [tilespmem:s17+$0xB820]  }
0x364: {  	[tilespmem:s17+$0xB450] =	vst v5;
	v5 =	vld [tilespmem:s17+$0xB830];
	v9 =	vmul.f32 $4.525483320e+01, v10  }
0x365: {  	s19 =	simm.s32 $0x0;
	s20 =	simm.s32 $0xFFFF8800;
	s21 =	simm.s32 $0x100;
	[tilespmem:s17+$0xB460] =	vst v6;
	v6 =	vld [tilespmem:s17+$0xB850];
	v3 =	vmul.f32 $4.525483320e+01, v3  }
.LBB2_5:
0x366: {  	p0 =	sne.s32 s21, $0x780;
	[tilespmem:s17+$0xB470] =	vst v9;
	v4 =	vmul.f32 $4.525483320e+01, v4;
	v9 =	vld [tilespmem:s17+$0xB860]  }
0x367: {  	v8 =	vmul.f32 $4.525483320e+01, v8;
	v10 =	vld [tilespmem:s17+$0xB870];
	[tilespmem:s22+$0x8400] =	vst v3;
	s22 =	sor.u32 $0x3C70, s18  }
0x368: {  	[tilespmem:s17+$0xB800] =	vst v4;
	v3 =	vmul.f32 $4.525483320e+01, v7;
	v4 =	vld [tilespmem:s22+$0x8400]  }
0x369: {  	v7 =	vld [tilespmem:s17+$0xA040];
	[tilespmem:s17+$0xB810] =	vst v8;
	v5 =	vmul.f32 $4.525483320e+01, v5  }
0x36a: {  	v8 =	vld [tilespmem:s17+$0xA440];
	[tilespmem:s17+$0xB820] =	vst v3;
	v3 =	vmul.f32 $4.525483320e+01, v6  }
0x36b: {  	s16 =	sadd.s32 $0x1, s16;
	v6 =	vld [tilespmem:s17+$0xA840];
	[tilespmem:s17+$0xB830] =	vst v5;
	v5 =	vmul.f32 $4.525483320e+01, v9  }
0x36c: {  	s18 =	sand.u32 $0x7, s16;
	v9 =	vld [tilespmem:s17+$0xAC40];
	[tilespmem:s17+$0xB850] =	vst v3;
	v3 =	vmul.f32 $4.525483320e+01, v10  }
0x36d: {  	s20 =	sadd.s32 $0x800, s20;
	s19 =	sadd.s32 $0x800, s19;
	s18 =	sshll.u32 s18, $0x7;
	v10 =	vld [tilespmem:s17+$0xB040];
	[tilespmem:s17+$0xB860] =	vst v5;
	v4 =	vmul.f32 $4.525483320e+01, v4  }
0x36e: {  	s24 =	sand.u32 $0x380, s21;
	s23 =	sadd.s32 $0x8000, s20;
	s18 =	sadd.s32 s18, s19;
	v5 =	vmul.f32 $4.525483320e+01, v7;
	v7 =	vld [tilespmem:s17+$0xB440];
	[tilespmem:s17+$0xB870] =	vst v3  }
0x36f: {  	s23 =	sand.u32 $0x4000, s23;
	s25 =	sor.u32 $0x3800, s18;
	v3 =	vmul.f32 $4.525483320e+01, v8;
	v8 =	vld [tilespmem:s17+$0xB840];
	[tilespmem:s22+$0x8400] =	vst v4  }
0x370: {  	s22 =	sor.u32 s24, s23;
	[tilespmem:s17+$0xA040] =	vst v5;
	v4 =	vmul.f32 $4.525483320e+01, v6;
	v5 =	vld [tilespmem:s25+$0x8400]  }
0x371: {  	v6 =	vld [tilespmem:s22+$0x8440];
	[tilespmem:s17+$0xA440] =	vst v3;
	v3 =	vmul.f32 $4.525483320e+01, v9  }
0x372: {  	v9 =	vld [tilespmem:s22+$0x8840];
	[tilespmem:s17+$0xA840] =	vst v4;
	v4 =	vmul.f32 $4.525483320e+01, v10  }
0x373: {  	v10 =	vld [tilespmem:s22+$0x8C40];
	[tilespmem:s17+$0xAC40] =	vst v3;
	v3 =	vmul.f32 $4.525483320e+01, v7  }
0x374: {  	v7 =	vld [tilespmem:s22+$0x9040];
	[tilespmem:s17+$0xB040] =	vst v4;
	v4 =	vmul.f32 $4.525483320e+01, v8  }
0x375: {  	v8 =	vld [tilespmem:s22+$0x9440];
	[tilespmem:s17+$0xB440] =	vst v3;
	v3 =	vmul.f32 $4.525483320e+01, v5  }
0x376: {  	v5 =	vmul.f32 $4.525483320e+01, v6;
	v6 =	vld [tilespmem:s22+$0x9840];
	[tilespmem:s17+$0xB840] =	vst v4;
	s17 =	smov.u32 s22  }
0x377: {  	s22 =	sor.u32 $0x3810, s18;
	v4 =	vmul.f32 $4.525483320e+01, v9;
	v9 =	vld [tilespmem:s17+$0x9C40];
	[tilespmem:s25+$0x8400] =	vst v3  }
0x378: {  	[tilespmem:s17+$0x8440] =	vst v5;
	v3 =	vmul.f32 $4.525483320e+01, v10;
	v5 =	vld [tilespmem:s22+$0x8400]  }
0x379: {  	v10 =	vld [tilespmem:s17+$0x8400];
	[tilespmem:s17+$0x8840] =	vst v4;
	v4 =	vmul.f32 $4.525483320e+01, v7  }
0x37a: {  	v7 =	vld [tilespmem:s17+$0x8410];
	[tilespmem:s17+$0x8C40] =	vst v3;
	v3 =	vmul.f32 $4.525483320e+01, v8  }
0x37b: {  	v8 =	vld [tilespmem:s17+$0x8420];
	[tilespmem:s17+$0x9040] =	vst v4;
	v4 =	vmul.f32 $4.525483320e+01, v6  }
0x37c: {  	v6 =	vld [tilespmem:s17+$0x8430];
	[tilespmem:s17+$0x9440] =	vst v3;
	v3 =	vmul.f32 $4.525483320e+01, v9  }
0x37d: {  	v9 =	vld [tilespmem:s17+$0x8450];
	[tilespmem:s17+$0x9840] =	vst v4;
	v4 =	vmul.f32 $4.525483320e+01, v5  }
0x37e: {  	v5 =	vmul.f32 $4.525483320e+01, v10;
	v10 =	vld [tilespmem:s17+$0x8460];
	[tilespmem:s17+$0x9C40] =	vst v3  }
0x37f: {  	v3 =	vmul.f32 $4.525483320e+01, v7;
	v7 =	vld [tilespmem:s17+$0x8470];
	[tilespmem:s22+$0x8400] =	vst v4;
	s22 =	sor.u32 $0x3820, s18  }
0x380: {  	[tilespmem:s17+$0x8400] =	vst v5;
	v4 =	vmul.f32 $4.525483320e+01, v8;
	v5 =	vld [tilespmem:s22+$0x8400]  }
0x381: {  	[tilespmem:s17+$0x8410] =	vst v3;
	v3 =	vmul.f32 $4.525483320e+01, v6;
	v6 =	vld [tilespmem:s17+$0x8800]  }
0x382: {  	[tilespmem:s17+$0x8420] =	vst v4;
	v4 =	vmul.f32 $4.525483320e+01, v9;
	v8 =	vld [tilespmem:s17+$0x8810]  }
0x383: {  	[tilespmem:s17+$0x8430] =	vst v3;
	v3 =	vmul.f32 $4.525483320e+01, v10;
	v9 =	vld [tilespmem:s17+$0x8820]  }
0x384: {  	[tilespmem:s17+$0x8450] =	vst v4;
	v4 =	vmul.f32 $4.525483320e+01, v7;
	v7 =	vld [tilespmem:s17+$0x8830]  }
0x385: {  	[tilespmem:s17+$0x8460] =	vst v3;
	v3 =	vld [tilespmem:s17+$0x8850];
	v5 =	vmul.f32 $4.525483320e+01, v5  }
0x386: {  	[tilespmem:s17+$0x8470] =	vst v4;
	v4 =	vmul.f32 $4.525483320e+01, v6;
	v6 =	vld [tilespmem:s17+$0x8860]  }
0x387: {  	v8 =	vmul.f32 $4.525483320e+01, v8;
	v10 =	vld [tilespmem:s17+$0x8870];
	[tilespmem:s22+$0x8400] =	vst v5;
	s22 =	sor.u32 $0x3830, s18  }
0x388: {  	[tilespmem:s17+$0x8800] =	vst v4;
	v4 =	vmul.f32 $4.525483320e+01, v9;
	v5 =	vld [tilespmem:s22+$0x8400]  }
0x389: {  	[tilespmem:s17+$0x8810] =	vst v8;
	v7 =	vmul.f32 $4.525483320e+01, v7;
	v8 =	vld [tilespmem:s17+$0x8C00]  }
0x38a: {  	[tilespmem:s17+$0x8820] =	vst v4;
	v3 =	vmul.f32 $4.525483320e+01, v3;
	v4 =	vld [tilespmem:s17+$0x8C10]  }
0x38b: {  	[tilespmem:s17+$0x8830] =	vst v7;
	v6 =	vmul.f32 $4.525483320e+01, v6;
	v7 =	vld [tilespmem:s17+$0x8C20]  }
0x38c: {  	[tilespmem:s17+$0x8850] =	vst v3;
	v3 =	vmul.f32 $4.525483320e+01, v10;
	v9 =	vld [tilespmem:s17+$0x8C30]  }
0x38d: {  	[tilespmem:s17+$0x8860] =	vst v6;
	v6 =	vld [tilespmem:s17+$0x8C50];
	v5 =	vmul.f32 $4.525483320e+01, v5  }
0x38e: {  	[tilespmem:s17+$0x8870] =	vst v3;
	v3 =	vmul.f32 $4.525483320e+01, v8;
	v8 =	vld [tilespmem:s17+$0x8C60]  }
0x38f: {  	v4 =	vmul.f32 $4.525483320e+01, v4;
	v10 =	vld [tilespmem:s17+$0x8C70];
	[tilespmem:s22+$0x8400] =	vst v5;
	s22 =	sor.u32 $0x3840, s18  }
0x390: {  	[tilespmem:s17+$0x8C00] =	vst v3;
	v3 =	vmul.f32 $4.525483320e+01, v7;
	v5 =	vld [tilespmem:s22+$0x8400]  }
0x391: {  	[tilespmem:s17+$0x8C10] =	vst v4;
	v4 =	vmul.f32 $4.525483320e+01, v9;
	v7 =	vld [tilespmem:s17+$0x9000]  }
0x392: {  	[tilespmem:s17+$0x8C20] =	vst v3;
	v3 =	vmul.f32 $4.525483320e+01, v6;
	v6 =	vld [tilespmem:s17+$0x9010]  }
0x393: {  	[tilespmem:s17+$0x8C30] =	vst v4;
	v4 =	vmul.f32 $4.525483320e+01, v8;
	v8 =	vld [tilespmem:s17+$0x9020]  }
0x394: {  	[tilespmem:s17+$0x8C50] =	vst v3;
	v3 =	vmul.f32 $4.525483320e+01, v10;
	v9 =	vld [tilespmem:s17+$0x9030]  }
0x395: {  	[tilespmem:s17+$0x8C60] =	vst v4;
	v4 =	vld [tilespmem:s17+$0x9050];
	v5 =	vmul.f32 $4.525483320e+01, v5  }
0x396: {  	[tilespmem:s17+$0x8C70] =	vst v3;
	v3 =	vmul.f32 $4.525483320e+01, v7;
	v7 =	vld [tilespmem:s17+$0x9060]  }
0x397: {  	v6 =	vmul.f32 $4.525483320e+01, v6;
	v10 =	vld [tilespmem:s17+$0x9070];
	[tilespmem:s22+$0x8400] =	vst v5;
	s22 =	sor.u32 $0x3850, s18  }
0x398: {  	[tilespmem:s17+$0x9000] =	vst v3;
	v3 =	vmul.f32 $4.525483320e+01, v8;
	v5 =	vld [tilespmem:s22+$0x8400]  }
0x399: {  	[tilespmem:s17+$0x9010] =	vst v6;
	v6 =	vmul.f32 $4.525483320e+01, v9;
	v8 =	vld [tilespmem:s17+$0x9400]  }
0x39a: {  	[tilespmem:s17+$0x9020] =	vst v3;
	v3 =	vmul.f32 $4.525483320e+01, v4;
	v4 =	vld [tilespmem:s17+$0x9410]  }
0x39b: {  	[tilespmem:s17+$0x9030] =	vst v6;
	v6 =	vmul.f32 $4.525483320e+01, v7;
	v7 =	vld [tilespmem:s17+$0x9420]  }
0x39c: {  	[tilespmem:s17+$0x9050] =	vst v3;
	v3 =	vmul.f32 $4.525483320e+01, v10;
	v9 =	vld [tilespmem:s17+$0x9430]  }
0x39d: {  	[tilespmem:s17+$0x9060] =	vst v6;
	v6 =	vld [tilespmem:s17+$0x9450];
	v5 =	vmul.f32 $4.525483320e+01, v5  }
0x39e: {  	[tilespmem:s17+$0x9070] =	vst v3;
	v3 =	vmul.f32 $4.525483320e+01, v8;
	v8 =	vld [tilespmem:s17+$0x9460]  }
0x39f: {  	v4 =	vmul.f32 $4.525483320e+01, v4;
	v10 =	vld [tilespmem:s17+$0x9470];
	[tilespmem:s22+$0x8400] =	vst v5;
	s22 =	sor.u32 $0x3860, s18  }
0x3a0: {  	[tilespmem:s17+$0x9400] =	vst v3;
	v3 =	vmul.f32 $4.525483320e+01, v7;
	v5 =	vld [tilespmem:s22+$0x8400]  }
0x3a1: {  	[tilespmem:s17+$0x9410] =	vst v4;
	v4 =	vmul.f32 $4.525483320e+01, v9;
	v7 =	vld [tilespmem:s17+$0x9800]  }
0x3a2: {  	[tilespmem:s17+$0x9420] =	vst v3;
	v3 =	vmul.f32 $4.525483320e+01, v6;
	v6 =	vld [tilespmem:s17+$0x9810]  }
0x3a3: {  	[tilespmem:s17+$0x9430] =	vst v4;
	v4 =	vmul.f32 $4.525483320e+01, v8;
	v8 =	vld [tilespmem:s17+$0x9820]  }
0x3a4: {  	[tilespmem:s17+$0x9450] =	vst v3;
	v3 =	vmul.f32 $4.525483320e+01, v10;
	v9 =	vld [tilespmem:s17+$0x9830]  }
0x3a5: {  	[tilespmem:s17+$0x9460] =	vst v4;
	v4 =	vld [tilespmem:s17+$0x9850];
	v5 =	vmul.f32 $4.525483320e+01, v5  }
0x3a6: {  	[tilespmem:s17+$0x9470] =	vst v3;
	v3 =	vmul.f32 $4.525483320e+01, v7;
	v7 =	vld [tilespmem:s17+$0x9860]  }
0x3a7: {  	v6 =	vmul.f32 $4.525483320e+01, v6;
	v10 =	vld [tilespmem:s17+$0x9870];
	[tilespmem:s22+$0x8400] =	vst v5;
	s22 =	sor.u32 $0x3870, s18  }
0x3a8: {  	[tilespmem:s17+$0x9800] =	vst v3;
	v3 =	vmul.f32 $4.525483320e+01, v8;
	v5 =	vld [tilespmem:s22+$0x8400]  }
0x3a9: {  	[tilespmem:s17+$0x9810] =	vst v6;
	v6 =	vmul.f32 $4.525483320e+01, v9;
	v8 =	vld [tilespmem:s17+$0x9C00]  }
0x3aa: {  	[tilespmem:s17+$0x9820] =	vst v3;
	v3 =	vmul.f32 $4.525483320e+01, v4;
	v4 =	vld [tilespmem:s17+$0x9C10]  }
0x3ab: {  	[tilespmem:s17+$0x9830] =	vst v6;
	v6 =	vmul.f32 $4.525483320e+01, v7;
	v7 =	vld [tilespmem:s17+$0x9C20]  }
0x3ac: {  	[tilespmem:s17+$0x9850] =	vst v3;
	v3 =	vmul.f32 $4.525483320e+01, v10;
	v9 =	vld [tilespmem:s17+$0x9C30]  }
0x3ad: {  	[tilespmem:s17+$0x9860] =	vst v6;
	v6 =	vld [tilespmem:s17+$0x9C50];
	v5 =	vmul.f32 $4.525483320e+01, v5  }
0x3ae: {  	[tilespmem:s17+$0x9870] =	vst v3;
	v3 =	vmul.f32 $4.525483320e+01, v8;
	v8 =	vld [tilespmem:s17+$0x9C60]  }
0x3af: {  	v4 =	vmul.f32 $4.525483320e+01, v4;
	v10 =	vld [tilespmem:s17+$0x9C70];
	[tilespmem:s22+$0x8400] =	vst v5;
	s22 =	sor.u32 $0x3C00, s18  }
0x3b0: {  	[tilespmem:s17+$0x9C00] =	vst v3;
	v3 =	vmul.f32 $4.525483320e+01, v7;
	v5 =	vld [tilespmem:s22+$0x8400]  }
0x3b1: {  	[tilespmem:s17+$0x9C10] =	vst v4;
	v4 =	vmul.f32 $4.525483320e+01, v9;
	v7 =	vld [tilespmem:s17+$0xA000]  }
0x3b2: {  	[tilespmem:s17+$0x9C20] =	vst v3;
	v3 =	vmul.f32 $4.525483320e+01, v6;
	v6 =	vld [tilespmem:s17+$0xA010]  }
0x3b3: {  	[tilespmem:s17+$0x9C30] =	vst v4;
	v4 =	vmul.f32 $4.525483320e+01, v8;
	v8 =	vld [tilespmem:s17+$0xA020]  }
0x3b4: {  	[tilespmem:s17+$0x9C50] =	vst v3;
	v3 =	vmul.f32 $4.525483320e+01, v10;
	v9 =	vld [tilespmem:s17+$0xA030]  }
0x3b5: {  	[tilespmem:s17+$0x9C60] =	vst v4;
	v4 =	vld [tilespmem:s17+$0xA050];
	v5 =	vmul.f32 $4.525483320e+01, v5  }
0x3b6: {  	[tilespmem:s17+$0x9C70] =	vst v3;
	v3 =	vmul.f32 $4.525483320e+01, v7;
	v7 =	vld [tilespmem:s17+$0xA060]  }
0x3b7: {  	v6 =	vmul.f32 $4.525483320e+01, v6;
	v10 =	vld [tilespmem:s17+$0xA070];
	[tilespmem:s22+$0x8400] =	vst v5;
	s22 =	sor.u32 $0x3C10, s18  }
0x3b8: {  	[tilespmem:s17+$0xA000] =	vst v3;
	v3 =	vmul.f32 $4.525483320e+01, v8;
	v5 =	vld [tilespmem:s22+$0x8400]  }
0x3b9: {  	[tilespmem:s17+$0xA010] =	vst v6;
	v6 =	vmul.f32 $4.525483320e+01, v9;
	v8 =	vld [tilespmem:s17+$0xA400]  }
0x3ba: {  	[tilespmem:s17+$0xA020] =	vst v3;
	v3 =	vmul.f32 $4.525483320e+01, v4;
	v4 =	vld [tilespmem:s17+$0xA410]  }
0x3bb: {  	[tilespmem:s17+$0xA030] =	vst v6;
	v6 =	vmul.f32 $4.525483320e+01, v7;
	v7 =	vld [tilespmem:s17+$0xA420]  }
0x3bc: {  	[tilespmem:s17+$0xA050] =	vst v3;
	v3 =	vmul.f32 $4.525483320e+01, v10;
	v9 =	vld [tilespmem:s17+$0xA430]  }
0x3bd: {  	[tilespmem:s17+$0xA060] =	vst v6;
	v6 =	vld [tilespmem:s17+$0xA450];
	v5 =	vmul.f32 $4.525483320e+01, v5  }
0x3be: {  	[tilespmem:s17+$0xA070] =	vst v3;
	v3 =	vmul.f32 $4.525483320e+01, v8;
	v8 =	vld [tilespmem:s17+$0xA460]  }
0x3bf: {  	v4 =	vmul.f32 $4.525483320e+01, v4;
	v10 =	vld [tilespmem:s17+$0xA470];
	[tilespmem:s22+$0x8400] =	vst v5;
	s22 =	sor.u32 $0x3C20, s18  }
0x3c0: {  	[tilespmem:s17+$0xA400] =	vst v3;
	v3 =	vmul.f32 $4.525483320e+01, v7;
	v5 =	vld [tilespmem:s22+$0x8400]  }
0x3c1: {  	[tilespmem:s17+$0xA410] =	vst v4;
	v4 =	vmul.f32 $4.525483320e+01, v9;
	v7 =	vld [tilespmem:s17+$0xA800]  }
0x3c2: {  	[tilespmem:s17+$0xA420] =	vst v3;
	v3 =	vmul.f32 $4.525483320e+01, v6;
	v6 =	vld [tilespmem:s17+$0xA810]  }
0x3c3: {  	[tilespmem:s17+$0xA430] =	vst v4;
	v4 =	vmul.f32 $4.525483320e+01, v8;
	v8 =	vld [tilespmem:s17+$0xA820]  }
0x3c4: {  	[tilespmem:s17+$0xA450] =	vst v3;
	v3 =	vmul.f32 $4.525483320e+01, v10;
	v9 =	vld [tilespmem:s17+$0xA830]  }
0x3c5: {  	[tilespmem:s17+$0xA460] =	vst v4;
	v4 =	vld [tilespmem:s17+$0xA850];
	v5 =	vmul.f32 $4.525483320e+01, v5  }
0x3c6: {  	[tilespmem:s17+$0xA470] =	vst v3;
	v3 =	vmul.f32 $4.525483320e+01, v7;
	v7 =	vld [tilespmem:s17+$0xA860]  }
0x3c7: {  	v6 =	vmul.f32 $4.525483320e+01, v6;
	v10 =	vld [tilespmem:s17+$0xA870];
	[tilespmem:s22+$0x8400] =	vst v5;
	s22 =	sor.u32 $0x3C30, s18  }
0x3c8: {  	[tilespmem:s17+$0xA800] =	vst v3;
	v3 =	vmul.f32 $4.525483320e+01, v8;
	v5 =	vld [tilespmem:s22+$0x8400]  }
0x3c9: {  	[tilespmem:s17+$0xA810] =	vst v6;
	v6 =	vmul.f32 $4.525483320e+01, v9;
	v8 =	vld [tilespmem:s17+$0xAC00]  }
0x3ca: {  	[tilespmem:s17+$0xA820] =	vst v3;
	v3 =	vmul.f32 $4.525483320e+01, v4;
	v4 =	vld [tilespmem:s17+$0xAC10]  }
0x3cb: {  	[tilespmem:s17+$0xA830] =	vst v6;
	v6 =	vmul.f32 $4.525483320e+01, v7;
	v7 =	vld [tilespmem:s17+$0xAC20]  }
0x3cc: {  	[tilespmem:s17+$0xA850] =	vst v3;
	v3 =	vmul.f32 $4.525483320e+01, v10;
	v9 =	vld [tilespmem:s17+$0xAC30]  }
0x3cd: {  	[tilespmem:s17+$0xA860] =	vst v6;
	v6 =	vld [tilespmem:s17+$0xAC50];
	v5 =	vmul.f32 $4.525483320e+01, v5  }
0x3ce: {  	[tilespmem:s17+$0xA870] =	vst v3;
	v3 =	vmul.f32 $4.525483320e+01, v8;
	v8 =	vld [tilespmem:s17+$0xAC60]  }
0x3cf: {  	v4 =	vmul.f32 $4.525483320e+01, v4;
	v10 =	vld [tilespmem:s17+$0xAC70];
	[tilespmem:s22+$0x8400] =	vst v5;
	s22 =	sor.u32 $0x3C40, s18  }
0x3d0: {  	[tilespmem:s17+$0xAC00] =	vst v3;
	v3 =	vmul.f32 $4.525483320e+01, v7;
	v5 =	vld [tilespmem:s22+$0x8400]  }
0x3d1: {  	[tilespmem:s17+$0xAC10] =	vst v4;
	v4 =	vmul.f32 $4.525483320e+01, v9;
	v7 =	vld [tilespmem:s17+$0xB000]  }
0x3d2: {  	[tilespmem:s17+$0xAC20] =	vst v3;
	v3 =	vmul.f32 $4.525483320e+01, v6;
	v6 =	vld [tilespmem:s17+$0xB010]  }
0x3d3: {  	[tilespmem:s17+$0xAC30] =	vst v4;
	v4 =	vmul.f32 $4.525483320e+01, v8;
	v8 =	vld [tilespmem:s17+$0xB020]  }
0x3d4: {  	[tilespmem:s17+$0xAC50] =	vst v3;
	v3 =	vmul.f32 $4.525483320e+01, v10;
	v9 =	vld [tilespmem:s17+$0xB030]  }
0x3d5: {  	[tilespmem:s17+$0xAC60] =	vst v4;
	v4 =	vld [tilespmem:s17+$0xB050];
	v5 =	vmul.f32 $4.525483320e+01, v5  }
0x3d6: {  	[tilespmem:s17+$0xAC70] =	vst v3;
	v3 =	vmul.f32 $4.525483320e+01, v7;
	v7 =	vld [tilespmem:s17+$0xB060]  }
0x3d7: {  	v6 =	vmul.f32 $4.525483320e+01, v6;
	v10 =	vld [tilespmem:s17+$0xB070];
	[tilespmem:s22+$0x8400] =	vst v5;
	s22 =	sor.u32 $0x3C50, s18  }
0x3d8: {  	[tilespmem:s17+$0xB000] =	vst v3;
	v3 =	vmul.f32 $4.525483320e+01, v8;
	v5 =	vld [tilespmem:s22+$0x8400]  }
0x3d9: {  	[tilespmem:s17+$0xB010] =	vst v6;
	v6 =	vmul.f32 $4.525483320e+01, v9;
	v8 =	vld [tilespmem:s17+$0xB400]  }
0x3da: {  	[tilespmem:s17+$0xB020] =	vst v3;
	v3 =	vmul.f32 $4.525483320e+01, v4;
	v4 =	vld [tilespmem:s17+$0xB410]  }
0x3db: {  	[tilespmem:s17+$0xB030] =	vst v6;
	v6 =	vmul.f32 $4.525483320e+01, v7;
	v7 =	vld [tilespmem:s17+$0xB420]  }
0x3dc: {  	[tilespmem:s17+$0xB050] =	vst v3;
	v3 =	vmul.f32 $4.525483320e+01, v10;
	v9 =	vld [tilespmem:s17+$0xB430]  }
0x3dd: {  	[tilespmem:s17+$0xB060] =	vst v6;
	v6 =	vld [tilespmem:s17+$0xB450];
	v5 =	vmul.f32 $4.525483320e+01, v5  }
0x3de: {  	[tilespmem:s17+$0xB070] =	vst v3;
	v3 =	vmul.f32 $4.525483320e+01, v8;
	v10 =	vld [tilespmem:s17+$0xB460]  }
0x3df: {  	v4 =	vmul.f32 $4.525483320e+01, v4;
	v11 =	vld [tilespmem:s17+$0xB470];
	[tilespmem:s22+$0x8400] =	vst v5;
	s22 =	sor.u32 $0x3C60, s18  }
0x3e0: {  	[tilespmem:s17+$0xB400] =	vst v3;
	v3 =	vmul.f32 $4.525483320e+01, v7;
	v12 =	vld [tilespmem:s22+$0x8400]  }
.Ltmp1:
0x3e1: {  	[tilespmem:s17+$0xB410] =	vst v4;
	v5 =	vmul.f32 $4.525483320e+01, v9;
	v4 =	vld [tilespmem:s17+$0xB800];
	(pc) =	sbr.rel @p0 .LBB2_5-.Ltmp1, $4  }
0x3e2: {  	[tilespmem:s17+$0xB420] =	vst v3;
	v3 =	vmul.f32 $4.525483320e+01, v6;
	v8 =	vld [tilespmem:s17+$0xB810]  }
0x3e3: {  	[tilespmem:s17+$0xB430] =	vst v5;
	v6 =	vmul.f32 $4.525483320e+01, v10;
	v7 =	vld [tilespmem:s17+$0xB820]  }
0x3e4: {  	[tilespmem:s17+$0xB450] =	vst v3;
	v9 =	vmul.f32 $4.525483320e+01, v11;
	v5 =	vld [tilespmem:s17+$0xB830]  }
0x3e5: {  	s21 =	sadd.s32 $0x80, s21;
	[tilespmem:s17+$0xB460] =	vst v6;
	v6 =	vld [tilespmem:s17+$0xB850];
	v3 =	vmul.f32 $4.525483320e+01, v12  }
0x3e6: {  	v4 =	vmul.f32 $4.525483320e+01, v4;
	v50 =	vld [tilespmem:s17+$0xB860]  }
0x3e7: {  	[tilespmem:s17+$0xB470] =	vst v9;
	v10 =	vld [tilespmem:s17+$0xB870];
	v8 =	vmul.f32 $4.525483320e+01, v8  }
0x3e8: {  	v51 =	vld [tilespmem:s17+$0xA040];
	[tilespmem:s17+$0xB800] =	vst v4;
	v7 =	vmul.f32 $4.525483320e+01, v7  }
0x3e9: {  	[tilespmem:s17+$0xB810] =	vst v8;
	v5 =	vmul.f32 $4.525483320e+01, v5  }
0x3ea: {  	v52 =	vld [tilespmem:s17+$0xA440];
	[tilespmem:s17+$0xB820] =	vst v7;
	v6 =	vmul.f32 $4.525483320e+01, v6  }
0x3eb: {  	v53 =	vld [tilespmem:s17+$0xA840];
	s16 =	sadd.s32 $0x1, s16;
	[tilespmem:s17+$0xB830] =	vst v5;
	v9 =	vmul.f32 $4.525483320e+01, v50  }
0x3ec: {  	v54 =	vld [tilespmem:s17+$0xAC40];
	s16 =	sand.u32 $0x7, s16;
	v10 =	vmul.f32 $4.525483320e+01, v10;
	[tilespmem:s17+$0xB850] =	vst v6  }
0x3ed: {  	v55 =	vld [tilespmem:s17+$0xB040];
	s19 =	sadd.s32 $0x800, s19;
	s16 =	sshll.u32 s16, $0x7;
	v4 =	vmul.f32 $4.525483320e+01, v51;
	[tilespmem:s17+$0xB860] =	vst v9  }
0x3ee: {  	v56 =	vld [tilespmem:s17+$0xB440];
	s16 =	sadd.s32 s16, s19;
	[tilespmem:s17+$0xB870] =	vst v10  }
0x3ef: {  	v57 =	vld [tilespmem:s17+$0xB840];
	s19 =	sor.u32 $0x3800, s16;
	v8 =	vmul.f32 $4.525483320e+01, v52;
	[tilespmem:s17+$0xA040] =	vst v4  }
0x3f0: {  	v58 =	vmul.f32 $4.525483320e+01, v53;
	v59 =	vld [tilespmem:s19+$0x8400]  }
0x3f1: {  	v5 =	vmul.f32 $4.525483320e+01, v54;
	[tilespmem:s17+$0xA440] =	vst v8  }
0x3f2: {  	v60 =	vmul.f32 $4.525483320e+01, v55;
	[tilespmem:s17+$0xA840] =	vst v58  }
0x3f3: {  	v61 =	vmul.f32 $4.525483320e+01, v56;
	[tilespmem:s17+$0xAC40] =	vst v5  }
0x3f4: {  	v62 =	vmul.f32 $4.525483320e+01, v57;
	[tilespmem:s17+$0xB040] =	vst v60  }
0x3f5: {  	[tilespmem:s17+$0xB440] =	vst v61;
	v63 =	vmul.f32 $4.525483320e+01, v59  }
0x3f6: {  	[tilespmem:s17+$0xB840] =	vst v62  }
0x3f7: {  	s24 =	sor.u32 $0x3810, s16;
	[tilespmem:s19+$0x8400] =	vst v63  }
0x3f8: {  	v4 =	vld [tilespmem:s24+$0x8400];
	_ =	sdelay $0x4  }
0x3f9: {  	v4 =	vmul.f32 $4.525483320e+01, v4;
	_ =	sdelay $0x1  }
0x3fa: {  	s25 =	sor.u32 $0x3820, s16;
	[tilespmem:s24+$0x8400] =	vst v4  }
0x3fb: {  	v4 =	vld [tilespmem:s25+$0x8400];
	_ =	sdelay $0x4  }
0x3fc: {  	v4 =	vmul.f32 $4.525483320e+01, v4;
	_ =	sdelay $0x1  }
0x3fd: {  	s19 =	sor.u32 $0x3830, s16;
	[tilespmem:s25+$0x8400] =	vst v4  }
0x3fe: {  	v4 =	vld [tilespmem:s19+$0x8400];
	_ =	sdelay $0x4  }
0x3ff: {  	v4 =	vmul.f32 $4.525483320e+01, v4;
	_ =	sdelay $0x1  }
0x400: {  	s20 =	sor.u32 $0x3840, s16;
	[tilespmem:s19+$0x8400] =	vst v4  }
0x401: {  	v4 =	vld [tilespmem:s20+$0x8400];
	_ =	sdelay $0x4  }
0x402: {  	v4 =	vmul.f32 $4.525483320e+01, v4;
	_ =	sdelay $0x1  }
0x403: {  	s21 =	sor.u32 $0x3850, s16;
	[tilespmem:s20+$0x8400] =	vst v4  }
0x404: {  	v4 =	vld [tilespmem:s21+$0x8400];
	_ =	sdelay $0x4  }
0x405: {  	v4 =	vmul.f32 $4.525483320e+01, v4;
	_ =	sdelay $0x1  }
0x406: {  	s23 =	sor.u32 $0x3860, s16;
	[tilespmem:s21+$0x8400] =	vst v4  }
0x407: {  	v4 =	vld [tilespmem:s23+$0x8400];
	_ =	sdelay $0x4  }
0x408: {  	v4 =	vmul.f32 $4.525483320e+01, v4;
	_ =	sdelay $0x1  }
0x409: {  	s24 =	sor.u32 $0x3870, s16;
	[tilespmem:s23+$0x8400] =	vst v4  }
0x40a: {  	v4 =	vld [tilespmem:s24+$0x8400];
	_ =	sdelay $0x4  }
0x40b: {  	v4 =	vmul.f32 $4.525483320e+01, v4;
	_ =	sdelay $0x1  }
0x40c: {  	s25 =	sor.u32 $0x3C00, s16;
	[tilespmem:s24+$0x8400] =	vst v4  }
0x40d: {  	v4 =	vld [tilespmem:s25+$0x8400];
	_ =	sdelay $0x4  }
0x40e: {  	v4 =	vmul.f32 $4.525483320e+01, v4;
	_ =	sdelay $0x1  }
0x40f: {  	s19 =	sor.u32 $0x3C10, s16;
	[tilespmem:s25+$0x8400] =	vst v4  }
0x410: {  	v4 =	vld [tilespmem:s19+$0x8400];
	_ =	sdelay $0x4  }
0x411: {  	v4 =	vmul.f32 $4.525483320e+01, v4;
	_ =	sdelay $0x1  }
0x412: {  	s20 =	sor.u32 $0x3C20, s16;
	[tilespmem:s19+$0x8400] =	vst v4  }
0x413: {  	v4 =	vld [tilespmem:s20+$0x8400];
	_ =	sdelay $0x4  }
0x414: {  	v4 =	vmul.f32 $4.525483320e+01, v4;
	_ =	sdelay $0x1  }
0x415: {  	s21 =	sor.u32 $0x3C30, s16;
	[tilespmem:s20+$0x8400] =	vst v4  }
0x416: {  	v4 =	vld [tilespmem:s21+$0x8400];
	_ =	sdelay $0x4  }
0x417: {  	v4 =	vmul.f32 $4.525483320e+01, v4;
	_ =	sdelay $0x1  }
0x418: {  	s23 =	sor.u32 $0x3C40, s16;
	[tilespmem:s21+$0x8400] =	vst v4  }
0x419: {  	v4 =	vld [tilespmem:s23+$0x8400];
	_ =	sdelay $0x4  }
0x41a: {  	v4 =	vmul.f32 $4.525483320e+01, v4;
	_ =	sdelay $0x1  }
0x41b: {  	s24 =	sor.u32 $0x3C50, s16;
	[tilespmem:s23+$0x8400] =	vst v4  }
0x41c: {  	v4 =	vld [tilespmem:s24+$0x8400];
	_ =	sdelay $0x4  }
0x41d: {  	v4 =	vmul.f32 $4.525483320e+01, v4;
	_ =	sdelay $0x1  }
0x41e: {  	s25 =	sor.u32 $0x3C60, s16;
	[tilespmem:s24+$0x8400] =	vst v4  }
0x41f: {  	v4 =	vld [tilespmem:s25+$0x8400];
	_ =	sdelay $0x4  }
0x420: {  	v4 =	vmul.f32 $4.525483320e+01, v4  }
0x421: {  	s18 =	sor.u32 $0x3C70, s18;
	[tilespmem:s22+$0x8400] =	vst v3  }
0x422: {  	v3 =	vld [tilespmem:s18+$0x8400];
	s16 =	sor.u32 $0x3C70, s16;
	[tilespmem:s25+$0x8400] =	vst v4  }
0x423: {  	v4 =	vld [tilespmem:s16+$0x8400];
	_ =	sdelay $0x1  }
0x424: {  	s14 =	sadd.s32 $0x1, s14  }
0x425: {  	p0 =	sne.s32 s14, $0x20  }
.Ltmp2:
0x426: {  	v3 =	vmul.f32 $4.525483320e+01, v3;
	(pc) =	sbr.rel @p0 .LBB2_2-.Ltmp2, $4  }
0x427: {  	v4 =	vmul.f32 $4.525483320e+01, v4  }
0x428: {  	s0 =	sshll.u32 s0, $0xC;
	[tilespmem:s18+$0x8400] =	vst v3  }
0x429: {  	s0 =	sadd.s32 s0, s12;
	[tilespmem:s16+$0x8400] =	vst v4  }
0x42a: {  	[hbm4b:s0+s3] =	stream.linear.scatter [tilespmem:s1], [sflag:$0x4], $0x8000, $0x38;
	[tilespmem:$0x10400] =	vst v63  }
0x42b: {  	s14 =	simm.s32 $0x4  }
0x42c: {  	_ =	swait.ge [sflag:s14], $0x8000  }
0x42d: {  	s16 =	rddreg [dreg:$0x6]  }
0x42e: {  	s0 =	rddreg [dreg:$0x5];
	s16 =	sadd.s32 $0x1, s16  }
0x42f: {  	p0 =	sne.s32 s16, s0  }
.Ltmp3:
0x430: {  	_ = 	snop;
	(pc) =	sbr.rel @p0 .LBB2_1-.Ltmp3, $3  }
0x431: {  	_ =	sdelay $0x1  }
0x432: {  	[sflag:s14] =	ssyncset.done $0x0  }
0x433: {  	[sflag:s14] =	ssyncadd.s32 $0xFFFF8000  }
0x434: {  	_ =	sfence.sel $0x180000  }
0x435: {  	[bflag:$0x0] =	sbarrier.arrive $0xFFFF  }
0x436: {  	_ =	strace $0x90000047  }
0x437: {  	s0 =	stileid.u32;
	[bflag:$0x2] =	sbarrier.arrive $0xFFFF  }
0x438: {  	p0 =	sne.s32 s0, $0x0;
	s0 =	rddreg [dreg:$0x3]  }
0x439: {  	s0 =	sadd.s32 @!p0 $0x100000, s0  }
0x43a: {  	[sflag:s0] =	ssyncadd.tile.s32 @!p0 $0x1;
	_ =	shalt  }
.Lfunc_end2:
_tile_overlayer_lowered:
.L_overlay_start_2:
0x43b: {  	(tag) =	ssettag $0x2  }
0x43c: {  	s0 =	rddreg [dreg:$0x0];
	s2 =	stileid.u32  }
0x43d: {  	s1 =	rddreg [dreg:$0x1];
	p0 =	sne.s32 s2, $0x0  }
0x43e: {  	s3 =	rddreg [dreg:$0x2];
	[bflag:$0x3] =	sbarrier.arrive $0xFFFF;
	s2 =	simm.s32 @!p0 $0x1C05  }
0x43f: {  	[timem:s3], [sflag:s2] =	dma.local @!p0 [hbm:s0], s1  }
0x440: {  	s0 =	simm.s32 @!p0 $0x5  }
0x441: {  	_ =	swait.ge @!p0 [sflag:s0], s1  }
0x442: {  	s1 =	ssub.s32 @!p0 $0x0, s1;
	[sflag:s0] =	ssyncset.done @!p0 $0x0  }
0x443: {  	[sflag:s0] =	ssyncadd.s32 @!p0 s1  }
0x444: {  	[bflag:$0x3] =	sbarrier.arrive $0xFFFF  }
0x445: {  	_ =	shalt  }

</sc_bundles>
